<compile_context>
chip_gen: v7x
topology: tpu7x:2x2x1
jax: 0.10.2.dev20260603
libtpu: 0.0.44.dev20260713+nightly
codegen_flags: <defaults>
</compile_context>

<pallas_src>
import functools

import jax
import jax.numpy as jnp
from jax import lax
from jax.experimental import pallas as pl
from jax.experimental.pallas import tpu as pltpu
from jax.experimental.pallas import tpu_sc as plsc

B, C, N, K = 16, 96, 1024, 16
O = 96
D = 128
NW = 32
S = B * N // NW
CH = 8
NCH = S // CH
G = CH * K
NCB = N * K // G


def _tc_tables_body(x_ref, e_ref, w_ref, b_ref, y1_ref, y2_ref, idx_ref):
    xb = x_ref[0]
    w = w_ref[...]
    w1 = w[:, :C]
    w2 = w[:, C:]
    dn = (((0,), (1,)), ((), ()))
    y1 = lax.dot_general(xb, w1 - w2, dn, preferred_element_type=jnp.float32)
    y1 = y1 + b_ref[...][None, :]
    y2 = lax.dot_general(xb, w2, dn, preferred_element_type=jnp.float32)
    pad = jnp.zeros((N, D - O), jnp.float32)
    y1_ref[0] = jnp.concatenate([y1, pad], axis=1)
    y2_ref[0] = jnp.concatenate([y2, pad], axis=1)
    @pl.when(pl.program_id(0) == 0)
    def _():
        offs = lax.broadcasted_iota(jnp.int32, (2, B, N * K), 1) * N
        idx_ref[...] = e_ref[...] + offs


def _tc_tables(x3, e3, W, b):
    return pl.pallas_call(
        _tc_tables_body,
        grid=(B,),
        in_specs=[
            pl.BlockSpec((1, C, N), lambda i: (i, 0, 0)),
            pl.BlockSpec((2, B, N * K), lambda i: (0, 0, 0)),
            pl.BlockSpec((O, 2 * C), lambda i: (0, 0)),
            pl.BlockSpec((O,), lambda i: (0,)),
        ],
        out_specs=[
            pl.BlockSpec((1, N, D), lambda i: (i, 0, 0)),
            pl.BlockSpec((1, N, D), lambda i: (i, 0, 0)),
            pl.BlockSpec((2, B, N * K), lambda i: (0, 0, 0)),
        ],
        out_shape=[
            jax.ShapeDtypeStruct((B, N, D), jnp.float32),
            jax.ShapeDtypeStruct((B, N, D), jnp.float32),
            jax.ShapeDtypeStruct((2, B, N * K), jnp.int32),
        ],
    )(x3, e3, W, b)


def _sc_body(tab1_hbm, tab0_hbm, idx1_hbm, idx0_hbm, out_hbm,
             i1_v, i0_v, r1_v, r0_v, o_v, sem0, sem1, osem0, osem1):
    wid = lax.axis_index("s") * 2 + lax.axis_index("c")
    base = wid * S
    crow = wid * NCH
    sems = (sem0, sem1)
    osems = (osem0, osem1)

    pltpu.sync_copy(idx1_hbm.at[pl.ds(crow, NCH)], i1_v)
    pltpu.sync_copy(idx0_hbm.at[pl.ds(crow, NCH)], i0_v)

    def fire(c, sl):
        pltpu.async_copy(tab1_hbm.at[i1_v.at[c]], r1_v.at[sl], sems[sl])
        pltpu.async_copy(tab0_hbm.at[i0_v.at[c]], r0_v.at[sl], sems[sl])

    def wait_slot(c, sl):
        pltpu.make_async_copy(tab1_hbm.at[i1_v.at[c]], r1_v.at[sl],
                              sems[sl]).wait()
        pltpu.make_async_copy(tab0_hbm.at[i0_v.at[c]], r0_v.at[sl],
                              sems[sl]).wait()

    def out_rows(c):
        return out_hbm.at[pl.ds(base + c * CH, CH)]

    def compute_slot(c, sl):
        @pl.when(c >= 2)
        def _():
            pltpu.make_async_copy(o_v.at[sl], out_rows(c - 2),
                                  osems[sl]).wait()

        def node_body(i, c2):
            r0 = i * K
            for cg in range(O // 16):
                s = pl.ds(cg * 16, 16)
                acc = r1_v[sl, r0, s] + r0_v[sl, r0, s]
                for k in range(1, K):
                    acc = jnp.maximum(
                        acc, r1_v[sl, r0 + k, s] + r0_v[sl, r0 + k, s])
                o_v[sl, i, s] = jnp.maximum(acc, 0.0)
            return c2

        lax.fori_loop(0, CH, node_body, 0)
        pltpu.async_copy(o_v.at[sl], out_rows(c), osems[sl])

    fire(0, 0)

    def outer_body(cc, carry):
        for bslot in range(2):
            c = cc + bslot

            @pl.when(c + 1 < NCH)
            def _():
                fire(c + 1, (bslot + 1) % 2)

            wait_slot(c, bslot)
            compute_slot(c, bslot)
        return carry

    lax.fori_loop(0, NCH // 2, lambda t, carry: outer_body(t * 2, carry), 0)
    pltpu.make_async_copy(o_v.at[0], out_rows(NCH - 2), osems[0]).wait()
    pltpu.make_async_copy(o_v.at[1], out_rows(NCH - 1), osems[1]).wait()


def _sc_gather_max(tab1, tab0, idx1, idx0):
    kfn = functools.partial(
        pl.kernel,
        mesh=plsc.VectorSubcoreMesh(core_axis_name="c", subcore_axis_name="s"),
        out_type=jax.ShapeDtypeStruct((B * N, D), jnp.float32),
        scratch_types=[
            pltpu.VMEM((NCH, G), jnp.int32),
            pltpu.VMEM((NCH, G), jnp.int32),
            pltpu.VMEM((2, G, D), jnp.float32),
            pltpu.VMEM((2, G, D), jnp.float32),
            pltpu.VMEM((2, CH, D), jnp.float32),
            pltpu.SemaphoreType.DMA,
            pltpu.SemaphoreType.DMA,
            pltpu.SemaphoreType.DMA,
            pltpu.SemaphoreType.DMA,
        ],
    )(_sc_body)
    return kfn(tab1, tab0, idx1, idx0)


def kernel(x, edge_index, W, b):
    x3 = x.reshape(B, C, N)
    e3 = edge_index.reshape(2, B, N * K)
    y1, y2, idxr = _tc_tables(x3, e3, W, b)
    tab1 = y1.reshape(B * N, D)
    tab0 = y2.reshape(B * N, D)
    idx1 = idxr[1].reshape(B * N * K // G, G)
    idx0 = idxr[0].reshape(B * N * K // G, G)
    out = _sc_gather_max(tab1, tab0, idx1, idx0)
    out = out.reshape(B, N, D)[:, :, :O]
    return out.transpose(0, 2, 1).reshape(B, O, N, 1)

# --- scband reference (transcript-rebuilt; emitter-appended) ---
"""Pipeline reference for scband-graph-conv2d-42580305773107 (READ-ONLY COPY).

The authoritative reference and input builder live on the scoring server;
editing this copy changes nothing except your own understanding.
"""

import jax, jax.numpy as jnp
import numpy as np


def batched_index_select(x, idx):
    # x: [B, C, N, 1], idx: [B, N, K] -> [B, C, N, K]
    b, c, n, _ = x.shape
    k = idx.shape[-1]
    xt = jnp.transpose(x[:, :, :, 0], (0, 2, 1))  # [B, N, C]
    idx_flat = idx.reshape(b, n * k, 1)
    feat = jnp.take_along_axis(xt, idx_flat, axis=1)  # [B, N*K, C]
    feat = feat.reshape(b, n, k, c)
    return jnp.transpose(feat, (0, 3, 1, 2))  # [B, C, N, K]


def setup_inputs(seed: int = 0) -> dict:
    key = jax.random.key(seed)
    k1, k2, k3, k4 = jax.random.split(key, 4)
    B, C, N, K = 16, 96, 1024, 16
    Cout = 96
    x = jax.random.normal(k1, (B, C, N, 1), dtype=jnp.float32)
    edge_index = jax.random.randint(k2, (2, B, N, K), 0, N, dtype=jnp.int32)
    # BasicConv([2*C, Cout]): single 1x1 conv (channel-mixing matmul) with bias, then ReLU
    W = jax.random.normal(k3, (Cout, 2 * C), dtype=jnp.float32) * (1.0 / np.sqrt(2 * C))
    b = jax.random.normal(k4, (Cout,), dtype=jnp.float32) * 0.01
    return {"x": x, "edge_index": edge_index, "W": W, "b": b}


def reference(x, edge_index, W, b):
    # EdgeConv2d forward (conv='edge')
    x_i = batched_index_select(x, edge_index[1])  # [B, C, N, K]
    x_j = batched_index_select(x, edge_index[0])  # [B, C, N, K]
    h = jnp.concatenate([x_i, x_j - x_i], axis=1)  # [B, 2C, N, K]
    # BasicConv: 1x1 Conv2d + ReLU (norm=None)
    out = jnp.einsum('oc,bcnk->bonk', W, h) + b[None, :, None, None]
    out = jax.nn.relu(out)
    max_value = jnp.max(out, axis=-1, keepdims=True)  # [B, Cout, N, 1]
    return max_value

if __name__ == "__main__":
    import jax
    _d = setup_inputs()
    print(jax.jit(kernel)(*tuple(_d.values())))

</pallas_src>

<mosaic_0001>
#map = affine_map<(d0, d1) -> (0, 0)>
module attributes {stable_mosaic.version = 14 : i64} {
  func.func @_sc_body(%arg0: i32, %arg1: i32, %arg2: memref<16384x128xf32, #tpu.memory_space<hbm>>, %arg3: memref<16384x128xf32, #tpu.memory_space<hbm>>, %arg4: memref<2048x128xi32, #tpu.memory_space<hbm>>, %arg5: memref<2048x128xi32, #tpu.memory_space<hbm>>, %arg6: memref<16384x128xf32, #tpu.memory_space<hbm>>, %arg7: memref<64x128xi32, #tpu.memory_space<vmem>>, %arg8: memref<64x128xi32, #tpu.memory_space<vmem>>, %arg9: memref<2x128x128xf32, #tpu.memory_space<vmem>>, %arg10: memref<2x128x128xf32, #tpu.memory_space<vmem>>, %arg11: memref<2x8x128xf32, #tpu.memory_space<vmem>>, %arg12: memref<!tpu.dma_semaphore, #tpu.memory_space<semaphore_mem>>, %arg13: memref<!tpu.dma_semaphore, #tpu.memory_space<semaphore_mem>>, %arg14: memref<!tpu.dma_semaphore, #tpu.memory_space<semaphore_mem>>, %arg15: memref<!tpu.dma_semaphore, #tpu.memory_space<semaphore_mem>>) attributes {dimension_semantics = [#tpu.dimension_semantics<core_parallel>, #tpu.dimension_semantics<subcore_parallel>], iteration_bounds = array<i64: 2, 16>, scalar_prefetch = 0 : i64, scratch_operands = 9 : i64, tpu.core_type = #tpu.core_type<sc_vector_subcore>, window_params = [{transform_indices = #map}, {transform_indices = #map}, {transform_indices = #map}, {transform_indices = #map}, {transform_indices = #map}]} {
    %mul3A = arith.constant 2 : i32
    %mul3A_0 = arith.muli %arg1, %mul3A : i32
    %add3A = arith.addi %mul3A_0, %arg0 : i32
    %mul3A_1 = arith.constant 512 : i32
    %mul3A_2 = arith.muli %add3A, %mul3A_1 : i32
    %mul3A_3 = arith.constant 64 : i32
    %mul3A_4 = arith.muli %add3A, %mul3A_3 : i32
    "tpu.region"() ({
      %run_scoped3A = tpu.sem_alloc : memref<!tpu.dma_semaphore, #tpu.memory_space<semaphore_mem>>
      %dma_start3A_62 = arith.constant 0 : i32
      %dma_start3A_63 = tpu.memref_slice %arg4[%mul3A_4, %dma_start3A_62] : memref<2048x128xi32, #tpu.memory_space<hbm>> -> memref<64x128xi32, #tpu.memory_space<hbm>>
      %dma_start3A_64 = arith.constant 0 : i32
      %dma_start3A_65 = tpu.memref_slice %arg4[%mul3A_4, %dma_start3A_64] : memref<2048x128xi32, #tpu.memory_space<hbm>> -> memref<64x128xi32, #tpu.memory_space<hbm>>
      tpu.enqueue_dma source(%dma_start3A_65 : memref<64x128xi32, #tpu.memory_space<hbm>>) target(%arg7 : memref<64x128xi32, #tpu.memory_space<vmem>>) target_semaphore(%run_scoped3A : memref<!tpu.dma_semaphore, #tpu.memory_space<semaphore_mem>>)
      %dma_wait3A_66 = arith.constant 0 : i32
      %dma_wait3A_67 = tpu.memref_slice %arg4[%mul3A_4, %dma_wait3A_66] : memref<2048x128xi32, #tpu.memory_space<hbm>> -> memref<64x128xi32, #tpu.memory_space<hbm>>
      %dma_wait3A_68 = arith.constant 0 : i32
      %dma_wait3A_69 = tpu.memref_slice %arg4[%mul3A_4, %dma_wait3A_68] : memref<2048x128xi32, #tpu.memory_space<hbm>> -> memref<64x128xi32, #tpu.memory_space<hbm>>
      tpu.wait_dma2 semaphore(%run_scoped3A : memref<!tpu.dma_semaphore, #tpu.memory_space<semaphore_mem>>) src(%dma_wait3A_69 : memref<64x128xi32, #tpu.memory_space<hbm>>) dst(%arg7 : memref<64x128xi32, #tpu.memory_space<vmem>>)
      tpu.yield
    }) : () -> ()
    "tpu.region"() ({
      %run_scoped3A = tpu.sem_alloc : memref<!tpu.dma_semaphore, #tpu.memory_space<semaphore_mem>>
      %dma_start3A_62 = arith.constant 0 : i32
      %dma_start3A_63 = tpu.memref_slice %arg5[%mul3A_4, %dma_start3A_62] : memref<2048x128xi32, #tpu.memory_space<hbm>> -> memref<64x128xi32, #tpu.memory_space<hbm>>
      %dma_start3A_64 = arith.constant 0 : i32
      %dma_start3A_65 = tpu.memref_slice %arg5[%mul3A_4, %dma_start3A_64] : memref<2048x128xi32, #tpu.memory_space<hbm>> -> memref<64x128xi32, #tpu.memory_space<hbm>>
      tpu.enqueue_dma source(%dma_start3A_65 : memref<64x128xi32, #tpu.memory_space<hbm>>) target(%arg8 : memref<64x128xi32, #tpu.memory_space<vmem>>) target_semaphore(%run_scoped3A : memref<!tpu.dma_semaphore, #tpu.memory_space<semaphore_mem>>)
      %dma_wait3A_66 = arith.constant 0 : i32
      %dma_wait3A_67 = tpu.memref_slice %arg5[%mul3A_4, %dma_wait3A_66] : memref<2048x128xi32, #tpu.memory_space<hbm>> -> memref<64x128xi32, #tpu.memory_space<hbm>>
      %dma_wait3A_68 = arith.constant 0 : i32
      %dma_wait3A_69 = tpu.memref_slice %arg5[%mul3A_4, %dma_wait3A_68] : memref<2048x128xi32, #tpu.memory_space<hbm>> -> memref<64x128xi32, #tpu.memory_space<hbm>>
      tpu.wait_dma2 semaphore(%run_scoped3A : memref<!tpu.dma_semaphore, #tpu.memory_space<semaphore_mem>>) src(%dma_wait3A_69 : memref<64x128xi32, #tpu.memory_space<hbm>>) dst(%arg8 : memref<64x128xi32, #tpu.memory_space<vmem>>)
      tpu.yield
    }) : () -> ()
    %dma_start3A = arith.constant 0 : i32
    %dma_start3A_5 = arith.constant 0 : i32
    %dma_start3A_6 = arith.constant 0 : i32
    %dma_start3A_7 = arith.constant 0 : i32
    %dma_start3A_8 = tpu.memref_slice %arg9[%dma_start3A_5, %dma_start3A_6, %dma_start3A_7] : memref<2x128x128xf32, #tpu.memory_space<vmem>> -> memref<1x128x128xf32, #tpu.memory_space<vmem>>
    %dma_start3A_9 = tpu.memref_squeeze %dma_start3A_8 : memref<1x128x128xf32, #tpu.memory_space<vmem>> -> memref<128x128xf32, #tpu.memory_space<vmem>>
    %dma_start3A_10 = arith.constant 0 : i32
    %dma_start3A_11 = tpu.memref_slice %arg7[%dma_start3A, %dma_start3A_10] : memref<64x128xi32, #tpu.memory_space<vmem>> -> memref<1x128xi32, #tpu.memory_space<vmem>>
    %dma_start3A_12 = tpu.memref_squeeze %dma_start3A_11 : memref<1x128xi32, #tpu.memory_space<vmem>> -> memref<128xi32, #tpu.memory_space<vmem>>
    %dma_start3A_13 = arith.constant 0 : i32
    %dma_start3A_14 = arith.constant 0 : i32
    %dma_start3A_15 = tpu.memref_slice %arg2[%dma_start3A_13, %dma_start3A_14] : memref<16384x128xf32, #tpu.memory_space<hbm>> -> memref<16384x128xf32, #tpu.memory_space<hbm>>
    tpu.enqueue_indirect_dma source(%dma_start3A_15 : memref<16384x128xf32, #tpu.memory_space<hbm>>) target(%dma_start3A_9 : memref<128x128xf32, #tpu.memory_space<vmem>>) offsets(%dma_start3A_12 : memref<128xi32, #tpu.memory_space<vmem>>) semaphore(%arg12 : memref<!tpu.dma_semaphore, #tpu.memory_space<semaphore_mem>>)
    %dma_start3A_16 = arith.constant 0 : i32
    %dma_start3A_17 = arith.constant 0 : i32
    %dma_start3A_18 = arith.constant 0 : i32
    %dma_start3A_19 = arith.constant 0 : i32
    %dma_start3A_20 = tpu.memref_slice %arg10[%dma_start3A_17, %dma_start3A_18, %dma_start3A_19] : memref<2x128x128xf32, #tpu.memory_space<vmem>> -> memref<1x128x128xf32, #tpu.memory_space<vmem>>
    %dma_start3A_21 = tpu.memref_squeeze %dma_start3A_20 : memref<1x128x128xf32, #tpu.memory_space<vmem>> -> memref<128x128xf32, #tpu.memory_space<vmem>>
    %dma_start3A_22 = arith.constant 0 : i32
    %dma_start3A_23 = tpu.memref_slice %arg8[%dma_start3A_16, %dma_start3A_22] : memref<64x128xi32, #tpu.memory_space<vmem>> -> memref<1x128xi32, #tpu.memory_space<vmem>>
    %dma_start3A_24 = tpu.memref_squeeze %dma_start3A_23 : memref<1x128xi32, #tpu.memory_space<vmem>> -> memref<128xi32, #tpu.memory_space<vmem>>
    %dma_start3A_25 = arith.constant 0 : i32
    %dma_start3A_26 = arith.constant 0 : i32
    %dma_start3A_27 = tpu.memref_slice %arg3[%dma_start3A_25, %dma_start3A_26] : memref<16384x128xf32, #tpu.memory_space<hbm>> -> memref<16384x128xf32, #tpu.memory_space<hbm>>
    tpu.enqueue_indirect_dma source(%dma_start3A_27 : memref<16384x128xf32, #tpu.memory_space<hbm>>) target(%dma_start3A_21 : memref<128x128xf32, #tpu.memory_space<vmem>>) offsets(%dma_start3A_24 : memref<128xi32, #tpu.memory_space<vmem>>) semaphore(%arg12 : memref<!tpu.dma_semaphore, #tpu.memory_space<semaphore_mem>>)
    %scan3A = arith.constant 0 : i32
    %scan3A_28 = arith.constant 0 : i32
    %scan3A_29 = arith.constant 32 : i32
    %scan3A_30 = arith.addi %scan3A_28, %scan3A_29 : i32
    %scan3A_31 = arith.constant 1 : i32
    scf.for %scan3A_62 = %scan3A_28 to %scan3A_30 step %scan3A_31  : i32 {
      %mul3A_63 = arith.constant 2 : i32
      %mul3A_64 = arith.muli %scan3A_62, %mul3A_63 : i32
      %add3A_65 = arith.constant 0 : i32
      %add3A_66 = arith.addi %mul3A_64, %add3A_65 : i32
      %add3A_67 = arith.constant 1 : i32
      %add3A_68 = arith.addi %add3A_66, %add3A_67 : i32
      %lt3A = arith.constant 64 : i32
      %lt3A_69 = arith.cmpi slt, %add3A_68, %lt3A : i32
      %convert_element_type3A = arith.extui %lt3A_69 : i1 to i32
      %cond3A = arith.constant 0 : i32
      %cond3A_70 = arith.cmpi ne, %convert_element_type3A, %cond3A : i32
      scf.if %cond3A_70 {
        %add3A_177 = arith.constant 1 : i32
        %add3A_178 = arith.addi %add3A_66, %add3A_177 : i32
        %dma_start3A_179 = arith.constant 1 : i32
        %dma_start3A_180 = arith.constant 0 : i32
        %dma_start3A_181 = arith.constant 0 : i32
        %dma_start3A_182 = tpu.memref_slice %arg9[%dma_start3A_179, %dma_start3A_180, %dma_start3A_181] : memref<2x128x128xf32, #tpu.memory_space<vmem>> -> memref<1x128x128xf32, #tpu.memory_space<vmem>>
        %dma_start3A_183 = tpu.memref_squeeze %dma_start3A_182 : memref<1x128x128xf32, #tpu.memory_space<vmem>> -> memref<128x128xf32, #tpu.memory_space<vmem>>
        %dma_start3A_184 = arith.constant 0 : i32
        %dma_start3A_185 = tpu.memref_slice %arg7[%add3A_178, %dma_start3A_184] : memref<64x128xi32, #tpu.memory_space<vmem>> -> memref<1x128xi32, #tpu.memory_space<vmem>>
        %dma_start3A_186 = tpu.memref_squeeze %dma_start3A_185 : memref<1x128xi32, #tpu.memory_space<vmem>> -> memref<128xi32, #tpu.memory_space<vmem>>
        %dma_start3A_187 = arith.constant 0 : i32
        %dma_start3A_188 = arith.constant 0 : i32
        %dma_start3A_189 = tpu.memref_slice %arg2[%dma_start3A_187, %dma_start3A_188] : memref<16384x128xf32, #tpu.memory_space<hbm>> -> memref<16384x128xf32, #tpu.memory_space<hbm>>
        tpu.enqueue_indirect_dma source(%dma_start3A_189 : memref<16384x128xf32, #tpu.memory_space<hbm>>) target(%dma_start3A_183 : memref<128x128xf32, #tpu.memory_space<vmem>>) offsets(%dma_start3A_186 : memref<128xi32, #tpu.memory_space<vmem>>) semaphore(%arg13 : memref<!tpu.dma_semaphore, #tpu.memory_space<semaphore_mem>>)
        %dma_start3A_190 = arith.constant 1 : i32
        %dma_start3A_191 = arith.constant 0 : i32
        %dma_start3A_192 = arith.constant 0 : i32
        %dma_start3A_193 = tpu.memref_slice %arg10[%dma_start3A_190, %dma_start3A_191, %dma_start3A_192] : memref<2x128x128xf32, #tpu.memory_space<vmem>> -> memref<1x128x128xf32, #tpu.memory_space<vmem>>
        %dma_start3A_194 = tpu.memref_squeeze %dma_start3A_193 : memref<1x128x128xf32, #tpu.memory_space<vmem>> -> memref<128x128xf32, #tpu.memory_space<vmem>>
        %dma_start3A_195 = arith.constant 0 : i32
        %dma_start3A_196 = tpu.memref_slice %arg8[%add3A_178, %dma_start3A_195] : memref<64x128xi32, #tpu.memory_space<vmem>> -> memref<1x128xi32, #tpu.memory_space<vmem>>
        %dma_start3A_197 = tpu.memref_squeeze %dma_start3A_196 : memref<1x128xi32, #tpu.memory_space<vmem>> -> memref<128xi32, #tpu.memory_space<vmem>>
        %dma_start3A_198 = arith.constant 0 : i32
        %dma_start3A_199 = arith.constant 0 : i32
        %dma_start3A_200 = tpu.memref_slice %arg3[%dma_start3A_198, %dma_start3A_199] : memref<16384x128xf32, #tpu.memory_space<hbm>> -> memref<16384x128xf32, #tpu.memory_space<hbm>>
        tpu.enqueue_indirect_dma source(%dma_start3A_200 : memref<16384x128xf32, #tpu.memory_space<hbm>>) target(%dma_start3A_194 : memref<128x128xf32, #tpu.memory_space<vmem>>) offsets(%dma_start3A_197 : memref<128xi32, #tpu.memory_space<vmem>>) semaphore(%arg13 : memref<!tpu.dma_semaphore, #tpu.memory_space<semaphore_mem>>)
      } else {
      }
      %dma_wait3A_71 = arith.constant 0 : i32
      %dma_wait3A_72 = arith.constant 0 : i32
      %dma_wait3A_73 = arith.constant 0 : i32
      %dma_wait3A_74 = tpu.memref_slice %arg9[%dma_wait3A_71, %dma_wait3A_72, %dma_wait3A_73] : memref<2x128x128xf32, #tpu.memory_space<vmem>> -> memref<1x128x128xf32, #tpu.memory_space<vmem>>
      %dma_wait3A_75 = tpu.memref_squeeze %dma_wait3A_74 : memref<1x128x128xf32, #tpu.memory_space<vmem>> -> memref<128x128xf32, #tpu.memory_space<vmem>>
      %dma_wait3A_76 = arith.constant 0 : i32
      %dma_wait3A_77 = tpu.memref_slice %arg7[%add3A_66, %dma_wait3A_76] : memref<64x128xi32, #tpu.memory_space<vmem>> -> memref<1x128xi32, #tpu.memory_space<vmem>>
      %dma_wait3A_78 = tpu.memref_squeeze %dma_wait3A_77 : memref<1x128xi32, #tpu.memory_space<vmem>> -> memref<128xi32, #tpu.memory_space<vmem>>
      %dma_wait3A_79 = arith.constant 0 : i32
      %dma_wait3A_80 = arith.constant 0 : i32
      %dma_wait3A_81 = tpu.memref_slice %arg2[%dma_wait3A_79, %dma_wait3A_80] : memref<16384x128xf32, #tpu.memory_space<hbm>> -> memref<16384x128xf32, #tpu.memory_space<hbm>>
      tpu.wait_indirect_dma semaphore(%arg12 : memref<!tpu.dma_semaphore, #tpu.memory_space<semaphore_mem>>) src(%dma_wait3A_81 : memref<16384x128xf32, #tpu.memory_space<hbm>>) dst(%dma_wait3A_75 : memref<128x128xf32, #tpu.memory_space<vmem>>)
      %dma_wait3A_82 = arith.constant 0 : i32
      %dma_wait3A_83 = arith.constant 0 : i32
      %dma_wait3A_84 = arith.constant 0 : i32
      %dma_wait3A_85 = tpu.memref_slice %arg10[%dma_wait3A_82, %dma_wait3A_83, %dma_wait3A_84] : memref<2x128x128xf32, #tpu.memory_space<vmem>> -> memref<1x128x128xf32, #tpu.memory_space<vmem>>
      %dma_wait3A_86 = tpu.memref_squeeze %dma_wait3A_85 : memref<1x128x128xf32, #tpu.memory_space<vmem>> -> memref<128x128xf32, #tpu.memory_space<vmem>>
      %dma_wait3A_87 = arith.constant 0 : i32
      %dma_wait3A_88 = tpu.memref_slice %arg8[%add3A_66, %dma_wait3A_87] : memref<64x128xi32, #tpu.memory_space<vmem>> -> memref<1x128xi32, #tpu.memory_space<vmem>>
      %dma_wait3A_89 = tpu.memref_squeeze %dma_wait3A_88 : memref<1x128xi32, #tpu.memory_space<vmem>> -> memref<128xi32, #tpu.memory_space<vmem>>
      %dma_wait3A_90 = arith.constant 0 : i32
      %dma_wait3A_91 = arith.constant 0 : i32
      %dma_wait3A_92 = tpu.memref_slice %arg3[%dma_wait3A_90, %dma_wait3A_91] : memref<16384x128xf32, #tpu.memory_space<hbm>> -> memref<16384x128xf32, #tpu.memory_space<hbm>>
      tpu.wait_indirect_dma semaphore(%arg12 : memref<!tpu.dma_semaphore, #tpu.memory_space<semaphore_mem>>) src(%dma_wait3A_92 : memref<16384x128xf32, #tpu.memory_space<hbm>>) dst(%dma_wait3A_86 : memref<128x128xf32, #tpu.memory_space<vmem>>)
      %ge3A = arith.constant 2 : i32
      %ge3A_93 = arith.cmpi sge, %add3A_66, %ge3A : i32
      %convert_element_type3A_94 = arith.extui %ge3A_93 : i1 to i32
      %cond3A_95 = arith.constant 0 : i32
      %cond3A_96 = arith.cmpi ne, %convert_element_type3A_94, %cond3A_95 : i32
      scf.if %cond3A_96 {
        %sub3A = arith.constant 2 : i32
        %sub3A_177 = arith.subi %add3A_66, %sub3A : i32
        %mul3A_178 = arith.constant 8 : i32
        %mul3A_179 = arith.muli %sub3A_177, %mul3A_178 : i32
        %add3A_180 = arith.addi %mul3A_2, %mul3A_179 : i32
        %dma_wait3A_181 = arith.constant 0 : i32
        %dma_wait3A_182 = arith.constant 0 : i32
        %dma_wait3A_183 = arith.constant 0 : i32
        %dma_wait3A_184 = tpu.memref_slice %arg11[%dma_wait3A_181, %dma_wait3A_182, %dma_wait3A_183] : memref<2x8x128xf32, #tpu.memory_space<vmem>> -> memref<1x8x128xf32, #tpu.memory_space<vmem>>
        %dma_wait3A_185 = tpu.memref_squeeze %dma_wait3A_184 : memref<1x8x128xf32, #tpu.memory_space<vmem>> -> memref<8x128xf32, #tpu.memory_space<vmem>>
        %dma_wait3A_186 = arith.constant 0 : i32
        %dma_wait3A_187 = tpu.memref_slice %arg6[%add3A_180, %dma_wait3A_186] : memref<16384x128xf32, #tpu.memory_space<hbm>> -> memref<8x128xf32, #tpu.memory_space<hbm>>
        %dma_wait3A_188 = arith.constant 0 : i32
        %dma_wait3A_189 = tpu.memref_slice %arg6[%add3A_180, %dma_wait3A_188] : memref<16384x128xf32, #tpu.memory_space<hbm>> -> memref<8x128xf32, #tpu.memory_space<hbm>>
        %dma_wait3A_190 = arith.constant 0 : i32
        %dma_wait3A_191 = arith.constant 0 : i32
        %dma_wait3A_192 = tpu.memref_slice %arg11[%dma_wait3A_181, %dma_wait3A_190, %dma_wait3A_191] : memref<2x8x128xf32, #tpu.memory_space<vmem>> -> memref<1x8x128xf32, #tpu.memory_space<vmem>>
        %dma_wait3A_193 = tpu.memref_squeeze %dma_wait3A_192 : memref<1x8x128xf32, #tpu.memory_space<vmem>> -> memref<8x128xf32, #tpu.memory_space<vmem>>
        tpu.wait_dma2 semaphore(%arg14 : memref<!tpu.dma_semaphore, #tpu.memory_space<semaphore_mem>>) src(%dma_wait3A_193 : memref<8x128xf32, #tpu.memory_space<vmem>>) dst(%dma_wait3A_189 : memref<8x128xf32, #tpu.memory_space<hbm>>)
      } else {
      }
      %scan3A_97 = arith.constant 0 : i32
      %scan3A_98 = arith.constant 0 : i32
      %scan3A_99 = arith.constant 8 : i32
      %scan3A_100 = arith.addi %scan3A_98, %scan3A_99 : i32
      %scan3A_101 = arith.constant 1 : i32
      scf.for %scan3A_177 = %scan3A_98 to %scan3A_100 step %scan3A_101  : i32 {
        %mul3A_178 = arith.constant 16 : i32
        %mul3A_179 = arith.muli %scan3A_177, %mul3A_178 : i32
        %get3A = arith.constant 0 : i32
        %get3A_180 = arith.index_cast %get3A : i32 to index
        %get3A_181 = arith.index_cast %mul3A_179 : i32 to index
        %get3A_182 = arith.constant 0 : index
        %get3A_183 = tpu.vector_load %arg9[%get3A_180, %get3A_181, %get3A_182] {strides = array<i32>} : memref<2x128x128xf32, #tpu.memory_space<vmem>>, vector<1x1x16xf32>,
        %get3A_184 = vector.shape_cast %get3A_183 : vector<1x1x16xf32> to vector<16xf32>
        %get3A_185 = arith.constant 0 : i32
        %get3A_186 = arith.index_cast %get3A_185 : i32 to index
        %get3A_187 = arith.index_cast %mul3A_179 : i32 to index
        %get3A_188 = arith.constant 0 : index
        %get3A_189 = tpu.vector_load %arg10[%get3A_186, %get3A_187, %get3A_188] {strides = array<i32>} : memref<2x128x128xf32, #tpu.memory_space<vmem>>, vector<1x1x16xf32>,
        %get3A_190 = vector.shape_cast %get3A_189 : vector<1x1x16xf32> to vector<16xf32>
        %add3A_191 = arith.addf %get3A_184, %get3A_190 : vector<16xf32>
        %add3A_192 = arith.constant 1 : i32
        %add3A_193 = arith.addi %mul3A_179, %add3A_192 : i32
        %get3A_194 = arith.constant 0 : i32
        %get3A_195 = arith.index_cast %get3A_194 : i32 to index
        %get3A_196 = arith.index_cast %add3A_193 : i32 to index
        %get3A_197 = arith.constant 0 : index
        %get3A_198 = tpu.vector_load %arg9[%get3A_195, %get3A_196, %get3A_197] {strides = array<i32>} : memref<2x128x128xf32, #tpu.memory_space<vmem>>, vector<1x1x16xf32>,
        %get3A_199 = vector.shape_cast %get3A_198 : vector<1x1x16xf32> to vector<16xf32>
        %add3A_200 = arith.constant 1 : i32
        %add3A_201 = arith.addi %mul3A_179, %add3A_200 : i32
        %get3A_202 = arith.constant 0 : i32
        %get3A_203 = arith.index_cast %get3A_202 : i32 to index
        %get3A_204 = arith.index_cast %add3A_201 : i32 to index
        %get3A_205 = arith.constant 0 : index
        %get3A_206 = tpu.vector_load %arg10[%get3A_203, %get3A_204, %get3A_205] {strides = array<i32>} : memref<2x128x128xf32, #tpu.memory_space<vmem>>, vector<1x1x16xf32>,
        %get3A_207 = vector.shape_cast %get3A_206 : vector<1x1x16xf32> to vector<16xf32>
        %add3A_208 = arith.addf %get3A_199, %get3A_207 : vector<16xf32>
        %max3A = arith.maximumf %add3A_191, %add3A_208 : vector<16xf32>
        %add3A_209 = arith.constant 2 : i32
        %add3A_210 = arith.addi %mul3A_179, %add3A_209 : i32
        %get3A_211 = arith.constant 0 : i32
        %get3A_212 = arith.index_cast %get3A_211 : i32 to index
        %get3A_213 = arith.index_cast %add3A_210 : i32 to index
        %get3A_214 = arith.constant 0 : index
        %get3A_215 = tpu.vector_load %arg9[%get3A_212, %get3A_213, %get3A_214] {strides = array<i32>} : memref<2x128x128xf32, #tpu.memory_space<vmem>>, vector<1x1x16xf32>,
        %get3A_216 = vector.shape_cast %get3A_215 : vector<1x1x16xf32> to vector<16xf32>
        %add3A_217 = arith.constant 2 : i32
        %add3A_218 = arith.addi %mul3A_179, %add3A_217 : i32
        %get3A_219 = arith.constant 0 : i32
        %get3A_220 = arith.index_cast %get3A_219 : i32 to index
        %get3A_221 = arith.index_cast %add3A_218 : i32 to index
        %get3A_222 = arith.constant 0 : index
        %get3A_223 = tpu.vector_load %arg10[%get3A_220, %get3A_221, %get3A_222] {strides = array<i32>} : memref<2x128x128xf32, #tpu.memory_space<vmem>>, vector<1x1x16xf32>,
        %get3A_224 = vector.shape_cast %get3A_223 : vector<1x1x16xf32> to vector<16xf32>
        %add3A_225 = arith.addf %get3A_216, %get3A_224 : vector<16xf32>
        %max3A_226 = arith.maximumf %max3A, %add3A_225 : vector<16xf32>
        %add3A_227 = arith.constant 3 : i32
        %add3A_228 = arith.addi %mul3A_179, %add3A_227 : i32
        %get3A_229 = arith.constant 0 : i32
        %get3A_230 = arith.index_cast %get3A_229 : i32 to index
        %get3A_231 = arith.index_cast %add3A_228 : i32 to index
        %get3A_232 = arith.constant 0 : index
        %get3A_233 = tpu.vector_load %arg9[%get3A_230, %get3A_231, %get3A_232] {strides = array<i32>} : memref<2x128x128xf32, #tpu.memory_space<vmem>>, vector<1x1x16xf32>,
        %get3A_234 = vector.shape_cast %get3A_233 : vector<1x1x16xf32> to vector<16xf32>
        %add3A_235 = arith.constant 3 : i32
        %add3A_236 = arith.addi %mul3A_179, %add3A_235 : i32
        %get3A_237 = arith.constant 0 : i32
        %get3A_238 = arith.index_cast %get3A_237 : i32 to index
        %get3A_239 = arith.index_cast %add3A_236 : i32 to index
        %get3A_240 = arith.constant 0 : index
        %get3A_241 = tpu.vector_load %arg10[%get3A_238, %get3A_239, %get3A_240] {strides = array<i32>} : memref<2x128x128xf32, #tpu.memory_space<vmem>>, vector<1x1x16xf32>,
        %get3A_242 = vector.shape_cast %get3A_241 : vector<1x1x16xf32> to vector<16xf32>
        %add3A_243 = arith.addf %get3A_234, %get3A_242 : vector<16xf32>
        %max3A_244 = arith.maximumf %max3A_226, %add3A_243 : vector<16xf32>
        %add3A_245 = arith.constant 4 : i32
        %add3A_246 = arith.addi %mul3A_179, %add3A_245 : i32
        %get3A_247 = arith.constant 0 : i32
        %get3A_248 = arith.index_cast %get3A_247 : i32 to index
        %get3A_249 = arith.index_cast %add3A_246 : i32 to index
        %get3A_250 = arith.constant 0 : index
        %get3A_251 = tpu.vector_load %arg9[%get3A_248, %get3A_249, %get3A_250] {strides = array<i32>} : memref<2x128x128xf32, #tpu.memory_space<vmem>>, vector<1x1x16xf32>,
        %get3A_252 = vector.shape_cast %get3A_251 : vector<1x1x16xf32> to vector<16xf32>
        %add3A_253 = arith.constant 4 : i32
        %add3A_254 = arith.addi %mul3A_179, %add3A_253 : i32
        %get3A_255 = arith.constant 0 : i32
        %get3A_256 = arith.index_cast %get3A_255 : i32 to index
        %get3A_257 = arith.index_cast %add3A_254 : i32 to index
        %get3A_258 = arith.constant 0 : index
        %get3A_259 = tpu.vector_load %arg10[%get3A_256, %get3A_257, %get3A_258] {strides = array<i32>} : memref<2x128x128xf32, #tpu.memory_space<vmem>>, vector<1x1x16xf32>,
        %get3A_260 = vector.shape_cast %get3A_259 : vector<1x1x16xf32> to vector<16xf32>
        %add3A_261 = arith.addf %get3A_252, %get3A_260 : vector<16xf32>
        %max3A_262 = arith.maximumf %max3A_244, %add3A_261 : vector<16xf32>
        %add3A_263 = arith.constant 5 : i32
        %add3A_264 = arith.addi %mul3A_179, %add3A_263 : i32
        %get3A_265 = arith.constant 0 : i32
        %get3A_266 = arith.index_cast %get3A_265 : i32 to index
        %get3A_267 = arith.index_cast %add3A_264 : i32 to index
        %get3A_268 = arith.constant 0 : index
        %get3A_269 = tpu.vector_load %arg9[%get3A_266, %get3A_267, %get3A_268] {strides = array<i32>} : memref<2x128x128xf32, #tpu.memory_space<vmem>>, vector<1x1x16xf32>,
        %get3A_270 = vector.shape_cast %get3A_269 : vector<1x1x16xf32> to vector<16xf32>
        %add3A_271 = arith.constant 5 : i32
        %add3A_272 = arith.addi %mul3A_179, %add3A_271 : i32
        %get3A_273 = arith.constant 0 : i32
        %get3A_274 = arith.index_cast %get3A_273 : i32 to index
        %get3A_275 = arith.index_cast %add3A_272 : i32 to index
        %get3A_276 = arith.constant 0 : index
        %get3A_277 = tpu.vector_load %arg10[%get3A_274, %get3A_275, %get3A_276] {strides = array<i32>} : memref<2x128x128xf32, #tpu.memory_space<vmem>>, vector<1x1x16xf32>,
        %get3A_278 = vector.shape_cast %get3A_277 : vector<1x1x16xf32> to vector<16xf32>
        %add3A_279 = arith.addf %get3A_270, %get3A_278 : vector<16xf32>
        %max3A_280 = arith.maximumf %max3A_262, %add3A_279 : vector<16xf32>
        %add3A_281 = arith.constant 6 : i32
        %add3A_282 = arith.addi %mul3A_179, %add3A_281 : i32
        %get3A_283 = arith.constant 0 : i32
        %get3A_284 = arith.index_cast %get3A_283 : i32 to index
        %get3A_285 = arith.index_cast %add3A_282 : i32 to index
        %get3A_286 = arith.constant 0 : index
        %get3A_287 = tpu.vector_load %arg9[%get3A_284, %get3A_285, %get3A_286] {strides = array<i32>} : memref<2x128x128xf32, #tpu.memory_space<vmem>>, vector<1x1x16xf32>,
        %get3A_288 = vector.shape_cast %get3A_287 : vector<1x1x16xf32> to vector<16xf32>
        %add3A_289 = arith.constant 6 : i32
        %add3A_290 = arith.addi %mul3A_179, %add3A_289 : i32
        %get3A_291 = arith.constant 0 : i32
        %get3A_292 = arith.index_cast %get3A_291 : i32 to index
        %get3A_293 = arith.index_cast %add3A_290 : i32 to index
        %get3A_294 = arith.constant 0 : index
        %get3A_295 = tpu.vector_load %arg10[%get3A_292, %get3A_293, %get3A_294] {strides = array<i32>} : memref<2x128x128xf32, #tpu.memory_space<vmem>>, vector<1x1x16xf32>,
        %get3A_296 = vector.shape_cast %get3A_295 : vector<1x1x16xf32> to vector<16xf32>
        %add3A_297 = arith.addf %get3A_288, %get3A_296 : vector<16xf32>
        %max3A_298 = arith.maximumf %max3A_280, %add3A_297 : vector<16xf32>
        %add3A_299 = arith.constant 7 : i32
        %add3A_300 = arith.addi %mul3A_179, %add3A_299 : i32
        %get3A_301 = arith.constant 0 : i32
        %get3A_302 = arith.index_cast %get3A_301 : i32 to index
        %get3A_303 = arith.index_cast %add3A_300 : i32 to index
        %get3A_304 = arith.constant 0 : index
        %get3A_305 = tpu.vector_load %arg9[%get3A_302, %get3A_303, %get3A_304] {strides = array<i32>} : memref<2x128x128xf32, #tpu.memory_space<vmem>>, vector<1x1x16xf32>,
        %get3A_306 = vector.shape_cast %get3A_305 : vector<1x1x16xf32> to vector<16xf32>
        %add3A_307 = arith.constant 7 : i32
        %add3A_308 = arith.addi %mul3A_179, %add3A_307 : i32
        %get3A_309 = arith.constant 0 : i32
        %get3A_310 = arith.index_cast %get3A_309 : i32 to index
        %get3A_311 = arith.index_cast %add3A_308 : i32 to index
        %get3A_312 = arith.constant 0 : index
        %get3A_313 = tpu.vector_load %arg10[%get3A_310, %get3A_311, %get3A_312] {strides = array<i32>} : memref<2x128x128xf32, #tpu.memory_space<vmem>>, vector<1x1x16xf32>,
        %get3A_314 = vector.shape_cast %get3A_313 : vector<1x1x16xf32> to vector<16xf32>
        %add3A_315 = arith.addf %get3A_306, %get3A_314 : vector<16xf32>
        %max3A_316 = arith.maximumf %max3A_298, %add3A_315 : vector<16xf32>
        %add3A_317 = arith.constant 8 : i32
        %add3A_318 = arith.addi %mul3A_179, %add3A_317 : i32
        %get3A_319 = arith.constant 0 : i32
        %get3A_320 = arith.index_cast %get3A_319 : i32 to index
        %get3A_321 = arith.index_cast %add3A_318 : i32 to index
        %get3A_322 = arith.constant 0 : index
        %get3A_323 = tpu.vector_load %arg9[%get3A_320, %get3A_321, %get3A_322] {strides = array<i32>} : memref<2x128x128xf32, #tpu.memory_space<vmem>>, vector<1x1x16xf32>,
        %get3A_324 = vector.shape_cast %get3A_323 : vector<1x1x16xf32> to vector<16xf32>
        %add3A_325 = arith.constant 8 : i32
        %add3A_326 = arith.addi %mul3A_179, %add3A_325 : i32
        %get3A_327 = arith.constant 0 : i32
        %get3A_328 = arith.index_cast %get3A_327 : i32 to index
        %get3A_329 = arith.index_cast %add3A_326 : i32 to index
        %get3A_330 = arith.constant 0 : index
        %get3A_331 = tpu.vector_load %arg10[%get3A_328, %get3A_329, %get3A_330] {strides = array<i32>} : memref<2x128x128xf32, #tpu.memory_space<vmem>>, vector<1x1x16xf32>,
        %get3A_332 = vector.shape_cast %get3A_331 : vector<1x1x16xf32> to vector<16xf32>
        %add3A_333 = arith.addf %get3A_324, %get3A_332 : vector<16xf32>
        %max3A_334 = arith.maximumf %max3A_316, %add3A_333 : vector<16xf32>
        %add3A_335 = arith.constant 9 : i32
        %add3A_336 = arith.addi %mul3A_179, %add3A_335 : i32
        %get3A_337 = arith.constant 0 : i32
        %get3A_338 = arith.index_cast %get3A_337 : i32 to index
        %get3A_339 = arith.index_cast %add3A_336 : i32 to index
        %get3A_340 = arith.constant 0 : index
        %get3A_341 = tpu.vector_load %arg9[%get3A_338, %get3A_339, %get3A_340] {strides = array<i32>} : memref<2x128x128xf32, #tpu.memory_space<vmem>>, vector<1x1x16xf32>,
        %get3A_342 = vector.shape_cast %get3A_341 : vector<1x1x16xf32> to vector<16xf32>
        %add3A_343 = arith.constant 9 : i32
        %add3A_344 = arith.addi %mul3A_179, %add3A_343 : i32
        %get3A_345 = arith.constant 0 : i32
        %get3A_346 = arith.index_cast %get3A_345 : i32 to index
        %get3A_347 = arith.index_cast %add3A_344 : i32 to index
        %get3A_348 = arith.constant 0 : index
        %get3A_349 = tpu.vector_load %arg10[%get3A_346, %get3A_347, %get3A_348] {strides = array<i32>} : memref<2x128x128xf32, #tpu.memory_space<vmem>>, vector<1x1x16xf32>,
        %get3A_350 = vector.shape_cast %get3A_349 : vector<1x1x16xf32> to vector<16xf32>
        %add3A_351 = arith.addf %get3A_342, %get3A_350 : vector<16xf32>
        %max3A_352 = arith.maximumf %max3A_334, %add3A_351 : vector<16xf32>
        %add3A_353 = arith.constant 10 : i32
        %add3A_354 = arith.addi %mul3A_179, %add3A_353 : i32
        %get3A_355 = arith.constant 0 : i32
        %get3A_356 = arith.index_cast %get3A_355 : i32 to index
        %get3A_357 = arith.index_cast %add3A_354 : i32 to index
        %get3A_358 = arith.constant 0 : index
        %get3A_359 = tpu.vector_load %arg9[%get3A_356, %get3A_357, %get3A_358] {strides = array<i32>} : memref<2x128x128xf32, #tpu.memory_space<vmem>>, vector<1x1x16xf32>,
        %get3A_360 = vector.shape_cast %get3A_359 : vector<1x1x16xf32> to vector<16xf32>
        %add3A_361 = arith.constant 10 : i32
        %add3A_362 = arith.addi %mul3A_179, %add3A_361 : i32
        %get3A_363 = arith.constant 0 : i32
        %get3A_364 = arith.index_cast %get3A_363 : i32 to index
        %get3A_365 = arith.index_cast %add3A_362 : i32 to index
        %get3A_366 = arith.constant 0 : index
        %get3A_367 = tpu.vector_load %arg10[%get3A_364, %get3A_365, %get3A_366] {strides = array<i32>} : memref<2x128x128xf32, #tpu.memory_space<vmem>>, vector<1x1x16xf32>,
        %get3A_368 = vector.shape_cast %get3A_367 : vector<1x1x16xf32> to vector<16xf32>
        %add3A_369 = arith.addf %get3A_360, %get3A_368 : vector<16xf32>
        %max3A_370 = arith.maximumf %max3A_352, %add3A_369 : vector<16xf32>
        %add3A_371 = arith.constant 11 : i32
        %add3A_372 = arith.addi %mul3A_179, %add3A_371 : i32
        %get3A_373 = arith.constant 0 : i32
        %get3A_374 = arith.index_cast %get3A_373 : i32 to index
        %get3A_375 = arith.index_cast %add3A_372 : i32 to index
        %get3A_376 = arith.constant 0 : index
        %get3A_377 = tpu.vector_load %arg9[%get3A_374, %get3A_375, %get3A_376] {strides = array<i32>} : memref<2x128x128xf32, #tpu.memory_space<vmem>>, vector<1x1x16xf32>,
        %get3A_378 = vector.shape_cast %get3A_377 : vector<1x1x16xf32> to vector<16xf32>
        %add3A_379 = arith.constant 11 : i32
        %add3A_380 = arith.addi %mul3A_179, %add3A_379 : i32
        %get3A_381 = arith.constant 0 : i32
        %get3A_382 = arith.index_cast %get3A_381 : i32 to index
        %get3A_383 = arith.index_cast %add3A_380 : i32 to index
        %get3A_384 = arith.constant 0 : index
        %get3A_385 = tpu.vector_load %arg10[%get3A_382, %get3A_383, %get3A_384] {strides = array<i32>} : memref<2x128x128xf32, #tpu.memory_space<vmem>>, vector<1x1x16xf32>,
        %get3A_386 = vector.shape_cast %get3A_385 : vector<1x1x16xf32> to vector<16xf32>
        %add3A_387 = arith.addf %get3A_378, %get3A_386 : vector<16xf32>
        %max3A_388 = arith.maximumf %max3A_370, %add3A_387 : vector<16xf32>
        %add3A_389 = arith.constant 12 : i32
        %add3A_390 = arith.addi %mul3A_179, %add3A_389 : i32
        %get3A_391 = arith.constant 0 : i32
        %get3A_392 = arith.index_cast %get3A_391 : i32 to index
        %get3A_393 = arith.index_cast %add3A_390 : i32 to index
        %get3A_394 = arith.constant 0 : index
        %get3A_395 = tpu.vector_load %arg9[%get3A_392, %get3A_393, %get3A_394] {strides = array<i32>} : memref<2x128x128xf32, #tpu.memory_space<vmem>>, vector<1x1x16xf32>,
        %get3A_396 = vector.shape_cast %get3A_395 : vector<1x1x16xf32> to vector<16xf32>
        %add3A_397 = arith.constant 12 : i32
        %add3A_398 = arith.addi %mul3A_179, %add3A_397 : i32
        %get3A_399 = arith.constant 0 : i32
        %get3A_400 = arith.index_cast %get3A_399 : i32 to index
        %get3A_401 = arith.index_cast %add3A_398 : i32 to index
        %get3A_402 = arith.constant 0 : index
        %get3A_403 = tpu.vector_load %arg10[%get3A_400, %get3A_401, %get3A_402] {strides = array<i32>} : memref<2x128x128xf32, #tpu.memory_space<vmem>>, vector<1x1x16xf32>,
        %get3A_404 = vector.shape_cast %get3A_403 : vector<1x1x16xf32> to vector<16xf32>
        %add3A_405 = arith.addf %get3A_396, %get3A_404 : vector<16xf32>
        %max3A_406 = arith.maximumf %max3A_388, %add3A_405 : vector<16xf32>
        %add3A_407 = arith.constant 13 : i32
        %add3A_408 = arith.addi %mul3A_179, %add3A_407 : i32
        %get3A_409 = arith.constant 0 : i32
        %get3A_410 = arith.index_cast %get3A_409 : i32 to index
        %get3A_411 = arith.index_cast %add3A_408 : i32 to index
        %get3A_412 = arith.constant 0 : index
        %get3A_413 = tpu.vector_load %arg9[%get3A_410, %get3A_411, %get3A_412] {strides = array<i32>} : memref<2x128x128xf32, #tpu.memory_space<vmem>>, vector<1x1x16xf32>,
        %get3A_414 = vector.shape_cast %get3A_413 : vector<1x1x16xf32> to vector<16xf32>
        %add3A_415 = arith.constant 13 : i32
        %add3A_416 = arith.addi %mul3A_179, %add3A_415 : i32
        %get3A_417 = arith.constant 0 : i32
        %get3A_418 = arith.index_cast %get3A_417 : i32 to index
        %get3A_419 = arith.index_cast %add3A_416 : i32 to index
        %get3A_420 = arith.constant 0 : index
        %get3A_421 = tpu.vector_load %arg10[%get3A_418, %get3A_419, %get3A_420] {strides = array<i32>} : memref<2x128x128xf32, #tpu.memory_space<vmem>>, vector<1x1x16xf32>,
        %get3A_422 = vector.shape_cast %get3A_421 : vector<1x1x16xf32> to vector<16xf32>
        %add3A_423 = arith.addf %get3A_414, %get3A_422 : vector<16xf32>
        %max3A_424 = arith.maximumf %max3A_406, %add3A_423 : vector<16xf32>
        %add3A_425 = arith.constant 14 : i32
        %add3A_426 = arith.addi %mul3A_179, %add3A_425 : i32
        %get3A_427 = arith.constant 0 : i32
        %get3A_428 = arith.index_cast %get3A_427 : i32 to index
        %get3A_429 = arith.index_cast %add3A_426 : i32 to index
        %get3A_430 = arith.constant 0 : index
        %get3A_431 = tpu.vector_load %arg9[%get3A_428, %get3A_429, %get3A_430] {strides = array<i32>} : memref<2x128x128xf32, #tpu.memory_space<vmem>>, vector<1x1x16xf32>,
        %get3A_432 = vector.shape_cast %get3A_431 : vector<1x1x16xf32> to vector<16xf32>
        %add3A_433 = arith.constant 14 : i32
        %add3A_434 = arith.addi %mul3A_179, %add3A_433 : i32
        %get3A_435 = arith.constant 0 : i32
        %get3A_436 = arith.index_cast %get3A_435 : i32 to index
        %get3A_437 = arith.index_cast %add3A_434 : i32 to index
        %get3A_438 = arith.constant 0 : index
        %get3A_439 = tpu.vector_load %arg10[%get3A_436, %get3A_437, %get3A_438] {strides = array<i32>} : memref<2x128x128xf32, #tpu.memory_space<vmem>>, vector<1x1x16xf32>,
        %get3A_440 = vector.shape_cast %get3A_439 : vector<1x1x16xf32> to vector<16xf32>
        %add3A_441 = arith.addf %get3A_432, %get3A_440 : vector<16xf32>
        %max3A_442 = arith.maximumf %max3A_424, %add3A_441 : vector<16xf32>
        %add3A_443 = arith.constant 15 : i32
        %add3A_444 = arith.addi %mul3A_179, %add3A_443 : i32
        %get3A_445 = arith.constant 0 : i32
        %get3A_446 = arith.index_cast %get3A_445 : i32 to index
        %get3A_447 = arith.index_cast %add3A_444 : i32 to index
        %get3A_448 = arith.constant 0 : index
        %get3A_449 = tpu.vector_load %arg9[%get3A_446, %get3A_447, %get3A_448] {strides = array<i32>} : memref<2x128x128xf32, #tpu.memory_space<vmem>>, vector<1x1x16xf32>,
        %get3A_450 = vector.shape_cast %get3A_449 : vector<1x1x16xf32> to vector<16xf32>
        %add3A_451 = arith.constant 15 : i32
        %add3A_452 = arith.addi %mul3A_179, %add3A_451 : i32
        %get3A_453 = arith.constant 0 : i32
        %get3A_454 = arith.index_cast %get3A_453 : i32 to index
        %get3A_455 = arith.index_cast %add3A_452 : i32 to index
        %get3A_456 = arith.constant 0 : index
        %get3A_457 = tpu.vector_load %arg10[%get3A_454, %get3A_455, %get3A_456] {strides = array<i32>} : memref<2x128x128xf32, #tpu.memory_space<vmem>>, vector<1x1x16xf32>,
        %get3A_458 = vector.shape_cast %get3A_457 : vector<1x1x16xf32> to vector<16xf32>
        %add3A_459 = arith.addf %get3A_450, %get3A_458 : vector<16xf32>
        %max3A_460 = arith.maximumf %max3A_442, %add3A_459 : vector<16xf32>
        %max3A_461 = arith.constant 0.000000e+00 : f32
        %max3A_462 = vector.broadcast %max3A_461 : f32 to vector<16xf32>
        %max3A_463 = arith.maximumf %max3A_460, %max3A_462 : vector<16xf32>
        %swap3A = arith.constant 0 : i32
        %swap3A_464 = arith.index_cast %swap3A : i32 to index
        %swap3A_465 = arith.index_cast %scan3A_177 : i32 to index
        %swap3A_466 = arith.constant 0 : index
        %swap3A_467 = tpu.vector_load %arg11[%swap3A_464, %swap3A_465, %swap3A_466] {strides = array<i32>} : memref<2x8x128xf32, #tpu.memory_space<vmem>>, vector<1x1x16xf32>,
        %swap3A_468 = vector.shape_cast %swap3A_467 : vector<1x1x16xf32> to vector<16xf32>
        %swap3A_469 = vector.shape_cast %max3A_463 : vector<16xf32> to vector<1x1x16xf32>
        tpu.vector_store %arg11[%swap3A_464, %swap3A_465, %swap3A_466], %swap3A_469 {strides = array<i32>} : memref<2x8x128xf32, #tpu.memory_space<vmem>>, vector<1x1x16xf32>,
        %get3A_470 = arith.constant 0 : i32
        %get3A_471 = arith.index_cast %get3A_470 : i32 to index
        %get3A_472 = arith.index_cast %mul3A_179 : i32 to index
        %get3A_473 = arith.constant 16 : index
        %get3A_474 = tpu.vector_load %arg9[%get3A_471, %get3A_472, %get3A_473] {strides = array<i32>} : memref<2x128x128xf32, #tpu.memory_space<vmem>>, vector<1x1x16xf32>,
        %get3A_475 = vector.shape_cast %get3A_474 : vector<1x1x16xf32> to vector<16xf32>
        %get3A_476 = arith.constant 0 : i32
        %get3A_477 = arith.index_cast %get3A_476 : i32 to index
        %get3A_478 = arith.index_cast %mul3A_179 : i32 to index
        %get3A_479 = arith.constant 16 : index
        %get3A_480 = tpu.vector_load %arg10[%get3A_477, %get3A_478, %get3A_479] {strides = array<i32>} : memref<2x128x128xf32, #tpu.memory_space<vmem>>, vector<1x1x16xf32>,
        %get3A_481 = vector.shape_cast %get3A_480 : vector<1x1x16xf32> to vector<16xf32>
        %add3A_482 = arith.addf %get3A_475, %get3A_481 : vector<16xf32>
        %add3A_483 = arith.constant 1 : i32
        %add3A_484 = arith.addi %mul3A_179, %add3A_483 : i32
        %get3A_485 = arith.constant 0 : i32
        %get3A_486 = arith.index_cast %get3A_485 : i32 to index
        %get3A_487 = arith.index_cast %add3A_484 : i32 to index
        %get3A_488 = arith.constant 16 : index
        %get3A_489 = tpu.vector_load %arg9[%get3A_486, %get3A_487, %get3A_488] {strides = array<i32>} : memref<2x128x128xf32, #tpu.memory_space<vmem>>, vector<1x1x16xf32>,
        %get3A_490 = vector.shape_cast %get3A_489 : vector<1x1x16xf32> to vector<16xf32>
        %add3A_491 = arith.constant 1 : i32
        %add3A_492 = arith.addi %mul3A_179, %add3A_491 : i32
        %get3A_493 = arith.constant 0 : i32
        %get3A_494 = arith.index_cast %get3A_493 : i32 to index
        %get3A_495 = arith.index_cast %add3A_492 : i32 to index
        %get3A_496 = arith.constant 16 : index
        %get3A_497 = tpu.vector_load %arg10[%get3A_494, %get3A_495, %get3A_496] {strides = array<i32>} : memref<2x128x128xf32, #tpu.memory_space<vmem>>, vector<1x1x16xf32>,
        %get3A_498 = vector.shape_cast %get3A_497 : vector<1x1x16xf32> to vector<16xf32>
        %add3A_499 = arith.addf %get3A_490, %get3A_498 : vector<16xf32>
        %max3A_500 = arith.maximumf %add3A_482, %add3A_499 : vector<16xf32>
        %add3A_501 = arith.constant 2 : i32
        %add3A_502 = arith.addi %mul3A_179, %add3A_501 : i32
        %get3A_503 = arith.constant 0 : i32
        %get3A_504 = arith.index_cast %get3A_503 : i32 to index
        %get3A_505 = arith.index_cast %add3A_502 : i32 to index
        %get3A_506 = arith.constant 16 : index
        %get3A_507 = tpu.vector_load %arg9[%get3A_504, %get3A_505, %get3A_506] {strides = array<i32>} : memref<2x128x128xf32, #tpu.memory_space<vmem>>, vector<1x1x16xf32>,
        %get3A_508 = vector.shape_cast %get3A_507 : vector<1x1x16xf32> to vector<16xf32>
        %add3A_509 = arith.constant 2 : i32
        %add3A_510 = arith.addi %mul3A_179, %add3A_509 : i32
        %get3A_511 = arith.constant 0 : i32
        %get3A_512 = arith.index_cast %get3A_511 : i32 to index
        %get3A_513 = arith.index_cast %add3A_510 : i32 to index
        %get3A_514 = arith.constant 16 : index
        %get3A_515 = tpu.vector_load %arg10[%get3A_512, %get3A_513, %get3A_514] {strides = array<i32>} : memref<2x128x128xf32, #tpu.memory_space<vmem>>, vector<1x1x16xf32>,
        %get3A_516 = vector.shape_cast %get3A_515 : vector<1x1x16xf32> to vector<16xf32>
        %add3A_517 = arith.addf %get3A_508, %get3A_516 : vector<16xf32>
        %max3A_518 = arith.maximumf %max3A_500, %add3A_517 : vector<16xf32>
        %add3A_519 = arith.constant 3 : i32
        %add3A_520 = arith.addi %mul3A_179, %add3A_519 : i32
        %get3A_521 = arith.constant 0 : i32
        %get3A_522 = arith.index_cast %get3A_521 : i32 to index
        %get3A_523 = arith.index_cast %add3A_520 : i32 to index
        %get3A_524 = arith.constant 16 : index
        %get3A_525 = tpu.vector_load %arg9[%get3A_522, %get3A_523, %get3A_524] {strides = array<i32>} : memref<2x128x128xf32, #tpu.memory_space<vmem>>, vector<1x1x16xf32>,
        %get3A_526 = vector.shape_cast %get3A_525 : vector<1x1x16xf32> to vector<16xf32>
        %add3A_527 = arith.constant 3 : i32
        %add3A_528 = arith.addi %mul3A_179, %add3A_527 : i32
        %get3A_529 = arith.constant 0 : i32
        %get3A_530 = arith.index_cast %get3A_529 : i32 to index
        %get3A_531 = arith.index_cast %add3A_528 : i32 to index
        %get3A_532 = arith.constant 16 : index
        %get3A_533 = tpu.vector_load %arg10[%get3A_530, %get3A_531, %get3A_532] {strides = array<i32>} : memref<2x128x128xf32, #tpu.memory_space<vmem>>, vector<1x1x16xf32>,
        %get3A_534 = vector.shape_cast %get3A_533 : vector<1x1x16xf32> to vector<16xf32>
        %add3A_535 = arith.addf %get3A_526, %get3A_534 : vector<16xf32>
        %max3A_536 = arith.maximumf %max3A_518, %add3A_535 : vector<16xf32>
        %add3A_537 = arith.constant 4 : i32
        %add3A_538 = arith.addi %mul3A_179, %add3A_537 : i32
        %get3A_539 = arith.constant 0 : i32
        %get3A_540 = arith.index_cast %get3A_539 : i32 to index
        %get3A_541 = arith.index_cast %add3A_538 : i32 to index
        %get3A_542 = arith.constant 16 : index
        %get3A_543 = tpu.vector_load %arg9[%get3A_540, %get3A_541, %get3A_542] {strides = array<i32>} : memref<2x128x128xf32, #tpu.memory_space<vmem>>, vector<1x1x16xf32>,
        %get3A_544 = vector.shape_cast %get3A_543 : vector<1x1x16xf32> to vector<16xf32>
        %add3A_545 = arith.constant 4 : i32
        %add3A_546 = arith.addi %mul3A_179, %add3A_545 : i32
        %get3A_547 = arith.constant 0 : i32
        %get3A_548 = arith.index_cast %get3A_547 : i32 to index
        %get3A_549 = arith.index_cast %add3A_546 : i32 to index
        %get3A_550 = arith.constant 16 : index
        %get3A_551 = tpu.vector_load %arg10[%get3A_548, %get3A_549, %get3A_550] {strides = array<i32>} : memref<2x128x128xf32, #tpu.memory_space<vmem>>, vector<1x1x16xf32>,
        %get3A_552 = vector.shape_cast %get3A_551 : vector<1x1x16xf32> to vector<16xf32>
        %add3A_553 = arith.addf %get3A_544, %get3A_552 : vector<16xf32>
        %max3A_554 = arith.maximumf %max3A_536, %add3A_553 : vector<16xf32>
        %add3A_555 = arith.constant 5 : i32
        %add3A_556 = arith.addi %mul3A_179, %add3A_555 : i32
        %get3A_557 = arith.constant 0 : i32
        %get3A_558 = arith.index_cast %get3A_557 : i32 to index
        %get3A_559 = arith.index_cast %add3A_556 : i32 to index
        %get3A_560 = arith.constant 16 : index
        %get3A_561 = tpu.vector_load %arg9[%get3A_558, %get3A_559, %get3A_560] {strides = array<i32>} : memref<2x128x128xf32, #tpu.memory_space<vmem>>, vector<1x1x16xf32>,
        %get3A_562 = vector.shape_cast %get3A_561 : vector<1x1x16xf32> to vector<16xf32>
        %add3A_563 = arith.constant 5 : i32
        %add3A_564 = arith.addi %mul3A_179, %add3A_563 : i32
        %get3A_565 = arith.constant 0 : i32
        %get3A_566 = arith.index_cast %get3A_565 : i32 to index
        %get3A_567 = arith.index_cast %add3A_564 : i32 to index
        %get3A_568 = arith.constant 16 : index
        %get3A_569 = tpu.vector_load %arg10[%get3A_566, %get3A_567, %get3A_568] {strides = array<i32>} : memref<2x128x128xf32, #tpu.memory_space<vmem>>, vector<1x1x16xf32>,
        %get3A_570 = vector.shape_cast %get3A_569 : vector<1x1x16xf32> to vector<16xf32>
        %add3A_571 = arith.addf %get3A_562, %get3A_570 : vector<16xf32>
        %max3A_572 = arith.maximumf %max3A_554, %add3A_571 : vector<16xf32>
        %add3A_573 = arith.constant 6 : i32
        %add3A_574 = arith.addi %mul3A_179, %add3A_573 : i32
        %get3A_575 = arith.constant 0 : i32
        %get3A_576 = arith.index_cast %get3A_575 : i32 to index
        %get3A_577 = arith.index_cast %add3A_574 : i32 to index
        %get3A_578 = arith.constant 16 : index
        %get3A_579 = tpu.vector_load %arg9[%get3A_576, %get3A_577, %get3A_578] {strides = array<i32>} : memref<2x128x128xf32, #tpu.memory_space<vmem>>, vector<1x1x16xf32>,
        %get3A_580 = vector.shape_cast %get3A_579 : vector<1x1x16xf32> to vector<16xf32>
        %add3A_581 = arith.constant 6 : i32
        %add3A_582 = arith.addi %mul3A_179, %add3A_581 : i32
        %get3A_583 = arith.constant 0 : i32
        %get3A_584 = arith.index_cast %get3A_583 : i32 to index
        %get3A_585 = arith.index_cast %add3A_582 : i32 to index
        %get3A_586 = arith.constant 16 : index
        %get3A_587 = tpu.vector_load %arg10[%get3A_584, %get3A_585, %get3A_586] {strides = array<i32>} : memref<2x128x128xf32, #tpu.memory_space<vmem>>, vector<1x1x16xf32>,
        %get3A_588 = vector.shape_cast %get3A_587 : vector<1x1x16xf32> to vector<16xf32>
        %add3A_589 = arith.addf %get3A_580, %get3A_588 : vector<16xf32>
        %max3A_590 = arith.maximumf %max3A_572, %add3A_589 : vector<16xf32>
        %add3A_591 = arith.constant 7 : i32
        %add3A_592 = arith.addi %mul3A_179, %add3A_591 : i32
        %get3A_593 = arith.constant 0 : i32
        %get3A_594 = arith.index_cast %get3A_593 : i32 to index
        %get3A_595 = arith.index_cast %add3A_592 : i32 to index
        %get3A_596 = arith.constant 16 : index
        %get3A_597 = tpu.vector_load %arg9[%get3A_594, %get3A_595, %get3A_596] {strides = array<i32>} : memref<2x128x128xf32, #tpu.memory_space<vmem>>, vector<1x1x16xf32>,
        %get3A_598 = vector.shape_cast %get3A_597 : vector<1x1x16xf32> to vector<16xf32>
        %add3A_599 = arith.constant 7 : i32
        %add3A_600 = arith.addi %mul3A_179, %add3A_599 : i32
        %get3A_601 = arith.constant 0 : i32
        %get3A_602 = arith.index_cast %get3A_601 : i32 to index
        %get3A_603 = arith.index_cast %add3A_600 : i32 to index
        %get3A_604 = arith.constant 16 : index
        %get3A_605 = tpu.vector_load %arg10[%get3A_602, %get3A_603, %get3A_604] {strides = array<i32>} : memref<2x128x128xf32, #tpu.memory_space<vmem>>, vector<1x1x16xf32>,
        %get3A_606 = vector.shape_cast %get3A_605 : vector<1x1x16xf32> to vector<16xf32>
        %add3A_607 = arith.addf %get3A_598, %get3A_606 : vector<16xf32>
        %max3A_608 = arith.maximumf %max3A_590, %add3A_607 : vector<16xf32>
        %add3A_609 = arith.constant 8 : i32
        %add3A_610 = arith.addi %mul3A_179, %add3A_609 : i32
        %get3A_611 = arith.constant 0 : i32
        %get3A_612 = arith.index_cast %get3A_611 : i32 to index
        %get3A_613 = arith.index_cast %add3A_610 : i32 to index
        %get3A_614 = arith.constant 16 : index
        %get3A_615 = tpu.vector_load %arg9[%get3A_612, %get3A_613, %get3A_614] {strides = array<i32>} : memref<2x128x128xf32, #tpu.memory_space<vmem>>, vector<1x1x16xf32>,
        %get3A_616 = vector.shape_cast %get3A_615 : vector<1x1x16xf32> to vector<16xf32>
        %add3A_617 = arith.constant 8 : i32
        %add3A_618 = arith.addi %mul3A_179, %add3A_617 : i32
        %get3A_619 = arith.constant 0 : i32
        %get3A_620 = arith.index_cast %get3A_619 : i32 to index
        %get3A_621 = arith.index_cast %add3A_618 : i32 to index
        %get3A_622 = arith.constant 16 : index
        %get3A_623 = tpu.vector_load %arg10[%get3A_620, %get3A_621, %get3A_622] {strides = array<i32>} : memref<2x128x128xf32, #tpu.memory_space<vmem>>, vector<1x1x16xf32>,
        %get3A_624 = vector.shape_cast %get3A_623 : vector<1x1x16xf32> to vector<16xf32>
        %add3A_625 = arith.addf %get3A_616, %get3A_624 : vector<16xf32>
        %max3A_626 = arith.maximumf %max3A_608, %add3A_625 : vector<16xf32>
        %add3A_627 = arith.constant 9 : i32
        %add3A_628 = arith.addi %mul3A_179, %add3A_627 : i32
        %get3A_629 = arith.constant 0 : i32
        %get3A_630 = arith.index_cast %get3A_629 : i32 to index
        %get3A_631 = arith.index_cast %add3A_628 : i32 to index
        %get3A_632 = arith.constant 16 : index
        %get3A_633 = tpu.vector_load %arg9[%get3A_630, %get3A_631, %get3A_632] {strides = array<i32>} : memref<2x128x128xf32, #tpu.memory_space<vmem>>, vector<1x1x16xf32>,
        %get3A_634 = vector.shape_cast %get3A_633 : vector<1x1x16xf32> to vector<16xf32>
        %add3A_635 = arith.constant 9 : i32
        %add3A_636 = arith.addi %mul3A_179, %add3A_635 : i32
        %get3A_637 = arith.constant 0 : i32
        %get3A_638 = arith.index_cast %get3A_637 : i32 to index
        %get3A_639 = arith.index_cast %add3A_636 : i32 to index
        %get3A_640 = arith.constant 16 : index
        %get3A_641 = tpu.vector_load %arg10[%get3A_638, %get3A_639, %get3A_640] {strides = array<i32>} : memref<2x128x128xf32, #tpu.memory_space<vmem>>, vector<1x1x16xf32>,
        %get3A_642 = vector.shape_cast %get3A_641 : vector<1x1x16xf32> to vector<16xf32>
        %add3A_643 = arith.addf %get3A_634, %get3A_642 : vector<16xf32>
        %max3A_644 = arith.maximumf %max3A_626, %add3A_643 : vector<16xf32>
        %add3A_645 = arith.constant 10 : i32
        %add3A_646 = arith.addi %mul3A_179, %add3A_645 : i32
        %get3A_647 = arith.constant 0 : i32
        %get3A_648 = arith.index_cast %get3A_647 : i32 to index
        %get3A_649 = arith.index_cast %add3A_646 : i32 to index
        %get3A_650 = arith.constant 16 : index
        %get3A_651 = tpu.vector_load %arg9[%get3A_648, %get3A_649, %get3A_650] {strides = array<i32>} : memref<2x128x128xf32, #tpu.memory_space<vmem>>, vector<1x1x16xf32>,
        %get3A_652 = vector.shape_cast %get3A_651 : vector<1x1x16xf32> to vector<16xf32>
        %add3A_653 = arith.constant 10 : i32
        %add3A_654 = arith.addi %mul3A_179, %add3A_653 : i32
        %get3A_655 = arith.constant 0 : i32
        %get3A_656 = arith.index_cast %get3A_655 : i32 to index
        %get3A_657 = arith.index_cast %add3A_654 : i32 to index
        %get3A_658 = arith.constant 16 : index
        %get3A_659 = tpu.vector_load %arg10[%get3A_656, %get3A_657, %get3A_658] {strides = array<i32>} : memref<2x128x128xf32, #tpu.memory_space<vmem>>, vector<1x1x16xf32>,
        %get3A_660 = vector.shape_cast %get3A_659 : vector<1x1x16xf32> to vector<16xf32>
        %add3A_661 = arith.addf %get3A_652, %get3A_660 : vector<16xf32>
        %max3A_662 = arith.maximumf %max3A_644, %add3A_661 : vector<16xf32>
        %add3A_663 = arith.constant 11 : i32
        %add3A_664 = arith.addi %mul3A_179, %add3A_663 : i32
        %get3A_665 = arith.constant 0 : i32
        %get3A_666 = arith.index_cast %get3A_665 : i32 to index
        %get3A_667 = arith.index_cast %add3A_664 : i32 to index
        %get3A_668 = arith.constant 16 : index
        %get3A_669 = tpu.vector_load %arg9[%get3A_666, %get3A_667, %get3A_668] {strides = array<i32>} : memref<2x128x128xf32, #tpu.memory_space<vmem>>, vector<1x1x16xf32>,
        %get3A_670 = vector.shape_cast %get3A_669 : vector<1x1x16xf32> to vector<16xf32>
        %add3A_671 = arith.constant 11 : i32
        %add3A_672 = arith.addi %mul3A_179, %add3A_671 : i32
        %get3A_673 = arith.constant 0 : i32
        %get3A_674 = arith.index_cast %get3A_673 : i32 to index
        %get3A_675 = arith.index_cast %add3A_672 : i32 to index
        %get3A_676 = arith.constant 16 : index
        %get3A_677 = tpu.vector_load %arg10[%get3A_674, %get3A_675, %get3A_676] {strides = array<i32>} : memref<2x128x128xf32, #tpu.memory_space<vmem>>, vector<1x1x16xf32>,
        %get3A_678 = vector.shape_cast %get3A_677 : vector<1x1x16xf32> to vector<16xf32>
        %add3A_679 = arith.addf %get3A_670, %get3A_678 : vector<16xf32>
        %max3A_680 = arith.maximumf %max3A_662, %add3A_679 : vector<16xf32>
        %add3A_681 = arith.constant 12 : i32
        %add3A_682 = arith.addi %mul3A_179, %add3A_681 : i32
        %get3A_683 = arith.constant 0 : i32
        %get3A_684 = arith.index_cast %get3A_683 : i32 to index
        %get3A_685 = arith.index_cast %add3A_682 : i32 to index
        %get3A_686 = arith.constant 16 : index
        %get3A_687 = tpu.vector_load %arg9[%get3A_684, %get3A_685, %get3A_686] {strides = array<i32>} : memref<2x128x128xf32, #tpu.memory_space<vmem>>, vector<1x1x16xf32>,
        %get3A_688 = vector.shape_cast %get3A_687 : vector<1x1x16xf32> to vector<16xf32>
        %add3A_689 = arith.constant 12 : i32
        %add3A_690 = arith.addi %mul3A_179, %add3A_689 : i32
        %get3A_691 = arith.constant 0 : i32
        %get3A_692 = arith.index_cast %get3A_691 : i32 to index
        %get3A_693 = arith.index_cast %add3A_690 : i32 to index
        %get3A_694 = arith.constant 16 : index
        %get3A_695 = tpu.vector_load %arg10[%get3A_692, %get3A_693, %get3A_694] {strides = array<i32>} : memref<2x128x128xf32, #tpu.memory_space<vmem>>, vector<1x1x16xf32>,
        %get3A_696 = vector.shape_cast %get3A_695 : vector<1x1x16xf32> to vector<16xf32>
        %add3A_697 = arith.addf %get3A_688, %get3A_696 : vector<16xf32>
        %max3A_698 = arith.maximumf %max3A_680, %add3A_697 : vector<16xf32>
        %add3A_699 = arith.constant 13 : i32
        %add3A_700 = arith.addi %mul3A_179, %add3A_699 : i32
        %get3A_701 = arith.constant 0 : i32
        %get3A_702 = arith.index_cast %get3A_701 : i32 to index
        %get3A_703 = arith.index_cast %add3A_700 : i32 to index
        %get3A_704 = arith.constant 16 : index
        %get3A_705 = tpu.vector_load %arg9[%get3A_702, %get3A_703, %get3A_704] {strides = array<i32>} : memref<2x128x128xf32, #tpu.memory_space<vmem>>, vector<1x1x16xf32>,
        %get3A_706 = vector.shape_cast %get3A_705 : vector<1x1x16xf32> to vector<16xf32>
        %add3A_707 = arith.constant 13 : i32
        %add3A_708 = arith.addi %mul3A_179, %add3A_707 : i32
        %get3A_709 = arith.constant 0 : i32
        %get3A_710 = arith.index_cast %get3A_709 : i32 to index
        %get3A_711 = arith.index_cast %add3A_708 : i32 to index
        %get3A_712 = arith.constant 16 : index
        %get3A_713 = tpu.vector_load %arg10[%get3A_710, %get3A_711, %get3A_712] {strides = array<i32>} : memref<2x128x128xf32, #tpu.memory_space<vmem>>, vector<1x1x16xf32>,
        %get3A_714 = vector.shape_cast %get3A_713 : vector<1x1x16xf32> to vector<16xf32>
        %add3A_715 = arith.addf %get3A_706, %get3A_714 : vector<16xf32>
        %max3A_716 = arith.maximumf %max3A_698, %add3A_715 : vector<16xf32>
        %add3A_717 = arith.constant 14 : i32
        %add3A_718 = arith.addi %mul3A_179, %add3A_717 : i32
        %get3A_719 = arith.constant 0 : i32
        %get3A_720 = arith.index_cast %get3A_719 : i32 to index
        %get3A_721 = arith.index_cast %add3A_718 : i32 to index
        %get3A_722 = arith.constant 16 : index
        %get3A_723 = tpu.vector_load %arg9[%get3A_720, %get3A_721, %get3A_722] {strides = array<i32>} : memref<2x128x128xf32, #tpu.memory_space<vmem>>, vector<1x1x16xf32>,
        %get3A_724 = vector.shape_cast %get3A_723 : vector<1x1x16xf32> to vector<16xf32>
        %add3A_725 = arith.constant 14 : i32
        %add3A_726 = arith.addi %mul3A_179, %add3A_725 : i32
        %get3A_727 = arith.constant 0 : i32
        %get3A_728 = arith.index_cast %get3A_727 : i32 to index
        %get3A_729 = arith.index_cast %add3A_726 : i32 to index
        %get3A_730 = arith.constant 16 : index
        %get3A_731 = tpu.vector_load %arg10[%get3A_728, %get3A_729, %get3A_730] {strides = array<i32>} : memref<2x128x128xf32, #tpu.memory_space<vmem>>, vector<1x1x16xf32>,
        %get3A_732 = vector.shape_cast %get3A_731 : vector<1x1x16xf32> to vector<16xf32>
        %add3A_733 = arith.addf %get3A_724, %get3A_732 : vector<16xf32>
        %max3A_734 = arith.maximumf %max3A_716, %add3A_733 : vector<16xf32>
        %add3A_735 = arith.constant 15 : i32
        %add3A_736 = arith.addi %mul3A_179, %add3A_735 : i32
        %get3A_737 = arith.constant 0 : i32
        %get3A_738 = arith.index_cast %get3A_737 : i32 to index
        %get3A_739 = arith.index_cast %add3A_736 : i32 to index
        %get3A_740 = arith.constant 16 : index
        %get3A_741 = tpu.vector_load %arg9[%get3A_738, %get3A_739, %get3A_740] {strides = array<i32>} : memref<2x128x128xf32, #tpu.memory_space<vmem>>, vector<1x1x16xf32>,
        %get3A_742 = vector.shape_cast %get3A_741 : vector<1x1x16xf32> to vector<16xf32>
        %add3A_743 = arith.constant 15 : i32
        %add3A_744 = arith.addi %mul3A_179, %add3A_743 : i32
        %get3A_745 = arith.constant 0 : i32
        %get3A_746 = arith.index_cast %get3A_745 : i32 to index
        %get3A_747 = arith.index_cast %add3A_744 : i32 to index
        %get3A_748 = arith.constant 16 : index
        %get3A_749 = tpu.vector_load %arg10[%get3A_746, %get3A_747, %get3A_748] {strides = array<i32>} : memref<2x128x128xf32, #tpu.memory_space<vmem>>, vector<1x1x16xf32>,
        %get3A_750 = vector.shape_cast %get3A_749 : vector<1x1x16xf32> to vector<16xf32>
        %add3A_751 = arith.addf %get3A_742, %get3A_750 : vector<16xf32>
        %max3A_752 = arith.maximumf %max3A_734, %add3A_751 : vector<16xf32>
        %max3A_753 = arith.constant 0.000000e+00 : f32
        %max3A_754 = vector.broadcast %max3A_753 : f32 to vector<16xf32>
        %max3A_755 = arith.maximumf %max3A_752, %max3A_754 : vector<16xf32>
        %swap3A_756 = arith.constant 0 : i32
        %swap3A_757 = arith.index_cast %swap3A_756 : i32 to index
        %swap3A_758 = arith.index_cast %scan3A_177 : i32 to index
        %swap3A_759 = arith.constant 16 : index
        %swap3A_760 = tpu.vector_load %arg11[%swap3A_757, %swap3A_758, %swap3A_759] {strides = array<i32>} : memref<2x8x128xf32, #tpu.memory_space<vmem>>, vector<1x1x16xf32>,
        %swap3A_761 = vector.shape_cast %swap3A_760 : vector<1x1x16xf32> to vector<16xf32>
        %swap3A_762 = vector.shape_cast %max3A_755 : vector<16xf32> to vector<1x1x16xf32>
        tpu.vector_store %arg11[%swap3A_757, %swap3A_758, %swap3A_759], %swap3A_762 {strides = array<i32>} : memref<2x8x128xf32, #tpu.memory_space<vmem>>, vector<1x1x16xf32>,
        %get3A_763 = arith.constant 0 : i32
        %get3A_764 = arith.index_cast %get3A_763 : i32 to index
        %get3A_765 = arith.index_cast %mul3A_179 : i32 to index
        %get3A_766 = arith.constant 32 : index
        %get3A_767 = tpu.vector_load %arg9[%get3A_764, %get3A_765, %get3A_766] {strides = array<i32>} : memref<2x128x128xf32, #tpu.memory_space<vmem>>, vector<1x1x16xf32>,
        %get3A_768 = vector.shape_cast %get3A_767 : vector<1x1x16xf32> to vector<16xf32>
        %get3A_769 = arith.constant 0 : i32
        %get3A_770 = arith.index_cast %get3A_769 : i32 to index
        %get3A_771 = arith.index_cast %mul3A_179 : i32 to index
        %get3A_772 = arith.constant 32 : index
        %get3A_773 = tpu.vector_load %arg10[%get3A_770, %get3A_771, %get3A_772] {strides = array<i32>} : memref<2x128x128xf32, #tpu.memory_space<vmem>>, vector<1x1x16xf32>,
        %get3A_774 = vector.shape_cast %get3A_773 : vector<1x1x16xf32> to vector<16xf32>
        %add3A_775 = arith.addf %get3A_768, %get3A_774 : vector<16xf32>
        %add3A_776 = arith.constant 1 : i32
        %add3A_777 = arith.addi %mul3A_179, %add3A_776 : i32
        %get3A_778 = arith.constant 0 : i32
        %get3A_779 = arith.index_cast %get3A_778 : i32 to index
        %get3A_780 = arith.index_cast %add3A_777 : i32 to index
        %get3A_781 = arith.constant 32 : index
        %get3A_782 = tpu.vector_load %arg9[%get3A_779, %get3A_780, %get3A_781] {strides = array<i32>} : memref<2x128x128xf32, #tpu.memory_space<vmem>>, vector<1x1x16xf32>,
        %get3A_783 = vector.shape_cast %get3A_782 : vector<1x1x16xf32> to vector<16xf32>
        %add3A_784 = arith.constant 1 : i32
        %add3A_785 = arith.addi %mul3A_179, %add3A_784 : i32
        %get3A_786 = arith.constant 0 : i32
        %get3A_787 = arith.index_cast %get3A_786 : i32 to index
        %get3A_788 = arith.index_cast %add3A_785 : i32 to index
        %get3A_789 = arith.constant 32 : index
        %get3A_790 = tpu.vector_load %arg10[%get3A_787, %get3A_788, %get3A_789] {strides = array<i32>} : memref<2x128x128xf32, #tpu.memory_space<vmem>>, vector<1x1x16xf32>,
        %get3A_791 = vector.shape_cast %get3A_790 : vector<1x1x16xf32> to vector<16xf32>
        %add3A_792 = arith.addf %get3A_783, %get3A_791 : vector<16xf32>
        %max3A_793 = arith.maximumf %add3A_775, %add3A_792 : vector<16xf32>
        %add3A_794 = arith.constant 2 : i32
        %add3A_795 = arith.addi %mul3A_179, %add3A_794 : i32
        %get3A_796 = arith.constant 0 : i32
        %get3A_797 = arith.index_cast %get3A_796 : i32 to index
        %get3A_798 = arith.index_cast %add3A_795 : i32 to index
        %get3A_799 = arith.constant 32 : index
        %get3A_800 = tpu.vector_load %arg9[%get3A_797, %get3A_798, %get3A_799] {strides = array<i32>} : memref<2x128x128xf32, #tpu.memory_space<vmem>>, vector<1x1x16xf32>,
        %get3A_801 = vector.shape_cast %get3A_800 : vector<1x1x16xf32> to vector<16xf32>
        %add3A_802 = arith.constant 2 : i32
        %add3A_803 = arith.addi %mul3A_179, %add3A_802 : i32
        %get3A_804 = arith.constant 0 : i32
        %get3A_805 = arith.index_cast %get3A_804 : i32 to index
        %get3A_806 = arith.index_cast %add3A_803 : i32 to index
        %get3A_807 = arith.constant 32 : index
        %get3A_808 = tpu.vector_load %arg10[%get3A_805, %get3A_806, %get3A_807] {strides = array<i32>} : memref<2x128x128xf32, #tpu.memory_space<vmem>>, vector<1x1x16xf32>,
        %get3A_809 = vector.shape_cast %get3A_808 : vector<1x1x16xf32> to vector<16xf32>
        %add3A_810 = arith.addf %get3A_801, %get3A_809 : vector<16xf32>
        %max3A_811 = arith.maximumf %max3A_793, %add3A_810 : vector<16xf32>
        %add3A_812 = arith.constant 3 : i32
        %add3A_813 = arith.addi %mul3A_179, %add3A_812 : i32
        %get3A_814 = arith.constant 0 : i32
        %get3A_815 = arith.index_cast %get3A_814 : i32 to index
        %get3A_816 = arith.index_cast %add3A_813 : i32 to index
        %get3A_817 = arith.constant 32 : index
        %get3A_818 = tpu.vector_load %arg9[%get3A_815, %get3A_816, %get3A_817] {strides = array<i32>} : memref<2x128x128xf32, #tpu.memory_space<vmem>>, vector<1x1x16xf32>,
        %get3A_819 = vector.shape_cast %get3A_818 : vector<1x1x16xf32> to vector<16xf32>
        %add3A_820 = arith.constant 3 : i32
        %add3A_821 = arith.addi %mul3A_179, %add3A_820 : i32
        %get3A_822 = arith.constant 0 : i32
        %get3A_823 = arith.index_cast %get3A_822 : i32 to index
        %get3A_824 = arith.index_cast %add3A_821 : i32 to index
        %get3A_825 = arith.constant 32 : index
        %get3A_826 = tpu.vector_load %arg10[%get3A_823, %get3A_824, %get3A_825] {strides = array<i32>} : memref<2x128x128xf32, #tpu.memory_space<vmem>>, vector<1x1x16xf32>,
        %get3A_827 = vector.shape_cast %get3A_826 : vector<1x1x16xf32> to vector<16xf32>
        %add3A_828 = arith.addf %get3A_819, %get3A_827 : vector<16xf32>
        %max3A_829 = arith.maximumf %max3A_811, %add3A_828 : vector<16xf32>
        %add3A_830 = arith.constant 4 : i32
        %add3A_831 = arith.addi %mul3A_179, %add3A_830 : i32
        %get3A_832 = arith.constant 0 : i32
        %get3A_833 = arith.index_cast %get3A_832 : i32 to index
        %get3A_834 = arith.index_cast %add3A_831 : i32 to index
        %get3A_835 = arith.constant 32 : index
        %get3A_836 = tpu.vector_load %arg9[%get3A_833, %get3A_834, %get3A_835] {strides = array<i32>} : memref<2x128x128xf32, #tpu.memory_space<vmem>>, vector<1x1x16xf32>,
        %get3A_837 = vector.shape_cast %get3A_836 : vector<1x1x16xf32> to vector<16xf32>
        %add3A_838 = arith.constant 4 : i32
        %add3A_839 = arith.addi %mul3A_179, %add3A_838 : i32
        %get3A_840 = arith.constant 0 : i32
        %get3A_841 = arith.index_cast %get3A_840 : i32 to index
        %get3A_842 = arith.index_cast %add3A_839 : i32 to index
        %get3A_843 = arith.constant 32 : index
        %get3A_844 = tpu.vector_load %arg10[%get3A_841, %get3A_842, %get3A_843] {strides = array<i32>} : memref<2x128x128xf32, #tpu.memory_space<vmem>>, vector<1x1x16xf32>,
        %get3A_845 = vector.shape_cast %get3A_844 : vector<1x1x16xf32> to vector<16xf32>
        %add3A_846 = arith.addf %get3A_837, %get3A_845 : vector<16xf32>
        %max3A_847 = arith.maximumf %max3A_829, %add3A_846 : vector<16xf32>
        %add3A_848 = arith.constant 5 : i32
        %add3A_849 = arith.addi %mul3A_179, %add3A_848 : i32
        %get3A_850 = arith.constant 0 : i32
        %get3A_851 = arith.index_cast %get3A_850 : i32 to index
        %get3A_852 = arith.index_cast %add3A_849 : i32 to index
        %get3A_853 = arith.constant 32 : index
        %get3A_854 = tpu.vector_load %arg9[%get3A_851, %get3A_852, %get3A_853] {strides = array<i32>} : memref<2x128x128xf32, #tpu.memory_space<vmem>>, vector<1x1x16xf32>,
        %get3A_855 = vector.shape_cast %get3A_854 : vector<1x1x16xf32> to vector<16xf32>
        %add3A_856 = arith.constant 5 : i32
        %add3A_857 = arith.addi %mul3A_179, %add3A_856 : i32
        %get3A_858 = arith.constant 0 : i32
        %get3A_859 = arith.index_cast %get3A_858 : i32 to index
        %get3A_860 = arith.index_cast %add3A_857 : i32 to index
        %get3A_861 = arith.constant 32 : index
        %get3A_862 = tpu.vector_load %arg10[%get3A_859, %get3A_860, %get3A_861] {strides = array<i32>} : memref<2x128x128xf32, #tpu.memory_space<vmem>>, vector<1x1x16xf32>,
        %get3A_863 = vector.shape_cast %get3A_862 : vector<1x1x16xf32> to vector<16xf32>
        %add3A_864 = arith.addf %get3A_855, %get3A_863 : vector<16xf32>
        %max3A_865 = arith.maximumf %max3A_847, %add3A_864 : vector<16xf32>
        %add3A_866 = arith.constant 6 : i32
        %add3A_867 = arith.addi %mul3A_179, %add3A_866 : i32
        %get3A_868 = arith.constant 0 : i32
        %get3A_869 = arith.index_cast %get3A_868 : i32 to index
        %get3A_870 = arith.index_cast %add3A_867 : i32 to index
        %get3A_871 = arith.constant 32 : index
        %get3A_872 = tpu.vector_load %arg9[%get3A_869, %get3A_870, %get3A_871] {strides = array<i32>} : memref<2x128x128xf32, #tpu.memory_space<vmem>>, vector<1x1x16xf32>,
        %get3A_873 = vector.shape_cast %get3A_872 : vector<1x1x16xf32> to vector<16xf32>
        %add3A_874 = arith.constant 6 : i32
        %add3A_875 = arith.addi %mul3A_179, %add3A_874 : i32
        %get3A_876 = arith.constant 0 : i32
        %get3A_877 = arith.index_cast %get3A_876 : i32 to index
        %get3A_878 = arith.index_cast %add3A_875 : i32 to index
        %get3A_879 = arith.constant 32 : index
        %get3A_880 = tpu.vector_load %arg10[%get3A_877, %get3A_878, %get3A_879] {strides = array<i32>} : memref<2x128x128xf32, #tpu.memory_space<vmem>>, vector<1x1x16xf32>,
        %get3A_881 = vector.shape_cast %get3A_880 : vector<1x1x16xf32> to vector<16xf32>
        %add3A_882 = arith.addf %get3A_873, %get3A_881 : vector<16xf32>
        %max3A_883 = arith.maximumf %max3A_865, %add3A_882 : vector<16xf32>
        %add3A_884 = arith.constant 7 : i32
        %add3A_885 = arith.addi %mul3A_179, %add3A_884 : i32
        %get3A_886 = arith.constant 0 : i32
        %get3A_887 = arith.index_cast %get3A_886 : i32 to index
        %get3A_888 = arith.index_cast %add3A_885 : i32 to index
        %get3A_889 = arith.constant 32 : index
        %get3A_890 = tpu.vector_load %arg9[%get3A_887, %get3A_888, %get3A_889] {strides = array<i32>} : memref<2x128x128xf32, #tpu.memory_space<vmem>>, vector<1x1x16xf32>,
        %get3A_891 = vector.shape_cast %get3A_890 : vector<1x1x16xf32> to vector<16xf32>
        %add3A_892 = arith.constant 7 : i32
        %add3A_893 = arith.addi %mul3A_179, %add3A_892 : i32
        %get3A_894 = arith.constant 0 : i32
        %get3A_895 = arith.index_cast %get3A_894 : i32 to index
        %get3A_896 = arith.index_cast %add3A_893 : i32 to index
        %get3A_897 = arith.constant 32 : index
        %get3A_898 = tpu.vector_load %arg10[%get3A_895, %get3A_896, %get3A_897] {strides = array<i32>} : memref<2x128x128xf32, #tpu.memory_space<vmem>>, vector<1x1x16xf32>,
        %get3A_899 = vector.shape_cast %get3A_898 : vector<1x1x16xf32> to vector<16xf32>
        %add3A_900 = arith.addf %get3A_891, %get3A_899 : vector<16xf32>
        %max3A_901 = arith.maximumf %max3A_883, %add3A_900 : vector<16xf32>
        %add3A_902 = arith.constant 8 : i32
        %add3A_903 = arith.addi %mul3A_179, %add3A_902 : i32
        %get3A_904 = arith.constant 0 : i32
        %get3A_905 = arith.index_cast %get3A_904 : i32 to index
        %get3A_906 = arith.index_cast %add3A_903 : i32 to index
        %get3A_907 = arith.constant 32 : index
        %get3A_908 = tpu.vector_load %arg9[%get3A_905, %get3A_906, %get3A_907] {strides = array<i32>} : memref<2x128x128xf32, #tpu.memory_space<vmem>>, vector<1x1x16xf32>,
        %get3A_909 = vector.shape_cast %get3A_908 : vector<1x1x16xf32> to vector<16xf32>
        %add3A_910 = arith.constant 8 : i32
        %add3A_911 = arith.addi %mul3A_179, %add3A_910 : i32
        %get3A_912 = arith.constant 0 : i32
        %get3A_913 = arith.index_cast %get3A_912 : i32 to index
        %get3A_914 = arith.index_cast %add3A_911 : i32 to index
        %get3A_915 = arith.constant 32 : index
        %get3A_916 = tpu.vector_load %arg10[%get3A_913, %get3A_914, %get3A_915] {strides = array<i32>} : memref<2x128x128xf32, #tpu.memory_space<vmem>>, vector<1x1x16xf32>,
        %get3A_917 = vector.shape_cast %get3A_916 : vector<1x1x16xf32> to vector<16xf32>
        %add3A_918 = arith.addf %get3A_909, %get3A_917 : vector<16xf32>
        %max3A_919 = arith.maximumf %max3A_901, %add3A_918 : vector<16xf32>
        %add3A_920 = arith.constant 9 : i32
        %add3A_921 = arith.addi %mul3A_179, %add3A_920 : i32
        %get3A_922 = arith.constant 0 : i32
        %get3A_923 = arith.index_cast %get3A_922 : i32 to index
        %get3A_924 = arith.index_cast %add3A_921 : i32 to index
        %get3A_925 = arith.constant 32 : index
        %get3A_926 = tpu.vector_load %arg9[%get3A_923, %get3A_924, %get3A_925] {strides = array<i32>} : memref<2x128x128xf32, #tpu.memory_space<vmem>>, vector<1x1x16xf32>,
        %get3A_927 = vector.shape_cast %get3A_926 : vector<1x1x16xf32> to vector<16xf32>
        %add3A_928 = arith.constant 9 : i32
        %add3A_929 = arith.addi %mul3A_179, %add3A_928 : i32
        %get3A_930 = arith.constant 0 : i32
        %get3A_931 = arith.index_cast %get3A_930 : i32 to index
        %get3A_932 = arith.index_cast %add3A_929 : i32 to index
        %get3A_933 = arith.constant 32 : index
        %get3A_934 = tpu.vector_load %arg10[%get3A_931, %get3A_932, %get3A_933] {strides = array<i32>} : memref<2x128x128xf32, #tpu.memory_space<vmem>>, vector<1x1x16xf32>,
        %get3A_935 = vector.shape_cast %get3A_934 : vector<1x1x16xf32> to vector<16xf32>
        %add3A_936 = arith.addf %get3A_927, %get3A_935 : vector<16xf32>
        %max3A_937 = arith.maximumf %max3A_919, %add3A_936 : vector<16xf32>
        %add3A_938 = arith.constant 10 : i32
        %add3A_939 = arith.addi %mul3A_179, %add3A_938 : i32
        %get3A_940 = arith.constant 0 : i32
        %get3A_941 = arith.index_cast %get3A_940 : i32 to index
        %get3A_942 = arith.index_cast %add3A_939 : i32 to index
        %get3A_943 = arith.constant 32 : index
        %get3A_944 = tpu.vector_load %arg9[%get3A_941, %get3A_942, %get3A_943] {strides = array<i32>} : memref<2x128x128xf32, #tpu.memory_space<vmem>>, vector<1x1x16xf32>,
        %get3A_945 = vector.shape_cast %get3A_944 : vector<1x1x16xf32> to vector<16xf32>
        %add3A_946 = arith.constant 10 : i32
        %add3A_947 = arith.addi %mul3A_179, %add3A_946 : i32
        %get3A_948 = arith.constant 0 : i32
        %get3A_949 = arith.index_cast %get3A_948 : i32 to index
        %get3A_950 = arith.index_cast %add3A_947 : i32 to index
        %get3A_951 = arith.constant 32 : index
        %get3A_952 = tpu.vector_load %arg10[%get3A_949, %get3A_950, %get3A_951] {strides = array<i32>} : memref<2x128x128xf32, #tpu.memory_space<vmem>>, vector<1x1x16xf32>,
        %get3A_953 = vector.shape_cast %get3A_952 : vector<1x1x16xf32> to vector<16xf32>
        %add3A_954 = arith.addf %get3A_945, %get3A_953 : vector<16xf32>
        %max3A_955 = arith.maximumf %max3A_937, %add3A_954 : vector<16xf32>
        %add3A_956 = arith.constant 11 : i32
        %add3A_957 = arith.addi %mul3A_179, %add3A_956 : i32
        %get3A_958 = arith.constant 0 : i32
        %get3A_959 = arith.index_cast %get3A_958 : i32 to index
        %get3A_960 = arith.index_cast %add3A_957 : i32 to index
        %get3A_961 = arith.constant 32 : index
        %get3A_962 = tpu.vector_load %arg9[%get3A_959, %get3A_960, %get3A_961] {strides = array<i32>} : memref<2x128x128xf32, #tpu.memory_space<vmem>>, vector<1x1x16xf32>,
        %get3A_963 = vector.shape_cast %get3A_962 : vector<1x1x16xf32> to vector<16xf32>
        %add3A_964 = arith.constant 11 : i32
        %add3A_965 = arith.addi %mul3A_179, %add3A_964 : i32
        %get3A_966 = arith.constant 0 : i32
        %get3A_967 = arith.index_cast %get3A_966 : i32 to index
        %get3A_968 = arith.index_cast %add3A_965 : i32 to index
        %get3A_969 = arith.constant 32 : index
        %get3A_970 = tpu.vector_load %arg10[%get3A_967, %get3A_968, %get3A_969] {strides = array<i32>} : memref<2x128x128xf32, #tpu.memory_space<vmem>>, vector<1x1x16xf32>,
        %get3A_971 = vector.shape_cast %get3A_970 : vector<1x1x16xf32> to vector<16xf32>
        %add3A_972 = arith.addf %get3A_963, %get3A_971 : vector<16xf32>
        %max3A_973 = arith.maximumf %max3A_955, %add3A_972 : vector<16xf32>
        %add3A_974 = arith.constant 12 : i32
        %add3A_975 = arith.addi %mul3A_179, %add3A_974 : i32
        %get3A_976 = arith.constant 0 : i32
        %get3A_977 = arith.index_cast %get3A_976 : i32 to index
        %get3A_978 = arith.index_cast %add3A_975 : i32 to index
        %get3A_979 = arith.constant 32 : index
        %get3A_980 = tpu.vector_load %arg9[%get3A_977, %get3A_978, %get3A_979] {strides = array<i32>} : memref<2x128x128xf32, #tpu.memory_space<vmem>>, vector<1x1x16xf32>,
        %get3A_981 = vector.shape_cast %get3A_980 : vector<1x1x16xf32> to vector<16xf32>
        %add3A_982 = arith.constant 12 : i32
        %add3A_983 = arith.addi %mul3A_179, %add3A_982 : i32
        %get3A_984 = arith.constant 0 : i32
        %get3A_985 = arith.index_cast %get3A_984 : i32 to index
        %get3A_986 = arith.index_cast %add3A_983 : i32 to index
        %get3A_987 = arith.constant 32 : index
        %get3A_988 = tpu.vector_load %arg10[%get3A_985, %get3A_986, %get3A_987] {strides = array<i32>} : memref<2x128x128xf32, #tpu.memory_space<vmem>>, vector<1x1x16xf32>,
        %get3A_989 = vector.shape_cast %get3A_988 : vector<1x1x16xf32> to vector<16xf32>
        %add3A_990 = arith.addf %get3A_981, %get3A_989 : vector<16xf32>
        %max3A_991 = arith.maximumf %max3A_973, %add3A_990 : vector<16xf32>
        %add3A_992 = arith.constant 13 : i32
        %add3A_993 = arith.addi %mul3A_179, %add3A_992 : i32
        %get3A_994 = arith.constant 0 : i32
        %get3A_995 = arith.index_cast %get3A_994 : i32 to index
        %get3A_996 = arith.index_cast %add3A_993 : i32 to index
        %get3A_997 = arith.constant 32 : index
        %get3A_998 = tpu.vector_load %arg9[%get3A_995, %get3A_996, %get3A_997] {strides = array<i32>} : memref<2x128x128xf32, #tpu.memory_space<vmem>>, vector<1x1x16xf32>,
        %get3A_999 = vector.shape_cast %get3A_998 : vector<1x1x16xf32> to vector<16xf32>
        %add3A_1000 = arith.constant 13 : i32
        %add3A_1001 = arith.addi %mul3A_179, %add3A_1000 : i32
        %get3A_1002 = arith.constant 0 : i32
        %get3A_1003 = arith.index_cast %get3A_1002 : i32 to index
        %get3A_1004 = arith.index_cast %add3A_1001 : i32 to index
        %get3A_1005 = arith.constant 32 : index
        %get3A_1006 = tpu.vector_load %arg10[%get3A_1003, %get3A_1004, %get3A_1005] {strides = array<i32>} : memref<2x128x128xf32, #tpu.memory_space<vmem>>, vector<1x1x16xf32>,
        %get3A_1007 = vector.shape_cast %get3A_1006 : vector<1x1x16xf32> to vector<16xf32>
        %add3A_1008 = arith.addf %get3A_999, %get3A_1007 : vector<16xf32>
        %max3A_1009 = arith.maximumf %max3A_991, %add3A_1008 : vector<16xf32>
        %add3A_1010 = arith.constant 14 : i32
        %add3A_1011 = arith.addi %mul3A_179, %add3A_1010 : i32
        %get3A_1012 = arith.constant 0 : i32
        %get3A_1013 = arith.index_cast %get3A_1012 : i32 to index
        %get3A_1014 = arith.index_cast %add3A_1011 : i32 to index
        %get3A_1015 = arith.constant 32 : index
        %get3A_1016 = tpu.vector_load %arg9[%get3A_1013, %get3A_1014, %get3A_1015] {strides = array<i32>} : memref<2x128x128xf32, #tpu.memory_space<vmem>>, vector<1x1x16xf32>,
        %get3A_1017 = vector.shape_cast %get3A_1016 : vector<1x1x16xf32> to vector<16xf32>
        %add3A_1018 = arith.constant 14 : i32
        %add3A_1019 = arith.addi %mul3A_179, %add3A_1018 : i32
        %get3A_1020 = arith.constant 0 : i32
        %get3A_1021 = arith.index_cast %get3A_1020 : i32 to index
        %get3A_1022 = arith.index_cast %add3A_1019 : i32 to index
        %get3A_1023 = arith.constant 32 : index
        %get3A_1024 = tpu.vector_load %arg10[%get3A_1021, %get3A_1022, %get3A_1023] {strides = array<i32>} : memref<2x128x128xf32, #tpu.memory_space<vmem>>, vector<1x1x16xf32>,
        %get3A_1025 = vector.shape_cast %get3A_1024 : vector<1x1x16xf32> to vector<16xf32>
        %add3A_1026 = arith.addf %get3A_1017, %get3A_1025 : vector<16xf32>
        %max3A_1027 = arith.maximumf %max3A_1009, %add3A_1026 : vector<16xf32>
        %add3A_1028 = arith.constant 15 : i32
        %add3A_1029 = arith.addi %mul3A_179, %add3A_1028 : i32
        %get3A_1030 = arith.constant 0 : i32
        %get3A_1031 = arith.index_cast %get3A_1030 : i32 to index
        %get3A_1032 = arith.index_cast %add3A_1029 : i32 to index
        %get3A_1033 = arith.constant 32 : index
        %get3A_1034 = tpu.vector_load %arg9[%get3A_1031, %get3A_1032, %get3A_1033] {strides = array<i32>} : memref<2x128x128xf32, #tpu.memory_space<vmem>>, vector<1x1x16xf32>,
        %get3A_1035 = vector.shape_cast %get3A_1034 : vector<1x1x16xf32> to vector<16xf32>
        %add3A_1036 = arith.constant 15 : i32
        %add3A_1037 = arith.addi %mul3A_179, %add3A_1036 : i32
        %get3A_1038 = arith.constant 0 : i32
        %get3A_1039 = arith.index_cast %get3A_1038 : i32 to index
        %get3A_1040 = arith.index_cast %add3A_1037 : i32 to index
        %get3A_1041 = arith.constant 32 : index
        %get3A_1042 = tpu.vector_load %arg10[%get3A_1039, %get3A_1040, %get3A_1041] {strides = array<i32>} : memref<2x128x128xf32, #tpu.memory_space<vmem>>, vector<1x1x16xf32>,
        %get3A_1043 = vector.shape_cast %get3A_1042 : vector<1x1x16xf32> to vector<16xf32>
        %add3A_1044 = arith.addf %get3A_1035, %get3A_1043 : vector<16xf32>
        %max3A_1045 = arith.maximumf %max3A_1027, %add3A_1044 : vector<16xf32>
        %max3A_1046 = arith.constant 0.000000e+00 : f32
        %max3A_1047 = vector.broadcast %max3A_1046 : f32 to vector<16xf32>
        %max3A_1048 = arith.maximumf %max3A_1045, %max3A_1047 : vector<16xf32>
        %swap3A_1049 = arith.constant 0 : i32
        %swap3A_1050 = arith.index_cast %swap3A_1049 : i32 to index
        %swap3A_1051 = arith.index_cast %scan3A_177 : i32 to index
        %swap3A_1052 = arith.constant 32 : index
        %swap3A_1053 = tpu.vector_load %arg11[%swap3A_1050, %swap3A_1051, %swap3A_1052] {strides = array<i32>} : memref<2x8x128xf32, #tpu.memory_space<vmem>>, vector<1x1x16xf32>,
        %swap3A_1054 = vector.shape_cast %swap3A_1053 : vector<1x1x16xf32> to vector<16xf32>
        %swap3A_1055 = vector.shape_cast %max3A_1048 : vector<16xf32> to vector<1x1x16xf32>
        tpu.vector_store %arg11[%swap3A_1050, %swap3A_1051, %swap3A_1052], %swap3A_1055 {strides = array<i32>} : memref<2x8x128xf32, #tpu.memory_space<vmem>>, vector<1x1x16xf32>,
        %get3A_1056 = arith.constant 0 : i32
        %get3A_1057 = arith.index_cast %get3A_1056 : i32 to index
        %get3A_1058 = arith.index_cast %mul3A_179 : i32 to index
        %get3A_1059 = arith.constant 48 : index
        %get3A_1060 = tpu.vector_load %arg9[%get3A_1057, %get3A_1058, %get3A_1059] {strides = array<i32>} : memref<2x128x128xf32, #tpu.memory_space<vmem>>, vector<1x1x16xf32>,
        %get3A_1061 = vector.shape_cast %get3A_1060 : vector<1x1x16xf32> to vector<16xf32>
        %get3A_1062 = arith.constant 0 : i32
        %get3A_1063 = arith.index_cast %get3A_1062 : i32 to index
        %get3A_1064 = arith.index_cast %mul3A_179 : i32 to index
        %get3A_1065 = arith.constant 48 : index
        %get3A_1066 = tpu.vector_load %arg10[%get3A_1063, %get3A_1064, %get3A_1065] {strides = array<i32>} : memref<2x128x128xf32, #tpu.memory_space<vmem>>, vector<1x1x16xf32>,
        %get3A_1067 = vector.shape_cast %get3A_1066 : vector<1x1x16xf32> to vector<16xf32>
        %add3A_1068 = arith.addf %get3A_1061, %get3A_1067 : vector<16xf32>
        %add3A_1069 = arith.constant 1 : i32
        %add3A_1070 = arith.addi %mul3A_179, %add3A_1069 : i32
        %get3A_1071 = arith.constant 0 : i32
        %get3A_1072 = arith.index_cast %get3A_1071 : i32 to index
        %get3A_1073 = arith.index_cast %add3A_1070 : i32 to index
        %get3A_1074 = arith.constant 48 : index
        %get3A_1075 = tpu.vector_load %arg9[%get3A_1072, %get3A_1073, %get3A_1074] {strides = array<i32>} : memref<2x128x128xf32, #tpu.memory_space<vmem>>, vector<1x1x16xf32>,
        %get3A_1076 = vector.shape_cast %get3A_1075 : vector<1x1x16xf32> to vector<16xf32>
        %add3A_1077 = arith.constant 1 : i32
        %add3A_1078 = arith.addi %mul3A_179, %add3A_1077 : i32
        %get3A_1079 = arith.constant 0 : i32
        %get3A_1080 = arith.index_cast %get3A_1079 : i32 to index
        %get3A_1081 = arith.index_cast %add3A_1078 : i32 to index
        %get3A_1082 = arith.constant 48 : index
        %get3A_1083 = tpu.vector_load %arg10[%get3A_1080, %get3A_1081, %get3A_1082] {strides = array<i32>} : memref<2x128x128xf32, #tpu.memory_space<vmem>>, vector<1x1x16xf32>,
        %get3A_1084 = vector.shape_cast %get3A_1083 : vector<1x1x16xf32> to vector<16xf32>
        %add3A_1085 = arith.addf %get3A_1076, %get3A_1084 : vector<16xf32>
        %max3A_1086 = arith.maximumf %add3A_1068, %add3A_1085 : vector<16xf32>
        %add3A_1087 = arith.constant 2 : i32
        %add3A_1088 = arith.addi %mul3A_179, %add3A_1087 : i32
        %get3A_1089 = arith.constant 0 : i32
        %get3A_1090 = arith.index_cast %get3A_1089 : i32 to index
        %get3A_1091 = arith.index_cast %add3A_1088 : i32 to index
        %get3A_1092 = arith.constant 48 : index
        %get3A_1093 = tpu.vector_load %arg9[%get3A_1090, %get3A_1091, %get3A_1092] {strides = array<i32>} : memref<2x128x128xf32, #tpu.memory_space<vmem>>, vector<1x1x16xf32>,
        %get3A_1094 = vector.shape_cast %get3A_1093 : vector<1x1x16xf32> to vector<16xf32>
        %add3A_1095 = arith.constant 2 : i32
        %add3A_1096 = arith.addi %mul3A_179, %add3A_1095 : i32
        %get3A_1097 = arith.constant 0 : i32
        %get3A_1098 = arith.index_cast %get3A_1097 : i32 to index
        %get3A_1099 = arith.index_cast %add3A_1096 : i32 to index
        %get3A_1100 = arith.constant 48 : index
        %get3A_1101 = tpu.vector_load %arg10[%get3A_1098, %get3A_1099, %get3A_1100] {strides = array<i32>} : memref<2x128x128xf32, #tpu.memory_space<vmem>>, vector<1x1x16xf32>,
        %get3A_1102 = vector.shape_cast %get3A_1101 : vector<1x1x16xf32> to vector<16xf32>
        %add3A_1103 = arith.addf %get3A_1094, %get3A_1102 : vector<16xf32>
        %max3A_1104 = arith.maximumf %max3A_1086, %add3A_1103 : vector<16xf32>
        %add3A_1105 = arith.constant 3 : i32
        %add3A_1106 = arith.addi %mul3A_179, %add3A_1105 : i32
        %get3A_1107 = arith.constant 0 : i32
        %get3A_1108 = arith.index_cast %get3A_1107 : i32 to index
        %get3A_1109 = arith.index_cast %add3A_1106 : i32 to index
        %get3A_1110 = arith.constant 48 : index
        %get3A_1111 = tpu.vector_load %arg9[%get3A_1108, %get3A_1109, %get3A_1110] {strides = array<i32>} : memref<2x128x128xf32, #tpu.memory_space<vmem>>, vector<1x1x16xf32>,
        %get3A_1112 = vector.shape_cast %get3A_1111 : vector<1x1x16xf32> to vector<16xf32>
        %add3A_1113 = arith.constant 3 : i32
        %add3A_1114 = arith.addi %mul3A_179, %add3A_1113 : i32
        %get3A_1115 = arith.constant 0 : i32
        %get3A_1116 = arith.index_cast %get3A_1115 : i32 to index
        %get3A_1117 = arith.index_cast %add3A_1114 : i32 to index
        %get3A_1118 = arith.constant 48 : index
        %get3A_1119 = tpu.vector_load %arg10[%get3A_1116, %get3A_1117, %get3A_1118] {strides = array<i32>} : memref<2x128x128xf32, #tpu.memory_space<vmem>>, vector<1x1x16xf32>,
        %get3A_1120 = vector.shape_cast %get3A_1119 : vector<1x1x16xf32> to vector<16xf32>
        %add3A_1121 = arith.addf %get3A_1112, %get3A_1120 : vector<16xf32>
        %max3A_1122 = arith.maximumf %max3A_1104, %add3A_1121 : vector<16xf32>
        %add3A_1123 = arith.constant 4 : i32
        %add3A_1124 = arith.addi %mul3A_179, %add3A_1123 : i32
        %get3A_1125 = arith.constant 0 : i32
        %get3A_1126 = arith.index_cast %get3A_1125 : i32 to index
        %get3A_1127 = arith.index_cast %add3A_1124 : i32 to index
        %get3A_1128 = arith.constant 48 : index
        %get3A_1129 = tpu.vector_load %arg9[%get3A_1126, %get3A_1127, %get3A_1128] {strides = array<i32>} : memref<2x128x128xf32, #tpu.memory_space<vmem>>, vector<1x1x16xf32>,
        %get3A_1130 = vector.shape_cast %get3A_1129 : vector<1x1x16xf32> to vector<16xf32>
        %add3A_1131 = arith.constant 4 : i32
        %add3A_1132 = arith.addi %mul3A_179, %add3A_1131 : i32
        %get3A_1133 = arith.constant 0 : i32
        %get3A_1134 = arith.index_cast %get3A_1133 : i32 to index
        %get3A_1135 = arith.index_cast %add3A_1132 : i32 to index
        %get3A_1136 = arith.constant 48 : index
        %get3A_1137 = tpu.vector_load %arg10[%get3A_1134, %get3A_1135, %get3A_1136] {strides = array<i32>} : memref<2x128x128xf32, #tpu.memory_space<vmem>>, vector<1x1x16xf32>,
        %get3A_1138 = vector.shape_cast %get3A_1137 : vector<1x1x16xf32> to vector<16xf32>
        %add3A_1139 = arith.addf %get3A_1130, %get3A_1138 : vector<16xf32>
        %max3A_1140 = arith.maximumf %max3A_1122, %add3A_1139 : vector<16xf32>
        %add3A_1141 = arith.constant 5 : i32
        %add3A_1142 = arith.addi %mul3A_179, %add3A_1141 : i32
        %get3A_1143 = arith.constant 0 : i32
        %get3A_1144 = arith.index_cast %get3A_1143 : i32 to index
        %get3A_1145 = arith.index_cast %add3A_1142 : i32 to index
        %get3A_1146 = arith.constant 48 : index
        %get3A_1147 = tpu.vector_load %arg9[%get3A_1144, %get3A_1145, %get3A_1146] {strides = array<i32>} : memref<2x128x128xf32, #tpu.memory_space<vmem>>, vector<1x1x16xf32>,
        %get3A_1148 = vector.shape_cast %get3A_1147 : vector<1x1x16xf32> to vector<16xf32>
        %add3A_1149 = arith.constant 5 : i32
        %add3A_1150 = arith.addi %mul3A_179, %add3A_1149 : i32
        %get3A_1151 = arith.constant 0 : i32
        %get3A_1152 = arith.index_cast %get3A_1151 : i32 to index
        %get3A_1153 = arith.index_cast %add3A_1150 : i32 to index
        %get3A_1154 = arith.constant 48 : index
        %get3A_1155 = tpu.vector_load %arg10[%get3A_1152, %get3A_1153, %get3A_1154] {strides = array<i32>} : memref<2x128x128xf32, #tpu.memory_space<vmem>>, vector<1x1x16xf32>,
        %get3A_1156 = vector.shape_cast %get3A_1155 : vector<1x1x16xf32> to vector<16xf32>
        %add3A_1157 = arith.addf %get3A_1148, %get3A_1156 : vector<16xf32>
        %max3A_1158 = arith.maximumf %max3A_1140, %add3A_1157 : vector<16xf32>
        %add3A_1159 = arith.constant 6 : i32
        %add3A_1160 = arith.addi %mul3A_179, %add3A_1159 : i32
        %get3A_1161 = arith.constant 0 : i32
        %get3A_1162 = arith.index_cast %get3A_1161 : i32 to index
        %get3A_1163 = arith.index_cast %add3A_1160 : i32 to index
        %get3A_1164 = arith.constant 48 : index
        %get3A_1165 = tpu.vector_load %arg9[%get3A_1162, %get3A_1163, %get3A_1164] {strides = array<i32>} : memref<2x128x128xf32, #tpu.memory_space<vmem>>, vector<1x1x16xf32>,
        %get3A_1166 = vector.shape_cast %get3A_1165 : vector<1x1x16xf32> to vector<16xf32>
        %add3A_1167 = arith.constant 6 : i32
        %add3A_1168 = arith.addi %mul3A_179, %add3A_1167 : i32
        %get3A_1169 = arith.constant 0 : i32
        %get3A_1170 = arith.index_cast %get3A_1169 : i32 to index
        %get3A_1171 = arith.index_cast %add3A_1168 : i32 to index
        %get3A_1172 = arith.constant 48 : index
        %get3A_1173 = tpu.vector_load %arg10[%get3A_1170, %get3A_1171, %get3A_1172] {strides = array<i32>} : memref<2x128x128xf32, #tpu.memory_space<vmem>>, vector<1x1x16xf32>,
        %get3A_1174 = vector.shape_cast %get3A_1173 : vector<1x1x16xf32> to vector<16xf32>
        %add3A_1175 = arith.addf %get3A_1166, %get3A_1174 : vector<16xf32>
        %max3A_1176 = arith.maximumf %max3A_1158, %add3A_1175 : vector<16xf32>
        %add3A_1177 = arith.constant 7 : i32
        %add3A_1178 = arith.addi %mul3A_179, %add3A_1177 : i32
        %get3A_1179 = arith.constant 0 : i32
        %get3A_1180 = arith.index_cast %get3A_1179 : i32 to index
        %get3A_1181 = arith.index_cast %add3A_1178 : i32 to index
        %get3A_1182 = arith.constant 48 : index
        %get3A_1183 = tpu.vector_load %arg9[%get3A_1180, %get3A_1181, %get3A_1182] {strides = array<i32>} : memref<2x128x128xf32, #tpu.memory_space<vmem>>, vector<1x1x16xf32>,
        %get3A_1184 = vector.shape_cast %get3A_1183 : vector<1x1x16xf32> to vector<16xf32>
        %add3A_1185 = arith.constant 7 : i32
        %add3A_1186 = arith.addi %mul3A_179, %add3A_1185 : i32
        %get3A_1187 = arith.constant 0 : i32
        %get3A_1188 = arith.index_cast %get3A_1187 : i32 to index
        %get3A_1189 = arith.index_cast %add3A_1186 : i32 to index
        %get3A_1190 = arith.constant 48 : index
        %get3A_1191 = tpu.vector_load %arg10[%get3A_1188, %get3A_1189, %get3A_1190] {strides = array<i32>} : memref<2x128x128xf32, #tpu.memory_space<vmem>>, vector<1x1x16xf32>,
        %get3A_1192 = vector.shape_cast %get3A_1191 : vector<1x1x16xf32> to vector<16xf32>
        %add3A_1193 = arith.addf %get3A_1184, %get3A_1192 : vector<16xf32>
        %max3A_1194 = arith.maximumf %max3A_1176, %add3A_1193 : vector<16xf32>
        %add3A_1195 = arith.constant 8 : i32
        %add3A_1196 = arith.addi %mul3A_179, %add3A_1195 : i32
        %get3A_1197 = arith.constant 0 : i32
        %get3A_1198 = arith.index_cast %get3A_1197 : i32 to index
        %get3A_1199 = arith.index_cast %add3A_1196 : i32 to index
        %get3A_1200 = arith.constant 48 : index
        %get3A_1201 = tpu.vector_load %arg9[%get3A_1198, %get3A_1199, %get3A_1200] {strides = array<i32>} : memref<2x128x128xf32, #tpu.memory_space<vmem>>, vector<1x1x16xf32>,
        %get3A_1202 = vector.shape_cast %get3A_1201 : vector<1x1x16xf32> to vector<16xf32>
        %add3A_1203 = arith.constant 8 : i32
        %add3A_1204 = arith.addi %mul3A_179, %add3A_1203 : i32
        %get3A_1205 = arith.constant 0 : i32
        %get3A_1206 = arith.index_cast %get3A_1205 : i32 to index
        %get3A_1207 = arith.index_cast %add3A_1204 : i32 to index
        %get3A_1208 = arith.constant 48 : index
        %get3A_1209 = tpu.vector_load %arg10[%get3A_1206, %get3A_1207, %get3A_1208] {strides = array<i32>} : memref<2x128x128xf32, #tpu.memory_space<vmem>>, vector<1x1x16xf32>,
        %get3A_1210 = vector.shape_cast %get3A_1209 : vector<1x1x16xf32> to vector<16xf32>
        %add3A_1211 = arith.addf %get3A_1202, %get3A_1210 : vector<16xf32>
        %max3A_1212 = arith.maximumf %max3A_1194, %add3A_1211 : vector<16xf32>
        %add3A_1213 = arith.constant 9 : i32
        %add3A_1214 = arith.addi %mul3A_179, %add3A_1213 : i32
        %get3A_1215 = arith.constant 0 : i32
        %get3A_1216 = arith.index_cast %get3A_1215 : i32 to index
        %get3A_1217 = arith.index_cast %add3A_1214 : i32 to index
        %get3A_1218 = arith.constant 48 : index
        %get3A_1219 = tpu.vector_load %arg9[%get3A_1216, %get3A_1217, %get3A_1218] {strides = array<i32>} : memref<2x128x128xf32, #tpu.memory_space<vmem>>, vector<1x1x16xf32>,
        %get3A_1220 = vector.shape_cast %get3A_1219 : vector<1x1x16xf32> to vector<16xf32>
        %add3A_1221 = arith.constant 9 : i32
        %add3A_1222 = arith.addi %mul3A_179, %add3A_1221 : i32
        %get3A_1223 = arith.constant 0 : i32
        %get3A_1224 = arith.index_cast %get3A_1223 : i32 to index
        %get3A_1225 = arith.index_cast %add3A_1222 : i32 to index
        %get3A_1226 = arith.constant 48 : index
        %get3A_1227 = tpu.vector_load %arg10[%get3A_1224, %get3A_1225, %get3A_1226] {strides = array<i32>} : memref<2x128x128xf32, #tpu.memory_space<vmem>>, vector<1x1x16xf32>,
        %get3A_1228 = vector.shape_cast %get3A_1227 : vector<1x1x16xf32> to vector<16xf32>
        %add3A_1229 = arith.addf %get3A_1220, %get3A_1228 : vector<16xf32>
        %max3A_1230 = arith.maximumf %max3A_1212, %add3A_1229 : vector<16xf32>
        %add3A_1231 = arith.constant 10 : i32
        %add3A_1232 = arith.addi %mul3A_179, %add3A_1231 : i32
        %get3A_1233 = arith.constant 0 : i32
        %get3A_1234 = arith.index_cast %get3A_1233 : i32 to index
        %get3A_1235 = arith.index_cast %add3A_1232 : i32 to index
        %get3A_1236 = arith.constant 48 : index
        %get3A_1237 = tpu.vector_load %arg9[%get3A_1234, %get3A_1235, %get3A_1236] {strides = array<i32>} : memref<2x128x128xf32, #tpu.memory_space<vmem>>, vector<1x1x16xf32>,
        %get3A_1238 = vector.shape_cast %get3A_1237 : vector<1x1x16xf32> to vector<16xf32>
        %add3A_1239 = arith.constant 10 : i32
        %add3A_1240 = arith.addi %mul3A_179, %add3A_1239 : i32
        %get3A_1241 = arith.constant 0 : i32
        %get3A_1242 = arith.index_cast %get3A_1241 : i32 to index
        %get3A_1243 = arith.index_cast %add3A_1240 : i32 to index
        %get3A_1244 = arith.constant 48 : index
        %get3A_1245 = tpu.vector_load %arg10[%get3A_1242, %get3A_1243, %get3A_1244] {strides = array<i32>} : memref<2x128x128xf32, #tpu.memory_space<vmem>>, vector<1x1x16xf32>,
        %get3A_1246 = vector.shape_cast %get3A_1245 : vector<1x1x16xf32> to vector<16xf32>
        %add3A_1247 = arith.addf %get3A_1238, %get3A_1246 : vector<16xf32>
        %max3A_1248 = arith.maximumf %max3A_1230, %add3A_1247 : vector<16xf32>
        %add3A_1249 = arith.constant 11 : i32
        %add3A_1250 = arith.addi %mul3A_179, %add3A_1249 : i32
        %get3A_1251 = arith.constant 0 : i32
        %get3A_1252 = arith.index_cast %get3A_1251 : i32 to index
        %get3A_1253 = arith.index_cast %add3A_1250 : i32 to index
        %get3A_1254 = arith.constant 48 : index
        %get3A_1255 = tpu.vector_load %arg9[%get3A_1252, %get3A_1253, %get3A_1254] {strides = array<i32>} : memref<2x128x128xf32, #tpu.memory_space<vmem>>, vector<1x1x16xf32>,
        %get3A_1256 = vector.shape_cast %get3A_1255 : vector<1x1x16xf32> to vector<16xf32>
        %add3A_1257 = arith.constant 11 : i32
        %add3A_1258 = arith.addi %mul3A_179, %add3A_1257 : i32
        %get3A_1259 = arith.constant 0 : i32
        %get3A_1260 = arith.index_cast %get3A_1259 : i32 to index
        %get3A_1261 = arith.index_cast %add3A_1258 : i32 to index
        %get3A_1262 = arith.constant 48 : index
        %get3A_1263 = tpu.vector_load %arg10[%get3A_1260, %get3A_1261, %get3A_1262] {strides = array<i32>} : memref<2x128x128xf32, #tpu.memory_space<vmem>>, vector<1x1x16xf32>,
        %get3A_1264 = vector.shape_cast %get3A_1263 : vector<1x1x16xf32> to vector<16xf32>
        %add3A_1265 = arith.addf %get3A_1256, %get3A_1264 : vector<16xf32>
        %max3A_1266 = arith.maximumf %max3A_1248, %add3A_1265 : vector<16xf32>
        %add3A_1267 = arith.constant 12 : i32
        %add3A_1268 = arith.addi %mul3A_179, %add3A_1267 : i32
        %get3A_1269 = arith.constant 0 : i32
        %get3A_1270 = arith.index_cast %get3A_1269 : i32 to index
        %get3A_1271 = arith.index_cast %add3A_1268 : i32 to index
        %get3A_1272 = arith.constant 48 : index
        %get3A_1273 = tpu.vector_load %arg9[%get3A_1270, %get3A_1271, %get3A_1272] {strides = array<i32>} : memref<2x128x128xf32, #tpu.memory_space<vmem>>, vector<1x1x16xf32>,
        %get3A_1274 = vector.shape_cast %get3A_1273 : vector<1x1x16xf32> to vector<16xf32>
        %add3A_1275 = arith.constant 12 : i32
        %add3A_1276 = arith.addi %mul3A_179, %add3A_1275 : i32
        %get3A_1277 = arith.constant 0 : i32
        %get3A_1278 = arith.index_cast %get3A_1277 : i32 to index
        %get3A_1279 = arith.index_cast %add3A_1276 : i32 to index
        %get3A_1280 = arith.constant 48 : index
        %get3A_1281 = tpu.vector_load %arg10[%get3A_1278, %get3A_1279, %get3A_1280] {strides = array<i32>} : memref<2x128x128xf32, #tpu.memory_space<vmem>>, vector<1x1x16xf32>,
        %get3A_1282 = vector.shape_cast %get3A_1281 : vector<1x1x16xf32> to vector<16xf32>
        %add3A_1283 = arith.addf %get3A_1274, %get3A_1282 : vector<16xf32>
        %max3A_1284 = arith.maximumf %max3A_1266, %add3A_1283 : vector<16xf32>
        %add3A_1285 = arith.constant 13 : i32
        %add3A_1286 = arith.addi %mul3A_179, %add3A_1285 : i32
        %get3A_1287 = arith.constant 0 : i32
        %get3A_1288 = arith.index_cast %get3A_1287 : i32 to index
        %get3A_1289 = arith.index_cast %add3A_1286 : i32 to index
        %get3A_1290 = arith.constant 48 : index
        %get3A_1291 = tpu.vector_load %arg9[%get3A_1288, %get3A_1289, %get3A_1290] {strides = array<i32>} : memref<2x128x128xf32, #tpu.memory_space<vmem>>, vector<1x1x16xf32>,
        %get3A_1292 = vector.shape_cast %get3A_1291 : vector<1x1x16xf32> to vector<16xf32>
        %add3A_1293 = arith.constant 13 : i32
        %add3A_1294 = arith.addi %mul3A_179, %add3A_1293 : i32
        %get3A_1295 = arith.constant 0 : i32
        %get3A_1296 = arith.index_cast %get3A_1295 : i32 to index
        %get3A_1297 = arith.index_cast %add3A_1294 : i32 to index
        %get3A_1298 = arith.constant 48 : index
        %get3A_1299 = tpu.vector_load %arg10[%get3A_1296, %get3A_1297, %get3A_1298] {strides = array<i32>} : memref<2x128x128xf32, #tpu.memory_space<vmem>>, vector<1x1x16xf32>,
        %get3A_1300 = vector.shape_cast %get3A_1299 : vector<1x1x16xf32> to vector<16xf32>
        %add3A_1301 = arith.addf %get3A_1292, %get3A_1300 : vector<16xf32>
        %max3A_1302 = arith.maximumf %max3A_1284, %add3A_1301 : vector<16xf32>
        %add3A_1303 = arith.constant 14 : i32
        %add3A_1304 = arith.addi %mul3A_179, %add3A_1303 : i32
        %get3A_1305 = arith.constant 0 : i32
        %get3A_1306 = arith.index_cast %get3A_1305 : i32 to index
        %get3A_1307 = arith.index_cast %add3A_1304 : i32 to index
        %get3A_1308 = arith.constant 48 : index
        %get3A_1309 = tpu.vector_load %arg9[%get3A_1306, %get3A_1307, %get3A_1308] {strides = array<i32>} : memref<2x128x128xf32, #tpu.memory_space<vmem>>, vector<1x1x16xf32>,
        %get3A_1310 = vector.shape_cast %get3A_1309 : vector<1x1x16xf32> to vector<16xf32>
        %add3A_1311 = arith.constant 14 : i32
        %add3A_1312 = arith.addi %mul3A_179, %add3A_1311 : i32
        %get3A_1313 = arith.constant 0 : i32
        %get3A_1314 = arith.index_cast %get3A_1313 : i32 to index
        %get3A_1315 = arith.index_cast %add3A_1312 : i32 to index
        %get3A_1316 = arith.constant 48 : index
        %get3A_1317 = tpu.vector_load %arg10[%get3A_1314, %get3A_1315, %get3A_1316] {strides = array<i32>} : memref<2x128x128xf32, #tpu.memory_space<vmem>>, vector<1x1x16xf32>,
        %get3A_1318 = vector.shape_cast %get3A_1317 : vector<1x1x16xf32> to vector<16xf32>
        %add3A_1319 = arith.addf %get3A_1310, %get3A_1318 : vector<16xf32>
        %max3A_1320 = arith.maximumf %max3A_1302, %add3A_1319 : vector<16xf32>
        %add3A_1321 = arith.constant 15 : i32
        %add3A_1322 = arith.addi %mul3A_179, %add3A_1321 : i32
        %get3A_1323 = arith.constant 0 : i32
        %get3A_1324 = arith.index_cast %get3A_1323 : i32 to index
        %get3A_1325 = arith.index_cast %add3A_1322 : i32 to index
        %get3A_1326 = arith.constant 48 : index
        %get3A_1327 = tpu.vector_load %arg9[%get3A_1324, %get3A_1325, %get3A_1326] {strides = array<i32>} : memref<2x128x128xf32, #tpu.memory_space<vmem>>, vector<1x1x16xf32>,
        %get3A_1328 = vector.shape_cast %get3A_1327 : vector<1x1x16xf32> to vector<16xf32>
        %add3A_1329 = arith.constant 15 : i32
        %add3A_1330 = arith.addi %mul3A_179, %add3A_1329 : i32
        %get3A_1331 = arith.constant 0 : i32
        %get3A_1332 = arith.index_cast %get3A_1331 : i32 to index
        %get3A_1333 = arith.index_cast %add3A_1330 : i32 to index
        %get3A_1334 = arith.constant 48 : index
        %get3A_1335 = tpu.vector_load %arg10[%get3A_1332, %get3A_1333, %get3A_1334] {strides = array<i32>} : memref<2x128x128xf32, #tpu.memory_space<vmem>>, vector<1x1x16xf32>,
        %get3A_1336 = vector.shape_cast %get3A_1335 : vector<1x1x16xf32> to vector<16xf32>
        %add3A_1337 = arith.addf %get3A_1328, %get3A_1336 : vector<16xf32>
        %max3A_1338 = arith.maximumf %max3A_1320, %add3A_1337 : vector<16xf32>
        %max3A_1339 = arith.constant 0.000000e+00 : f32
        %max3A_1340 = vector.broadcast %max3A_1339 : f32 to vector<16xf32>
        %max3A_1341 = arith.maximumf %max3A_1338, %max3A_1340 : vector<16xf32>
        %swap3A_1342 = arith.constant 0 : i32
        %swap3A_1343 = arith.index_cast %swap3A_1342 : i32 to index
        %swap3A_1344 = arith.index_cast %scan3A_177 : i32 to index
        %swap3A_1345 = arith.constant 48 : index
        %swap3A_1346 = tpu.vector_load %arg11[%swap3A_1343, %swap3A_1344, %swap3A_1345] {strides = array<i32>} : memref<2x8x128xf32, #tpu.memory_space<vmem>>, vector<1x1x16xf32>,
        %swap3A_1347 = vector.shape_cast %swap3A_1346 : vector<1x1x16xf32> to vector<16xf32>
        %swap3A_1348 = vector.shape_cast %max3A_1341 : vector<16xf32> to vector<1x1x16xf32>
        tpu.vector_store %arg11[%swap3A_1343, %swap3A_1344, %swap3A_1345], %swap3A_1348 {strides = array<i32>} : memref<2x8x128xf32, #tpu.memory_space<vmem>>, vector<1x1x16xf32>,
        %get3A_1349 = arith.constant 0 : i32
        %get3A_1350 = arith.index_cast %get3A_1349 : i32 to index
        %get3A_1351 = arith.index_cast %mul3A_179 : i32 to index
        %get3A_1352 = arith.constant 64 : index
        %get3A_1353 = tpu.vector_load %arg9[%get3A_1350, %get3A_1351, %get3A_1352] {strides = array<i32>} : memref<2x128x128xf32, #tpu.memory_space<vmem>>, vector<1x1x16xf32>,
        %get3A_1354 = vector.shape_cast %get3A_1353 : vector<1x1x16xf32> to vector<16xf32>
        %get3A_1355 = arith.constant 0 : i32
        %get3A_1356 = arith.index_cast %get3A_1355 : i32 to index
        %get3A_1357 = arith.index_cast %mul3A_179 : i32 to index
        %get3A_1358 = arith.constant 64 : index
        %get3A_1359 = tpu.vector_load %arg10[%get3A_1356, %get3A_1357, %get3A_1358] {strides = array<i32>} : memref<2x128x128xf32, #tpu.memory_space<vmem>>, vector<1x1x16xf32>,
        %get3A_1360 = vector.shape_cast %get3A_1359 : vector<1x1x16xf32> to vector<16xf32>
        %add3A_1361 = arith.addf %get3A_1354, %get3A_1360 : vector<16xf32>
        %add3A_1362 = arith.constant 1 : i32
        %add3A_1363 = arith.addi %mul3A_179, %add3A_1362 : i32
        %get3A_1364 = arith.constant 0 : i32
        %get3A_1365 = arith.index_cast %get3A_1364 : i32 to index
        %get3A_1366 = arith.index_cast %add3A_1363 : i32 to index
        %get3A_1367 = arith.constant 64 : index
        %get3A_1368 = tpu.vector_load %arg9[%get3A_1365, %get3A_1366, %get3A_1367] {strides = array<i32>} : memref<2x128x128xf32, #tpu.memory_space<vmem>>, vector<1x1x16xf32>,
        %get3A_1369 = vector.shape_cast %get3A_1368 : vector<1x1x16xf32> to vector<16xf32>
        %add3A_1370 = arith.constant 1 : i32
        %add3A_1371 = arith.addi %mul3A_179, %add3A_1370 : i32
        %get3A_1372 = arith.constant 0 : i32
        %get3A_1373 = arith.index_cast %get3A_1372 : i32 to index
        %get3A_1374 = arith.index_cast %add3A_1371 : i32 to index
        %get3A_1375 = arith.constant 64 : index
        %get3A_1376 = tpu.vector_load %arg10[%get3A_1373, %get3A_1374, %get3A_1375] {strides = array<i32>} : memref<2x128x128xf32, #tpu.memory_space<vmem>>, vector<1x1x16xf32>,
        %get3A_1377 = vector.shape_cast %get3A_1376 : vector<1x1x16xf32> to vector<16xf32>
        %add3A_1378 = arith.addf %get3A_1369, %get3A_1377 : vector<16xf32>
        %max3A_1379 = arith.maximumf %add3A_1361, %add3A_1378 : vector<16xf32>
        %add3A_1380 = arith.constant 2 : i32
        %add3A_1381 = arith.addi %mul3A_179, %add3A_1380 : i32
        %get3A_1382 = arith.constant 0 : i32
        %get3A_1383 = arith.index_cast %get3A_1382 : i32 to index
        %get3A_1384 = arith.index_cast %add3A_1381 : i32 to index
        %get3A_1385 = arith.constant 64 : index
        %get3A_1386 = tpu.vector_load %arg9[%get3A_1383, %get3A_1384, %get3A_1385] {strides = array<i32>} : memref<2x128x128xf32, #tpu.memory_space<vmem>>, vector<1x1x16xf32>,
        %get3A_1387 = vector.shape_cast %get3A_1386 : vector<1x1x16xf32> to vector<16xf32>
        %add3A_1388 = arith.constant 2 : i32
        %add3A_1389 = arith.addi %mul3A_179, %add3A_1388 : i32
        %get3A_1390 = arith.constant 0 : i32
        %get3A_1391 = arith.index_cast %get3A_1390 : i32 to index
        %get3A_1392 = arith.index_cast %add3A_1389 : i32 to index
        %get3A_1393 = arith.constant 64 : index
        %get3A_1394 = tpu.vector_load %arg10[%get3A_1391, %get3A_1392, %get3A_1393] {strides = array<i32>} : memref<2x128x128xf32, #tpu.memory_space<vmem>>, vector<1x1x16xf32>,
        %get3A_1395 = vector.shape_cast %get3A_1394 : vector<1x1x16xf32> to vector<16xf32>
        %add3A_1396 = arith.addf %get3A_1387, %get3A_1395 : vector<16xf32>
        %max3A_1397 = arith.maximumf %max3A_1379, %add3A_1396 : vector<16xf32>
        %add3A_1398 = arith.constant 3 : i32
        %add3A_1399 = arith.addi %mul3A_179, %add3A_1398 : i32
        %get3A_1400 = arith.constant 0 : i32
        %get3A_1401 = arith.index_cast %get3A_1400 : i32 to index
        %get3A_1402 = arith.index_cast %add3A_1399 : i32 to index
        %get3A_1403 = arith.constant 64 : index
        %get3A_1404 = tpu.vector_load %arg9[%get3A_1401, %get3A_1402, %get3A_1403] {strides = array<i32>} : memref<2x128x128xf32, #tpu.memory_space<vmem>>, vector<1x1x16xf32>,
        %get3A_1405 = vector.shape_cast %get3A_1404 : vector<1x1x16xf32> to vector<16xf32>
        %add3A_1406 = arith.constant 3 : i32
        %add3A_1407 = arith.addi %mul3A_179, %add3A_1406 : i32
        %get3A_1408 = arith.constant 0 : i32
        %get3A_1409 = arith.index_cast %get3A_1408 : i32 to index
        %get3A_1410 = arith.index_cast %add3A_1407 : i32 to index
        %get3A_1411 = arith.constant 64 : index
        %get3A_1412 = tpu.vector_load %arg10[%get3A_1409, %get3A_1410, %get3A_1411] {strides = array<i32>} : memref<2x128x128xf32, #tpu.memory_space<vmem>>, vector<1x1x16xf32>,
        %get3A_1413 = vector.shape_cast %get3A_1412 : vector<1x1x16xf32> to vector<16xf32>
        %add3A_1414 = arith.addf %get3A_1405, %get3A_1413 : vector<16xf32>
        %max3A_1415 = arith.maximumf %max3A_1397, %add3A_1414 : vector<16xf32>
        %add3A_1416 = arith.constant 4 : i32
        %add3A_1417 = arith.addi %mul3A_179, %add3A_1416 : i32
        %get3A_1418 = arith.constant 0 : i32
        %get3A_1419 = arith.index_cast %get3A_1418 : i32 to index
        %get3A_1420 = arith.index_cast %add3A_1417 : i32 to index
        %get3A_1421 = arith.constant 64 : index
        %get3A_1422 = tpu.vector_load %arg9[%get3A_1419, %get3A_1420, %get3A_1421] {strides = array<i32>} : memref<2x128x128xf32, #tpu.memory_space<vmem>>, vector<1x1x16xf32>,
        %get3A_1423 = vector.shape_cast %get3A_1422 : vector<1x1x16xf32> to vector<16xf32>
        %add3A_1424 = arith.constant 4 : i32
        %add3A_1425 = arith.addi %mul3A_179, %add3A_1424 : i32
        %get3A_1426 = arith.constant 0 : i32
        %get3A_1427 = arith.index_cast %get3A_1426 : i32 to index
        %get3A_1428 = arith.index_cast %add3A_1425 : i32 to index
        %get3A_1429 = arith.constant 64 : index
        %get3A_1430 = tpu.vector_load %arg10[%get3A_1427, %get3A_1428, %get3A_1429] {strides = array<i32>} : memref<2x128x128xf32, #tpu.memory_space<vmem>>, vector<1x1x16xf32>,
        %get3A_1431 = vector.shape_cast %get3A_1430 : vector<1x1x16xf32> to vector<16xf32>
        %add3A_1432 = arith.addf %get3A_1423, %get3A_1431 : vector<16xf32>
        %max3A_1433 = arith.maximumf %max3A_1415, %add3A_1432 : vector<16xf32>
        %add3A_1434 = arith.constant 5 : i32
        %add3A_1435 = arith.addi %mul3A_179, %add3A_1434 : i32
        %get3A_1436 = arith.constant 0 : i32
        %get3A_1437 = arith.index_cast %get3A_1436 : i32 to index
        %get3A_1438 = arith.index_cast %add3A_1435 : i32 to index
        %get3A_1439 = arith.constant 64 : index
        %get3A_1440 = tpu.vector_load %arg9[%get3A_1437, %get3A_1438, %get3A_1439] {strides = array<i32>} : memref<2x128x128xf32, #tpu.memory_space<vmem>>, vector<1x1x16xf32>,
        %get3A_1441 = vector.shape_cast %get3A_1440 : vector<1x1x16xf32> to vector<16xf32>
        %add3A_1442 = arith.constant 5 : i32
        %add3A_1443 = arith.addi %mul3A_179, %add3A_1442 : i32
        %get3A_1444 = arith.constant 0 : i32
        %get3A_1445 = arith.index_cast %get3A_1444 : i32 to index
        %get3A_1446 = arith.index_cast %add3A_1443 : i32 to index
        %get3A_1447 = arith.constant 64 : index
        %get3A_1448 = tpu.vector_load %arg10[%get3A_1445, %get3A_1446, %get3A_1447] {strides = array<i32>} : memref<2x128x128xf32, #tpu.memory_space<vmem>>, vector<1x1x16xf32>,
        %get3A_1449 = vector.shape_cast %get3A_1448 : vector<1x1x16xf32> to vector<16xf32>
        %add3A_1450 = arith.addf %get3A_1441, %get3A_1449 : vector<16xf32>
        %max3A_1451 = arith.maximumf %max3A_1433, %add3A_1450 : vector<16xf32>
        %add3A_1452 = arith.constant 6 : i32
        %add3A_1453 = arith.addi %mul3A_179, %add3A_1452 : i32
        %get3A_1454 = arith.constant 0 : i32
        %get3A_1455 = arith.index_cast %get3A_1454 : i32 to index
        %get3A_1456 = arith.index_cast %add3A_1453 : i32 to index
        %get3A_1457 = arith.constant 64 : index
        %get3A_1458 = tpu.vector_load %arg9[%get3A_1455, %get3A_1456, %get3A_1457] {strides = array<i32>} : memref<2x128x128xf32, #tpu.memory_space<vmem>>, vector<1x1x16xf32>,
        %get3A_1459 = vector.shape_cast %get3A_1458 : vector<1x1x16xf32> to vector<16xf32>
        %add3A_1460 = arith.constant 6 : i32
        %add3A_1461 = arith.addi %mul3A_179, %add3A_1460 : i32
        %get3A_1462 = arith.constant 0 : i32
        %get3A_1463 = arith.index_cast %get3A_1462 : i32 to index
        %get3A_1464 = arith.index_cast %add3A_1461 : i32 to index
        %get3A_1465 = arith.constant 64 : index
        %get3A_1466 = tpu.vector_load %arg10[%get3A_1463, %get3A_1464, %get3A_1465] {strides = array<i32>} : memref<2x128x128xf32, #tpu.memory_space<vmem>>, vector<1x1x16xf32>,
        %get3A_1467 = vector.shape_cast %get3A_1466 : vector<1x1x16xf32> to vector<16xf32>
        %add3A_1468 = arith.addf %get3A_1459, %get3A_1467 : vector<16xf32>
        %max3A_1469 = arith.maximumf %max3A_1451, %add3A_1468 : vector<16xf32>
        %add3A_1470 = arith.constant 7 : i32
        %add3A_1471 = arith.addi %mul3A_179, %add3A_1470 : i32
        %get3A_1472 = arith.constant 0 : i32
        %get3A_1473 = arith.index_cast %get3A_1472 : i32 to index
        %get3A_1474 = arith.index_cast %add3A_1471 : i32 to index
        %get3A_1475 = arith.constant 64 : index
        %get3A_1476 = tpu.vector_load %arg9[%get3A_1473, %get3A_1474, %get3A_1475] {strides = array<i32>} : memref<2x128x128xf32, #tpu.memory_space<vmem>>, vector<1x1x16xf32>,
        %get3A_1477 = vector.shape_cast %get3A_1476 : vector<1x1x16xf32> to vector<16xf32>
        %add3A_1478 = arith.constant 7 : i32
        %add3A_1479 = arith.addi %mul3A_179, %add3A_1478 : i32
        %get3A_1480 = arith.constant 0 : i32
        %get3A_1481 = arith.index_cast %get3A_1480 : i32 to index
        %get3A_1482 = arith.index_cast %add3A_1479 : i32 to index
        %get3A_1483 = arith.constant 64 : index
        %get3A_1484 = tpu.vector_load %arg10[%get3A_1481, %get3A_1482, %get3A_1483] {strides = array<i32>} : memref<2x128x128xf32, #tpu.memory_space<vmem>>, vector<1x1x16xf32>,
        %get3A_1485 = vector.shape_cast %get3A_1484 : vector<1x1x16xf32> to vector<16xf32>
        %add3A_1486 = arith.addf %get3A_1477, %get3A_1485 : vector<16xf32>
        %max3A_1487 = arith.maximumf %max3A_1469, %add3A_1486 : vector<16xf32>
        %add3A_1488 = arith.constant 8 : i32
        %add3A_1489 = arith.addi %mul3A_179, %add3A_1488 : i32
        %get3A_1490 = arith.constant 0 : i32
        %get3A_1491 = arith.index_cast %get3A_1490 : i32 to index
        %get3A_1492 = arith.index_cast %add3A_1489 : i32 to index
        %get3A_1493 = arith.constant 64 : index
        %get3A_1494 = tpu.vector_load %arg9[%get3A_1491, %get3A_1492, %get3A_1493] {strides = array<i32>} : memref<2x128x128xf32, #tpu.memory_space<vmem>>, vector<1x1x16xf32>,
        %get3A_1495 = vector.shape_cast %get3A_1494 : vector<1x1x16xf32> to vector<16xf32>
        %add3A_1496 = arith.constant 8 : i32
        %add3A_1497 = arith.addi %mul3A_179, %add3A_1496 : i32
        %get3A_1498 = arith.constant 0 : i32
        %get3A_1499 = arith.index_cast %get3A_1498 : i32 to index
        %get3A_1500 = arith.index_cast %add3A_1497 : i32 to index
        %get3A_1501 = arith.constant 64 : index
        %get3A_1502 = tpu.vector_load %arg10[%get3A_1499, %get3A_1500, %get3A_1501] {strides = array<i32>} : memref<2x128x128xf32, #tpu.memory_space<vmem>>, vector<1x1x16xf32>,
        %get3A_1503 = vector.shape_cast %get3A_1502 : vector<1x1x16xf32> to vector<16xf32>
        %add3A_1504 = arith.addf %get3A_1495, %get3A_1503 : vector<16xf32>
        %max3A_1505 = arith.maximumf %max3A_1487, %add3A_1504 : vector<16xf32>
        %add3A_1506 = arith.constant 9 : i32
        %add3A_1507 = arith.addi %mul3A_179, %add3A_1506 : i32
        %get3A_1508 = arith.constant 0 : i32
        %get3A_1509 = arith.index_cast %get3A_1508 : i32 to index
        %get3A_1510 = arith.index_cast %add3A_1507 : i32 to index
        %get3A_1511 = arith.constant 64 : index
        %get3A_1512 = tpu.vector_load %arg9[%get3A_1509, %get3A_1510, %get3A_1511] {strides = array<i32>} : memref<2x128x128xf32, #tpu.memory_space<vmem>>, vector<1x1x16xf32>,
        %get3A_1513 = vector.shape_cast %get3A_1512 : vector<1x1x16xf32> to vector<16xf32>
        %add3A_1514 = arith.constant 9 : i32
        %add3A_1515 = arith.addi %mul3A_179, %add3A_1514 : i32
        %get3A_1516 = arith.constant 0 : i32
        %get3A_1517 = arith.index_cast %get3A_1516 : i32 to index
        %get3A_1518 = arith.index_cast %add3A_1515 : i32 to index
        %get3A_1519 = arith.constant 64 : index
        %get3A_1520 = tpu.vector_load %arg10[%get3A_1517, %get3A_1518, %get3A_1519] {strides = array<i32>} : memref<2x128x128xf32, #tpu.memory_space<vmem>>, vector<1x1x16xf32>,
        %get3A_1521 = vector.shape_cast %get3A_1520 : vector<1x1x16xf32> to vector<16xf32>
        %add3A_1522 = arith.addf %get3A_1513, %get3A_1521 : vector<16xf32>
        %max3A_1523 = arith.maximumf %max3A_1505, %add3A_1522 : vector<16xf32>
        %add3A_1524 = arith.constant 10 : i32
        %add3A_1525 = arith.addi %mul3A_179, %add3A_1524 : i32
        %get3A_1526 = arith.constant 0 : i32
        %get3A_1527 = arith.index_cast %get3A_1526 : i32 to index
        %get3A_1528 = arith.index_cast %add3A_1525 : i32 to index
        %get3A_1529 = arith.constant 64 : index
        %get3A_1530 = tpu.vector_load %arg9[%get3A_1527, %get3A_1528, %get3A_1529] {strides = array<i32>} : memref<2x128x128xf32, #tpu.memory_space<vmem>>, vector<1x1x16xf32>,
        %get3A_1531 = vector.shape_cast %get3A_1530 : vector<1x1x16xf32> to vector<16xf32>
        %add3A_1532 = arith.constant 10 : i32
        %add3A_1533 = arith.addi %mul3A_179, %add3A_1532 : i32
        %get3A_1534 = arith.constant 0 : i32
        %get3A_1535 = arith.index_cast %get3A_1534 : i32 to index
        %get3A_1536 = arith.index_cast %add3A_1533 : i32 to index
        %get3A_1537 = arith.constant 64 : index
        %get3A_1538 = tpu.vector_load %arg10[%get3A_1535, %get3A_1536, %get3A_1537] {strides = array<i32>} : memref<2x128x128xf32, #tpu.memory_space<vmem>>, vector<1x1x16xf32>,
        %get3A_1539 = vector.shape_cast %get3A_1538 : vector<1x1x16xf32> to vector<16xf32>
        %add3A_1540 = arith.addf %get3A_1531, %get3A_1539 : vector<16xf32>
        %max3A_1541 = arith.maximumf %max3A_1523, %add3A_1540 : vector<16xf32>
        %add3A_1542 = arith.constant 11 : i32
        %add3A_1543 = arith.addi %mul3A_179, %add3A_1542 : i32
        %get3A_1544 = arith.constant 0 : i32
        %get3A_1545 = arith.index_cast %get3A_1544 : i32 to index
        %get3A_1546 = arith.index_cast %add3A_1543 : i32 to index
        %get3A_1547 = arith.constant 64 : index
        %get3A_1548 = tpu.vector_load %arg9[%get3A_1545, %get3A_1546, %get3A_1547] {strides = array<i32>} : memref<2x128x128xf32, #tpu.memory_space<vmem>>, vector<1x1x16xf32>,
        %get3A_1549 = vector.shape_cast %get3A_1548 : vector<1x1x16xf32> to vector<16xf32>
        %add3A_1550 = arith.constant 11 : i32
        %add3A_1551 = arith.addi %mul3A_179, %add3A_1550 : i32
        %get3A_1552 = arith.constant 0 : i32
        %get3A_1553 = arith.index_cast %get3A_1552 : i32 to index
        %get3A_1554 = arith.index_cast %add3A_1551 : i32 to index
        %get3A_1555 = arith.constant 64 : index
        %get3A_1556 = tpu.vector_load %arg10[%get3A_1553, %get3A_1554, %get3A_1555] {strides = array<i32>} : memref<2x128x128xf32, #tpu.memory_space<vmem>>, vector<1x1x16xf32>,
        %get3A_1557 = vector.shape_cast %get3A_1556 : vector<1x1x16xf32> to vector<16xf32>
        %add3A_1558 = arith.addf %get3A_1549, %get3A_1557 : vector<16xf32>
        %max3A_1559 = arith.maximumf %max3A_1541, %add3A_1558 : vector<16xf32>
        %add3A_1560 = arith.constant 12 : i32
        %add3A_1561 = arith.addi %mul3A_179, %add3A_1560 : i32
        %get3A_1562 = arith.constant 0 : i32
        %get3A_1563 = arith.index_cast %get3A_1562 : i32 to index
        %get3A_1564 = arith.index_cast %add3A_1561 : i32 to index
        %get3A_1565 = arith.constant 64 : index
        %get3A_1566 = tpu.vector_load %arg9[%get3A_1563, %get3A_1564, %get3A_1565] {strides = array<i32>} : memref<2x128x128xf32, #tpu.memory_space<vmem>>, vector<1x1x16xf32>,
        %get3A_1567 = vector.shape_cast %get3A_1566 : vector<1x1x16xf32> to vector<16xf32>
        %add3A_1568 = arith.constant 12 : i32
        %add3A_1569 = arith.addi %mul3A_179, %add3A_1568 : i32
        %get3A_1570 = arith.constant 0 : i32
        %get3A_1571 = arith.index_cast %get3A_1570 : i32 to index
        %get3A_1572 = arith.index_cast %add3A_1569 : i32 to index
        %get3A_1573 = arith.constant 64 : index
        %get3A_1574 = tpu.vector_load %arg10[%get3A_1571, %get3A_1572, %get3A_1573] {strides = array<i32>} : memref<2x128x128xf32, #tpu.memory_space<vmem>>, vector<1x1x16xf32>,
        %get3A_1575 = vector.shape_cast %get3A_1574 : vector<1x1x16xf32> to vector<16xf32>
        %add3A_1576 = arith.addf %get3A_1567, %get3A_1575 : vector<16xf32>
        %max3A_1577 = arith.maximumf %max3A_1559, %add3A_1576 : vector<16xf32>
        %add3A_1578 = arith.constant 13 : i32
        %add3A_1579 = arith.addi %mul3A_179, %add3A_1578 : i32
        %get3A_1580 = arith.constant 0 : i32
        %get3A_1581 = arith.index_cast %get3A_1580 : i32 to index
        %get3A_1582 = arith.index_cast %add3A_1579 : i32 to index
        %get3A_1583 = arith.constant 64 : index
        %get3A_1584 = tpu.vector_load %arg9[%get3A_1581, %get3A_1582, %get3A_1583] {strides = array<i32>} : memref<2x128x128xf32, #tpu.memory_space<vmem>>, vector<1x1x16xf32>,
        %get3A_1585 = vector.shape_cast %get3A_1584 : vector<1x1x16xf32> to vector<16xf32>
        %add3A_1586 = arith.constant 13 : i32
        %add3A_1587 = arith.addi %mul3A_179, %add3A_1586 : i32
        %get3A_1588 = arith.constant 0 : i32
        %get3A_1589 = arith.index_cast %get3A_1588 : i32 to index
        %get3A_1590 = arith.index_cast %add3A_1587 : i32 to index
        %get3A_1591 = arith.constant 64 : index
        %get3A_1592 = tpu.vector_load %arg10[%get3A_1589, %get3A_1590, %get3A_1591] {strides = array<i32>} : memref<2x128x128xf32, #tpu.memory_space<vmem>>, vector<1x1x16xf32>,
        %get3A_1593 = vector.shape_cast %get3A_1592 : vector<1x1x16xf32> to vector<16xf32>
        %add3A_1594 = arith.addf %get3A_1585, %get3A_1593 : vector<16xf32>
        %max3A_1595 = arith.maximumf %max3A_1577, %add3A_1594 : vector<16xf32>
        %add3A_1596 = arith.constant 14 : i32
        %add3A_1597 = arith.addi %mul3A_179, %add3A_1596 : i32
        %get3A_1598 = arith.constant 0 : i32
        %get3A_1599 = arith.index_cast %get3A_1598 : i32 to index
        %get3A_1600 = arith.index_cast %add3A_1597 : i32 to index
        %get3A_1601 = arith.constant 64 : index
        %get3A_1602 = tpu.vector_load %arg9[%get3A_1599, %get3A_1600, %get3A_1601] {strides = array<i32>} : memref<2x128x128xf32, #tpu.memory_space<vmem>>, vector<1x1x16xf32>,
        %get3A_1603 = vector.shape_cast %get3A_1602 : vector<1x1x16xf32> to vector<16xf32>
        %add3A_1604 = arith.constant 14 : i32
        %add3A_1605 = arith.addi %mul3A_179, %add3A_1604 : i32
        %get3A_1606 = arith.constant 0 : i32
        %get3A_1607 = arith.index_cast %get3A_1606 : i32 to index
        %get3A_1608 = arith.index_cast %add3A_1605 : i32 to index
        %get3A_1609 = arith.constant 64 : index
        %get3A_1610 = tpu.vector_load %arg10[%get3A_1607, %get3A_1608, %get3A_1609] {strides = array<i32>} : memref<2x128x128xf32, #tpu.memory_space<vmem>>, vector<1x1x16xf32>,
        %get3A_1611 = vector.shape_cast %get3A_1610 : vector<1x1x16xf32> to vector<16xf32>
        %add3A_1612 = arith.addf %get3A_1603, %get3A_1611 : vector<16xf32>
        %max3A_1613 = arith.maximumf %max3A_1595, %add3A_1612 : vector<16xf32>
        %add3A_1614 = arith.constant 15 : i32
        %add3A_1615 = arith.addi %mul3A_179, %add3A_1614 : i32
        %get3A_1616 = arith.constant 0 : i32
        %get3A_1617 = arith.index_cast %get3A_1616 : i32 to index
        %get3A_1618 = arith.index_cast %add3A_1615 : i32 to index
        %get3A_1619 = arith.constant 64 : index
        %get3A_1620 = tpu.vector_load %arg9[%get3A_1617, %get3A_1618, %get3A_1619] {strides = array<i32>} : memref<2x128x128xf32, #tpu.memory_space<vmem>>, vector<1x1x16xf32>,
        %get3A_1621 = vector.shape_cast %get3A_1620 : vector<1x1x16xf32> to vector<16xf32>
        %add3A_1622 = arith.constant 15 : i32
        %add3A_1623 = arith.addi %mul3A_179, %add3A_1622 : i32
        %get3A_1624 = arith.constant 0 : i32
        %get3A_1625 = arith.index_cast %get3A_1624 : i32 to index
        %get3A_1626 = arith.index_cast %add3A_1623 : i32 to index
        %get3A_1627 = arith.constant 64 : index
        %get3A_1628 = tpu.vector_load %arg10[%get3A_1625, %get3A_1626, %get3A_1627] {strides = array<i32>} : memref<2x128x128xf32, #tpu.memory_space<vmem>>, vector<1x1x16xf32>,
        %get3A_1629 = vector.shape_cast %get3A_1628 : vector<1x1x16xf32> to vector<16xf32>
        %add3A_1630 = arith.addf %get3A_1621, %get3A_1629 : vector<16xf32>
        %max3A_1631 = arith.maximumf %max3A_1613, %add3A_1630 : vector<16xf32>
        %max3A_1632 = arith.constant 0.000000e+00 : f32
        %max3A_1633 = vector.broadcast %max3A_1632 : f32 to vector<16xf32>
        %max3A_1634 = arith.maximumf %max3A_1631, %max3A_1633 : vector<16xf32>
        %swap3A_1635 = arith.constant 0 : i32
        %swap3A_1636 = arith.index_cast %swap3A_1635 : i32 to index
        %swap3A_1637 = arith.index_cast %scan3A_177 : i32 to index
        %swap3A_1638 = arith.constant 64 : index
        %swap3A_1639 = tpu.vector_load %arg11[%swap3A_1636, %swap3A_1637, %swap3A_1638] {strides = array<i32>} : memref<2x8x128xf32, #tpu.memory_space<vmem>>, vector<1x1x16xf32>,
        %swap3A_1640 = vector.shape_cast %swap3A_1639 : vector<1x1x16xf32> to vector<16xf32>
        %swap3A_1641 = vector.shape_cast %max3A_1634 : vector<16xf32> to vector<1x1x16xf32>
        tpu.vector_store %arg11[%swap3A_1636, %swap3A_1637, %swap3A_1638], %swap3A_1641 {strides = array<i32>} : memref<2x8x128xf32, #tpu.memory_space<vmem>>, vector<1x1x16xf32>,
        %get3A_1642 = arith.constant 0 : i32
        %get3A_1643 = arith.index_cast %get3A_1642 : i32 to index
        %get3A_1644 = arith.index_cast %mul3A_179 : i32 to index
        %get3A_1645 = arith.constant 80 : index
        %get3A_1646 = tpu.vector_load %arg9[%get3A_1643, %get3A_1644, %get3A_1645] {strides = array<i32>} : memref<2x128x128xf32, #tpu.memory_space<vmem>>, vector<1x1x16xf32>,
        %get3A_1647 = vector.shape_cast %get3A_1646 : vector<1x1x16xf32> to vector<16xf32>
        %get3A_1648 = arith.constant 0 : i32
        %get3A_1649 = arith.index_cast %get3A_1648 : i32 to index
        %get3A_1650 = arith.index_cast %mul3A_179 : i32 to index
        %get3A_1651 = arith.constant 80 : index
        %get3A_1652 = tpu.vector_load %arg10[%get3A_1649, %get3A_1650, %get3A_1651] {strides = array<i32>} : memref<2x128x128xf32, #tpu.memory_space<vmem>>, vector<1x1x16xf32>,
        %get3A_1653 = vector.shape_cast %get3A_1652 : vector<1x1x16xf32> to vector<16xf32>
        %add3A_1654 = arith.addf %get3A_1647, %get3A_1653 : vector<16xf32>
        %add3A_1655 = arith.constant 1 : i32
        %add3A_1656 = arith.addi %mul3A_179, %add3A_1655 : i32
        %get3A_1657 = arith.constant 0 : i32
        %get3A_1658 = arith.index_cast %get3A_1657 : i32 to index
        %get3A_1659 = arith.index_cast %add3A_1656 : i32 to index
        %get3A_1660 = arith.constant 80 : index
        %get3A_1661 = tpu.vector_load %arg9[%get3A_1658, %get3A_1659, %get3A_1660] {strides = array<i32>} : memref<2x128x128xf32, #tpu.memory_space<vmem>>, vector<1x1x16xf32>,
        %get3A_1662 = vector.shape_cast %get3A_1661 : vector<1x1x16xf32> to vector<16xf32>
        %add3A_1663 = arith.constant 1 : i32
        %add3A_1664 = arith.addi %mul3A_179, %add3A_1663 : i32
        %get3A_1665 = arith.constant 0 : i32
        %get3A_1666 = arith.index_cast %get3A_1665 : i32 to index
        %get3A_1667 = arith.index_cast %add3A_1664 : i32 to index
        %get3A_1668 = arith.constant 80 : index
        %get3A_1669 = tpu.vector_load %arg10[%get3A_1666, %get3A_1667, %get3A_1668] {strides = array<i32>} : memref<2x128x128xf32, #tpu.memory_space<vmem>>, vector<1x1x16xf32>,
        %get3A_1670 = vector.shape_cast %get3A_1669 : vector<1x1x16xf32> to vector<16xf32>
        %add3A_1671 = arith.addf %get3A_1662, %get3A_1670 : vector<16xf32>
        %max3A_1672 = arith.maximumf %add3A_1654, %add3A_1671 : vector<16xf32>
        %add3A_1673 = arith.constant 2 : i32
        %add3A_1674 = arith.addi %mul3A_179, %add3A_1673 : i32
        %get3A_1675 = arith.constant 0 : i32
        %get3A_1676 = arith.index_cast %get3A_1675 : i32 to index
        %get3A_1677 = arith.index_cast %add3A_1674 : i32 to index
        %get3A_1678 = arith.constant 80 : index
        %get3A_1679 = tpu.vector_load %arg9[%get3A_1676, %get3A_1677, %get3A_1678] {strides = array<i32>} : memref<2x128x128xf32, #tpu.memory_space<vmem>>, vector<1x1x16xf32>,
        %get3A_1680 = vector.shape_cast %get3A_1679 : vector<1x1x16xf32> to vector<16xf32>
        %add3A_1681 = arith.constant 2 : i32
        %add3A_1682 = arith.addi %mul3A_179, %add3A_1681 : i32
        %get3A_1683 = arith.constant 0 : i32
        %get3A_1684 = arith.index_cast %get3A_1683 : i32 to index
        %get3A_1685 = arith.index_cast %add3A_1682 : i32 to index
        %get3A_1686 = arith.constant 80 : index
        %get3A_1687 = tpu.vector_load %arg10[%get3A_1684, %get3A_1685, %get3A_1686] {strides = array<i32>} : memref<2x128x128xf32, #tpu.memory_space<vmem>>, vector<1x1x16xf32>,
        %get3A_1688 = vector.shape_cast %get3A_1687 : vector<1x1x16xf32> to vector<16xf32>
        %add3A_1689 = arith.addf %get3A_1680, %get3A_1688 : vector<16xf32>
        %max3A_1690 = arith.maximumf %max3A_1672, %add3A_1689 : vector<16xf32>
        %add3A_1691 = arith.constant 3 : i32
        %add3A_1692 = arith.addi %mul3A_179, %add3A_1691 : i32
        %get3A_1693 = arith.constant 0 : i32
        %get3A_1694 = arith.index_cast %get3A_1693 : i32 to index
        %get3A_1695 = arith.index_cast %add3A_1692 : i32 to index
        %get3A_1696 = arith.constant 80 : index
        %get3A_1697 = tpu.vector_load %arg9[%get3A_1694, %get3A_1695, %get3A_1696] {strides = array<i32>} : memref<2x128x128xf32, #tpu.memory_space<vmem>>, vector<1x1x16xf32>,
        %get3A_1698 = vector.shape_cast %get3A_1697 : vector<1x1x16xf32> to vector<16xf32>
        %add3A_1699 = arith.constant 3 : i32
        %add3A_1700 = arith.addi %mul3A_179, %add3A_1699 : i32
        %get3A_1701 = arith.constant 0 : i32
        %get3A_1702 = arith.index_cast %get3A_1701 : i32 to index
        %get3A_1703 = arith.index_cast %add3A_1700 : i32 to index
        %get3A_1704 = arith.constant 80 : index
        %get3A_1705 = tpu.vector_load %arg10[%get3A_1702, %get3A_1703, %get3A_1704] {strides = array<i32>} : memref<2x128x128xf32, #tpu.memory_space<vmem>>, vector<1x1x16xf32>,
        %get3A_1706 = vector.shape_cast %get3A_1705 : vector<1x1x16xf32> to vector<16xf32>
        %add3A_1707 = arith.addf %get3A_1698, %get3A_1706 : vector<16xf32>
        %max3A_1708 = arith.maximumf %max3A_1690, %add3A_1707 : vector<16xf32>
        %add3A_1709 = arith.constant 4 : i32
        %add3A_1710 = arith.addi %mul3A_179, %add3A_1709 : i32
        %get3A_1711 = arith.constant 0 : i32
        %get3A_1712 = arith.index_cast %get3A_1711 : i32 to index
        %get3A_1713 = arith.index_cast %add3A_1710 : i32 to index
        %get3A_1714 = arith.constant 80 : index
        %get3A_1715 = tpu.vector_load %arg9[%get3A_1712, %get3A_1713, %get3A_1714] {strides = array<i32>} : memref<2x128x128xf32, #tpu.memory_space<vmem>>, vector<1x1x16xf32>,
        %get3A_1716 = vector.shape_cast %get3A_1715 : vector<1x1x16xf32> to vector<16xf32>
        %add3A_1717 = arith.constant 4 : i32
        %add3A_1718 = arith.addi %mul3A_179, %add3A_1717 : i32
        %get3A_1719 = arith.constant 0 : i32
        %get3A_1720 = arith.index_cast %get3A_1719 : i32 to index
        %get3A_1721 = arith.index_cast %add3A_1718 : i32 to index
        %get3A_1722 = arith.constant 80 : index
        %get3A_1723 = tpu.vector_load %arg10[%get3A_1720, %get3A_1721, %get3A_1722] {strides = array<i32>} : memref<2x128x128xf32, #tpu.memory_space<vmem>>, vector<1x1x16xf32>,
        %get3A_1724 = vector.shape_cast %get3A_1723 : vector<1x1x16xf32> to vector<16xf32>
        %add3A_1725 = arith.addf %get3A_1716, %get3A_1724 : vector<16xf32>
        %max3A_1726 = arith.maximumf %max3A_1708, %add3A_1725 : vector<16xf32>
        %add3A_1727 = arith.constant 5 : i32
        %add3A_1728 = arith.addi %mul3A_179, %add3A_1727 : i32
        %get3A_1729 = arith.constant 0 : i32
        %get3A_1730 = arith.index_cast %get3A_1729 : i32 to index
        %get3A_1731 = arith.index_cast %add3A_1728 : i32 to index
        %get3A_1732 = arith.constant 80 : index
        %get3A_1733 = tpu.vector_load %arg9[%get3A_1730, %get3A_1731, %get3A_1732] {strides = array<i32>} : memref<2x128x128xf32, #tpu.memory_space<vmem>>, vector<1x1x16xf32>,
        %get3A_1734 = vector.shape_cast %get3A_1733 : vector<1x1x16xf32> to vector<16xf32>
        %add3A_1735 = arith.constant 5 : i32
        %add3A_1736 = arith.addi %mul3A_179, %add3A_1735 : i32
        %get3A_1737 = arith.constant 0 : i32
        %get3A_1738 = arith.index_cast %get3A_1737 : i32 to index
        %get3A_1739 = arith.index_cast %add3A_1736 : i32 to index
        %get3A_1740 = arith.constant 80 : index
        %get3A_1741 = tpu.vector_load %arg10[%get3A_1738, %get3A_1739, %get3A_1740] {strides = array<i32>} : memref<2x128x128xf32, #tpu.memory_space<vmem>>, vector<1x1x16xf32>,
        %get3A_1742 = vector.shape_cast %get3A_1741 : vector<1x1x16xf32> to vector<16xf32>
        %add3A_1743 = arith.addf %get3A_1734, %get3A_1742 : vector<16xf32>
        %max3A_1744 = arith.maximumf %max3A_1726, %add3A_1743 : vector<16xf32>
        %add3A_1745 = arith.constant 6 : i32
        %add3A_1746 = arith.addi %mul3A_179, %add3A_1745 : i32
        %get3A_1747 = arith.constant 0 : i32
        %get3A_1748 = arith.index_cast %get3A_1747 : i32 to index
        %get3A_1749 = arith.index_cast %add3A_1746 : i32 to index
        %get3A_1750 = arith.constant 80 : index
        %get3A_1751 = tpu.vector_load %arg9[%get3A_1748, %get3A_1749, %get3A_1750] {strides = array<i32>} : memref<2x128x128xf32, #tpu.memory_space<vmem>>, vector<1x1x16xf32>,
        %get3A_1752 = vector.shape_cast %get3A_1751 : vector<1x1x16xf32> to vector<16xf32>
        %add3A_1753 = arith.constant 6 : i32
        %add3A_1754 = arith.addi %mul3A_179, %add3A_1753 : i32
        %get3A_1755 = arith.constant 0 : i32
        %get3A_1756 = arith.index_cast %get3A_1755 : i32 to index
        %get3A_1757 = arith.index_cast %add3A_1754 : i32 to index
        %get3A_1758 = arith.constant 80 : index
        %get3A_1759 = tpu.vector_load %arg10[%get3A_1756, %get3A_1757, %get3A_1758] {strides = array<i32>} : memref<2x128x128xf32, #tpu.memory_space<vmem>>, vector<1x1x16xf32>,
        %get3A_1760 = vector.shape_cast %get3A_1759 : vector<1x1x16xf32> to vector<16xf32>
        %add3A_1761 = arith.addf %get3A_1752, %get3A_1760 : vector<16xf32>
        %max3A_1762 = arith.maximumf %max3A_1744, %add3A_1761 : vector<16xf32>
        %add3A_1763 = arith.constant 7 : i32
        %add3A_1764 = arith.addi %mul3A_179, %add3A_1763 : i32
        %get3A_1765 = arith.constant 0 : i32
        %get3A_1766 = arith.index_cast %get3A_1765 : i32 to index
        %get3A_1767 = arith.index_cast %add3A_1764 : i32 to index
        %get3A_1768 = arith.constant 80 : index
        %get3A_1769 = tpu.vector_load %arg9[%get3A_1766, %get3A_1767, %get3A_1768] {strides = array<i32>} : memref<2x128x128xf32, #tpu.memory_space<vmem>>, vector<1x1x16xf32>,
        %get3A_1770 = vector.shape_cast %get3A_1769 : vector<1x1x16xf32> to vector<16xf32>
        %add3A_1771 = arith.constant 7 : i32
        %add3A_1772 = arith.addi %mul3A_179, %add3A_1771 : i32
        %get3A_1773 = arith.constant 0 : i32
        %get3A_1774 = arith.index_cast %get3A_1773 : i32 to index
        %get3A_1775 = arith.index_cast %add3A_1772 : i32 to index
        %get3A_1776 = arith.constant 80 : index
        %get3A_1777 = tpu.vector_load %arg10[%get3A_1774, %get3A_1775, %get3A_1776] {strides = array<i32>} : memref<2x128x128xf32, #tpu.memory_space<vmem>>, vector<1x1x16xf32>,
        %get3A_1778 = vector.shape_cast %get3A_1777 : vector<1x1x16xf32> to vector<16xf32>
        %add3A_1779 = arith.addf %get3A_1770, %get3A_1778 : vector<16xf32>
        %max3A_1780 = arith.maximumf %max3A_1762, %add3A_1779 : vector<16xf32>
        %add3A_1781 = arith.constant 8 : i32
        %add3A_1782 = arith.addi %mul3A_179, %add3A_1781 : i32
        %get3A_1783 = arith.constant 0 : i32
        %get3A_1784 = arith.index_cast %get3A_1783 : i32 to index
        %get3A_1785 = arith.index_cast %add3A_1782 : i32 to index
        %get3A_1786 = arith.constant 80 : index
        %get3A_1787 = tpu.vector_load %arg9[%get3A_1784, %get3A_1785, %get3A_1786] {strides = array<i32>} : memref<2x128x128xf32, #tpu.memory_space<vmem>>, vector<1x1x16xf32>,
        %get3A_1788 = vector.shape_cast %get3A_1787 : vector<1x1x16xf32> to vector<16xf32>
        %add3A_1789 = arith.constant 8 : i32
        %add3A_1790 = arith.addi %mul3A_179, %add3A_1789 : i32
        %get3A_1791 = arith.constant 0 : i32
        %get3A_1792 = arith.index_cast %get3A_1791 : i32 to index
        %get3A_1793 = arith.index_cast %add3A_1790 : i32 to index
        %get3A_1794 = arith.constant 80 : index
        %get3A_1795 = tpu.vector_load %arg10[%get3A_1792, %get3A_1793, %get3A_1794] {strides = array<i32>} : memref<2x128x128xf32, #tpu.memory_space<vmem>>, vector<1x1x16xf32>,
        %get3A_1796 = vector.shape_cast %get3A_1795 : vector<1x1x16xf32> to vector<16xf32>
        %add3A_1797 = arith.addf %get3A_1788, %get3A_1796 : vector<16xf32>
        %max3A_1798 = arith.maximumf %max3A_1780, %add3A_1797 : vector<16xf32>
        %add3A_1799 = arith.constant 9 : i32
        %add3A_1800 = arith.addi %mul3A_179, %add3A_1799 : i32
        %get3A_1801 = arith.constant 0 : i32
        %get3A_1802 = arith.index_cast %get3A_1801 : i32 to index
        %get3A_1803 = arith.index_cast %add3A_1800 : i32 to index
        %get3A_1804 = arith.constant 80 : index
        %get3A_1805 = tpu.vector_load %arg9[%get3A_1802, %get3A_1803, %get3A_1804] {strides = array<i32>} : memref<2x128x128xf32, #tpu.memory_space<vmem>>, vector<1x1x16xf32>,
        %get3A_1806 = vector.shape_cast %get3A_1805 : vector<1x1x16xf32> to vector<16xf32>
        %add3A_1807 = arith.constant 9 : i32
        %add3A_1808 = arith.addi %mul3A_179, %add3A_1807 : i32
        %get3A_1809 = arith.constant 0 : i32
        %get3A_1810 = arith.index_cast %get3A_1809 : i32 to index
        %get3A_1811 = arith.index_cast %add3A_1808 : i32 to index
        %get3A_1812 = arith.constant 80 : index
        %get3A_1813 = tpu.vector_load %arg10[%get3A_1810, %get3A_1811, %get3A_1812] {strides = array<i32>} : memref<2x128x128xf32, #tpu.memory_space<vmem>>, vector<1x1x16xf32>,
        %get3A_1814 = vector.shape_cast %get3A_1813 : vector<1x1x16xf32> to vector<16xf32>
        %add3A_1815 = arith.addf %get3A_1806, %get3A_1814 : vector<16xf32>
        %max3A_1816 = arith.maximumf %max3A_1798, %add3A_1815 : vector<16xf32>
        %add3A_1817 = arith.constant 10 : i32
        %add3A_1818 = arith.addi %mul3A_179, %add3A_1817 : i32
        %get3A_1819 = arith.constant 0 : i32
        %get3A_1820 = arith.index_cast %get3A_1819 : i32 to index
        %get3A_1821 = arith.index_cast %add3A_1818 : i32 to index
        %get3A_1822 = arith.constant 80 : index
        %get3A_1823 = tpu.vector_load %arg9[%get3A_1820, %get3A_1821, %get3A_1822] {strides = array<i32>} : memref<2x128x128xf32, #tpu.memory_space<vmem>>, vector<1x1x16xf32>,
        %get3A_1824 = vector.shape_cast %get3A_1823 : vector<1x1x16xf32> to vector<16xf32>
        %add3A_1825 = arith.constant 10 : i32
        %add3A_1826 = arith.addi %mul3A_179, %add3A_1825 : i32
        %get3A_1827 = arith.constant 0 : i32
        %get3A_1828 = arith.index_cast %get3A_1827 : i32 to index
        %get3A_1829 = arith.index_cast %add3A_1826 : i32 to index
        %get3A_1830 = arith.constant 80 : index
        %get3A_1831 = tpu.vector_load %arg10[%get3A_1828, %get3A_1829, %get3A_1830] {strides = array<i32>} : memref<2x128x128xf32, #tpu.memory_space<vmem>>, vector<1x1x16xf32>,
        %get3A_1832 = vector.shape_cast %get3A_1831 : vector<1x1x16xf32> to vector<16xf32>
        %add3A_1833 = arith.addf %get3A_1824, %get3A_1832 : vector<16xf32>
        %max3A_1834 = arith.maximumf %max3A_1816, %add3A_1833 : vector<16xf32>
        %add3A_1835 = arith.constant 11 : i32
        %add3A_1836 = arith.addi %mul3A_179, %add3A_1835 : i32
        %get3A_1837 = arith.constant 0 : i32
        %get3A_1838 = arith.index_cast %get3A_1837 : i32 to index
        %get3A_1839 = arith.index_cast %add3A_1836 : i32 to index
        %get3A_1840 = arith.constant 80 : index
        %get3A_1841 = tpu.vector_load %arg9[%get3A_1838, %get3A_1839, %get3A_1840] {strides = array<i32>} : memref<2x128x128xf32, #tpu.memory_space<vmem>>, vector<1x1x16xf32>,
        %get3A_1842 = vector.shape_cast %get3A_1841 : vector<1x1x16xf32> to vector<16xf32>
        %add3A_1843 = arith.constant 11 : i32
        %add3A_1844 = arith.addi %mul3A_179, %add3A_1843 : i32
        %get3A_1845 = arith.constant 0 : i32
        %get3A_1846 = arith.index_cast %get3A_1845 : i32 to index
        %get3A_1847 = arith.index_cast %add3A_1844 : i32 to index
        %get3A_1848 = arith.constant 80 : index
        %get3A_1849 = tpu.vector_load %arg10[%get3A_1846, %get3A_1847, %get3A_1848] {strides = array<i32>} : memref<2x128x128xf32, #tpu.memory_space<vmem>>, vector<1x1x16xf32>,
        %get3A_1850 = vector.shape_cast %get3A_1849 : vector<1x1x16xf32> to vector<16xf32>
        %add3A_1851 = arith.addf %get3A_1842, %get3A_1850 : vector<16xf32>
        %max3A_1852 = arith.maximumf %max3A_1834, %add3A_1851 : vector<16xf32>
        %add3A_1853 = arith.constant 12 : i32
        %add3A_1854 = arith.addi %mul3A_179, %add3A_1853 : i32
        %get3A_1855 = arith.constant 0 : i32
        %get3A_1856 = arith.index_cast %get3A_1855 : i32 to index
        %get3A_1857 = arith.index_cast %add3A_1854 : i32 to index
        %get3A_1858 = arith.constant 80 : index
        %get3A_1859 = tpu.vector_load %arg9[%get3A_1856, %get3A_1857, %get3A_1858] {strides = array<i32>} : memref<2x128x128xf32, #tpu.memory_space<vmem>>, vector<1x1x16xf32>,
        %get3A_1860 = vector.shape_cast %get3A_1859 : vector<1x1x16xf32> to vector<16xf32>
        %add3A_1861 = arith.constant 12 : i32
        %add3A_1862 = arith.addi %mul3A_179, %add3A_1861 : i32
        %get3A_1863 = arith.constant 0 : i32
        %get3A_1864 = arith.index_cast %get3A_1863 : i32 to index
        %get3A_1865 = arith.index_cast %add3A_1862 : i32 to index
        %get3A_1866 = arith.constant 80 : index
        %get3A_1867 = tpu.vector_load %arg10[%get3A_1864, %get3A_1865, %get3A_1866] {strides = array<i32>} : memref<2x128x128xf32, #tpu.memory_space<vmem>>, vector<1x1x16xf32>,
        %get3A_1868 = vector.shape_cast %get3A_1867 : vector<1x1x16xf32> to vector<16xf32>
        %add3A_1869 = arith.addf %get3A_1860, %get3A_1868 : vector<16xf32>
        %max3A_1870 = arith.maximumf %max3A_1852, %add3A_1869 : vector<16xf32>
        %add3A_1871 = arith.constant 13 : i32
        %add3A_1872 = arith.addi %mul3A_179, %add3A_1871 : i32
        %get3A_1873 = arith.constant 0 : i32
        %get3A_1874 = arith.index_cast %get3A_1873 : i32 to index
        %get3A_1875 = arith.index_cast %add3A_1872 : i32 to index
        %get3A_1876 = arith.constant 80 : index
        %get3A_1877 = tpu.vector_load %arg9[%get3A_1874, %get3A_1875, %get3A_1876] {strides = array<i32>} : memref<2x128x128xf32, #tpu.memory_space<vmem>>, vector<1x1x16xf32>,
        %get3A_1878 = vector.shape_cast %get3A_1877 : vector<1x1x16xf32> to vector<16xf32>
        %add3A_1879 = arith.constant 13 : i32
        %add3A_1880 = arith.addi %mul3A_179, %add3A_1879 : i32
        %get3A_1881 = arith.constant 0 : i32
        %get3A_1882 = arith.index_cast %get3A_1881 : i32 to index
        %get3A_1883 = arith.index_cast %add3A_1880 : i32 to index
        %get3A_1884 = arith.constant 80 : index
        %get3A_1885 = tpu.vector_load %arg10[%get3A_1882, %get3A_1883, %get3A_1884] {strides = array<i32>} : memref<2x128x128xf32, #tpu.memory_space<vmem>>, vector<1x1x16xf32>,
        %get3A_1886 = vector.shape_cast %get3A_1885 : vector<1x1x16xf32> to vector<16xf32>
        %add3A_1887 = arith.addf %get3A_1878, %get3A_1886 : vector<16xf32>
        %max3A_1888 = arith.maximumf %max3A_1870, %add3A_1887 : vector<16xf32>
        %add3A_1889 = arith.constant 14 : i32
        %add3A_1890 = arith.addi %mul3A_179, %add3A_1889 : i32
        %get3A_1891 = arith.constant 0 : i32
        %get3A_1892 = arith.index_cast %get3A_1891 : i32 to index
        %get3A_1893 = arith.index_cast %add3A_1890 : i32 to index
        %get3A_1894 = arith.constant 80 : index
        %get3A_1895 = tpu.vector_load %arg9[%get3A_1892, %get3A_1893, %get3A_1894] {strides = array<i32>} : memref<2x128x128xf32, #tpu.memory_space<vmem>>, vector<1x1x16xf32>,
        %get3A_1896 = vector.shape_cast %get3A_1895 : vector<1x1x16xf32> to vector<16xf32>
        %add3A_1897 = arith.constant 14 : i32
        %add3A_1898 = arith.addi %mul3A_179, %add3A_1897 : i32
        %get3A_1899 = arith.constant 0 : i32
        %get3A_1900 = arith.index_cast %get3A_1899 : i32 to index
        %get3A_1901 = arith.index_cast %add3A_1898 : i32 to index
        %get3A_1902 = arith.constant 80 : index
        %get3A_1903 = tpu.vector_load %arg10[%get3A_1900, %get3A_1901, %get3A_1902] {strides = array<i32>} : memref<2x128x128xf32, #tpu.memory_space<vmem>>, vector<1x1x16xf32>,
        %get3A_1904 = vector.shape_cast %get3A_1903 : vector<1x1x16xf32> to vector<16xf32>
        %add3A_1905 = arith.addf %get3A_1896, %get3A_1904 : vector<16xf32>
        %max3A_1906 = arith.maximumf %max3A_1888, %add3A_1905 : vector<16xf32>
        %add3A_1907 = arith.constant 15 : i32
        %add3A_1908 = arith.addi %mul3A_179, %add3A_1907 : i32
        %get3A_1909 = arith.constant 0 : i32
        %get3A_1910 = arith.index_cast %get3A_1909 : i32 to index
        %get3A_1911 = arith.index_cast %add3A_1908 : i32 to index
        %get3A_1912 = arith.constant 80 : index
        %get3A_1913 = tpu.vector_load %arg9[%get3A_1910, %get3A_1911, %get3A_1912] {strides = array<i32>} : memref<2x128x128xf32, #tpu.memory_space<vmem>>, vector<1x1x16xf32>,
        %get3A_1914 = vector.shape_cast %get3A_1913 : vector<1x1x16xf32> to vector<16xf32>
        %add3A_1915 = arith.constant 15 : i32
        %add3A_1916 = arith.addi %mul3A_179, %add3A_1915 : i32
        %get3A_1917 = arith.constant 0 : i32
        %get3A_1918 = arith.index_cast %get3A_1917 : i32 to index
        %get3A_1919 = arith.index_cast %add3A_1916 : i32 to index
        %get3A_1920 = arith.constant 80 : index
        %get3A_1921 = tpu.vector_load %arg10[%get3A_1918, %get3A_1919, %get3A_1920] {strides = array<i32>} : memref<2x128x128xf32, #tpu.memory_space<vmem>>, vector<1x1x16xf32>,
        %get3A_1922 = vector.shape_cast %get3A_1921 : vector<1x1x16xf32> to vector<16xf32>
        %add3A_1923 = arith.addf %get3A_1914, %get3A_1922 : vector<16xf32>
        %max3A_1924 = arith.maximumf %max3A_1906, %add3A_1923 : vector<16xf32>
        %max3A_1925 = arith.constant 0.000000e+00 : f32
        %max3A_1926 = vector.broadcast %max3A_1925 : f32 to vector<16xf32>
        %max3A_1927 = arith.maximumf %max3A_1924, %max3A_1926 : vector<16xf32>
        %swap3A_1928 = arith.constant 0 : i32
        %swap3A_1929 = arith.index_cast %swap3A_1928 : i32 to index
        %swap3A_1930 = arith.index_cast %scan3A_177 : i32 to index
        %swap3A_1931 = arith.constant 80 : index
        %swap3A_1932 = tpu.vector_load %arg11[%swap3A_1929, %swap3A_1930, %swap3A_1931] {strides = array<i32>} : memref<2x8x128xf32, #tpu.memory_space<vmem>>, vector<1x1x16xf32>,
        %swap3A_1933 = vector.shape_cast %swap3A_1932 : vector<1x1x16xf32> to vector<16xf32>
        %swap3A_1934 = vector.shape_cast %max3A_1927 : vector<16xf32> to vector<1x1x16xf32>
        tpu.vector_store %arg11[%swap3A_1929, %swap3A_1930, %swap3A_1931], %swap3A_1934 {strides = array<i32>} : memref<2x8x128xf32, #tpu.memory_space<vmem>>, vector<1x1x16xf32>,
      }
      %scan3A_102 = arith.constant 8 : i32
      %mul3A_103 = arith.constant 8 : i32
      %mul3A_104 = arith.muli %add3A_66, %mul3A_103 : i32
      %add3A_105 = arith.addi %mul3A_2, %mul3A_104 : i32
      %dma_start3A_106 = arith.constant 0 : i32
      %dma_start3A_107 = arith.constant 0 : i32
      %dma_start3A_108 = arith.constant 0 : i32
      %dma_start3A_109 = tpu.memref_slice %arg11[%dma_start3A_106, %dma_start3A_107, %dma_start3A_108] : memref<2x8x128xf32, #tpu.memory_space<vmem>> -> memref<1x8x128xf32, #tpu.memory_space<vmem>>
      %dma_start3A_110 = tpu.memref_squeeze %dma_start3A_109 : memref<1x8x128xf32, #tpu.memory_space<vmem>> -> memref<8x128xf32, #tpu.memory_space<vmem>>
      %dma_start3A_111 = arith.constant 0 : i32
      %dma_start3A_112 = tpu.memref_slice %arg6[%add3A_105, %dma_start3A_111] : memref<16384x128xf32, #tpu.memory_space<hbm>> -> memref<8x128xf32, #tpu.memory_space<hbm>>
      %dma_start3A_113 = arith.constant 0 : i32
      %dma_start3A_114 = tpu.memref_slice %arg6[%add3A_105, %dma_start3A_113] : memref<16384x128xf32, #tpu.memory_space<hbm>> -> memref<8x128xf32, #tpu.memory_space<hbm>>
      %dma_start3A_115 = arith.constant 0 : i32
      %dma_start3A_116 = arith.constant 0 : i32
      %dma_start3A_117 = tpu.memref_slice %arg11[%dma_start3A_106, %dma_start3A_115, %dma_start3A_116] : memref<2x8x128xf32, #tpu.memory_space<vmem>> -> memref<1x8x128xf32, #tpu.memory_space<vmem>>
      %dma_start3A_118 = tpu.memref_squeeze %dma_start3A_117 : memref<1x8x128xf32, #tpu.memory_space<vmem>> -> memref<8x128xf32, #tpu.memory_space<vmem>>
      tpu.enqueue_dma source(%dma_start3A_118 : memref<8x128xf32, #tpu.memory_space<vmem>>) target(%dma_start3A_114 : memref<8x128xf32, #tpu.memory_space<hbm>>) target_semaphore(%arg14 : memref<!tpu.dma_semaphore, #tpu.memory_space<semaphore_mem>>)
      %add3A_119 = arith.constant 1 : i32
      %add3A_120 = arith.addi %mul3A_64, %add3A_119 : i32
      %add3A_121 = arith.constant 1 : i32
      %add3A_122 = arith.addi %add3A_120, %add3A_121 : i32
      %lt3A_123 = arith.constant 64 : i32
      %lt3A_124 = arith.cmpi slt, %add3A_122, %lt3A_123 : i32
      %convert_element_type3A_125 = arith.extui %lt3A_124 : i1 to i32
      %cond3A_126 = arith.constant 0 : i32
      %cond3A_127 = arith.cmpi ne, %convert_element_type3A_125, %cond3A_126 : i32
      scf.if %cond3A_127 {
        %add3A_177 = arith.constant 1 : i32
        %add3A_178 = arith.addi %add3A_120, %add3A_177 : i32
        %dma_start3A_179 = arith.constant 0 : i32
        %dma_start3A_180 = arith.constant 0 : i32
        %dma_start3A_181 = arith.constant 0 : i32
        %dma_start3A_182 = tpu.memref_slice %arg9[%dma_start3A_179, %dma_start3A_180, %dma_start3A_181] : memref<2x128x128xf32, #tpu.memory_space<vmem>> -> memref<1x128x128xf32, #tpu.memory_space<vmem>>
        %dma_start3A_183 = tpu.memref_squeeze %dma_start3A_182 : memref<1x128x128xf32, #tpu.memory_space<vmem>> -> memref<128x128xf32, #tpu.memory_space<vmem>>
        %dma_start3A_184 = arith.constant 0 : i32
        %dma_start3A_185 = tpu.memref_slice %arg7[%add3A_178, %dma_start3A_184] : memref<64x128xi32, #tpu.memory_space<vmem>> -> memref<1x128xi32, #tpu.memory_space<vmem>>
        %dma_start3A_186 = tpu.memref_squeeze %dma_start3A_185 : memref<1x128xi32, #tpu.memory_space<vmem>> -> memref<128xi32, #tpu.memory_space<vmem>>
        %dma_start3A_187 = arith.constant 0 : i32
        %dma_start3A_188 = arith.constant 0 : i32
        %dma_start3A_189 = tpu.memref_slice %arg2[%dma_start3A_187, %dma_start3A_188] : memref<16384x128xf32, #tpu.memory_space<hbm>> -> memref<16384x128xf32, #tpu.memory_space<hbm>>
        tpu.enqueue_indirect_dma source(%dma_start3A_189 : memref<16384x128xf32, #tpu.memory_space<hbm>>) target(%dma_start3A_183 : memref<128x128xf32, #tpu.memory_space<vmem>>) offsets(%dma_start3A_186 : memref<128xi32, #tpu.memory_space<vmem>>) semaphore(%arg12 : memref<!tpu.dma_semaphore, #tpu.memory_space<semaphore_mem>>)
        %dma_start3A_190 = arith.constant 0 : i32
        %dma_start3A_191 = arith.constant 0 : i32
        %dma_start3A_192 = arith.constant 0 : i32
        %dma_start3A_193 = tpu.memref_slice %arg10[%dma_start3A_190, %dma_start3A_191, %dma_start3A_192] : memref<2x128x128xf32, #tpu.memory_space<vmem>> -> memref<1x128x128xf32, #tpu.memory_space<vmem>>
        %dma_start3A_194 = tpu.memref_squeeze %dma_start3A_193 : memref<1x128x128xf32, #tpu.memory_space<vmem>> -> memref<128x128xf32, #tpu.memory_space<vmem>>
        %dma_start3A_195 = arith.constant 0 : i32
        %dma_start3A_196 = tpu.memref_slice %arg8[%add3A_178, %dma_start3A_195] : memref<64x128xi32, #tpu.memory_space<vmem>> -> memref<1x128xi32, #tpu.memory_space<vmem>>
        %dma_start3A_197 = tpu.memref_squeeze %dma_start3A_196 : memref<1x128xi32, #tpu.memory_space<vmem>> -> memref<128xi32, #tpu.memory_space<vmem>>
        %dma_start3A_198 = arith.constant 0 : i32
        %dma_start3A_199 = arith.constant 0 : i32
        %dma_start3A_200 = tpu.memref_slice %arg3[%dma_start3A_198, %dma_start3A_199] : memref<16384x128xf32, #tpu.memory_space<hbm>> -> memref<16384x128xf32, #tpu.memory_space<hbm>>
        tpu.enqueue_indirect_dma source(%dma_start3A_200 : memref<16384x128xf32, #tpu.memory_space<hbm>>) target(%dma_start3A_194 : memref<128x128xf32, #tpu.memory_space<vmem>>) offsets(%dma_start3A_197 : memref<128xi32, #tpu.memory_space<vmem>>) semaphore(%arg12 : memref<!tpu.dma_semaphore, #tpu.memory_space<semaphore_mem>>)
      } else {
      }
      %dma_wait3A_128 = arith.constant 1 : i32
      %dma_wait3A_129 = arith.constant 0 : i32
      %dma_wait3A_130 = arith.constant 0 : i32
      %dma_wait3A_131 = tpu.memref_slice %arg9[%dma_wait3A_128, %dma_wait3A_129, %dma_wait3A_130] : memref<2x128x128xf32, #tpu.memory_space<vmem>> -> memref<1x128x128xf32, #tpu.memory_space<vmem>>
      %dma_wait3A_132 = tpu.memref_squeeze %dma_wait3A_131 : memref<1x128x128xf32, #tpu.memory_space<vmem>> -> memref<128x128xf32, #tpu.memory_space<vmem>>
      %dma_wait3A_133 = arith.constant 0 : i32
      %dma_wait3A_134 = tpu.memref_slice %arg7[%add3A_120, %dma_wait3A_133] : memref<64x128xi32, #tpu.memory_space<vmem>> -> memref<1x128xi32, #tpu.memory_space<vmem>>
      %dma_wait3A_135 = tpu.memref_squeeze %dma_wait3A_134 : memref<1x128xi32, #tpu.memory_space<vmem>> -> memref<128xi32, #tpu.memory_space<vmem>>
      %dma_wait3A_136 = arith.constant 0 : i32
      %dma_wait3A_137 = arith.constant 0 : i32
      %dma_wait3A_138 = tpu.memref_slice %arg2[%dma_wait3A_136, %dma_wait3A_137] : memref<16384x128xf32, #tpu.memory_space<hbm>> -> memref<16384x128xf32, #tpu.memory_space<hbm>>
      tpu.wait_indirect_dma semaphore(%arg13 : memref<!tpu.dma_semaphore, #tpu.memory_space<semaphore_mem>>) src(%dma_wait3A_138 : memref<16384x128xf32, #tpu.memory_space<hbm>>) dst(%dma_wait3A_132 : memref<128x128xf32, #tpu.memory_space<vmem>>)
      %dma_wait3A_139 = arith.constant 1 : i32
      %dma_wait3A_140 = arith.constant 0 : i32
      %dma_wait3A_141 = arith.constant 0 : i32
      %dma_wait3A_142 = tpu.memref_slice %arg10[%dma_wait3A_139, %dma_wait3A_140, %dma_wait3A_141] : memref<2x128x128xf32, #tpu.memory_space<vmem>> -> memref<1x128x128xf32, #tpu.memory_space<vmem>>
      %dma_wait3A_143 = tpu.memref_squeeze %dma_wait3A_142 : memref<1x128x128xf32, #tpu.memory_space<vmem>> -> memref<128x128xf32, #tpu.memory_space<vmem>>
      %dma_wait3A_144 = arith.constant 0 : i32
      %dma_wait3A_145 = tpu.memref_slice %arg8[%add3A_120, %dma_wait3A_144] : memref<64x128xi32, #tpu.memory_space<vmem>> -> memref<1x128xi32, #tpu.memory_space<vmem>>
      %dma_wait3A_146 = tpu.memref_squeeze %dma_wait3A_145 : memref<1x128xi32, #tpu.memory_space<vmem>> -> memref<128xi32, #tpu.memory_space<vmem>>
      %dma_wait3A_147 = arith.constant 0 : i32
      %dma_wait3A_148 = arith.constant 0 : i32
      %dma_wait3A_149 = tpu.memref_slice %arg3[%dma_wait3A_147, %dma_wait3A_148] : memref<16384x128xf32, #tpu.memory_space<hbm>> -> memref<16384x128xf32, #tpu.memory_space<hbm>>
      tpu.wait_indirect_dma semaphore(%arg13 : memref<!tpu.dma_semaphore, #tpu.memory_space<semaphore_mem>>) src(%dma_wait3A_149 : memref<16384x128xf32, #tpu.memory_space<hbm>>) dst(%dma_wait3A_143 : memref<128x128xf32, #tpu.memory_space<vmem>>)
      %ge3A_150 = arith.constant 2 : i32
      %ge3A_151 = arith.cmpi sge, %add3A_120, %ge3A_150 : i32
      %convert_element_type3A_152 = arith.extui %ge3A_151 : i1 to i32
      %cond3A_153 = arith.constant 0 : i32
      %cond3A_154 = arith.cmpi ne, %convert_element_type3A_152, %cond3A_153 : i32
      scf.if %cond3A_154 {
        %sub3A = arith.constant 2 : i32
        %sub3A_177 = arith.subi %add3A_120, %sub3A : i32
        %mul3A_178 = arith.constant 8 : i32
        %mul3A_179 = arith.muli %sub3A_177, %mul3A_178 : i32
        %add3A_180 = arith.addi %mul3A_2, %mul3A_179 : i32
        %dma_wait3A_181 = arith.constant 1 : i32
        %dma_wait3A_182 = arith.constant 0 : i32
        %dma_wait3A_183 = arith.constant 0 : i32
        %dma_wait3A_184 = tpu.memref_slice %arg11[%dma_wait3A_181, %dma_wait3A_182, %dma_wait3A_183] : memref<2x8x128xf32, #tpu.memory_space<vmem>> -> memref<1x8x128xf32, #tpu.memory_space<vmem>>
        %dma_wait3A_185 = tpu.memref_squeeze %dma_wait3A_184 : memref<1x8x128xf32, #tpu.memory_space<vmem>> -> memref<8x128xf32, #tpu.memory_space<vmem>>
        %dma_wait3A_186 = arith.constant 0 : i32
        %dma_wait3A_187 = tpu.memref_slice %arg6[%add3A_180, %dma_wait3A_186] : memref<16384x128xf32, #tpu.memory_space<hbm>> -> memref<8x128xf32, #tpu.memory_space<hbm>>
        %dma_wait3A_188 = arith.constant 0 : i32
        %dma_wait3A_189 = tpu.memref_slice %arg6[%add3A_180, %dma_wait3A_188] : memref<16384x128xf32, #tpu.memory_space<hbm>> -> memref<8x128xf32, #tpu.memory_space<hbm>>
        %dma_wait3A_190 = arith.constant 0 : i32
        %dma_wait3A_191 = arith.constant 0 : i32
        %dma_wait3A_192 = tpu.memref_slice %arg11[%dma_wait3A_181, %dma_wait3A_190, %dma_wait3A_191] : memref<2x8x128xf32, #tpu.memory_space<vmem>> -> memref<1x8x128xf32, #tpu.memory_space<vmem>>
        %dma_wait3A_193 = tpu.memref_squeeze %dma_wait3A_192 : memref<1x8x128xf32, #tpu.memory_space<vmem>> -> memref<8x128xf32, #tpu.memory_space<vmem>>
        tpu.wait_dma2 semaphore(%arg15 : memref<!tpu.dma_semaphore, #tpu.memory_space<semaphore_mem>>) src(%dma_wait3A_193 : memref<8x128xf32, #tpu.memory_space<vmem>>) dst(%dma_wait3A_189 : memref<8x128xf32, #tpu.memory_space<hbm>>)
      } else {
      }
      %scan3A_155 = arith.constant 0 : i32
      %scan3A_156 = arith.constant 0 : i32
      %scan3A_157 = arith.constant 8 : i32
      %scan3A_158 = arith.addi %scan3A_156, %scan3A_157 : i32
      %scan3A_159 = arith.constant 1 : i32
      scf.for %scan3A_177 = %scan3A_156 to %scan3A_158 step %scan3A_159  : i32 {
        %mul3A_178 = arith.constant 16 : i32
        %mul3A_179 = arith.muli %scan3A_177, %mul3A_178 : i32
        %get3A = arith.constant 1 : i32
        %get3A_180 = arith.index_cast %get3A : i32 to index
        %get3A_181 = arith.index_cast %mul3A_179 : i32 to index
        %get3A_182 = arith.constant 0 : index
        %get3A_183 = tpu.vector_load %arg9[%get3A_180, %get3A_181, %get3A_182] {strides = array<i32>} : memref<2x128x128xf32, #tpu.memory_space<vmem>>, vector<1x1x16xf32>,
        %get3A_184 = vector.shape_cast %get3A_183 : vector<1x1x16xf32> to vector<16xf32>
        %get3A_185 = arith.constant 1 : i32
        %get3A_186 = arith.index_cast %get3A_185 : i32 to index
        %get3A_187 = arith.index_cast %mul3A_179 : i32 to index
        %get3A_188 = arith.constant 0 : index
        %get3A_189 = tpu.vector_load %arg10[%get3A_186, %get3A_187, %get3A_188] {strides = array<i32>} : memref<2x128x128xf32, #tpu.memory_space<vmem>>, vector<1x1x16xf32>,
        %get3A_190 = vector.shape_cast %get3A_189 : vector<1x1x16xf32> to vector<16xf32>
        %add3A_191 = arith.addf %get3A_184, %get3A_190 : vector<16xf32>
        %add3A_192 = arith.constant 1 : i32
        %add3A_193 = arith.addi %mul3A_179, %add3A_192 : i32
        %get3A_194 = arith.constant 1 : i32
        %get3A_195 = arith.index_cast %get3A_194 : i32 to index
        %get3A_196 = arith.index_cast %add3A_193 : i32 to index
        %get3A_197 = arith.constant 0 : index
        %get3A_198 = tpu.vector_load %arg9[%get3A_195, %get3A_196, %get3A_197] {strides = array<i32>} : memref<2x128x128xf32, #tpu.memory_space<vmem>>, vector<1x1x16xf32>,
        %get3A_199 = vector.shape_cast %get3A_198 : vector<1x1x16xf32> to vector<16xf32>
        %add3A_200 = arith.constant 1 : i32
        %add3A_201 = arith.addi %mul3A_179, %add3A_200 : i32
        %get3A_202 = arith.constant 1 : i32
        %get3A_203 = arith.index_cast %get3A_202 : i32 to index
        %get3A_204 = arith.index_cast %add3A_201 : i32 to index
        %get3A_205 = arith.constant 0 : index
        %get3A_206 = tpu.vector_load %arg10[%get3A_203, %get3A_204, %get3A_205] {strides = array<i32>} : memref<2x128x128xf32, #tpu.memory_space<vmem>>, vector<1x1x16xf32>,
        %get3A_207 = vector.shape_cast %get3A_206 : vector<1x1x16xf32> to vector<16xf32>
        %add3A_208 = arith.addf %get3A_199, %get3A_207 : vector<16xf32>
        %max3A = arith.maximumf %add3A_191, %add3A_208 : vector<16xf32>
        %add3A_209 = arith.constant 2 : i32
        %add3A_210 = arith.addi %mul3A_179, %add3A_209 : i32
        %get3A_211 = arith.constant 1 : i32
        %get3A_212 = arith.index_cast %get3A_211 : i32 to index
        %get3A_213 = arith.index_cast %add3A_210 : i32 to index
        %get3A_214 = arith.constant 0 : index
        %get3A_215 = tpu.vector_load %arg9[%get3A_212, %get3A_213, %get3A_214] {strides = array<i32>} : memref<2x128x128xf32, #tpu.memory_space<vmem>>, vector<1x1x16xf32>,
        %get3A_216 = vector.shape_cast %get3A_215 : vector<1x1x16xf32> to vector<16xf32>
        %add3A_217 = arith.constant 2 : i32
        %add3A_218 = arith.addi %mul3A_179, %add3A_217 : i32
        %get3A_219 = arith.constant 1 : i32
        %get3A_220 = arith.index_cast %get3A_219 : i32 to index
        %get3A_221 = arith.index_cast %add3A_218 : i32 to index
        %get3A_222 = arith.constant 0 : index
        %get3A_223 = tpu.vector_load %arg10[%get3A_220, %get3A_221, %get3A_222] {strides = array<i32>} : memref<2x128x128xf32, #tpu.memory_space<vmem>>, vector<1x1x16xf32>,
        %get3A_224 = vector.shape_cast %get3A_223 : vector<1x1x16xf32> to vector<16xf32>
        %add3A_225 = arith.addf %get3A_216, %get3A_224 : vector<16xf32>
        %max3A_226 = arith.maximumf %max3A, %add3A_225 : vector<16xf32>
        %add3A_227 = arith.constant 3 : i32
        %add3A_228 = arith.addi %mul3A_179, %add3A_227 : i32
        %get3A_229 = arith.constant 1 : i32
        %get3A_230 = arith.index_cast %get3A_229 : i32 to index
        %get3A_231 = arith.index_cast %add3A_228 : i32 to index
        %get3A_232 = arith.constant 0 : index
        %get3A_233 = tpu.vector_load %arg9[%get3A_230, %get3A_231, %get3A_232] {strides = array<i32>} : memref<2x128x128xf32, #tpu.memory_space<vmem>>, vector<1x1x16xf32>,
        %get3A_234 = vector.shape_cast %get3A_233 : vector<1x1x16xf32> to vector<16xf32>
        %add3A_235 = arith.constant 3 : i32
        %add3A_236 = arith.addi %mul3A_179, %add3A_235 : i32
        %get3A_237 = arith.constant 1 : i32
        %get3A_238 = arith.index_cast %get3A_237 : i32 to index
        %get3A_239 = arith.index_cast %add3A_236 : i32 to index
        %get3A_240 = arith.constant 0 : index
        %get3A_241 = tpu.vector_load %arg10[%get3A_238, %get3A_239, %get3A_240] {strides = array<i32>} : memref<2x128x128xf32, #tpu.memory_space<vmem>>, vector<1x1x16xf32>,
        %get3A_242 = vector.shape_cast %get3A_241 : vector<1x1x16xf32> to vector<16xf32>
        %add3A_243 = arith.addf %get3A_234, %get3A_242 : vector<16xf32>
        %max3A_244 = arith.maximumf %max3A_226, %add3A_243 : vector<16xf32>
        %add3A_245 = arith.constant 4 : i32
        %add3A_246 = arith.addi %mul3A_179, %add3A_245 : i32
        %get3A_247 = arith.constant 1 : i32
        %get3A_248 = arith.index_cast %get3A_247 : i32 to index
        %get3A_249 = arith.index_cast %add3A_246 : i32 to index
        %get3A_250 = arith.constant 0 : index
        %get3A_251 = tpu.vector_load %arg9[%get3A_248, %get3A_249, %get3A_250] {strides = array<i32>} : memref<2x128x128xf32, #tpu.memory_space<vmem>>, vector<1x1x16xf32>,
        %get3A_252 = vector.shape_cast %get3A_251 : vector<1x1x16xf32> to vector<16xf32>
        %add3A_253 = arith.constant 4 : i32
        %add3A_254 = arith.addi %mul3A_179, %add3A_253 : i32
        %get3A_255 = arith.constant 1 : i32
        %get3A_256 = arith.index_cast %get3A_255 : i32 to index
        %get3A_257 = arith.index_cast %add3A_254 : i32 to index
        %get3A_258 = arith.constant 0 : index
        %get3A_259 = tpu.vector_load %arg10[%get3A_256, %get3A_257, %get3A_258] {strides = array<i32>} : memref<2x128x128xf32, #tpu.memory_space<vmem>>, vector<1x1x16xf32>,
        %get3A_260 = vector.shape_cast %get3A_259 : vector<1x1x16xf32> to vector<16xf32>
        %add3A_261 = arith.addf %get3A_252, %get3A_260 : vector<16xf32>
        %max3A_262 = arith.maximumf %max3A_244, %add3A_261 : vector<16xf32>
        %add3A_263 = arith.constant 5 : i32
        %add3A_264 = arith.addi %mul3A_179, %add3A_263 : i32
        %get3A_265 = arith.constant 1 : i32
        %get3A_266 = arith.index_cast %get3A_265 : i32 to index
        %get3A_267 = arith.index_cast %add3A_264 : i32 to index
        %get3A_268 = arith.constant 0 : index
        %get3A_269 = tpu.vector_load %arg9[%get3A_266, %get3A_267, %get3A_268] {strides = array<i32>} : memref<2x128x128xf32, #tpu.memory_space<vmem>>, vector<1x1x16xf32>,
        %get3A_270 = vector.shape_cast %get3A_269 : vector<1x1x16xf32> to vector<16xf32>
        %add3A_271 = arith.constant 5 : i32
        %add3A_272 = arith.addi %mul3A_179, %add3A_271 : i32
        %get3A_273 = arith.constant 1 : i32
        %get3A_274 = arith.index_cast %get3A_273 : i32 to index
        %get3A_275 = arith.index_cast %add3A_272 : i32 to index
        %get3A_276 = arith.constant 0 : index
        %get3A_277 = tpu.vector_load %arg10[%get3A_274, %get3A_275, %get3A_276] {strides = array<i32>} : memref<2x128x128xf32, #tpu.memory_space<vmem>>, vector<1x1x16xf32>,
        %get3A_278 = vector.shape_cast %get3A_277 : vector<1x1x16xf32> to vector<16xf32>
        %add3A_279 = arith.addf %get3A_270, %get3A_278 : vector<16xf32>
        %max3A_280 = arith.maximumf %max3A_262, %add3A_279 : vector<16xf32>
        %add3A_281 = arith.constant 6 : i32
        %add3A_282 = arith.addi %mul3A_179, %add3A_281 : i32
        %get3A_283 = arith.constant 1 : i32
        %get3A_284 = arith.index_cast %get3A_283 : i32 to index
        %get3A_285 = arith.index_cast %add3A_282 : i32 to index
        %get3A_286 = arith.constant 0 : index
        %get3A_287 = tpu.vector_load %arg9[%get3A_284, %get3A_285, %get3A_286] {strides = array<i32>} : memref<2x128x128xf32, #tpu.memory_space<vmem>>, vector<1x1x16xf32>,
        %get3A_288 = vector.shape_cast %get3A_287 : vector<1x1x16xf32> to vector<16xf32>
        %add3A_289 = arith.constant 6 : i32
        %add3A_290 = arith.addi %mul3A_179, %add3A_289 : i32
        %get3A_291 = arith.constant 1 : i32
        %get3A_292 = arith.index_cast %get3A_291 : i32 to index
        %get3A_293 = arith.index_cast %add3A_290 : i32 to index
        %get3A_294 = arith.constant 0 : index
        %get3A_295 = tpu.vector_load %arg10[%get3A_292, %get3A_293, %get3A_294] {strides = array<i32>} : memref<2x128x128xf32, #tpu.memory_space<vmem>>, vector<1x1x16xf32>,
        %get3A_296 = vector.shape_cast %get3A_295 : vector<1x1x16xf32> to vector<16xf32>
        %add3A_297 = arith.addf %get3A_288, %get3A_296 : vector<16xf32>
        %max3A_298 = arith.maximumf %max3A_280, %add3A_297 : vector<16xf32>
        %add3A_299 = arith.constant 7 : i32
        %add3A_300 = arith.addi %mul3A_179, %add3A_299 : i32
        %get3A_301 = arith.constant 1 : i32
        %get3A_302 = arith.index_cast %get3A_301 : i32 to index
        %get3A_303 = arith.index_cast %add3A_300 : i32 to index
        %get3A_304 = arith.constant 0 : index
        %get3A_305 = tpu.vector_load %arg9[%get3A_302, %get3A_303, %get3A_304] {strides = array<i32>} : memref<2x128x128xf32, #tpu.memory_space<vmem>>, vector<1x1x16xf32>,
        %get3A_306 = vector.shape_cast %get3A_305 : vector<1x1x16xf32> to vector<16xf32>
        %add3A_307 = arith.constant 7 : i32
        %add3A_308 = arith.addi %mul3A_179, %add3A_307 : i32
        %get3A_309 = arith.constant 1 : i32
        %get3A_310 = arith.index_cast %get3A_309 : i32 to index
        %get3A_311 = arith.index_cast %add3A_308 : i32 to index
        %get3A_312 = arith.constant 0 : index
        %get3A_313 = tpu.vector_load %arg10[%get3A_310, %get3A_311, %get3A_312] {strides = array<i32>} : memref<2x128x128xf32, #tpu.memory_space<vmem>>, vector<1x1x16xf32>,
        %get3A_314 = vector.shape_cast %get3A_313 : vector<1x1x16xf32> to vector<16xf32>
        %add3A_315 = arith.addf %get3A_306, %get3A_314 : vector<16xf32>
        %max3A_316 = arith.maximumf %max3A_298, %add3A_315 : vector<16xf32>
        %add3A_317 = arith.constant 8 : i32
        %add3A_318 = arith.addi %mul3A_179, %add3A_317 : i32
        %get3A_319 = arith.constant 1 : i32
        %get3A_320 = arith.index_cast %get3A_319 : i32 to index
        %get3A_321 = arith.index_cast %add3A_318 : i32 to index
        %get3A_322 = arith.constant 0 : index
        %get3A_323 = tpu.vector_load %arg9[%get3A_320, %get3A_321, %get3A_322] {strides = array<i32>} : memref<2x128x128xf32, #tpu.memory_space<vmem>>, vector<1x1x16xf32>,
        %get3A_324 = vector.shape_cast %get3A_323 : vector<1x1x16xf32> to vector<16xf32>
        %add3A_325 = arith.constant 8 : i32
        %add3A_326 = arith.addi %mul3A_179, %add3A_325 : i32
        %get3A_327 = arith.constant 1 : i32
        %get3A_328 = arith.index_cast %get3A_327 : i32 to index
        %get3A_329 = arith.index_cast %add3A_326 : i32 to index
        %get3A_330 = arith.constant 0 : index
        %get3A_331 = tpu.vector_load %arg10[%get3A_328, %get3A_329, %get3A_330] {strides = array<i32>} : memref<2x128x128xf32, #tpu.memory_space<vmem>>, vector<1x1x16xf32>,
        %get3A_332 = vector.shape_cast %get3A_331 : vector<1x1x16xf32> to vector<16xf32>
        %add3A_333 = arith.addf %get3A_324, %get3A_332 : vector<16xf32>
        %max3A_334 = arith.maximumf %max3A_316, %add3A_333 : vector<16xf32>
        %add3A_335 = arith.constant 9 : i32
        %add3A_336 = arith.addi %mul3A_179, %add3A_335 : i32
        %get3A_337 = arith.constant 1 : i32
        %get3A_338 = arith.index_cast %get3A_337 : i32 to index
        %get3A_339 = arith.index_cast %add3A_336 : i32 to index
        %get3A_340 = arith.constant 0 : index
        %get3A_341 = tpu.vector_load %arg9[%get3A_338, %get3A_339, %get3A_340] {strides = array<i32>} : memref<2x128x128xf32, #tpu.memory_space<vmem>>, vector<1x1x16xf32>,
        %get3A_342 = vector.shape_cast %get3A_341 : vector<1x1x16xf32> to vector<16xf32>
        %add3A_343 = arith.constant 9 : i32
        %add3A_344 = arith.addi %mul3A_179, %add3A_343 : i32
        %get3A_345 = arith.constant 1 : i32
        %get3A_346 = arith.index_cast %get3A_345 : i32 to index
        %get3A_347 = arith.index_cast %add3A_344 : i32 to index
        %get3A_348 = arith.constant 0 : index
        %get3A_349 = tpu.vector_load %arg10[%get3A_346, %get3A_347, %get3A_348] {strides = array<i32>} : memref<2x128x128xf32, #tpu.memory_space<vmem>>, vector<1x1x16xf32>,
        %get3A_350 = vector.shape_cast %get3A_349 : vector<1x1x16xf32> to vector<16xf32>
        %add3A_351 = arith.addf %get3A_342, %get3A_350 : vector<16xf32>
        %max3A_352 = arith.maximumf %max3A_334, %add3A_351 : vector<16xf32>
        %add3A_353 = arith.constant 10 : i32
        %add3A_354 = arith.addi %mul3A_179, %add3A_353 : i32
        %get3A_355 = arith.constant 1 : i32
        %get3A_356 = arith.index_cast %get3A_355 : i32 to index
        %get3A_357 = arith.index_cast %add3A_354 : i32 to index
        %get3A_358 = arith.constant 0 : index
        %get3A_359 = tpu.vector_load %arg9[%get3A_356, %get3A_357, %get3A_358] {strides = array<i32>} : memref<2x128x128xf32, #tpu.memory_space<vmem>>, vector<1x1x16xf32>,
        %get3A_360 = vector.shape_cast %get3A_359 : vector<1x1x16xf32> to vector<16xf32>
        %add3A_361 = arith.constant 10 : i32
        %add3A_362 = arith.addi %mul3A_179, %add3A_361 : i32
        %get3A_363 = arith.constant 1 : i32
        %get3A_364 = arith.index_cast %get3A_363 : i32 to index
        %get3A_365 = arith.index_cast %add3A_362 : i32 to index
        %get3A_366 = arith.constant 0 : index
        %get3A_367 = tpu.vector_load %arg10[%get3A_364, %get3A_365, %get3A_366] {strides = array<i32>} : memref<2x128x128xf32, #tpu.memory_space<vmem>>, vector<1x1x16xf32>,
        %get3A_368 = vector.shape_cast %get3A_367 : vector<1x1x16xf32> to vector<16xf32>
        %add3A_369 = arith.addf %get3A_360, %get3A_368 : vector<16xf32>
        %max3A_370 = arith.maximumf %max3A_352, %add3A_369 : vector<16xf32>
        %add3A_371 = arith.constant 11 : i32
        %add3A_372 = arith.addi %mul3A_179, %add3A_371 : i32
        %get3A_373 = arith.constant 1 : i32
        %get3A_374 = arith.index_cast %get3A_373 : i32 to index
        %get3A_375 = arith.index_cast %add3A_372 : i32 to index
        %get3A_376 = arith.constant 0 : index
        %get3A_377 = tpu.vector_load %arg9[%get3A_374, %get3A_375, %get3A_376] {strides = array<i32>} : memref<2x128x128xf32, #tpu.memory_space<vmem>>, vector<1x1x16xf32>,
        %get3A_378 = vector.shape_cast %get3A_377 : vector<1x1x16xf32> to vector<16xf32>
        %add3A_379 = arith.constant 11 : i32
        %add3A_380 = arith.addi %mul3A_179, %add3A_379 : i32
        %get3A_381 = arith.constant 1 : i32
        %get3A_382 = arith.index_cast %get3A_381 : i32 to index
        %get3A_383 = arith.index_cast %add3A_380 : i32 to index
        %get3A_384 = arith.constant 0 : index
        %get3A_385 = tpu.vector_load %arg10[%get3A_382, %get3A_383, %get3A_384] {strides = array<i32>} : memref<2x128x128xf32, #tpu.memory_space<vmem>>, vector<1x1x16xf32>,
        %get3A_386 = vector.shape_cast %get3A_385 : vector<1x1x16xf32> to vector<16xf32>
        %add3A_387 = arith.addf %get3A_378, %get3A_386 : vector<16xf32>
        %max3A_388 = arith.maximumf %max3A_370, %add3A_387 : vector<16xf32>
        %add3A_389 = arith.constant 12 : i32
        %add3A_390 = arith.addi %mul3A_179, %add3A_389 : i32
        %get3A_391 = arith.constant 1 : i32
        %get3A_392 = arith.index_cast %get3A_391 : i32 to index
        %get3A_393 = arith.index_cast %add3A_390 : i32 to index
        %get3A_394 = arith.constant 0 : index
        %get3A_395 = tpu.vector_load %arg9[%get3A_392, %get3A_393, %get3A_394] {strides = array<i32>} : memref<2x128x128xf32, #tpu.memory_space<vmem>>, vector<1x1x16xf32>,
        %get3A_396 = vector.shape_cast %get3A_395 : vector<1x1x16xf32> to vector<16xf32>
        %add3A_397 = arith.constant 12 : i32
        %add3A_398 = arith.addi %mul3A_179, %add3A_397 : i32
        %get3A_399 = arith.constant 1 : i32
        %get3A_400 = arith.index_cast %get3A_399 : i32 to index
        %get3A_401 = arith.index_cast %add3A_398 : i32 to index
        %get3A_402 = arith.constant 0 : index
        %get3A_403 = tpu.vector_load %arg10[%get3A_400, %get3A_401, %get3A_402] {strides = array<i32>} : memref<2x128x128xf32, #tpu.memory_space<vmem>>, vector<1x1x16xf32>,
        %get3A_404 = vector.shape_cast %get3A_403 : vector<1x1x16xf32> to vector<16xf32>
        %add3A_405 = arith.addf %get3A_396, %get3A_404 : vector<16xf32>
        %max3A_406 = arith.maximumf %max3A_388, %add3A_405 : vector<16xf32>
        %add3A_407 = arith.constant 13 : i32
        %add3A_408 = arith.addi %mul3A_179, %add3A_407 : i32
        %get3A_409 = arith.constant 1 : i32
        %get3A_410 = arith.index_cast %get3A_409 : i32 to index
        %get3A_411 = arith.index_cast %add3A_408 : i32 to index
        %get3A_412 = arith.constant 0 : index
        %get3A_413 = tpu.vector_load %arg9[%get3A_410, %get3A_411, %get3A_412] {strides = array<i32>} : memref<2x128x128xf32, #tpu.memory_space<vmem>>, vector<1x1x16xf32>,
        %get3A_414 = vector.shape_cast %get3A_413 : vector<1x1x16xf32> to vector<16xf32>
        %add3A_415 = arith.constant 13 : i32
        %add3A_416 = arith.addi %mul3A_179, %add3A_415 : i32
        %get3A_417 = arith.constant 1 : i32
        %get3A_418 = arith.index_cast %get3A_417 : i32 to index
        %get3A_419 = arith.index_cast %add3A_416 : i32 to index
        %get3A_420 = arith.constant 0 : index
        %get3A_421 = tpu.vector_load %arg10[%get3A_418, %get3A_419, %get3A_420] {strides = array<i32>} : memref<2x128x128xf32, #tpu.memory_space<vmem>>, vector<1x1x16xf32>,
        %get3A_422 = vector.shape_cast %get3A_421 : vector<1x1x16xf32> to vector<16xf32>
        %add3A_423 = arith.addf %get3A_414, %get3A_422 : vector<16xf32>
        %max3A_424 = arith.maximumf %max3A_406, %add3A_423 : vector<16xf32>
        %add3A_425 = arith.constant 14 : i32
        %add3A_426 = arith.addi %mul3A_179, %add3A_425 : i32
        %get3A_427 = arith.constant 1 : i32
        %get3A_428 = arith.index_cast %get3A_427 : i32 to index
        %get3A_429 = arith.index_cast %add3A_426 : i32 to index
        %get3A_430 = arith.constant 0 : index
        %get3A_431 = tpu.vector_load %arg9[%get3A_428, %get3A_429, %get3A_430] {strides = array<i32>} : memref<2x128x128xf32, #tpu.memory_space<vmem>>, vector<1x1x16xf32>,
        %get3A_432 = vector.shape_cast %get3A_431 : vector<1x1x16xf32> to vector<16xf32>
        %add3A_433 = arith.constant 14 : i32
        %add3A_434 = arith.addi %mul3A_179, %add3A_433 : i32
        %get3A_435 = arith.constant 1 : i32
        %get3A_436 = arith.index_cast %get3A_435 : i32 to index
        %get3A_437 = arith.index_cast %add3A_434 : i32 to index
        %get3A_438 = arith.constant 0 : index
        %get3A_439 = tpu.vector_load %arg10[%get3A_436, %get3A_437, %get3A_438] {strides = array<i32>} : memref<2x128x128xf32, #tpu.memory_space<vmem>>, vector<1x1x16xf32>,
        %get3A_440 = vector.shape_cast %get3A_439 : vector<1x1x16xf32> to vector<16xf32>
        %add3A_441 = arith.addf %get3A_432, %get3A_440 : vector<16xf32>
        %max3A_442 = arith.maximumf %max3A_424, %add3A_441 : vector<16xf32>
        %add3A_443 = arith.constant 15 : i32
        %add3A_444 = arith.addi %mul3A_179, %add3A_443 : i32
        %get3A_445 = arith.constant 1 : i32
        %get3A_446 = arith.index_cast %get3A_445 : i32 to index
        %get3A_447 = arith.index_cast %add3A_444 : i32 to index
        %get3A_448 = arith.constant 0 : index
        %get3A_449 = tpu.vector_load %arg9[%get3A_446, %get3A_447, %get3A_448] {strides = array<i32>} : memref<2x128x128xf32, #tpu.memory_space<vmem>>, vector<1x1x16xf32>,
        %get3A_450 = vector.shape_cast %get3A_449 : vector<1x1x16xf32> to vector<16xf32>
        %add3A_451 = arith.constant 15 : i32
        %add3A_452 = arith.addi %mul3A_179, %add3A_451 : i32
        %get3A_453 = arith.constant 1 : i32
        %get3A_454 = arith.index_cast %get3A_453 : i32 to index
        %get3A_455 = arith.index_cast %add3A_452 : i32 to index
        %get3A_456 = arith.constant 0 : index
        %get3A_457 = tpu.vector_load %arg10[%get3A_454, %get3A_455, %get3A_456] {strides = array<i32>} : memref<2x128x128xf32, #tpu.memory_space<vmem>>, vector<1x1x16xf32>,
        %get3A_458 = vector.shape_cast %get3A_457 : vector<1x1x16xf32> to vector<16xf32>
        %add3A_459 = arith.addf %get3A_450, %get3A_458 : vector<16xf32>
        %max3A_460 = arith.maximumf %max3A_442, %add3A_459 : vector<16xf32>
        %max3A_461 = arith.constant 0.000000e+00 : f32
        %max3A_462 = vector.broadcast %max3A_461 : f32 to vector<16xf32>
        %max3A_463 = arith.maximumf %max3A_460, %max3A_462 : vector<16xf32>
        %swap3A = arith.constant 1 : i32
        %swap3A_464 = arith.index_cast %swap3A : i32 to index
        %swap3A_465 = arith.index_cast %scan3A_177 : i32 to index
        %swap3A_466 = arith.constant 0 : index
        %swap3A_467 = tpu.vector_load %arg11[%swap3A_464, %swap3A_465, %swap3A_466] {strides = array<i32>} : memref<2x8x128xf32, #tpu.memory_space<vmem>>, vector<1x1x16xf32>,
        %swap3A_468 = vector.shape_cast %swap3A_467 : vector<1x1x16xf32> to vector<16xf32>
        %swap3A_469 = vector.shape_cast %max3A_463 : vector<16xf32> to vector<1x1x16xf32>
        tpu.vector_store %arg11[%swap3A_464, %swap3A_465, %swap3A_466], %swap3A_469 {strides = array<i32>} : memref<2x8x128xf32, #tpu.memory_space<vmem>>, vector<1x1x16xf32>,
        %get3A_470 = arith.constant 1 : i32
        %get3A_471 = arith.index_cast %get3A_470 : i32 to index
        %get3A_472 = arith.index_cast %mul3A_179 : i32 to index
        %get3A_473 = arith.constant 16 : index
        %get3A_474 = tpu.vector_load %arg9[%get3A_471, %get3A_472, %get3A_473] {strides = array<i32>} : memref<2x128x128xf32, #tpu.memory_space<vmem>>, vector<1x1x16xf32>,
        %get3A_475 = vector.shape_cast %get3A_474 : vector<1x1x16xf32> to vector<16xf32>
        %get3A_476 = arith.constant 1 : i32
        %get3A_477 = arith.index_cast %get3A_476 : i32 to index
        %get3A_478 = arith.index_cast %mul3A_179 : i32 to index
        %get3A_479 = arith.constant 16 : index
        %get3A_480 = tpu.vector_load %arg10[%get3A_477, %get3A_478, %get3A_479] {strides = array<i32>} : memref<2x128x128xf32, #tpu.memory_space<vmem>>, vector<1x1x16xf32>,
        %get3A_481 = vector.shape_cast %get3A_480 : vector<1x1x16xf32> to vector<16xf32>
        %add3A_482 = arith.addf %get3A_475, %get3A_481 : vector<16xf32>
        %add3A_483 = arith.constant 1 : i32
        %add3A_484 = arith.addi %mul3A_179, %add3A_483 : i32
        %get3A_485 = arith.constant 1 : i32
        %get3A_486 = arith.index_cast %get3A_485 : i32 to index
        %get3A_487 = arith.index_cast %add3A_484 : i32 to index
        %get3A_488 = arith.constant 16 : index
        %get3A_489 = tpu.vector_load %arg9[%get3A_486, %get3A_487, %get3A_488] {strides = array<i32>} : memref<2x128x128xf32, #tpu.memory_space<vmem>>, vector<1x1x16xf32>,
        %get3A_490 = vector.shape_cast %get3A_489 : vector<1x1x16xf32> to vector<16xf32>
        %add3A_491 = arith.constant 1 : i32
        %add3A_492 = arith.addi %mul3A_179, %add3A_491 : i32
        %get3A_493 = arith.constant 1 : i32
        %get3A_494 = arith.index_cast %get3A_493 : i32 to index
        %get3A_495 = arith.index_cast %add3A_492 : i32 to index
        %get3A_496 = arith.constant 16 : index
        %get3A_497 = tpu.vector_load %arg10[%get3A_494, %get3A_495, %get3A_496] {strides = array<i32>} : memref<2x128x128xf32, #tpu.memory_space<vmem>>, vector<1x1x16xf32>,
        %get3A_498 = vector.shape_cast %get3A_497 : vector<1x1x16xf32> to vector<16xf32>
        %add3A_499 = arith.addf %get3A_490, %get3A_498 : vector<16xf32>
        %max3A_500 = arith.maximumf %add3A_482, %add3A_499 : vector<16xf32>
        %add3A_501 = arith.constant 2 : i32
        %add3A_502 = arith.addi %mul3A_179, %add3A_501 : i32
        %get3A_503 = arith.constant 1 : i32
        %get3A_504 = arith.index_cast %get3A_503 : i32 to index
        %get3A_505 = arith.index_cast %add3A_502 : i32 to index
        %get3A_506 = arith.constant 16 : index
        %get3A_507 = tpu.vector_load %arg9[%get3A_504, %get3A_505, %get3A_506] {strides = array<i32>} : memref<2x128x128xf32, #tpu.memory_space<vmem>>, vector<1x1x16xf32>,
        %get3A_508 = vector.shape_cast %get3A_507 : vector<1x1x16xf32> to vector<16xf32>
        %add3A_509 = arith.constant 2 : i32
        %add3A_510 = arith.addi %mul3A_179, %add3A_509 : i32
        %get3A_511 = arith.constant 1 : i32
        %get3A_512 = arith.index_cast %get3A_511 : i32 to index
        %get3A_513 = arith.index_cast %add3A_510 : i32 to index
        %get3A_514 = arith.constant 16 : index
        %get3A_515 = tpu.vector_load %arg10[%get3A_512, %get3A_513, %get3A_514] {strides = array<i32>} : memref<2x128x128xf32, #tpu.memory_space<vmem>>, vector<1x1x16xf32>,
        %get3A_516 = vector.shape_cast %get3A_515 : vector<1x1x16xf32> to vector<16xf32>
        %add3A_517 = arith.addf %get3A_508, %get3A_516 : vector<16xf32>
        %max3A_518 = arith.maximumf %max3A_500, %add3A_517 : vector<16xf32>
        %add3A_519 = arith.constant 3 : i32
        %add3A_520 = arith.addi %mul3A_179, %add3A_519 : i32
        %get3A_521 = arith.constant 1 : i32
        %get3A_522 = arith.index_cast %get3A_521 : i32 to index
        %get3A_523 = arith.index_cast %add3A_520 : i32 to index
        %get3A_524 = arith.constant 16 : index
        %get3A_525 = tpu.vector_load %arg9[%get3A_522, %get3A_523, %get3A_524] {strides = array<i32>} : memref<2x128x128xf32, #tpu.memory_space<vmem>>, vector<1x1x16xf32>,
        %get3A_526 = vector.shape_cast %get3A_525 : vector<1x1x16xf32> to vector<16xf32>
        %add3A_527 = arith.constant 3 : i32
        %add3A_528 = arith.addi %mul3A_179, %add3A_527 : i32
        %get3A_529 = arith.constant 1 : i32
        %get3A_530 = arith.index_cast %get3A_529 : i32 to index
        %get3A_531 = arith.index_cast %add3A_528 : i32 to index
        %get3A_532 = arith.constant 16 : index
        %get3A_533 = tpu.vector_load %arg10[%get3A_530, %get3A_531, %get3A_532] {strides = array<i32>} : memref<2x128x128xf32, #tpu.memory_space<vmem>>, vector<1x1x16xf32>,
        %get3A_534 = vector.shape_cast %get3A_533 : vector<1x1x16xf32> to vector<16xf32>
        %add3A_535 = arith.addf %get3A_526, %get3A_534 : vector<16xf32>
        %max3A_536 = arith.maximumf %max3A_518, %add3A_535 : vector<16xf32>
        %add3A_537 = arith.constant 4 : i32
        %add3A_538 = arith.addi %mul3A_179, %add3A_537 : i32
        %get3A_539 = arith.constant 1 : i32
        %get3A_540 = arith.index_cast %get3A_539 : i32 to index
        %get3A_541 = arith.index_cast %add3A_538 : i32 to index
        %get3A_542 = arith.constant 16 : index
        %get3A_543 = tpu.vector_load %arg9[%get3A_540, %get3A_541, %get3A_542] {strides = array<i32>} : memref<2x128x128xf32, #tpu.memory_space<vmem>>, vector<1x1x16xf32>,
        %get3A_544 = vector.shape_cast %get3A_543 : vector<1x1x16xf32> to vector<16xf32>
        %add3A_545 = arith.constant 4 : i32
        %add3A_546 = arith.addi %mul3A_179, %add3A_545 : i32
        %get3A_547 = arith.constant 1 : i32
        %get3A_548 = arith.index_cast %get3A_547 : i32 to index
        %get3A_549 = arith.index_cast %add3A_546 : i32 to index
        %get3A_550 = arith.constant 16 : index
        %get3A_551 = tpu.vector_load %arg10[%get3A_548, %get3A_549, %get3A_550] {strides = array<i32>} : memref<2x128x128xf32, #tpu.memory_space<vmem>>, vector<1x1x16xf32>,
        %get3A_552 = vector.shape_cast %get3A_551 : vector<1x1x16xf32> to vector<16xf32>
        %add3A_553 = arith.addf %get3A_544, %get3A_552 : vector<16xf32>
        %max3A_554 = arith.maximumf %max3A_536, %add3A_553 : vector<16xf32>
        %add3A_555 = arith.constant 5 : i32
        %add3A_556 = arith.addi %mul3A_179, %add3A_555 : i32
        %get3A_557 = arith.constant 1 : i32
        %get3A_558 = arith.index_cast %get3A_557 : i32 to index
        %get3A_559 = arith.index_cast %add3A_556 : i32 to index
        %get3A_560 = arith.constant 16 : index
        %get3A_561 = tpu.vector_load %arg9[%get3A_558, %get3A_559, %get3A_560] {strides = array<i32>} : memref<2x128x128xf32, #tpu.memory_space<vmem>>, vector<1x1x16xf32>,
        %get3A_562 = vector.shape_cast %get3A_561 : vector<1x1x16xf32> to vector<16xf32>
        %add3A_563 = arith.constant 5 : i32
        %add3A_564 = arith.addi %mul3A_179, %add3A_563 : i32
        %get3A_565 = arith.constant 1 : i32
        %get3A_566 = arith.index_cast %get3A_565 : i32 to index
        %get3A_567 = arith.index_cast %add3A_564 : i32 to index
        %get3A_568 = arith.constant 16 : index
        %get3A_569 = tpu.vector_load %arg10[%get3A_566, %get3A_567, %get3A_568] {strides = array<i32>} : memref<2x128x128xf32, #tpu.memory_space<vmem>>, vector<1x1x16xf32>,
        %get3A_570 = vector.shape_cast %get3A_569 : vector<1x1x16xf32> to vector<16xf32>
        %add3A_571 = arith.addf %get3A_562, %get3A_570 : vector<16xf32>
        %max3A_572 = arith.maximumf %max3A_554, %add3A_571 : vector<16xf32>
        %add3A_573 = arith.constant 6 : i32
        %add3A_574 = arith.addi %mul3A_179, %add3A_573 : i32
        %get3A_575 = arith.constant 1 : i32
        %get3A_576 = arith.index_cast %get3A_575 : i32 to index
        %get3A_577 = arith.index_cast %add3A_574 : i32 to index
        %get3A_578 = arith.constant 16 : index
        %get3A_579 = tpu.vector_load %arg9[%get3A_576, %get3A_577, %get3A_578] {strides = array<i32>} : memref<2x128x128xf32, #tpu.memory_space<vmem>>, vector<1x1x16xf32>,
        %get3A_580 = vector.shape_cast %get3A_579 : vector<1x1x16xf32> to vector<16xf32>
        %add3A_581 = arith.constant 6 : i32
        %add3A_582 = arith.addi %mul3A_179, %add3A_581 : i32
        %get3A_583 = arith.constant 1 : i32
        %get3A_584 = arith.index_cast %get3A_583 : i32 to index
        %get3A_585 = arith.index_cast %add3A_582 : i32 to index
        %get3A_586 = arith.constant 16 : index
        %get3A_587 = tpu.vector_load %arg10[%get3A_584, %get3A_585, %get3A_586] {strides = array<i32>} : memref<2x128x128xf32, #tpu.memory_space<vmem>>, vector<1x1x16xf32>,
        %get3A_588 = vector.shape_cast %get3A_587 : vector<1x1x16xf32> to vector<16xf32>
        %add3A_589 = arith.addf %get3A_580, %get3A_588 : vector<16xf32>
        %max3A_590 = arith.maximumf %max3A_572, %add3A_589 : vector<16xf32>
        %add3A_591 = arith.constant 7 : i32
        %add3A_592 = arith.addi %mul3A_179, %add3A_591 : i32
        %get3A_593 = arith.constant 1 : i32
        %get3A_594 = arith.index_cast %get3A_593 : i32 to index
        %get3A_595 = arith.index_cast %add3A_592 : i32 to index
        %get3A_596 = arith.constant 16 : index
        %get3A_597 = tpu.vector_load %arg9[%get3A_594, %get3A_595, %get3A_596] {strides = array<i32>} : memref<2x128x128xf32, #tpu.memory_space<vmem>>, vector<1x1x16xf32>,
        %get3A_598 = vector.shape_cast %get3A_597 : vector<1x1x16xf32> to vector<16xf32>
        %add3A_599 = arith.constant 7 : i32
        %add3A_600 = arith.addi %mul3A_179, %add3A_599 : i32
        %get3A_601 = arith.constant 1 : i32
        %get3A_602 = arith.index_cast %get3A_601 : i32 to index
        %get3A_603 = arith.index_cast %add3A_600 : i32 to index
        %get3A_604 = arith.constant 16 : index
        %get3A_605 = tpu.vector_load %arg10[%get3A_602, %get3A_603, %get3A_604] {strides = array<i32>} : memref<2x128x128xf32, #tpu.memory_space<vmem>>, vector<1x1x16xf32>,
        %get3A_606 = vector.shape_cast %get3A_605 : vector<1x1x16xf32> to vector<16xf32>
        %add3A_607 = arith.addf %get3A_598, %get3A_606 : vector<16xf32>
        %max3A_608 = arith.maximumf %max3A_590, %add3A_607 : vector<16xf32>
        %add3A_609 = arith.constant 8 : i32
        %add3A_610 = arith.addi %mul3A_179, %add3A_609 : i32
        %get3A_611 = arith.constant 1 : i32
        %get3A_612 = arith.index_cast %get3A_611 : i32 to index
        %get3A_613 = arith.index_cast %add3A_610 : i32 to index
        %get3A_614 = arith.constant 16 : index
        %get3A_615 = tpu.vector_load %arg9[%get3A_612, %get3A_613, %get3A_614] {strides = array<i32>} : memref<2x128x128xf32, #tpu.memory_space<vmem>>, vector<1x1x16xf32>,
        %get3A_616 = vector.shape_cast %get3A_615 : vector<1x1x16xf32> to vector<16xf32>
        %add3A_617 = arith.constant 8 : i32
        %add3A_618 = arith.addi %mul3A_179, %add3A_617 : i32
        %get3A_619 = arith.constant 1 : i32
        %get3A_620 = arith.index_cast %get3A_619 : i32 to index
        %get3A_621 = arith.index_cast %add3A_618 : i32 to index
        %get3A_622 = arith.constant 16 : index
        %get3A_623 = tpu.vector_load %arg10[%get3A_620, %get3A_621, %get3A_622] {strides = array<i32>} : memref<2x128x128xf32, #tpu.memory_space<vmem>>, vector<1x1x16xf32>,
        %get3A_624 = vector.shape_cast %get3A_623 : vector<1x1x16xf32> to vector<16xf32>
        %add3A_625 = arith.addf %get3A_616, %get3A_624 : vector<16xf32>
        %max3A_626 = arith.maximumf %max3A_608, %add3A_625 : vector<16xf32>
        %add3A_627 = arith.constant 9 : i32
        %add3A_628 = arith.addi %mul3A_179, %add3A_627 : i32
        %get3A_629 = arith.constant 1 : i32
        %get3A_630 = arith.index_cast %get3A_629 : i32 to index
        %get3A_631 = arith.index_cast %add3A_628 : i32 to index
        %get3A_632 = arith.constant 16 : index
        %get3A_633 = tpu.vector_load %arg9[%get3A_630, %get3A_631, %get3A_632] {strides = array<i32>} : memref<2x128x128xf32, #tpu.memory_space<vmem>>, vector<1x1x16xf32>,
        %get3A_634 = vector.shape_cast %get3A_633 : vector<1x1x16xf32> to vector<16xf32>
        %add3A_635 = arith.constant 9 : i32
        %add3A_636 = arith.addi %mul3A_179, %add3A_635 : i32
        %get3A_637 = arith.constant 1 : i32
        %get3A_638 = arith.index_cast %get3A_637 : i32 to index
        %get3A_639 = arith.index_cast %add3A_636 : i32 to index
        %get3A_640 = arith.constant 16 : index
        %get3A_641 = tpu.vector_load %arg10[%get3A_638, %get3A_639, %get3A_640] {strides = array<i32>} : memref<2x128x128xf32, #tpu.memory_space<vmem>>, vector<1x1x16xf32>,
        %get3A_642 = vector.shape_cast %get3A_641 : vector<1x1x16xf32> to vector<16xf32>
        %add3A_643 = arith.addf %get3A_634, %get3A_642 : vector<16xf32>
        %max3A_644 = arith.maximumf %max3A_626, %add3A_643 : vector<16xf32>
        %add3A_645 = arith.constant 10 : i32
        %add3A_646 = arith.addi %mul3A_179, %add3A_645 : i32
        %get3A_647 = arith.constant 1 : i32
        %get3A_648 = arith.index_cast %get3A_647 : i32 to index
        %get3A_649 = arith.index_cast %add3A_646 : i32 to index
        %get3A_650 = arith.constant 16 : index
        %get3A_651 = tpu.vector_load %arg9[%get3A_648, %get3A_649, %get3A_650] {strides = array<i32>} : memref<2x128x128xf32, #tpu.memory_space<vmem>>, vector<1x1x16xf32>,
        %get3A_652 = vector.shape_cast %get3A_651 : vector<1x1x16xf32> to vector<16xf32>
        %add3A_653 = arith.constant 10 : i32
        %add3A_654 = arith.addi %mul3A_179, %add3A_653 : i32
        %get3A_655 = arith.constant 1 : i32
        %get3A_656 = arith.index_cast %get3A_655 : i32 to index
        %get3A_657 = arith.index_cast %add3A_654 : i32 to index
        %get3A_658 = arith.constant 16 : index
        %get3A_659 = tpu.vector_load %arg10[%get3A_656, %get3A_657, %get3A_658] {strides = array<i32>} : memref<2x128x128xf32, #tpu.memory_space<vmem>>, vector<1x1x16xf32>,
        %get3A_660 = vector.shape_cast %get3A_659 : vector<1x1x16xf32> to vector<16xf32>
        %add3A_661 = arith.addf %get3A_652, %get3A_660 : vector<16xf32>
        %max3A_662 = arith.maximumf %max3A_644, %add3A_661 : vector<16xf32>
        %add3A_663 = arith.constant 11 : i32
        %add3A_664 = arith.addi %mul3A_179, %add3A_663 : i32
        %get3A_665 = arith.constant 1 : i32
        %get3A_666 = arith.index_cast %get3A_665 : i32 to index
        %get3A_667 = arith.index_cast %add3A_664 : i32 to index
        %get3A_668 = arith.constant 16 : index
        %get3A_669 = tpu.vector_load %arg9[%get3A_666, %get3A_667, %get3A_668] {strides = array<i32>} : memref<2x128x128xf32, #tpu.memory_space<vmem>>, vector<1x1x16xf32>,
        %get3A_670 = vector.shape_cast %get3A_669 : vector<1x1x16xf32> to vector<16xf32>
        %add3A_671 = arith.constant 11 : i32
        %add3A_672 = arith.addi %mul3A_179, %add3A_671 : i32
        %get3A_673 = arith.constant 1 : i32
        %get3A_674 = arith.index_cast %get3A_673 : i32 to index
        %get3A_675 = arith.index_cast %add3A_672 : i32 to index
        %get3A_676 = arith.constant 16 : index
        %get3A_677 = tpu.vector_load %arg10[%get3A_674, %get3A_675, %get3A_676] {strides = array<i32>} : memref<2x128x128xf32, #tpu.memory_space<vmem>>, vector<1x1x16xf32>,
        %get3A_678 = vector.shape_cast %get3A_677 : vector<1x1x16xf32> to vector<16xf32>
        %add3A_679 = arith.addf %get3A_670, %get3A_678 : vector<16xf32>
        %max3A_680 = arith.maximumf %max3A_662, %add3A_679 : vector<16xf32>
        %add3A_681 = arith.constant 12 : i32
        %add3A_682 = arith.addi %mul3A_179, %add3A_681 : i32
        %get3A_683 = arith.constant 1 : i32
        %get3A_684 = arith.index_cast %get3A_683 : i32 to index
        %get3A_685 = arith.index_cast %add3A_682 : i32 to index
        %get3A_686 = arith.constant 16 : index
        %get3A_687 = tpu.vector_load %arg9[%get3A_684, %get3A_685, %get3A_686] {strides = array<i32>} : memref<2x128x128xf32, #tpu.memory_space<vmem>>, vector<1x1x16xf32>,
        %get3A_688 = vector.shape_cast %get3A_687 : vector<1x1x16xf32> to vector<16xf32>
        %add3A_689 = arith.constant 12 : i32
        %add3A_690 = arith.addi %mul3A_179, %add3A_689 : i32
        %get3A_691 = arith.constant 1 : i32
        %get3A_692 = arith.index_cast %get3A_691 : i32 to index
        %get3A_693 = arith.index_cast %add3A_690 : i32 to index
        %get3A_694 = arith.constant 16 : index
        %get3A_695 = tpu.vector_load %arg10[%get3A_692, %get3A_693, %get3A_694] {strides = array<i32>} : memref<2x128x128xf32, #tpu.memory_space<vmem>>, vector<1x1x16xf32>,
        %get3A_696 = vector.shape_cast %get3A_695 : vector<1x1x16xf32> to vector<16xf32>
        %add3A_697 = arith.addf %get3A_688, %get3A_696 : vector<16xf32>
        %max3A_698 = arith.maximumf %max3A_680, %add3A_697 : vector<16xf32>
        %add3A_699 = arith.constant 13 : i32
        %add3A_700 = arith.addi %mul3A_179, %add3A_699 : i32
        %get3A_701 = arith.constant 1 : i32
        %get3A_702 = arith.index_cast %get3A_701 : i32 to index
        %get3A_703 = arith.index_cast %add3A_700 : i32 to index
        %get3A_704 = arith.constant 16 : index
        %get3A_705 = tpu.vector_load %arg9[%get3A_702, %get3A_703, %get3A_704] {strides = array<i32>} : memref<2x128x128xf32, #tpu.memory_space<vmem>>, vector<1x1x16xf32>,
        %get3A_706 = vector.shape_cast %get3A_705 : vector<1x1x16xf32> to vector<16xf32>
        %add3A_707 = arith.constant 13 : i32
        %add3A_708 = arith.addi %mul3A_179, %add3A_707 : i32
        %get3A_709 = arith.constant 1 : i32
        %get3A_710 = arith.index_cast %get3A_709 : i32 to index
        %get3A_711 = arith.index_cast %add3A_708 : i32 to index
        %get3A_712 = arith.constant 16 : index
        %get3A_713 = tpu.vector_load %arg10[%get3A_710, %get3A_711, %get3A_712] {strides = array<i32>} : memref<2x128x128xf32, #tpu.memory_space<vmem>>, vector<1x1x16xf32>,
        %get3A_714 = vector.shape_cast %get3A_713 : vector<1x1x16xf32> to vector<16xf32>
        %add3A_715 = arith.addf %get3A_706, %get3A_714 : vector<16xf32>
        %max3A_716 = arith.maximumf %max3A_698, %add3A_715 : vector<16xf32>
        %add3A_717 = arith.constant 14 : i32
        %add3A_718 = arith.addi %mul3A_179, %add3A_717 : i32
        %get3A_719 = arith.constant 1 : i32
        %get3A_720 = arith.index_cast %get3A_719 : i32 to index
        %get3A_721 = arith.index_cast %add3A_718 : i32 to index
        %get3A_722 = arith.constant 16 : index
        %get3A_723 = tpu.vector_load %arg9[%get3A_720, %get3A_721, %get3A_722] {strides = array<i32>} : memref<2x128x128xf32, #tpu.memory_space<vmem>>, vector<1x1x16xf32>,
        %get3A_724 = vector.shape_cast %get3A_723 : vector<1x1x16xf32> to vector<16xf32>
        %add3A_725 = arith.constant 14 : i32
        %add3A_726 = arith.addi %mul3A_179, %add3A_725 : i32
        %get3A_727 = arith.constant 1 : i32
        %get3A_728 = arith.index_cast %get3A_727 : i32 to index
        %get3A_729 = arith.index_cast %add3A_726 : i32 to index
        %get3A_730 = arith.constant 16 : index
        %get3A_731 = tpu.vector_load %arg10[%get3A_728, %get3A_729, %get3A_730] {strides = array<i32>} : memref<2x128x128xf32, #tpu.memory_space<vmem>>, vector<1x1x16xf32>,
        %get3A_732 = vector.shape_cast %get3A_731 : vector<1x1x16xf32> to vector<16xf32>
        %add3A_733 = arith.addf %get3A_724, %get3A_732 : vector<16xf32>
        %max3A_734 = arith.maximumf %max3A_716, %add3A_733 : vector<16xf32>
        %add3A_735 = arith.constant 15 : i32
        %add3A_736 = arith.addi %mul3A_179, %add3A_735 : i32
        %get3A_737 = arith.constant 1 : i32
        %get3A_738 = arith.index_cast %get3A_737 : i32 to index
        %get3A_739 = arith.index_cast %add3A_736 : i32 to index
        %get3A_740 = arith.constant 16 : index
        %get3A_741 = tpu.vector_load %arg9[%get3A_738, %get3A_739, %get3A_740] {strides = array<i32>} : memref<2x128x128xf32, #tpu.memory_space<vmem>>, vector<1x1x16xf32>,
        %get3A_742 = vector.shape_cast %get3A_741 : vector<1x1x16xf32> to vector<16xf32>
        %add3A_743 = arith.constant 15 : i32
        %add3A_744 = arith.addi %mul3A_179, %add3A_743 : i32
        %get3A_745 = arith.constant 1 : i32
        %get3A_746 = arith.index_cast %get3A_745 : i32 to index
        %get3A_747 = arith.index_cast %add3A_744 : i32 to index
        %get3A_748 = arith.constant 16 : index
        %get3A_749 = tpu.vector_load %arg10[%get3A_746, %get3A_747, %get3A_748] {strides = array<i32>} : memref<2x128x128xf32, #tpu.memory_space<vmem>>, vector<1x1x16xf32>,
        %get3A_750 = vector.shape_cast %get3A_749 : vector<1x1x16xf32> to vector<16xf32>
        %add3A_751 = arith.addf %get3A_742, %get3A_750 : vector<16xf32>
        %max3A_752 = arith.maximumf %max3A_734, %add3A_751 : vector<16xf32>
        %max3A_753 = arith.constant 0.000000e+00 : f32
        %max3A_754 = vector.broadcast %max3A_753 : f32 to vector<16xf32>
        %max3A_755 = arith.maximumf %max3A_752, %max3A_754 : vector<16xf32>
        %swap3A_756 = arith.constant 1 : i32
        %swap3A_757 = arith.index_cast %swap3A_756 : i32 to index
        %swap3A_758 = arith.index_cast %scan3A_177 : i32 to index
        %swap3A_759 = arith.constant 16 : index
        %swap3A_760 = tpu.vector_load %arg11[%swap3A_757, %swap3A_758, %swap3A_759] {strides = array<i32>} : memref<2x8x128xf32, #tpu.memory_space<vmem>>, vector<1x1x16xf32>,
        %swap3A_761 = vector.shape_cast %swap3A_760 : vector<1x1x16xf32> to vector<16xf32>
        %swap3A_762 = vector.shape_cast %max3A_755 : vector<16xf32> to vector<1x1x16xf32>
        tpu.vector_store %arg11[%swap3A_757, %swap3A_758, %swap3A_759], %swap3A_762 {strides = array<i32>} : memref<2x8x128xf32, #tpu.memory_space<vmem>>, vector<1x1x16xf32>,
        %get3A_763 = arith.constant 1 : i32
        %get3A_764 = arith.index_cast %get3A_763 : i32 to index
        %get3A_765 = arith.index_cast %mul3A_179 : i32 to index
        %get3A_766 = arith.constant 32 : index
        %get3A_767 = tpu.vector_load %arg9[%get3A_764, %get3A_765, %get3A_766] {strides = array<i32>} : memref<2x128x128xf32, #tpu.memory_space<vmem>>, vector<1x1x16xf32>,
        %get3A_768 = vector.shape_cast %get3A_767 : vector<1x1x16xf32> to vector<16xf32>
        %get3A_769 = arith.constant 1 : i32
        %get3A_770 = arith.index_cast %get3A_769 : i32 to index
        %get3A_771 = arith.index_cast %mul3A_179 : i32 to index
        %get3A_772 = arith.constant 32 : index
        %get3A_773 = tpu.vector_load %arg10[%get3A_770, %get3A_771, %get3A_772] {strides = array<i32>} : memref<2x128x128xf32, #tpu.memory_space<vmem>>, vector<1x1x16xf32>,
        %get3A_774 = vector.shape_cast %get3A_773 : vector<1x1x16xf32> to vector<16xf32>
        %add3A_775 = arith.addf %get3A_768, %get3A_774 : vector<16xf32>
        %add3A_776 = arith.constant 1 : i32
        %add3A_777 = arith.addi %mul3A_179, %add3A_776 : i32
        %get3A_778 = arith.constant 1 : i32
        %get3A_779 = arith.index_cast %get3A_778 : i32 to index
        %get3A_780 = arith.index_cast %add3A_777 : i32 to index
        %get3A_781 = arith.constant 32 : index
        %get3A_782 = tpu.vector_load %arg9[%get3A_779, %get3A_780, %get3A_781] {strides = array<i32>} : memref<2x128x128xf32, #tpu.memory_space<vmem>>, vector<1x1x16xf32>,
        %get3A_783 = vector.shape_cast %get3A_782 : vector<1x1x16xf32> to vector<16xf32>
        %add3A_784 = arith.constant 1 : i32
        %add3A_785 = arith.addi %mul3A_179, %add3A_784 : i32
        %get3A_786 = arith.constant 1 : i32
        %get3A_787 = arith.index_cast %get3A_786 : i32 to index
        %get3A_788 = arith.index_cast %add3A_785 : i32 to index
        %get3A_789 = arith.constant 32 : index
        %get3A_790 = tpu.vector_load %arg10[%get3A_787, %get3A_788, %get3A_789] {strides = array<i32>} : memref<2x128x128xf32, #tpu.memory_space<vmem>>, vector<1x1x16xf32>,
        %get3A_791 = vector.shape_cast %get3A_790 : vector<1x1x16xf32> to vector<16xf32>
        %add3A_792 = arith.addf %get3A_783, %get3A_791 : vector<16xf32>
        %max3A_793 = arith.maximumf %add3A_775, %add3A_792 : vector<16xf32>
        %add3A_794 = arith.constant 2 : i32
        %add3A_795 = arith.addi %mul3A_179, %add3A_794 : i32
        %get3A_796 = arith.constant 1 : i32
        %get3A_797 = arith.index_cast %get3A_796 : i32 to index
        %get3A_798 = arith.index_cast %add3A_795 : i32 to index
        %get3A_799 = arith.constant 32 : index
        %get3A_800 = tpu.vector_load %arg9[%get3A_797, %get3A_798, %get3A_799] {strides = array<i32>} : memref<2x128x128xf32, #tpu.memory_space<vmem>>, vector<1x1x16xf32>,
        %get3A_801 = vector.shape_cast %get3A_800 : vector<1x1x16xf32> to vector<16xf32>
        %add3A_802 = arith.constant 2 : i32
        %add3A_803 = arith.addi %mul3A_179, %add3A_802 : i32
        %get3A_804 = arith.constant 1 : i32
        %get3A_805 = arith.index_cast %get3A_804 : i32 to index
        %get3A_806 = arith.index_cast %add3A_803 : i32 to index
        %get3A_807 = arith.constant 32 : index
        %get3A_808 = tpu.vector_load %arg10[%get3A_805, %get3A_806, %get3A_807] {strides = array<i32>} : memref<2x128x128xf32, #tpu.memory_space<vmem>>, vector<1x1x16xf32>,
        %get3A_809 = vector.shape_cast %get3A_808 : vector<1x1x16xf32> to vector<16xf32>
        %add3A_810 = arith.addf %get3A_801, %get3A_809 : vector<16xf32>
        %max3A_811 = arith.maximumf %max3A_793, %add3A_810 : vector<16xf32>
        %add3A_812 = arith.constant 3 : i32
        %add3A_813 = arith.addi %mul3A_179, %add3A_812 : i32
        %get3A_814 = arith.constant 1 : i32
        %get3A_815 = arith.index_cast %get3A_814 : i32 to index
        %get3A_816 = arith.index_cast %add3A_813 : i32 to index
        %get3A_817 = arith.constant 32 : index
        %get3A_818 = tpu.vector_load %arg9[%get3A_815, %get3A_816, %get3A_817] {strides = array<i32>} : memref<2x128x128xf32, #tpu.memory_space<vmem>>, vector<1x1x16xf32>,
        %get3A_819 = vector.shape_cast %get3A_818 : vector<1x1x16xf32> to vector<16xf32>
        %add3A_820 = arith.constant 3 : i32
        %add3A_821 = arith.addi %mul3A_179, %add3A_820 : i32
        %get3A_822 = arith.constant 1 : i32
        %get3A_823 = arith.index_cast %get3A_822 : i32 to index
        %get3A_824 = arith.index_cast %add3A_821 : i32 to index
        %get3A_825 = arith.constant 32 : index
        %get3A_826 = tpu.vector_load %arg10[%get3A_823, %get3A_824, %get3A_825] {strides = array<i32>} : memref<2x128x128xf32, #tpu.memory_space<vmem>>, vector<1x1x16xf32>,
        %get3A_827 = vector.shape_cast %get3A_826 : vector<1x1x16xf32> to vector<16xf32>
        %add3A_828 = arith.addf %get3A_819, %get3A_827 : vector<16xf32>
        %max3A_829 = arith.maximumf %max3A_811, %add3A_828 : vector<16xf32>
        %add3A_830 = arith.constant 4 : i32
        %add3A_831 = arith.addi %mul3A_179, %add3A_830 : i32
        %get3A_832 = arith.constant 1 : i32
        %get3A_833 = arith.index_cast %get3A_832 : i32 to index
        %get3A_834 = arith.index_cast %add3A_831 : i32 to index
        %get3A_835 = arith.constant 32 : index
        %get3A_836 = tpu.vector_load %arg9[%get3A_833, %get3A_834, %get3A_835] {strides = array<i32>} : memref<2x128x128xf32, #tpu.memory_space<vmem>>, vector<1x1x16xf32>,
        %get3A_837 = vector.shape_cast %get3A_836 : vector<1x1x16xf32> to vector<16xf32>
        %add3A_838 = arith.constant 4 : i32
        %add3A_839 = arith.addi %mul3A_179, %add3A_838 : i32
        %get3A_840 = arith.constant 1 : i32
        %get3A_841 = arith.index_cast %get3A_840 : i32 to index
        %get3A_842 = arith.index_cast %add3A_839 : i32 to index
        %get3A_843 = arith.constant 32 : index
        %get3A_844 = tpu.vector_load %arg10[%get3A_841, %get3A_842, %get3A_843] {strides = array<i32>} : memref<2x128x128xf32, #tpu.memory_space<vmem>>, vector<1x1x16xf32>,
        %get3A_845 = vector.shape_cast %get3A_844 : vector<1x1x16xf32> to vector<16xf32>
        %add3A_846 = arith.addf %get3A_837, %get3A_845 : vector<16xf32>
        %max3A_847 = arith.maximumf %max3A_829, %add3A_846 : vector<16xf32>
        %add3A_848 = arith.constant 5 : i32
        %add3A_849 = arith.addi %mul3A_179, %add3A_848 : i32
        %get3A_850 = arith.constant 1 : i32
        %get3A_851 = arith.index_cast %get3A_850 : i32 to index
        %get3A_852 = arith.index_cast %add3A_849 : i32 to index
        %get3A_853 = arith.constant 32 : index
        %get3A_854 = tpu.vector_load %arg9[%get3A_851, %get3A_852, %get3A_853] {strides = array<i32>} : memref<2x128x128xf32, #tpu.memory_space<vmem>>, vector<1x1x16xf32>,
        %get3A_855 = vector.shape_cast %get3A_854 : vector<1x1x16xf32> to vector<16xf32>
        %add3A_856 = arith.constant 5 : i32
        %add3A_857 = arith.addi %mul3A_179, %add3A_856 : i32
        %get3A_858 = arith.constant 1 : i32
        %get3A_859 = arith.index_cast %get3A_858 : i32 to index
        %get3A_860 = arith.index_cast %add3A_857 : i32 to index
        %get3A_861 = arith.constant 32 : index
        %get3A_862 = tpu.vector_load %arg10[%get3A_859, %get3A_860, %get3A_861] {strides = array<i32>} : memref<2x128x128xf32, #tpu.memory_space<vmem>>, vector<1x1x16xf32>,
        %get3A_863 = vector.shape_cast %get3A_862 : vector<1x1x16xf32> to vector<16xf32>
        %add3A_864 = arith.addf %get3A_855, %get3A_863 : vector<16xf32>
        %max3A_865 = arith.maximumf %max3A_847, %add3A_864 : vector<16xf32>
        %add3A_866 = arith.constant 6 : i32
        %add3A_867 = arith.addi %mul3A_179, %add3A_866 : i32
        %get3A_868 = arith.constant 1 : i32
        %get3A_869 = arith.index_cast %get3A_868 : i32 to index
        %get3A_870 = arith.index_cast %add3A_867 : i32 to index
        %get3A_871 = arith.constant 32 : index
        %get3A_872 = tpu.vector_load %arg9[%get3A_869, %get3A_870, %get3A_871] {strides = array<i32>} : memref<2x128x128xf32, #tpu.memory_space<vmem>>, vector<1x1x16xf32>,
        %get3A_873 = vector.shape_cast %get3A_872 : vector<1x1x16xf32> to vector<16xf32>
        %add3A_874 = arith.constant 6 : i32
        %add3A_875 = arith.addi %mul3A_179, %add3A_874 : i32
        %get3A_876 = arith.constant 1 : i32
        %get3A_877 = arith.index_cast %get3A_876 : i32 to index
        %get3A_878 = arith.index_cast %add3A_875 : i32 to index
        %get3A_879 = arith.constant 32 : index
        %get3A_880 = tpu.vector_load %arg10[%get3A_877, %get3A_878, %get3A_879] {strides = array<i32>} : memref<2x128x128xf32, #tpu.memory_space<vmem>>, vector<1x1x16xf32>,
        %get3A_881 = vector.shape_cast %get3A_880 : vector<1x1x16xf32> to vector<16xf32>
        %add3A_882 = arith.addf %get3A_873, %get3A_881 : vector<16xf32>
        %max3A_883 = arith.maximumf %max3A_865, %add3A_882 : vector<16xf32>
        %add3A_884 = arith.constant 7 : i32
        %add3A_885 = arith.addi %mul3A_179, %add3A_884 : i32
        %get3A_886 = arith.constant 1 : i32
        %get3A_887 = arith.index_cast %get3A_886 : i32 to index
        %get3A_888 = arith.index_cast %add3A_885 : i32 to index
        %get3A_889 = arith.constant 32 : index
        %get3A_890 = tpu.vector_load %arg9[%get3A_887, %get3A_888, %get3A_889] {strides = array<i32>} : memref<2x128x128xf32, #tpu.memory_space<vmem>>, vector<1x1x16xf32>,
        %get3A_891 = vector.shape_cast %get3A_890 : vector<1x1x16xf32> to vector<16xf32>
        %add3A_892 = arith.constant 7 : i32
        %add3A_893 = arith.addi %mul3A_179, %add3A_892 : i32
        %get3A_894 = arith.constant 1 : i32
        %get3A_895 = arith.index_cast %get3A_894 : i32 to index
        %get3A_896 = arith.index_cast %add3A_893 : i32 to index
        %get3A_897 = arith.constant 32 : index
        %get3A_898 = tpu.vector_load %arg10[%get3A_895, %get3A_896, %get3A_897] {strides = array<i32>} : memref<2x128x128xf32, #tpu.memory_space<vmem>>, vector<1x1x16xf32>,
        %get3A_899 = vector.shape_cast %get3A_898 : vector<1x1x16xf32> to vector<16xf32>
        %add3A_900 = arith.addf %get3A_891, %get3A_899 : vector<16xf32>
        %max3A_901 = arith.maximumf %max3A_883, %add3A_900 : vector<16xf32>
        %add3A_902 = arith.constant 8 : i32
        %add3A_903 = arith.addi %mul3A_179, %add3A_902 : i32
        %get3A_904 = arith.constant 1 : i32
        %get3A_905 = arith.index_cast %get3A_904 : i32 to index
        %get3A_906 = arith.index_cast %add3A_903 : i32 to index
        %get3A_907 = arith.constant 32 : index
        %get3A_908 = tpu.vector_load %arg9[%get3A_905, %get3A_906, %get3A_907] {strides = array<i32>} : memref<2x128x128xf32, #tpu.memory_space<vmem>>, vector<1x1x16xf32>,
        %get3A_909 = vector.shape_cast %get3A_908 : vector<1x1x16xf32> to vector<16xf32>
        %add3A_910 = arith.constant 8 : i32
        %add3A_911 = arith.addi %mul3A_179, %add3A_910 : i32
        %get3A_912 = arith.constant 1 : i32
        %get3A_913 = arith.index_cast %get3A_912 : i32 to index
        %get3A_914 = arith.index_cast %add3A_911 : i32 to index
        %get3A_915 = arith.constant 32 : index
        %get3A_916 = tpu.vector_load %arg10[%get3A_913, %get3A_914, %get3A_915] {strides = array<i32>} : memref<2x128x128xf32, #tpu.memory_space<vmem>>, vector<1x1x16xf32>,
        %get3A_917 = vector.shape_cast %get3A_916 : vector<1x1x16xf32> to vector<16xf32>
        %add3A_918 = arith.addf %get3A_909, %get3A_917 : vector<16xf32>
        %max3A_919 = arith.maximumf %max3A_901, %add3A_918 : vector<16xf32>
        %add3A_920 = arith.constant 9 : i32
        %add3A_921 = arith.addi %mul3A_179, %add3A_920 : i32
        %get3A_922 = arith.constant 1 : i32
        %get3A_923 = arith.index_cast %get3A_922 : i32 to index
        %get3A_924 = arith.index_cast %add3A_921 : i32 to index
        %get3A_925 = arith.constant 32 : index
        %get3A_926 = tpu.vector_load %arg9[%get3A_923, %get3A_924, %get3A_925] {strides = array<i32>} : memref<2x128x128xf32, #tpu.memory_space<vmem>>, vector<1x1x16xf32>,
        %get3A_927 = vector.shape_cast %get3A_926 : vector<1x1x16xf32> to vector<16xf32>
        %add3A_928 = arith.constant 9 : i32
        %add3A_929 = arith.addi %mul3A_179, %add3A_928 : i32
        %get3A_930 = arith.constant 1 : i32
        %get3A_931 = arith.index_cast %get3A_930 : i32 to index
        %get3A_932 = arith.index_cast %add3A_929 : i32 to index
        %get3A_933 = arith.constant 32 : index
        %get3A_934 = tpu.vector_load %arg10[%get3A_931, %get3A_932, %get3A_933] {strides = array<i32>} : memref<2x128x128xf32, #tpu.memory_space<vmem>>, vector<1x1x16xf32>,
        %get3A_935 = vector.shape_cast %get3A_934 : vector<1x1x16xf32> to vector<16xf32>
        %add3A_936 = arith.addf %get3A_927, %get3A_935 : vector<16xf32>
        %max3A_937 = arith.maximumf %max3A_919, %add3A_936 : vector<16xf32>
        %add3A_938 = arith.constant 10 : i32
        %add3A_939 = arith.addi %mul3A_179, %add3A_938 : i32
        %get3A_940 = arith.constant 1 : i32
        %get3A_941 = arith.index_cast %get3A_940 : i32 to index
        %get3A_942 = arith.index_cast %add3A_939 : i32 to index
        %get3A_943 = arith.constant 32 : index
        %get3A_944 = tpu.vector_load %arg9[%get3A_941, %get3A_942, %get3A_943] {strides = array<i32>} : memref<2x128x128xf32, #tpu.memory_space<vmem>>, vector<1x1x16xf32>,
        %get3A_945 = vector.shape_cast %get3A_944 : vector<1x1x16xf32> to vector<16xf32>
        %add3A_946 = arith.constant 10 : i32
        %add3A_947 = arith.addi %mul3A_179, %add3A_946 : i32
        %get3A_948 = arith.constant 1 : i32
        %get3A_949 = arith.index_cast %get3A_948 : i32 to index
        %get3A_950 = arith.index_cast %add3A_947 : i32 to index
        %get3A_951 = arith.constant 32 : index
        %get3A_952 = tpu.vector_load %arg10[%get3A_949, %get3A_950, %get3A_951] {strides = array<i32>} : memref<2x128x128xf32, #tpu.memory_space<vmem>>, vector<1x1x16xf32>,
        %get3A_953 = vector.shape_cast %get3A_952 : vector<1x1x16xf32> to vector<16xf32>
        %add3A_954 = arith.addf %get3A_945, %get3A_953 : vector<16xf32>
        %max3A_955 = arith.maximumf %max3A_937, %add3A_954 : vector<16xf32>
        %add3A_956 = arith.constant 11 : i32
        %add3A_957 = arith.addi %mul3A_179, %add3A_956 : i32
        %get3A_958 = arith.constant 1 : i32
        %get3A_959 = arith.index_cast %get3A_958 : i32 to index
        %get3A_960 = arith.index_cast %add3A_957 : i32 to index
        %get3A_961 = arith.constant 32 : index
        %get3A_962 = tpu.vector_load %arg9[%get3A_959, %get3A_960, %get3A_961] {strides = array<i32>} : memref<2x128x128xf32, #tpu.memory_space<vmem>>, vector<1x1x16xf32>,
        %get3A_963 = vector.shape_cast %get3A_962 : vector<1x1x16xf32> to vector<16xf32>
        %add3A_964 = arith.constant 11 : i32
        %add3A_965 = arith.addi %mul3A_179, %add3A_964 : i32
        %get3A_966 = arith.constant 1 : i32
        %get3A_967 = arith.index_cast %get3A_966 : i32 to index
        %get3A_968 = arith.index_cast %add3A_965 : i32 to index
        %get3A_969 = arith.constant 32 : index
        %get3A_970 = tpu.vector_load %arg10[%get3A_967, %get3A_968, %get3A_969] {strides = array<i32>} : memref<2x128x128xf32, #tpu.memory_space<vmem>>, vector<1x1x16xf32>,
        %get3A_971 = vector.shape_cast %get3A_970 : vector<1x1x16xf32> to vector<16xf32>
        %add3A_972 = arith.addf %get3A_963, %get3A_971 : vector<16xf32>
        %max3A_973 = arith.maximumf %max3A_955, %add3A_972 : vector<16xf32>
        %add3A_974 = arith.constant 12 : i32
        %add3A_975 = arith.addi %mul3A_179, %add3A_974 : i32
        %get3A_976 = arith.constant 1 : i32
        %get3A_977 = arith.index_cast %get3A_976 : i32 to index
        %get3A_978 = arith.index_cast %add3A_975 : i32 to index
        %get3A_979 = arith.constant 32 : index
        %get3A_980 = tpu.vector_load %arg9[%get3A_977, %get3A_978, %get3A_979] {strides = array<i32>} : memref<2x128x128xf32, #tpu.memory_space<vmem>>, vector<1x1x16xf32>,
        %get3A_981 = vector.shape_cast %get3A_980 : vector<1x1x16xf32> to vector<16xf32>
        %add3A_982 = arith.constant 12 : i32
        %add3A_983 = arith.addi %mul3A_179, %add3A_982 : i32
        %get3A_984 = arith.constant 1 : i32
        %get3A_985 = arith.index_cast %get3A_984 : i32 to index
        %get3A_986 = arith.index_cast %add3A_983 : i32 to index
        %get3A_987 = arith.constant 32 : index
        %get3A_988 = tpu.vector_load %arg10[%get3A_985, %get3A_986, %get3A_987] {strides = array<i32>} : memref<2x128x128xf32, #tpu.memory_space<vmem>>, vector<1x1x16xf32>,
        %get3A_989 = vector.shape_cast %get3A_988 : vector<1x1x16xf32> to vector<16xf32>
        %add3A_990 = arith.addf %get3A_981, %get3A_989 : vector<16xf32>
        %max3A_991 = arith.maximumf %max3A_973, %add3A_990 : vector<16xf32>
        %add3A_992 = arith.constant 13 : i32
        %add3A_993 = arith.addi %mul3A_179, %add3A_992 : i32
        %get3A_994 = arith.constant 1 : i32
        %get3A_995 = arith.index_cast %get3A_994 : i32 to index
        %get3A_996 = arith.index_cast %add3A_993 : i32 to index
        %get3A_997 = arith.constant 32 : index
        %get3A_998 = tpu.vector_load %arg9[%get3A_995, %get3A_996, %get3A_997] {strides = array<i32>} : memref<2x128x128xf32, #tpu.memory_space<vmem>>, vector<1x1x16xf32>,
        %get3A_999 = vector.shape_cast %get3A_998 : vector<1x1x16xf32> to vector<16xf32>
        %add3A_1000 = arith.constant 13 : i32
        %add3A_1001 = arith.addi %mul3A_179, %add3A_1000 : i32
        %get3A_1002 = arith.constant 1 : i32
        %get3A_1003 = arith.index_cast %get3A_1002 : i32 to index
        %get3A_1004 = arith.index_cast %add3A_1001 : i32 to index
        %get3A_1005 = arith.constant 32 : index
        %get3A_1006 = tpu.vector_load %arg10[%get3A_1003, %get3A_1004, %get3A_1005] {strides = array<i32>} : memref<2x128x128xf32, #tpu.memory_space<vmem>>, vector<1x1x16xf32>,
        %get3A_1007 = vector.shape_cast %get3A_1006 : vector<1x1x16xf32> to vector<16xf32>
        %add3A_1008 = arith.addf %get3A_999, %get3A_1007 : vector<16xf32>
        %max3A_1009 = arith.maximumf %max3A_991, %add3A_1008 : vector<16xf32>
        %add3A_1010 = arith.constant 14 : i32
        %add3A_1011 = arith.addi %mul3A_179, %add3A_1010 : i32
        %get3A_1012 = arith.constant 1 : i32
        %get3A_1013 = arith.index_cast %get3A_1012 : i32 to index
        %get3A_1014 = arith.index_cast %add3A_1011 : i32 to index
        %get3A_1015 = arith.constant 32 : index
        %get3A_1016 = tpu.vector_load %arg9[%get3A_1013, %get3A_1014, %get3A_1015] {strides = array<i32>} : memref<2x128x128xf32, #tpu.memory_space<vmem>>, vector<1x1x16xf32>,
        %get3A_1017 = vector.shape_cast %get3A_1016 : vector<1x1x16xf32> to vector<16xf32>
        %add3A_1018 = arith.constant 14 : i32
        %add3A_1019 = arith.addi %mul3A_179, %add3A_1018 : i32
        %get3A_1020 = arith.constant 1 : i32
        %get3A_1021 = arith.index_cast %get3A_1020 : i32 to index
        %get3A_1022 = arith.index_cast %add3A_1019 : i32 to index
        %get3A_1023 = arith.constant 32 : index
        %get3A_1024 = tpu.vector_load %arg10[%get3A_1021, %get3A_1022, %get3A_1023] {strides = array<i32>} : memref<2x128x128xf32, #tpu.memory_space<vmem>>, vector<1x1x16xf32>,
        %get3A_1025 = vector.shape_cast %get3A_1024 : vector<1x1x16xf32> to vector<16xf32>
        %add3A_1026 = arith.addf %get3A_1017, %get3A_1025 : vector<16xf32>
        %max3A_1027 = arith.maximumf %max3A_1009, %add3A_1026 : vector<16xf32>
        %add3A_1028 = arith.constant 15 : i32
        %add3A_1029 = arith.addi %mul3A_179, %add3A_1028 : i32
        %get3A_1030 = arith.constant 1 : i32
        %get3A_1031 = arith.index_cast %get3A_1030 : i32 to index
        %get3A_1032 = arith.index_cast %add3A_1029 : i32 to index
        %get3A_1033 = arith.constant 32 : index
        %get3A_1034 = tpu.vector_load %arg9[%get3A_1031, %get3A_1032, %get3A_1033] {strides = array<i32>} : memref<2x128x128xf32, #tpu.memory_space<vmem>>, vector<1x1x16xf32>,
        %get3A_1035 = vector.shape_cast %get3A_1034 : vector<1x1x16xf32> to vector<16xf32>
        %add3A_1036 = arith.constant 15 : i32
        %add3A_1037 = arith.addi %mul3A_179, %add3A_1036 : i32
        %get3A_1038 = arith.constant 1 : i32
        %get3A_1039 = arith.index_cast %get3A_1038 : i32 to index
        %get3A_1040 = arith.index_cast %add3A_1037 : i32 to index
        %get3A_1041 = arith.constant 32 : index
        %get3A_1042 = tpu.vector_load %arg10[%get3A_1039, %get3A_1040, %get3A_1041] {strides = array<i32>} : memref<2x128x128xf32, #tpu.memory_space<vmem>>, vector<1x1x16xf32>,
        %get3A_1043 = vector.shape_cast %get3A_1042 : vector<1x1x16xf32> to vector<16xf32>
        %add3A_1044 = arith.addf %get3A_1035, %get3A_1043 : vector<16xf32>
        %max3A_1045 = arith.maximumf %max3A_1027, %add3A_1044 : vector<16xf32>
        %max3A_1046 = arith.constant 0.000000e+00 : f32
        %max3A_1047 = vector.broadcast %max3A_1046 : f32 to vector<16xf32>
        %max3A_1048 = arith.maximumf %max3A_1045, %max3A_1047 : vector<16xf32>
        %swap3A_1049 = arith.constant 1 : i32
        %swap3A_1050 = arith.index_cast %swap3A_1049 : i32 to index
        %swap3A_1051 = arith.index_cast %scan3A_177 : i32 to index
        %swap3A_1052 = arith.constant 32 : index
        %swap3A_1053 = tpu.vector_load %arg11[%swap3A_1050, %swap3A_1051, %swap3A_1052] {strides = array<i32>} : memref<2x8x128xf32, #tpu.memory_space<vmem>>, vector<1x1x16xf32>,
        %swap3A_1054 = vector.shape_cast %swap3A_1053 : vector<1x1x16xf32> to vector<16xf32>
        %swap3A_1055 = vector.shape_cast %max3A_1048 : vector<16xf32> to vector<1x1x16xf32>
        tpu.vector_store %arg11[%swap3A_1050, %swap3A_1051, %swap3A_1052], %swap3A_1055 {strides = array<i32>} : memref<2x8x128xf32, #tpu.memory_space<vmem>>, vector<1x1x16xf32>,
        %get3A_1056 = arith.constant 1 : i32
        %get3A_1057 = arith.index_cast %get3A_1056 : i32 to index
        %get3A_1058 = arith.index_cast %mul3A_179 : i32 to index
        %get3A_1059 = arith.constant 48 : index
        %get3A_1060 = tpu.vector_load %arg9[%get3A_1057, %get3A_1058, %get3A_1059] {strides = array<i32>} : memref<2x128x128xf32, #tpu.memory_space<vmem>>, vector<1x1x16xf32>,
        %get3A_1061 = vector.shape_cast %get3A_1060 : vector<1x1x16xf32> to vector<16xf32>
        %get3A_1062 = arith.constant 1 : i32
        %get3A_1063 = arith.index_cast %get3A_1062 : i32 to index
        %get3A_1064 = arith.index_cast %mul3A_179 : i32 to index
        %get3A_1065 = arith.constant 48 : index
        %get3A_1066 = tpu.vector_load %arg10[%get3A_1063, %get3A_1064, %get3A_1065] {strides = array<i32>} : memref<2x128x128xf32, #tpu.memory_space<vmem>>, vector<1x1x16xf32>,
        %get3A_1067 = vector.shape_cast %get3A_1066 : vector<1x1x16xf32> to vector<16xf32>
        %add3A_1068 = arith.addf %get3A_1061, %get3A_1067 : vector<16xf32>
        %add3A_1069 = arith.constant 1 : i32
        %add3A_1070 = arith.addi %mul3A_179, %add3A_1069 : i32
        %get3A_1071 = arith.constant 1 : i32
        %get3A_1072 = arith.index_cast %get3A_1071 : i32 to index
        %get3A_1073 = arith.index_cast %add3A_1070 : i32 to index
        %get3A_1074 = arith.constant 48 : index
        %get3A_1075 = tpu.vector_load %arg9[%get3A_1072, %get3A_1073, %get3A_1074] {strides = array<i32>} : memref<2x128x128xf32, #tpu.memory_space<vmem>>, vector<1x1x16xf32>,
        %get3A_1076 = vector.shape_cast %get3A_1075 : vector<1x1x16xf32> to vector<16xf32>
        %add3A_1077 = arith.constant 1 : i32
        %add3A_1078 = arith.addi %mul3A_179, %add3A_1077 : i32
        %get3A_1079 = arith.constant 1 : i32
        %get3A_1080 = arith.index_cast %get3A_1079 : i32 to index
        %get3A_1081 = arith.index_cast %add3A_1078 : i32 to index
        %get3A_1082 = arith.constant 48 : index
        %get3A_1083 = tpu.vector_load %arg10[%get3A_1080, %get3A_1081, %get3A_1082] {strides = array<i32>} : memref<2x128x128xf32, #tpu.memory_space<vmem>>, vector<1x1x16xf32>,
        %get3A_1084 = vector.shape_cast %get3A_1083 : vector<1x1x16xf32> to vector<16xf32>
        %add3A_1085 = arith.addf %get3A_1076, %get3A_1084 : vector<16xf32>
        %max3A_1086 = arith.maximumf %add3A_1068, %add3A_1085 : vector<16xf32>
        %add3A_1087 = arith.constant 2 : i32
        %add3A_1088 = arith.addi %mul3A_179, %add3A_1087 : i32
        %get3A_1089 = arith.constant 1 : i32
        %get3A_1090 = arith.index_cast %get3A_1089 : i32 to index
        %get3A_1091 = arith.index_cast %add3A_1088 : i32 to index
        %get3A_1092 = arith.constant 48 : index
        %get3A_1093 = tpu.vector_load %arg9[%get3A_1090, %get3A_1091, %get3A_1092] {strides = array<i32>} : memref<2x128x128xf32, #tpu.memory_space<vmem>>, vector<1x1x16xf32>,
        %get3A_1094 = vector.shape_cast %get3A_1093 : vector<1x1x16xf32> to vector<16xf32>
        %add3A_1095 = arith.constant 2 : i32
        %add3A_1096 = arith.addi %mul3A_179, %add3A_1095 : i32
        %get3A_1097 = arith.constant 1 : i32
        %get3A_1098 = arith.index_cast %get3A_1097 : i32 to index
        %get3A_1099 = arith.index_cast %add3A_1096 : i32 to index
        %get3A_1100 = arith.constant 48 : index
        %get3A_1101 = tpu.vector_load %arg10[%get3A_1098, %get3A_1099, %get3A_1100] {strides = array<i32>} : memref<2x128x128xf32, #tpu.memory_space<vmem>>, vector<1x1x16xf32>,
        %get3A_1102 = vector.shape_cast %get3A_1101 : vector<1x1x16xf32> to vector<16xf32>
        %add3A_1103 = arith.addf %get3A_1094, %get3A_1102 : vector<16xf32>
        %max3A_1104 = arith.maximumf %max3A_1086, %add3A_1103 : vector<16xf32>
        %add3A_1105 = arith.constant 3 : i32
        %add3A_1106 = arith.addi %mul3A_179, %add3A_1105 : i32
        %get3A_1107 = arith.constant 1 : i32
        %get3A_1108 = arith.index_cast %get3A_1107 : i32 to index
        %get3A_1109 = arith.index_cast %add3A_1106 : i32 to index
        %get3A_1110 = arith.constant 48 : index
        %get3A_1111 = tpu.vector_load %arg9[%get3A_1108, %get3A_1109, %get3A_1110] {strides = array<i32>} : memref<2x128x128xf32, #tpu.memory_space<vmem>>, vector<1x1x16xf32>,
        %get3A_1112 = vector.shape_cast %get3A_1111 : vector<1x1x16xf32> to vector<16xf32>
        %add3A_1113 = arith.constant 3 : i32
        %add3A_1114 = arith.addi %mul3A_179, %add3A_1113 : i32
        %get3A_1115 = arith.constant 1 : i32
        %get3A_1116 = arith.index_cast %get3A_1115 : i32 to index
        %get3A_1117 = arith.index_cast %add3A_1114 : i32 to index
        %get3A_1118 = arith.constant 48 : index
        %get3A_1119 = tpu.vector_load %arg10[%get3A_1116, %get3A_1117, %get3A_1118] {strides = array<i32>} : memref<2x128x128xf32, #tpu.memory_space<vmem>>, vector<1x1x16xf32>,
        %get3A_1120 = vector.shape_cast %get3A_1119 : vector<1x1x16xf32> to vector<16xf32>
        %add3A_1121 = arith.addf %get3A_1112, %get3A_1120 : vector<16xf32>
        %max3A_1122 = arith.maximumf %max3A_1104, %add3A_1121 : vector<16xf32>
        %add3A_1123 = arith.constant 4 : i32
        %add3A_1124 = arith.addi %mul3A_179, %add3A_1123 : i32
        %get3A_1125 = arith.constant 1 : i32
        %get3A_1126 = arith.index_cast %get3A_1125 : i32 to index
        %get3A_1127 = arith.index_cast %add3A_1124 : i32 to index
        %get3A_1128 = arith.constant 48 : index
        %get3A_1129 = tpu.vector_load %arg9[%get3A_1126, %get3A_1127, %get3A_1128] {strides = array<i32>} : memref<2x128x128xf32, #tpu.memory_space<vmem>>, vector<1x1x16xf32>,
        %get3A_1130 = vector.shape_cast %get3A_1129 : vector<1x1x16xf32> to vector<16xf32>
        %add3A_1131 = arith.constant 4 : i32
        %add3A_1132 = arith.addi %mul3A_179, %add3A_1131 : i32
        %get3A_1133 = arith.constant 1 : i32
        %get3A_1134 = arith.index_cast %get3A_1133 : i32 to index
        %get3A_1135 = arith.index_cast %add3A_1132 : i32 to index
        %get3A_1136 = arith.constant 48 : index
        %get3A_1137 = tpu.vector_load %arg10[%get3A_1134, %get3A_1135, %get3A_1136] {strides = array<i32>} : memref<2x128x128xf32, #tpu.memory_space<vmem>>, vector<1x1x16xf32>,
        %get3A_1138 = vector.shape_cast %get3A_1137 : vector<1x1x16xf32> to vector<16xf32>
        %add3A_1139 = arith.addf %get3A_1130, %get3A_1138 : vector<16xf32>
        %max3A_1140 = arith.maximumf %max3A_1122, %add3A_1139 : vector<16xf32>
        %add3A_1141 = arith.constant 5 : i32
        %add3A_1142 = arith.addi %mul3A_179, %add3A_1141 : i32
        %get3A_1143 = arith.constant 1 : i32
        %get3A_1144 = arith.index_cast %get3A_1143 : i32 to index
        %get3A_1145 = arith.index_cast %add3A_1142 : i32 to index
        %get3A_1146 = arith.constant 48 : index
        %get3A_1147 = tpu.vector_load %arg9[%get3A_1144, %get3A_1145, %get3A_1146] {strides = array<i32>} : memref<2x128x128xf32, #tpu.memory_space<vmem>>, vector<1x1x16xf32>,
        %get3A_1148 = vector.shape_cast %get3A_1147 : vector<1x1x16xf32> to vector<16xf32>
        %add3A_1149 = arith.constant 5 : i32
        %add3A_1150 = arith.addi %mul3A_179, %add3A_1149 : i32
        %get3A_1151 = arith.constant 1 : i32
        %get3A_1152 = arith.index_cast %get3A_1151 : i32 to index
        %get3A_1153 = arith.index_cast %add3A_1150 : i32 to index
        %get3A_1154 = arith.constant 48 : index
        %get3A_1155 = tpu.vector_load %arg10[%get3A_1152, %get3A_1153, %get3A_1154] {strides = array<i32>} : memref<2x128x128xf32, #tpu.memory_space<vmem>>, vector<1x1x16xf32>,
        %get3A_1156 = vector.shape_cast %get3A_1155 : vector<1x1x16xf32> to vector<16xf32>
        %add3A_1157 = arith.addf %get3A_1148, %get3A_1156 : vector<16xf32>
        %max3A_1158 = arith.maximumf %max3A_1140, %add3A_1157 : vector<16xf32>
        %add3A_1159 = arith.constant 6 : i32
        %add3A_1160 = arith.addi %mul3A_179, %add3A_1159 : i32
        %get3A_1161 = arith.constant 1 : i32
        %get3A_1162 = arith.index_cast %get3A_1161 : i32 to index
        %get3A_1163 = arith.index_cast %add3A_1160 : i32 to index
        %get3A_1164 = arith.constant 48 : index
        %get3A_1165 = tpu.vector_load %arg9[%get3A_1162, %get3A_1163, %get3A_1164] {strides = array<i32>} : memref<2x128x128xf32, #tpu.memory_space<vmem>>, vector<1x1x16xf32>,
        %get3A_1166 = vector.shape_cast %get3A_1165 : vector<1x1x16xf32> to vector<16xf32>
        %add3A_1167 = arith.constant 6 : i32
        %add3A_1168 = arith.addi %mul3A_179, %add3A_1167 : i32
        %get3A_1169 = arith.constant 1 : i32
        %get3A_1170 = arith.index_cast %get3A_1169 : i32 to index
        %get3A_1171 = arith.index_cast %add3A_1168 : i32 to index
        %get3A_1172 = arith.constant 48 : index
        %get3A_1173 = tpu.vector_load %arg10[%get3A_1170, %get3A_1171, %get3A_1172] {strides = array<i32>} : memref<2x128x128xf32, #tpu.memory_space<vmem>>, vector<1x1x16xf32>,
        %get3A_1174 = vector.shape_cast %get3A_1173 : vector<1x1x16xf32> to vector<16xf32>
        %add3A_1175 = arith.addf %get3A_1166, %get3A_1174 : vector<16xf32>
        %max3A_1176 = arith.maximumf %max3A_1158, %add3A_1175 : vector<16xf32>
        %add3A_1177 = arith.constant 7 : i32
        %add3A_1178 = arith.addi %mul3A_179, %add3A_1177 : i32
        %get3A_1179 = arith.constant 1 : i32
        %get3A_1180 = arith.index_cast %get3A_1179 : i32 to index
        %get3A_1181 = arith.index_cast %add3A_1178 : i32 to index
        %get3A_1182 = arith.constant 48 : index
        %get3A_1183 = tpu.vector_load %arg9[%get3A_1180, %get3A_1181, %get3A_1182] {strides = array<i32>} : memref<2x128x128xf32, #tpu.memory_space<vmem>>, vector<1x1x16xf32>,
        %get3A_1184 = vector.shape_cast %get3A_1183 : vector<1x1x16xf32> to vector<16xf32>
        %add3A_1185 = arith.constant 7 : i32
        %add3A_1186 = arith.addi %mul3A_179, %add3A_1185 : i32
        %get3A_1187 = arith.constant 1 : i32
        %get3A_1188 = arith.index_cast %get3A_1187 : i32 to index
        %get3A_1189 = arith.index_cast %add3A_1186 : i32 to index
        %get3A_1190 = arith.constant 48 : index
        %get3A_1191 = tpu.vector_load %arg10[%get3A_1188, %get3A_1189, %get3A_1190] {strides = array<i32>} : memref<2x128x128xf32, #tpu.memory_space<vmem>>, vector<1x1x16xf32>,
        %get3A_1192 = vector.shape_cast %get3A_1191 : vector<1x1x16xf32> to vector<16xf32>
        %add3A_1193 = arith.addf %get3A_1184, %get3A_1192 : vector<16xf32>
        %max3A_1194 = arith.maximumf %max3A_1176, %add3A_1193 : vector<16xf32>
        %add3A_1195 = arith.constant 8 : i32
        %add3A_1196 = arith.addi %mul3A_179, %add3A_1195 : i32
        %get3A_1197 = arith.constant 1 : i32
        %get3A_1198 = arith.index_cast %get3A_1197 : i32 to index
        %get3A_1199 = arith.index_cast %add3A_1196 : i32 to index
        %get3A_1200 = arith.constant 48 : index
        %get3A_1201 = tpu.vector_load %arg9[%get3A_1198, %get3A_1199, %get3A_1200] {strides = array<i32>} : memref<2x128x128xf32, #tpu.memory_space<vmem>>, vector<1x1x16xf32>,
        %get3A_1202 = vector.shape_cast %get3A_1201 : vector<1x1x16xf32> to vector<16xf32>
        %add3A_1203 = arith.constant 8 : i32
        %add3A_1204 = arith.addi %mul3A_179, %add3A_1203 : i32
        %get3A_1205 = arith.constant 1 : i32
        %get3A_1206 = arith.index_cast %get3A_1205 : i32 to index
        %get3A_1207 = arith.index_cast %add3A_1204 : i32 to index
        %get3A_1208 = arith.constant 48 : index
        %get3A_1209 = tpu.vector_load %arg10[%get3A_1206, %get3A_1207, %get3A_1208] {strides = array<i32>} : memref<2x128x128xf32, #tpu.memory_space<vmem>>, vector<1x1x16xf32>,
        %get3A_1210 = vector.shape_cast %get3A_1209 : vector<1x1x16xf32> to vector<16xf32>
        %add3A_1211 = arith.addf %get3A_1202, %get3A_1210 : vector<16xf32>
        %max3A_1212 = arith.maximumf %max3A_1194, %add3A_1211 : vector<16xf32>
        %add3A_1213 = arith.constant 9 : i32
        %add3A_1214 = arith.addi %mul3A_179, %add3A_1213 : i32
        %get3A_1215 = arith.constant 1 : i32
        %get3A_1216 = arith.index_cast %get3A_1215 : i32 to index
        %get3A_1217 = arith.index_cast %add3A_1214 : i32 to index
        %get3A_1218 = arith.constant 48 : index
        %get3A_1219 = tpu.vector_load %arg9[%get3A_1216, %get3A_1217, %get3A_1218] {strides = array<i32>} : memref<2x128x128xf32, #tpu.memory_space<vmem>>, vector<1x1x16xf32>,
        %get3A_1220 = vector.shape_cast %get3A_1219 : vector<1x1x16xf32> to vector<16xf32>
        %add3A_1221 = arith.constant 9 : i32
        %add3A_1222 = arith.addi %mul3A_179, %add3A_1221 : i32
        %get3A_1223 = arith.constant 1 : i32
        %get3A_1224 = arith.index_cast %get3A_1223 : i32 to index
        %get3A_1225 = arith.index_cast %add3A_1222 : i32 to index
        %get3A_1226 = arith.constant 48 : index
        %get3A_1227 = tpu.vector_load %arg10[%get3A_1224, %get3A_1225, %get3A_1226] {strides = array<i32>} : memref<2x128x128xf32, #tpu.memory_space<vmem>>, vector<1x1x16xf32>,
        %get3A_1228 = vector.shape_cast %get3A_1227 : vector<1x1x16xf32> to vector<16xf32>
        %add3A_1229 = arith.addf %get3A_1220, %get3A_1228 : vector<16xf32>
        %max3A_1230 = arith.maximumf %max3A_1212, %add3A_1229 : vector<16xf32>
        %add3A_1231 = arith.constant 10 : i32
        %add3A_1232 = arith.addi %mul3A_179, %add3A_1231 : i32
        %get3A_1233 = arith.constant 1 : i32
        %get3A_1234 = arith.index_cast %get3A_1233 : i32 to index
        %get3A_1235 = arith.index_cast %add3A_1232 : i32 to index
        %get3A_1236 = arith.constant 48 : index
        %get3A_1237 = tpu.vector_load %arg9[%get3A_1234, %get3A_1235, %get3A_1236] {strides = array<i32>} : memref<2x128x128xf32, #tpu.memory_space<vmem>>, vector<1x1x16xf32>,
        %get3A_1238 = vector.shape_cast %get3A_1237 : vector<1x1x16xf32> to vector<16xf32>
        %add3A_1239 = arith.constant 10 : i32
        %add3A_1240 = arith.addi %mul3A_179, %add3A_1239 : i32
        %get3A_1241 = arith.constant 1 : i32
        %get3A_1242 = arith.index_cast %get3A_1241 : i32 to index
        %get3A_1243 = arith.index_cast %add3A_1240 : i32 to index
        %get3A_1244 = arith.constant 48 : index
        %get3A_1245 = tpu.vector_load %arg10[%get3A_1242, %get3A_1243, %get3A_1244] {strides = array<i32>} : memref<2x128x128xf32, #tpu.memory_space<vmem>>, vector<1x1x16xf32>,
        %get3A_1246 = vector.shape_cast %get3A_1245 : vector<1x1x16xf32> to vector<16xf32>
        %add3A_1247 = arith.addf %get3A_1238, %get3A_1246 : vector<16xf32>
        %max3A_1248 = arith.maximumf %max3A_1230, %add3A_1247 : vector<16xf32>
        %add3A_1249 = arith.constant 11 : i32
        %add3A_1250 = arith.addi %mul3A_179, %add3A_1249 : i32
        %get3A_1251 = arith.constant 1 : i32
        %get3A_1252 = arith.index_cast %get3A_1251 : i32 to index
        %get3A_1253 = arith.index_cast %add3A_1250 : i32 to index
        %get3A_1254 = arith.constant 48 : index
        %get3A_1255 = tpu.vector_load %arg9[%get3A_1252, %get3A_1253, %get3A_1254] {strides = array<i32>} : memref<2x128x128xf32, #tpu.memory_space<vmem>>, vector<1x1x16xf32>,
        %get3A_1256 = vector.shape_cast %get3A_1255 : vector<1x1x16xf32> to vector<16xf32>
        %add3A_1257 = arith.constant 11 : i32
        %add3A_1258 = arith.addi %mul3A_179, %add3A_1257 : i32
        %get3A_1259 = arith.constant 1 : i32
        %get3A_1260 = arith.index_cast %get3A_1259 : i32 to index
        %get3A_1261 = arith.index_cast %add3A_1258 : i32 to index
        %get3A_1262 = arith.constant 48 : index
        %get3A_1263 = tpu.vector_load %arg10[%get3A_1260, %get3A_1261, %get3A_1262] {strides = array<i32>} : memref<2x128x128xf32, #tpu.memory_space<vmem>>, vector<1x1x16xf32>,
        %get3A_1264 = vector.shape_cast %get3A_1263 : vector<1x1x16xf32> to vector<16xf32>
        %add3A_1265 = arith.addf %get3A_1256, %get3A_1264 : vector<16xf32>
        %max3A_1266 = arith.maximumf %max3A_1248, %add3A_1265 : vector<16xf32>
        %add3A_1267 = arith.constant 12 : i32
        %add3A_1268 = arith.addi %mul3A_179, %add3A_1267 : i32
        %get3A_1269 = arith.constant 1 : i32
        %get3A_1270 = arith.index_cast %get3A_1269 : i32 to index
        %get3A_1271 = arith.index_cast %add3A_1268 : i32 to index
        %get3A_1272 = arith.constant 48 : index
        %get3A_1273 = tpu.vector_load %arg9[%get3A_1270, %get3A_1271, %get3A_1272] {strides = array<i32>} : memref<2x128x128xf32, #tpu.memory_space<vmem>>, vector<1x1x16xf32>,
        %get3A_1274 = vector.shape_cast %get3A_1273 : vector<1x1x16xf32> to vector<16xf32>
        %add3A_1275 = arith.constant 12 : i32
        %add3A_1276 = arith.addi %mul3A_179, %add3A_1275 : i32
        %get3A_1277 = arith.constant 1 : i32
        %get3A_1278 = arith.index_cast %get3A_1277 : i32 to index
        %get3A_1279 = arith.index_cast %add3A_1276 : i32 to index
        %get3A_1280 = arith.constant 48 : index
        %get3A_1281 = tpu.vector_load %arg10[%get3A_1278, %get3A_1279, %get3A_1280] {strides = array<i32>} : memref<2x128x128xf32, #tpu.memory_space<vmem>>, vector<1x1x16xf32>,
        %get3A_1282 = vector.shape_cast %get3A_1281 : vector<1x1x16xf32> to vector<16xf32>
        %add3A_1283 = arith.addf %get3A_1274, %get3A_1282 : vector<16xf32>
        %max3A_1284 = arith.maximumf %max3A_1266, %add3A_1283 : vector<16xf32>
        %add3A_1285 = arith.constant 13 : i32
        %add3A_1286 = arith.addi %mul3A_179, %add3A_1285 : i32
        %get3A_1287 = arith.constant 1 : i32
        %get3A_1288 = arith.index_cast %get3A_1287 : i32 to index
        %get3A_1289 = arith.index_cast %add3A_1286 : i32 to index
        %get3A_1290 = arith.constant 48 : index
        %get3A_1291 = tpu.vector_load %arg9[%get3A_1288, %get3A_1289, %get3A_1290] {strides = array<i32>} : memref<2x128x128xf32, #tpu.memory_space<vmem>>, vector<1x1x16xf32>,
        %get3A_1292 = vector.shape_cast %get3A_1291 : vector<1x1x16xf32> to vector<16xf32>
        %add3A_1293 = arith.constant 13 : i32
        %add3A_1294 = arith.addi %mul3A_179, %add3A_1293 : i32
        %get3A_1295 = arith.constant 1 : i32
        %get3A_1296 = arith.index_cast %get3A_1295 : i32 to index
        %get3A_1297 = arith.index_cast %add3A_1294 : i32 to index
        %get3A_1298 = arith.constant 48 : index
        %get3A_1299 = tpu.vector_load %arg10[%get3A_1296, %get3A_1297, %get3A_1298] {strides = array<i32>} : memref<2x128x128xf32, #tpu.memory_space<vmem>>, vector<1x1x16xf32>,
        %get3A_1300 = vector.shape_cast %get3A_1299 : vector<1x1x16xf32> to vector<16xf32>
        %add3A_1301 = arith.addf %get3A_1292, %get3A_1300 : vector<16xf32>
        %max3A_1302 = arith.maximumf %max3A_1284, %add3A_1301 : vector<16xf32>
        %add3A_1303 = arith.constant 14 : i32
        %add3A_1304 = arith.addi %mul3A_179, %add3A_1303 : i32
        %get3A_1305 = arith.constant 1 : i32
        %get3A_1306 = arith.index_cast %get3A_1305 : i32 to index
        %get3A_1307 = arith.index_cast %add3A_1304 : i32 to index
        %get3A_1308 = arith.constant 48 : index
        %get3A_1309 = tpu.vector_load %arg9[%get3A_1306, %get3A_1307, %get3A_1308] {strides = array<i32>} : memref<2x128x128xf32, #tpu.memory_space<vmem>>, vector<1x1x16xf32>,
        %get3A_1310 = vector.shape_cast %get3A_1309 : vector<1x1x16xf32> to vector<16xf32>
        %add3A_1311 = arith.constant 14 : i32
        %add3A_1312 = arith.addi %mul3A_179, %add3A_1311 : i32
        %get3A_1313 = arith.constant 1 : i32
        %get3A_1314 = arith.index_cast %get3A_1313 : i32 to index
        %get3A_1315 = arith.index_cast %add3A_1312 : i32 to index
        %get3A_1316 = arith.constant 48 : index
        %get3A_1317 = tpu.vector_load %arg10[%get3A_1314, %get3A_1315, %get3A_1316] {strides = array<i32>} : memref<2x128x128xf32, #tpu.memory_space<vmem>>, vector<1x1x16xf32>,
        %get3A_1318 = vector.shape_cast %get3A_1317 : vector<1x1x16xf32> to vector<16xf32>
        %add3A_1319 = arith.addf %get3A_1310, %get3A_1318 : vector<16xf32>
        %max3A_1320 = arith.maximumf %max3A_1302, %add3A_1319 : vector<16xf32>
        %add3A_1321 = arith.constant 15 : i32
        %add3A_1322 = arith.addi %mul3A_179, %add3A_1321 : i32
        %get3A_1323 = arith.constant 1 : i32
        %get3A_1324 = arith.index_cast %get3A_1323 : i32 to index
        %get3A_1325 = arith.index_cast %add3A_1322 : i32 to index
        %get3A_1326 = arith.constant 48 : index
        %get3A_1327 = tpu.vector_load %arg9[%get3A_1324, %get3A_1325, %get3A_1326] {strides = array<i32>} : memref<2x128x128xf32, #tpu.memory_space<vmem>>, vector<1x1x16xf32>,
        %get3A_1328 = vector.shape_cast %get3A_1327 : vector<1x1x16xf32> to vector<16xf32>
        %add3A_1329 = arith.constant 15 : i32
        %add3A_1330 = arith.addi %mul3A_179, %add3A_1329 : i32
        %get3A_1331 = arith.constant 1 : i32
        %get3A_1332 = arith.index_cast %get3A_1331 : i32 to index
        %get3A_1333 = arith.index_cast %add3A_1330 : i32 to index
        %get3A_1334 = arith.constant 48 : index
        %get3A_1335 = tpu.vector_load %arg10[%get3A_1332, %get3A_1333, %get3A_1334] {strides = array<i32>} : memref<2x128x128xf32, #tpu.memory_space<vmem>>, vector<1x1x16xf32>,
        %get3A_1336 = vector.shape_cast %get3A_1335 : vector<1x1x16xf32> to vector<16xf32>
        %add3A_1337 = arith.addf %get3A_1328, %get3A_1336 : vector<16xf32>
        %max3A_1338 = arith.maximumf %max3A_1320, %add3A_1337 : vector<16xf32>
        %max3A_1339 = arith.constant 0.000000e+00 : f32
        %max3A_1340 = vector.broadcast %max3A_1339 : f32 to vector<16xf32>
        %max3A_1341 = arith.maximumf %max3A_1338, %max3A_1340 : vector<16xf32>
        %swap3A_1342 = arith.constant 1 : i32
        %swap3A_1343 = arith.index_cast %swap3A_1342 : i32 to index
        %swap3A_1344 = arith.index_cast %scan3A_177 : i32 to index
        %swap3A_1345 = arith.constant 48 : index
        %swap3A_1346 = tpu.vector_load %arg11[%swap3A_1343, %swap3A_1344, %swap3A_1345] {strides = array<i32>} : memref<2x8x128xf32, #tpu.memory_space<vmem>>, vector<1x1x16xf32>,
        %swap3A_1347 = vector.shape_cast %swap3A_1346 : vector<1x1x16xf32> to vector<16xf32>
        %swap3A_1348 = vector.shape_cast %max3A_1341 : vector<16xf32> to vector<1x1x16xf32>
        tpu.vector_store %arg11[%swap3A_1343, %swap3A_1344, %swap3A_1345], %swap3A_1348 {strides = array<i32>} : memref<2x8x128xf32, #tpu.memory_space<vmem>>, vector<1x1x16xf32>,
        %get3A_1349 = arith.constant 1 : i32
        %get3A_1350 = arith.index_cast %get3A_1349 : i32 to index
        %get3A_1351 = arith.index_cast %mul3A_179 : i32 to index
        %get3A_1352 = arith.constant 64 : index
        %get3A_1353 = tpu.vector_load %arg9[%get3A_1350, %get3A_1351, %get3A_1352] {strides = array<i32>} : memref<2x128x128xf32, #tpu.memory_space<vmem>>, vector<1x1x16xf32>,
        %get3A_1354 = vector.shape_cast %get3A_1353 : vector<1x1x16xf32> to vector<16xf32>
        %get3A_1355 = arith.constant 1 : i32
        %get3A_1356 = arith.index_cast %get3A_1355 : i32 to index
        %get3A_1357 = arith.index_cast %mul3A_179 : i32 to index
        %get3A_1358 = arith.constant 64 : index
        %get3A_1359 = tpu.vector_load %arg10[%get3A_1356, %get3A_1357, %get3A_1358] {strides = array<i32>} : memref<2x128x128xf32, #tpu.memory_space<vmem>>, vector<1x1x16xf32>,
        %get3A_1360 = vector.shape_cast %get3A_1359 : vector<1x1x16xf32> to vector<16xf32>
        %add3A_1361 = arith.addf %get3A_1354, %get3A_1360 : vector<16xf32>
        %add3A_1362 = arith.constant 1 : i32
        %add3A_1363 = arith.addi %mul3A_179, %add3A_1362 : i32
        %get3A_1364 = arith.constant 1 : i32
        %get3A_1365 = arith.index_cast %get3A_1364 : i32 to index
        %get3A_1366 = arith.index_cast %add3A_1363 : i32 to index
        %get3A_1367 = arith.constant 64 : index
        %get3A_1368 = tpu.vector_load %arg9[%get3A_1365, %get3A_1366, %get3A_1367] {strides = array<i32>} : memref<2x128x128xf32, #tpu.memory_space<vmem>>, vector<1x1x16xf32>,
        %get3A_1369 = vector.shape_cast %get3A_1368 : vector<1x1x16xf32> to vector<16xf32>
        %add3A_1370 = arith.constant 1 : i32
        %add3A_1371 = arith.addi %mul3A_179, %add3A_1370 : i32
        %get3A_1372 = arith.constant 1 : i32
        %get3A_1373 = arith.index_cast %get3A_1372 : i32 to index
        %get3A_1374 = arith.index_cast %add3A_1371 : i32 to index
        %get3A_1375 = arith.constant 64 : index
        %get3A_1376 = tpu.vector_load %arg10[%get3A_1373, %get3A_1374, %get3A_1375] {strides = array<i32>} : memref<2x128x128xf32, #tpu.memory_space<vmem>>, vector<1x1x16xf32>,
        %get3A_1377 = vector.shape_cast %get3A_1376 : vector<1x1x16xf32> to vector<16xf32>
        %add3A_1378 = arith.addf %get3A_1369, %get3A_1377 : vector<16xf32>
        %max3A_1379 = arith.maximumf %add3A_1361, %add3A_1378 : vector<16xf32>
        %add3A_1380 = arith.constant 2 : i32
        %add3A_1381 = arith.addi %mul3A_179, %add3A_1380 : i32
        %get3A_1382 = arith.constant 1 : i32
        %get3A_1383 = arith.index_cast %get3A_1382 : i32 to index
        %get3A_1384 = arith.index_cast %add3A_1381 : i32 to index
        %get3A_1385 = arith.constant 64 : index
        %get3A_1386 = tpu.vector_load %arg9[%get3A_1383, %get3A_1384, %get3A_1385] {strides = array<i32>} : memref<2x128x128xf32, #tpu.memory_space<vmem>>, vector<1x1x16xf32>,
        %get3A_1387 = vector.shape_cast %get3A_1386 : vector<1x1x16xf32> to vector<16xf32>
        %add3A_1388 = arith.constant 2 : i32
        %add3A_1389 = arith.addi %mul3A_179, %add3A_1388 : i32
        %get3A_1390 = arith.constant 1 : i32
        %get3A_1391 = arith.index_cast %get3A_1390 : i32 to index
        %get3A_1392 = arith.index_cast %add3A_1389 : i32 to index
        %get3A_1393 = arith.constant 64 : index
        %get3A_1394 = tpu.vector_load %arg10[%get3A_1391, %get3A_1392, %get3A_1393] {strides = array<i32>} : memref<2x128x128xf32, #tpu.memory_space<vmem>>, vector<1x1x16xf32>,
        %get3A_1395 = vector.shape_cast %get3A_1394 : vector<1x1x16xf32> to vector<16xf32>
        %add3A_1396 = arith.addf %get3A_1387, %get3A_1395 : vector<16xf32>
        %max3A_1397 = arith.maximumf %max3A_1379, %add3A_1396 : vector<16xf32>
        %add3A_1398 = arith.constant 3 : i32
        %add3A_1399 = arith.addi %mul3A_179, %add3A_1398 : i32
        %get3A_1400 = arith.constant 1 : i32
        %get3A_1401 = arith.index_cast %get3A_1400 : i32 to index
        %get3A_1402 = arith.index_cast %add3A_1399 : i32 to index
        %get3A_1403 = arith.constant 64 : index
        %get3A_1404 = tpu.vector_load %arg9[%get3A_1401, %get3A_1402, %get3A_1403] {strides = array<i32>} : memref<2x128x128xf32, #tpu.memory_space<vmem>>, vector<1x1x16xf32>,
        %get3A_1405 = vector.shape_cast %get3A_1404 : vector<1x1x16xf32> to vector<16xf32>
        %add3A_1406 = arith.constant 3 : i32
        %add3A_1407 = arith.addi %mul3A_179, %add3A_1406 : i32
        %get3A_1408 = arith.constant 1 : i32
        %get3A_1409 = arith.index_cast %get3A_1408 : i32 to index
        %get3A_1410 = arith.index_cast %add3A_1407 : i32 to index
        %get3A_1411 = arith.constant 64 : index
        %get3A_1412 = tpu.vector_load %arg10[%get3A_1409, %get3A_1410, %get3A_1411] {strides = array<i32>} : memref<2x128x128xf32, #tpu.memory_space<vmem>>, vector<1x1x16xf32>,
        %get3A_1413 = vector.shape_cast %get3A_1412 : vector<1x1x16xf32> to vector<16xf32>
        %add3A_1414 = arith.addf %get3A_1405, %get3A_1413 : vector<16xf32>
        %max3A_1415 = arith.maximumf %max3A_1397, %add3A_1414 : vector<16xf32>
        %add3A_1416 = arith.constant 4 : i32
        %add3A_1417 = arith.addi %mul3A_179, %add3A_1416 : i32
        %get3A_1418 = arith.constant 1 : i32
        %get3A_1419 = arith.index_cast %get3A_1418 : i32 to index
        %get3A_1420 = arith.index_cast %add3A_1417 : i32 to index
        %get3A_1421 = arith.constant 64 : index
        %get3A_1422 = tpu.vector_load %arg9[%get3A_1419, %get3A_1420, %get3A_1421] {strides = array<i32>} : memref<2x128x128xf32, #tpu.memory_space<vmem>>, vector<1x1x16xf32>,
        %get3A_1423 = vector.shape_cast %get3A_1422 : vector<1x1x16xf32> to vector<16xf32>
        %add3A_1424 = arith.constant 4 : i32
        %add3A_1425 = arith.addi %mul3A_179, %add3A_1424 : i32
        %get3A_1426 = arith.constant 1 : i32
        %get3A_1427 = arith.index_cast %get3A_1426 : i32 to index
        %get3A_1428 = arith.index_cast %add3A_1425 : i32 to index
        %get3A_1429 = arith.constant 64 : index
        %get3A_1430 = tpu.vector_load %arg10[%get3A_1427, %get3A_1428, %get3A_1429] {strides = array<i32>} : memref<2x128x128xf32, #tpu.memory_space<vmem>>, vector<1x1x16xf32>,
        %get3A_1431 = vector.shape_cast %get3A_1430 : vector<1x1x16xf32> to vector<16xf32>
        %add3A_1432 = arith.addf %get3A_1423, %get3A_1431 : vector<16xf32>
        %max3A_1433 = arith.maximumf %max3A_1415, %add3A_1432 : vector<16xf32>
        %add3A_1434 = arith.constant 5 : i32
        %add3A_1435 = arith.addi %mul3A_179, %add3A_1434 : i32
        %get3A_1436 = arith.constant 1 : i32
        %get3A_1437 = arith.index_cast %get3A_1436 : i32 to index
        %get3A_1438 = arith.index_cast %add3A_1435 : i32 to index
        %get3A_1439 = arith.constant 64 : index
        %get3A_1440 = tpu.vector_load %arg9[%get3A_1437, %get3A_1438, %get3A_1439] {strides = array<i32>} : memref<2x128x128xf32, #tpu.memory_space<vmem>>, vector<1x1x16xf32>,
        %get3A_1441 = vector.shape_cast %get3A_1440 : vector<1x1x16xf32> to vector<16xf32>
        %add3A_1442 = arith.constant 5 : i32
        %add3A_1443 = arith.addi %mul3A_179, %add3A_1442 : i32
        %get3A_1444 = arith.constant 1 : i32
        %get3A_1445 = arith.index_cast %get3A_1444 : i32 to index
        %get3A_1446 = arith.index_cast %add3A_1443 : i32 to index
        %get3A_1447 = arith.constant 64 : index
        %get3A_1448 = tpu.vector_load %arg10[%get3A_1445, %get3A_1446, %get3A_1447] {strides = array<i32>} : memref<2x128x128xf32, #tpu.memory_space<vmem>>, vector<1x1x16xf32>,
        %get3A_1449 = vector.shape_cast %get3A_1448 : vector<1x1x16xf32> to vector<16xf32>
        %add3A_1450 = arith.addf %get3A_1441, %get3A_1449 : vector<16xf32>
        %max3A_1451 = arith.maximumf %max3A_1433, %add3A_1450 : vector<16xf32>
        %add3A_1452 = arith.constant 6 : i32
        %add3A_1453 = arith.addi %mul3A_179, %add3A_1452 : i32
        %get3A_1454 = arith.constant 1 : i32
        %get3A_1455 = arith.index_cast %get3A_1454 : i32 to index
        %get3A_1456 = arith.index_cast %add3A_1453 : i32 to index
        %get3A_1457 = arith.constant 64 : index
        %get3A_1458 = tpu.vector_load %arg9[%get3A_1455, %get3A_1456, %get3A_1457] {strides = array<i32>} : memref<2x128x128xf32, #tpu.memory_space<vmem>>, vector<1x1x16xf32>,
        %get3A_1459 = vector.shape_cast %get3A_1458 : vector<1x1x16xf32> to vector<16xf32>
        %add3A_1460 = arith.constant 6 : i32
        %add3A_1461 = arith.addi %mul3A_179, %add3A_1460 : i32
        %get3A_1462 = arith.constant 1 : i32
        %get3A_1463 = arith.index_cast %get3A_1462 : i32 to index
        %get3A_1464 = arith.index_cast %add3A_1461 : i32 to index
        %get3A_1465 = arith.constant 64 : index
        %get3A_1466 = tpu.vector_load %arg10[%get3A_1463, %get3A_1464, %get3A_1465] {strides = array<i32>} : memref<2x128x128xf32, #tpu.memory_space<vmem>>, vector<1x1x16xf32>,
        %get3A_1467 = vector.shape_cast %get3A_1466 : vector<1x1x16xf32> to vector<16xf32>
        %add3A_1468 = arith.addf %get3A_1459, %get3A_1467 : vector<16xf32>
        %max3A_1469 = arith.maximumf %max3A_1451, %add3A_1468 : vector<16xf32>
        %add3A_1470 = arith.constant 7 : i32
        %add3A_1471 = arith.addi %mul3A_179, %add3A_1470 : i32
        %get3A_1472 = arith.constant 1 : i32
        %get3A_1473 = arith.index_cast %get3A_1472 : i32 to index
        %get3A_1474 = arith.index_cast %add3A_1471 : i32 to index
        %get3A_1475 = arith.constant 64 : index
        %get3A_1476 = tpu.vector_load %arg9[%get3A_1473, %get3A_1474, %get3A_1475] {strides = array<i32>} : memref<2x128x128xf32, #tpu.memory_space<vmem>>, vector<1x1x16xf32>,
        %get3A_1477 = vector.shape_cast %get3A_1476 : vector<1x1x16xf32> to vector<16xf32>
        %add3A_1478 = arith.constant 7 : i32
        %add3A_1479 = arith.addi %mul3A_179, %add3A_1478 : i32
        %get3A_1480 = arith.constant 1 : i32
        %get3A_1481 = arith.index_cast %get3A_1480 : i32 to index
        %get3A_1482 = arith.index_cast %add3A_1479 : i32 to index
        %get3A_1483 = arith.constant 64 : index
        %get3A_1484 = tpu.vector_load %arg10[%get3A_1481, %get3A_1482, %get3A_1483] {strides = array<i32>} : memref<2x128x128xf32, #tpu.memory_space<vmem>>, vector<1x1x16xf32>,
        %get3A_1485 = vector.shape_cast %get3A_1484 : vector<1x1x16xf32> to vector<16xf32>
        %add3A_1486 = arith.addf %get3A_1477, %get3A_1485 : vector<16xf32>
        %max3A_1487 = arith.maximumf %max3A_1469, %add3A_1486 : vector<16xf32>
        %add3A_1488 = arith.constant 8 : i32
        %add3A_1489 = arith.addi %mul3A_179, %add3A_1488 : i32
        %get3A_1490 = arith.constant 1 : i32
        %get3A_1491 = arith.index_cast %get3A_1490 : i32 to index
        %get3A_1492 = arith.index_cast %add3A_1489 : i32 to index
        %get3A_1493 = arith.constant 64 : index
        %get3A_1494 = tpu.vector_load %arg9[%get3A_1491, %get3A_1492, %get3A_1493] {strides = array<i32>} : memref<2x128x128xf32, #tpu.memory_space<vmem>>, vector<1x1x16xf32>,
        %get3A_1495 = vector.shape_cast %get3A_1494 : vector<1x1x16xf32> to vector<16xf32>
        %add3A_1496 = arith.constant 8 : i32
        %add3A_1497 = arith.addi %mul3A_179, %add3A_1496 : i32
        %get3A_1498 = arith.constant 1 : i32
        %get3A_1499 = arith.index_cast %get3A_1498 : i32 to index
        %get3A_1500 = arith.index_cast %add3A_1497 : i32 to index
        %get3A_1501 = arith.constant 64 : index
        %get3A_1502 = tpu.vector_load %arg10[%get3A_1499, %get3A_1500, %get3A_1501] {strides = array<i32>} : memref<2x128x128xf32, #tpu.memory_space<vmem>>, vector<1x1x16xf32>,
        %get3A_1503 = vector.shape_cast %get3A_1502 : vector<1x1x16xf32> to vector<16xf32>
        %add3A_1504 = arith.addf %get3A_1495, %get3A_1503 : vector<16xf32>
        %max3A_1505 = arith.maximumf %max3A_1487, %add3A_1504 : vector<16xf32>
        %add3A_1506 = arith.constant 9 : i32
        %add3A_1507 = arith.addi %mul3A_179, %add3A_1506 : i32
        %get3A_1508 = arith.constant 1 : i32
        %get3A_1509 = arith.index_cast %get3A_1508 : i32 to index
        %get3A_1510 = arith.index_cast %add3A_1507 : i32 to index
        %get3A_1511 = arith.constant 64 : index
        %get3A_1512 = tpu.vector_load %arg9[%get3A_1509, %get3A_1510, %get3A_1511] {strides = array<i32>} : memref<2x128x128xf32, #tpu.memory_space<vmem>>, vector<1x1x16xf32>,
        %get3A_1513 = vector.shape_cast %get3A_1512 : vector<1x1x16xf32> to vector<16xf32>
        %add3A_1514 = arith.constant 9 : i32
        %add3A_1515 = arith.addi %mul3A_179, %add3A_1514 : i32
        %get3A_1516 = arith.constant 1 : i32
        %get3A_1517 = arith.index_cast %get3A_1516 : i32 to index
        %get3A_1518 = arith.index_cast %add3A_1515 : i32 to index
        %get3A_1519 = arith.constant 64 : index
        %get3A_1520 = tpu.vector_load %arg10[%get3A_1517, %get3A_1518, %get3A_1519] {strides = array<i32>} : memref<2x128x128xf32, #tpu.memory_space<vmem>>, vector<1x1x16xf32>,
        %get3A_1521 = vector.shape_cast %get3A_1520 : vector<1x1x16xf32> to vector<16xf32>
        %add3A_1522 = arith.addf %get3A_1513, %get3A_1521 : vector<16xf32>
        %max3A_1523 = arith.maximumf %max3A_1505, %add3A_1522 : vector<16xf32>
        %add3A_1524 = arith.constant 10 : i32
        %add3A_1525 = arith.addi %mul3A_179, %add3A_1524 : i32
        %get3A_1526 = arith.constant 1 : i32
        %get3A_1527 = arith.index_cast %get3A_1526 : i32 to index
        %get3A_1528 = arith.index_cast %add3A_1525 : i32 to index
        %get3A_1529 = arith.constant 64 : index
        %get3A_1530 = tpu.vector_load %arg9[%get3A_1527, %get3A_1528, %get3A_1529] {strides = array<i32>} : memref<2x128x128xf32, #tpu.memory_space<vmem>>, vector<1x1x16xf32>,
        %get3A_1531 = vector.shape_cast %get3A_1530 : vector<1x1x16xf32> to vector<16xf32>
        %add3A_1532 = arith.constant 10 : i32
        %add3A_1533 = arith.addi %mul3A_179, %add3A_1532 : i32
        %get3A_1534 = arith.constant 1 : i32
        %get3A_1535 = arith.index_cast %get3A_1534 : i32 to index
        %get3A_1536 = arith.index_cast %add3A_1533 : i32 to index
        %get3A_1537 = arith.constant 64 : index
        %get3A_1538 = tpu.vector_load %arg10[%get3A_1535, %get3A_1536, %get3A_1537] {strides = array<i32>} : memref<2x128x128xf32, #tpu.memory_space<vmem>>, vector<1x1x16xf32>,
        %get3A_1539 = vector.shape_cast %get3A_1538 : vector<1x1x16xf32> to vector<16xf32>
        %add3A_1540 = arith.addf %get3A_1531, %get3A_1539 : vector<16xf32>
        %max3A_1541 = arith.maximumf %max3A_1523, %add3A_1540 : vector<16xf32>
        %add3A_1542 = arith.constant 11 : i32
        %add3A_1543 = arith.addi %mul3A_179, %add3A_1542 : i32
        %get3A_1544 = arith.constant 1 : i32
        %get3A_1545 = arith.index_cast %get3A_1544 : i32 to index
        %get3A_1546 = arith.index_cast %add3A_1543 : i32 to index
        %get3A_1547 = arith.constant 64 : index
        %get3A_1548 = tpu.vector_load %arg9[%get3A_1545, %get3A_1546, %get3A_1547] {strides = array<i32>} : memref<2x128x128xf32, #tpu.memory_space<vmem>>, vector<1x1x16xf32>,
        %get3A_1549 = vector.shape_cast %get3A_1548 : vector<1x1x16xf32> to vector<16xf32>
        %add3A_1550 = arith.constant 11 : i32
        %add3A_1551 = arith.addi %mul3A_179, %add3A_1550 : i32
        %get3A_1552 = arith.constant 1 : i32
        %get3A_1553 = arith.index_cast %get3A_1552 : i32 to index
        %get3A_1554 = arith.index_cast %add3A_1551 : i32 to index
        %get3A_1555 = arith.constant 64 : index
        %get3A_1556 = tpu.vector_load %arg10[%get3A_1553, %get3A_1554, %get3A_1555] {strides = array<i32>} : memref<2x128x128xf32, #tpu.memory_space<vmem>>, vector<1x1x16xf32>,
        %get3A_1557 = vector.shape_cast %get3A_1556 : vector<1x1x16xf32> to vector<16xf32>
        %add3A_1558 = arith.addf %get3A_1549, %get3A_1557 : vector<16xf32>
        %max3A_1559 = arith.maximumf %max3A_1541, %add3A_1558 : vector<16xf32>
        %add3A_1560 = arith.constant 12 : i32
        %add3A_1561 = arith.addi %mul3A_179, %add3A_1560 : i32
        %get3A_1562 = arith.constant 1 : i32
        %get3A_1563 = arith.index_cast %get3A_1562 : i32 to index
        %get3A_1564 = arith.index_cast %add3A_1561 : i32 to index
        %get3A_1565 = arith.constant 64 : index
        %get3A_1566 = tpu.vector_load %arg9[%get3A_1563, %get3A_1564, %get3A_1565] {strides = array<i32>} : memref<2x128x128xf32, #tpu.memory_space<vmem>>, vector<1x1x16xf32>,
        %get3A_1567 = vector.shape_cast %get3A_1566 : vector<1x1x16xf32> to vector<16xf32>
        %add3A_1568 = arith.constant 12 : i32
        %add3A_1569 = arith.addi %mul3A_179, %add3A_1568 : i32
        %get3A_1570 = arith.constant 1 : i32
        %get3A_1571 = arith.index_cast %get3A_1570 : i32 to index
        %get3A_1572 = arith.index_cast %add3A_1569 : i32 to index
        %get3A_1573 = arith.constant 64 : index
        %get3A_1574 = tpu.vector_load %arg10[%get3A_1571, %get3A_1572, %get3A_1573] {strides = array<i32>} : memref<2x128x128xf32, #tpu.memory_space<vmem>>, vector<1x1x16xf32>,
        %get3A_1575 = vector.shape_cast %get3A_1574 : vector<1x1x16xf32> to vector<16xf32>
        %add3A_1576 = arith.addf %get3A_1567, %get3A_1575 : vector<16xf32>
        %max3A_1577 = arith.maximumf %max3A_1559, %add3A_1576 : vector<16xf32>
        %add3A_1578 = arith.constant 13 : i32
        %add3A_1579 = arith.addi %mul3A_179, %add3A_1578 : i32
        %get3A_1580 = arith.constant 1 : i32
        %get3A_1581 = arith.index_cast %get3A_1580 : i32 to index
        %get3A_1582 = arith.index_cast %add3A_1579 : i32 to index
        %get3A_1583 = arith.constant 64 : index
        %get3A_1584 = tpu.vector_load %arg9[%get3A_1581, %get3A_1582, %get3A_1583] {strides = array<i32>} : memref<2x128x128xf32, #tpu.memory_space<vmem>>, vector<1x1x16xf32>,
        %get3A_1585 = vector.shape_cast %get3A_1584 : vector<1x1x16xf32> to vector<16xf32>
        %add3A_1586 = arith.constant 13 : i32
        %add3A_1587 = arith.addi %mul3A_179, %add3A_1586 : i32
        %get3A_1588 = arith.constant 1 : i32
        %get3A_1589 = arith.index_cast %get3A_1588 : i32 to index
        %get3A_1590 = arith.index_cast %add3A_1587 : i32 to index
        %get3A_1591 = arith.constant 64 : index
        %get3A_1592 = tpu.vector_load %arg10[%get3A_1589, %get3A_1590, %get3A_1591] {strides = array<i32>} : memref<2x128x128xf32, #tpu.memory_space<vmem>>, vector<1x1x16xf32>,
        %get3A_1593 = vector.shape_cast %get3A_1592 : vector<1x1x16xf32> to vector<16xf32>
        %add3A_1594 = arith.addf %get3A_1585, %get3A_1593 : vector<16xf32>
        %max3A_1595 = arith.maximumf %max3A_1577, %add3A_1594 : vector<16xf32>
        %add3A_1596 = arith.constant 14 : i32
        %add3A_1597 = arith.addi %mul3A_179, %add3A_1596 : i32
        %get3A_1598 = arith.constant 1 : i32
        %get3A_1599 = arith.index_cast %get3A_1598 : i32 to index
        %get3A_1600 = arith.index_cast %add3A_1597 : i32 to index
        %get3A_1601 = arith.constant 64 : index
        %get3A_1602 = tpu.vector_load %arg9[%get3A_1599, %get3A_1600, %get3A_1601] {strides = array<i32>} : memref<2x128x128xf32, #tpu.memory_space<vmem>>, vector<1x1x16xf32>,
        %get3A_1603 = vector.shape_cast %get3A_1602 : vector<1x1x16xf32> to vector<16xf32>
        %add3A_1604 = arith.constant 14 : i32
        %add3A_1605 = arith.addi %mul3A_179, %add3A_1604 : i32
        %get3A_1606 = arith.constant 1 : i32
        %get3A_1607 = arith.index_cast %get3A_1606 : i32 to index
        %get3A_1608 = arith.index_cast %add3A_1605 : i32 to index
        %get3A_1609 = arith.constant 64 : index
        %get3A_1610 = tpu.vector_load %arg10[%get3A_1607, %get3A_1608, %get3A_1609] {strides = array<i32>} : memref<2x128x128xf32, #tpu.memory_space<vmem>>, vector<1x1x16xf32>,
        %get3A_1611 = vector.shape_cast %get3A_1610 : vector<1x1x16xf32> to vector<16xf32>
        %add3A_1612 = arith.addf %get3A_1603, %get3A_1611 : vector<16xf32>
        %max3A_1613 = arith.maximumf %max3A_1595, %add3A_1612 : vector<16xf32>
        %add3A_1614 = arith.constant 15 : i32
        %add3A_1615 = arith.addi %mul3A_179, %add3A_1614 : i32
        %get3A_1616 = arith.constant 1 : i32
        %get3A_1617 = arith.index_cast %get3A_1616 : i32 to index
        %get3A_1618 = arith.index_cast %add3A_1615 : i32 to index
        %get3A_1619 = arith.constant 64 : index
        %get3A_1620 = tpu.vector_load %arg9[%get3A_1617, %get3A_1618, %get3A_1619] {strides = array<i32>} : memref<2x128x128xf32, #tpu.memory_space<vmem>>, vector<1x1x16xf32>,
        %get3A_1621 = vector.shape_cast %get3A_1620 : vector<1x1x16xf32> to vector<16xf32>
        %add3A_1622 = arith.constant 15 : i32
        %add3A_1623 = arith.addi %mul3A_179, %add3A_1622 : i32
        %get3A_1624 = arith.constant 1 : i32
        %get3A_1625 = arith.index_cast %get3A_1624 : i32 to index
        %get3A_1626 = arith.index_cast %add3A_1623 : i32 to index
        %get3A_1627 = arith.constant 64 : index
        %get3A_1628 = tpu.vector_load %arg10[%get3A_1625, %get3A_1626, %get3A_1627] {strides = array<i32>} : memref<2x128x128xf32, #tpu.memory_space<vmem>>, vector<1x1x16xf32>,
        %get3A_1629 = vector.shape_cast %get3A_1628 : vector<1x1x16xf32> to vector<16xf32>
        %add3A_1630 = arith.addf %get3A_1621, %get3A_1629 : vector<16xf32>
        %max3A_1631 = arith.maximumf %max3A_1613, %add3A_1630 : vector<16xf32>
        %max3A_1632 = arith.constant 0.000000e+00 : f32
        %max3A_1633 = vector.broadcast %max3A_1632 : f32 to vector<16xf32>
        %max3A_1634 = arith.maximumf %max3A_1631, %max3A_1633 : vector<16xf32>
        %swap3A_1635 = arith.constant 1 : i32
        %swap3A_1636 = arith.index_cast %swap3A_1635 : i32 to index
        %swap3A_1637 = arith.index_cast %scan3A_177 : i32 to index
        %swap3A_1638 = arith.constant 64 : index
        %swap3A_1639 = tpu.vector_load %arg11[%swap3A_1636, %swap3A_1637, %swap3A_1638] {strides = array<i32>} : memref<2x8x128xf32, #tpu.memory_space<vmem>>, vector<1x1x16xf32>,
        %swap3A_1640 = vector.shape_cast %swap3A_1639 : vector<1x1x16xf32> to vector<16xf32>
        %swap3A_1641 = vector.shape_cast %max3A_1634 : vector<16xf32> to vector<1x1x16xf32>
        tpu.vector_store %arg11[%swap3A_1636, %swap3A_1637, %swap3A_1638], %swap3A_1641 {strides = array<i32>} : memref<2x8x128xf32, #tpu.memory_space<vmem>>, vector<1x1x16xf32>,
        %get3A_1642 = arith.constant 1 : i32
        %get3A_1643 = arith.index_cast %get3A_1642 : i32 to index
        %get3A_1644 = arith.index_cast %mul3A_179 : i32 to index
        %get3A_1645 = arith.constant 80 : index
        %get3A_1646 = tpu.vector_load %arg9[%get3A_1643, %get3A_1644, %get3A_1645] {strides = array<i32>} : memref<2x128x128xf32, #tpu.memory_space<vmem>>, vector<1x1x16xf32>,
        %get3A_1647 = vector.shape_cast %get3A_1646 : vector<1x1x16xf32> to vector<16xf32>
        %get3A_1648 = arith.constant 1 : i32
        %get3A_1649 = arith.index_cast %get3A_1648 : i32 to index
        %get3A_1650 = arith.index_cast %mul3A_179 : i32 to index
        %get3A_1651 = arith.constant 80 : index
        %get3A_1652 = tpu.vector_load %arg10[%get3A_1649, %get3A_1650, %get3A_1651] {strides = array<i32>} : memref<2x128x128xf32, #tpu.memory_space<vmem>>, vector<1x1x16xf32>,
        %get3A_1653 = vector.shape_cast %get3A_1652 : vector<1x1x16xf32> to vector<16xf32>
        %add3A_1654 = arith.addf %get3A_1647, %get3A_1653 : vector<16xf32>
        %add3A_1655 = arith.constant 1 : i32
        %add3A_1656 = arith.addi %mul3A_179, %add3A_1655 : i32
        %get3A_1657 = arith.constant 1 : i32
        %get3A_1658 = arith.index_cast %get3A_1657 : i32 to index
        %get3A_1659 = arith.index_cast %add3A_1656 : i32 to index
        %get3A_1660 = arith.constant 80 : index
        %get3A_1661 = tpu.vector_load %arg9[%get3A_1658, %get3A_1659, %get3A_1660] {strides = array<i32>} : memref<2x128x128xf32, #tpu.memory_space<vmem>>, vector<1x1x16xf32>,
        %get3A_1662 = vector.shape_cast %get3A_1661 : vector<1x1x16xf32> to vector<16xf32>
        %add3A_1663 = arith.constant 1 : i32
        %add3A_1664 = arith.addi %mul3A_179, %add3A_1663 : i32
        %get3A_1665 = arith.constant 1 : i32
        %get3A_1666 = arith.index_cast %get3A_1665 : i32 to index
        %get3A_1667 = arith.index_cast %add3A_1664 : i32 to index
        %get3A_1668 = arith.constant 80 : index
        %get3A_1669 = tpu.vector_load %arg10[%get3A_1666, %get3A_1667, %get3A_1668] {strides = array<i32>} : memref<2x128x128xf32, #tpu.memory_space<vmem>>, vector<1x1x16xf32>,
        %get3A_1670 = vector.shape_cast %get3A_1669 : vector<1x1x16xf32> to vector<16xf32>
        %add3A_1671 = arith.addf %get3A_1662, %get3A_1670 : vector<16xf32>
        %max3A_1672 = arith.maximumf %add3A_1654, %add3A_1671 : vector<16xf32>
        %add3A_1673 = arith.constant 2 : i32
        %add3A_1674 = arith.addi %mul3A_179, %add3A_1673 : i32
        %get3A_1675 = arith.constant 1 : i32
        %get3A_1676 = arith.index_cast %get3A_1675 : i32 to index
        %get3A_1677 = arith.index_cast %add3A_1674 : i32 to index
        %get3A_1678 = arith.constant 80 : index
        %get3A_1679 = tpu.vector_load %arg9[%get3A_1676, %get3A_1677, %get3A_1678] {strides = array<i32>} : memref<2x128x128xf32, #tpu.memory_space<vmem>>, vector<1x1x16xf32>,
        %get3A_1680 = vector.shape_cast %get3A_1679 : vector<1x1x16xf32> to vector<16xf32>
        %add3A_1681 = arith.constant 2 : i32
        %add3A_1682 = arith.addi %mul3A_179, %add3A_1681 : i32
        %get3A_1683 = arith.constant 1 : i32
        %get3A_1684 = arith.index_cast %get3A_1683 : i32 to index
        %get3A_1685 = arith.index_cast %add3A_1682 : i32 to index
        %get3A_1686 = arith.constant 80 : index
        %get3A_1687 = tpu.vector_load %arg10[%get3A_1684, %get3A_1685, %get3A_1686] {strides = array<i32>} : memref<2x128x128xf32, #tpu.memory_space<vmem>>, vector<1x1x16xf32>,
        %get3A_1688 = vector.shape_cast %get3A_1687 : vector<1x1x16xf32> to vector<16xf32>
        %add3A_1689 = arith.addf %get3A_1680, %get3A_1688 : vector<16xf32>
        %max3A_1690 = arith.maximumf %max3A_1672, %add3A_1689 : vector<16xf32>
        %add3A_1691 = arith.constant 3 : i32
        %add3A_1692 = arith.addi %mul3A_179, %add3A_1691 : i32
        %get3A_1693 = arith.constant 1 : i32
        %get3A_1694 = arith.index_cast %get3A_1693 : i32 to index
        %get3A_1695 = arith.index_cast %add3A_1692 : i32 to index
        %get3A_1696 = arith.constant 80 : index
        %get3A_1697 = tpu.vector_load %arg9[%get3A_1694, %get3A_1695, %get3A_1696] {strides = array<i32>} : memref<2x128x128xf32, #tpu.memory_space<vmem>>, vector<1x1x16xf32>,
        %get3A_1698 = vector.shape_cast %get3A_1697 : vector<1x1x16xf32> to vector<16xf32>
        %add3A_1699 = arith.constant 3 : i32
        %add3A_1700 = arith.addi %mul3A_179, %add3A_1699 : i32
        %get3A_1701 = arith.constant 1 : i32
        %get3A_1702 = arith.index_cast %get3A_1701 : i32 to index
        %get3A_1703 = arith.index_cast %add3A_1700 : i32 to index
        %get3A_1704 = arith.constant 80 : index
        %get3A_1705 = tpu.vector_load %arg10[%get3A_1702, %get3A_1703, %get3A_1704] {strides = array<i32>} : memref<2x128x128xf32, #tpu.memory_space<vmem>>, vector<1x1x16xf32>,
        %get3A_1706 = vector.shape_cast %get3A_1705 : vector<1x1x16xf32> to vector<16xf32>
        %add3A_1707 = arith.addf %get3A_1698, %get3A_1706 : vector<16xf32>
        %max3A_1708 = arith.maximumf %max3A_1690, %add3A_1707 : vector<16xf32>
        %add3A_1709 = arith.constant 4 : i32
        %add3A_1710 = arith.addi %mul3A_179, %add3A_1709 : i32
        %get3A_1711 = arith.constant 1 : i32
        %get3A_1712 = arith.index_cast %get3A_1711 : i32 to index
        %get3A_1713 = arith.index_cast %add3A_1710 : i32 to index
        %get3A_1714 = arith.constant 80 : index
        %get3A_1715 = tpu.vector_load %arg9[%get3A_1712, %get3A_1713, %get3A_1714] {strides = array<i32>} : memref<2x128x128xf32, #tpu.memory_space<vmem>>, vector<1x1x16xf32>,
        %get3A_1716 = vector.shape_cast %get3A_1715 : vector<1x1x16xf32> to vector<16xf32>
        %add3A_1717 = arith.constant 4 : i32
        %add3A_1718 = arith.addi %mul3A_179, %add3A_1717 : i32
        %get3A_1719 = arith.constant 1 : i32
        %get3A_1720 = arith.index_cast %get3A_1719 : i32 to index
        %get3A_1721 = arith.index_cast %add3A_1718 : i32 to index
        %get3A_1722 = arith.constant 80 : index
        %get3A_1723 = tpu.vector_load %arg10[%get3A_1720, %get3A_1721, %get3A_1722] {strides = array<i32>} : memref<2x128x128xf32, #tpu.memory_space<vmem>>, vector<1x1x16xf32>,
        %get3A_1724 = vector.shape_cast %get3A_1723 : vector<1x1x16xf32> to vector<16xf32>
        %add3A_1725 = arith.addf %get3A_1716, %get3A_1724 : vector<16xf32>
        %max3A_1726 = arith.maximumf %max3A_1708, %add3A_1725 : vector<16xf32>
        %add3A_1727 = arith.constant 5 : i32
        %add3A_1728 = arith.addi %mul3A_179, %add3A_1727 : i32
        %get3A_1729 = arith.constant 1 : i32
        %get3A_1730 = arith.index_cast %get3A_1729 : i32 to index
        %get3A_1731 = arith.index_cast %add3A_1728 : i32 to index
        %get3A_1732 = arith.constant 80 : index
        %get3A_1733 = tpu.vector_load %arg9[%get3A_1730, %get3A_1731, %get3A_1732] {strides = array<i32>} : memref<2x128x128xf32, #tpu.memory_space<vmem>>, vector<1x1x16xf32>,
        %get3A_1734 = vector.shape_cast %get3A_1733 : vector<1x1x16xf32> to vector<16xf32>
        %add3A_1735 = arith.constant 5 : i32
        %add3A_1736 = arith.addi %mul3A_179, %add3A_1735 : i32
        %get3A_1737 = arith.constant 1 : i32
        %get3A_1738 = arith.index_cast %get3A_1737 : i32 to index
        %get3A_1739 = arith.index_cast %add3A_1736 : i32 to index
        %get3A_1740 = arith.constant 80 : index
        %get3A_1741 = tpu.vector_load %arg10[%get3A_1738, %get3A_1739, %get3A_1740] {strides = array<i32>} : memref<2x128x128xf32, #tpu.memory_space<vmem>>, vector<1x1x16xf32>,
        %get3A_1742 = vector.shape_cast %get3A_1741 : vector<1x1x16xf32> to vector<16xf32>
        %add3A_1743 = arith.addf %get3A_1734, %get3A_1742 : vector<16xf32>
        %max3A_1744 = arith.maximumf %max3A_1726, %add3A_1743 : vector<16xf32>
        %add3A_1745 = arith.constant 6 : i32
        %add3A_1746 = arith.addi %mul3A_179, %add3A_1745 : i32
        %get3A_1747 = arith.constant 1 : i32
        %get3A_1748 = arith.index_cast %get3A_1747 : i32 to index
        %get3A_1749 = arith.index_cast %add3A_1746 : i32 to index
        %get3A_1750 = arith.constant 80 : index
        %get3A_1751 = tpu.vector_load %arg9[%get3A_1748, %get3A_1749, %get3A_1750] {strides = array<i32>} : memref<2x128x128xf32, #tpu.memory_space<vmem>>, vector<1x1x16xf32>,
        %get3A_1752 = vector.shape_cast %get3A_1751 : vector<1x1x16xf32> to vector<16xf32>
        %add3A_1753 = arith.constant 6 : i32
        %add3A_1754 = arith.addi %mul3A_179, %add3A_1753 : i32
        %get3A_1755 = arith.constant 1 : i32
        %get3A_1756 = arith.index_cast %get3A_1755 : i32 to index
        %get3A_1757 = arith.index_cast %add3A_1754 : i32 to index
        %get3A_1758 = arith.constant 80 : index
        %get3A_1759 = tpu.vector_load %arg10[%get3A_1756, %get3A_1757, %get3A_1758] {strides = array<i32>} : memref<2x128x128xf32, #tpu.memory_space<vmem>>, vector<1x1x16xf32>,
        %get3A_1760 = vector.shape_cast %get3A_1759 : vector<1x1x16xf32> to vector<16xf32>
        %add3A_1761 = arith.addf %get3A_1752, %get3A_1760 : vector<16xf32>
        %max3A_1762 = arith.maximumf %max3A_1744, %add3A_1761 : vector<16xf32>
        %add3A_1763 = arith.constant 7 : i32
        %add3A_1764 = arith.addi %mul3A_179, %add3A_1763 : i32
        %get3A_1765 = arith.constant 1 : i32
        %get3A_1766 = arith.index_cast %get3A_1765 : i32 to index
        %get3A_1767 = arith.index_cast %add3A_1764 : i32 to index
        %get3A_1768 = arith.constant 80 : index
        %get3A_1769 = tpu.vector_load %arg9[%get3A_1766, %get3A_1767, %get3A_1768] {strides = array<i32>} : memref<2x128x128xf32, #tpu.memory_space<vmem>>, vector<1x1x16xf32>,
        %get3A_1770 = vector.shape_cast %get3A_1769 : vector<1x1x16xf32> to vector<16xf32>
        %add3A_1771 = arith.constant 7 : i32
        %add3A_1772 = arith.addi %mul3A_179, %add3A_1771 : i32
        %get3A_1773 = arith.constant 1 : i32
        %get3A_1774 = arith.index_cast %get3A_1773 : i32 to index
        %get3A_1775 = arith.index_cast %add3A_1772 : i32 to index
        %get3A_1776 = arith.constant 80 : index
        %get3A_1777 = tpu.vector_load %arg10[%get3A_1774, %get3A_1775, %get3A_1776] {strides = array<i32>} : memref<2x128x128xf32, #tpu.memory_space<vmem>>, vector<1x1x16xf32>,
        %get3A_1778 = vector.shape_cast %get3A_1777 : vector<1x1x16xf32> to vector<16xf32>
        %add3A_1779 = arith.addf %get3A_1770, %get3A_1778 : vector<16xf32>
        %max3A_1780 = arith.maximumf %max3A_1762, %add3A_1779 : vector<16xf32>
        %add3A_1781 = arith.constant 8 : i32
        %add3A_1782 = arith.addi %mul3A_179, %add3A_1781 : i32
        %get3A_1783 = arith.constant 1 : i32
        %get3A_1784 = arith.index_cast %get3A_1783 : i32 to index
        %get3A_1785 = arith.index_cast %add3A_1782 : i32 to index
        %get3A_1786 = arith.constant 80 : index
        %get3A_1787 = tpu.vector_load %arg9[%get3A_1784, %get3A_1785, %get3A_1786] {strides = array<i32>} : memref<2x128x128xf32, #tpu.memory_space<vmem>>, vector<1x1x16xf32>,
        %get3A_1788 = vector.shape_cast %get3A_1787 : vector<1x1x16xf32> to vector<16xf32>
        %add3A_1789 = arith.constant 8 : i32
        %add3A_1790 = arith.addi %mul3A_179, %add3A_1789 : i32
        %get3A_1791 = arith.constant 1 : i32
        %get3A_1792 = arith.index_cast %get3A_1791 : i32 to index
        %get3A_1793 = arith.index_cast %add3A_1790 : i32 to index
        %get3A_1794 = arith.constant 80 : index
        %get3A_1795 = tpu.vector_load %arg10[%get3A_1792, %get3A_1793, %get3A_1794] {strides = array<i32>} : memref<2x128x128xf32, #tpu.memory_space<vmem>>, vector<1x1x16xf32>,
        %get3A_1796 = vector.shape_cast %get3A_1795 : vector<1x1x16xf32> to vector<16xf32>
        %add3A_1797 = arith.addf %get3A_1788, %get3A_1796 : vector<16xf32>
        %max3A_1798 = arith.maximumf %max3A_1780, %add3A_1797 : vector<16xf32>
        %add3A_1799 = arith.constant 9 : i32
        %add3A_1800 = arith.addi %mul3A_179, %add3A_1799 : i32
        %get3A_1801 = arith.constant 1 : i32
        %get3A_1802 = arith.index_cast %get3A_1801 : i32 to index
        %get3A_1803 = arith.index_cast %add3A_1800 : i32 to index
        %get3A_1804 = arith.constant 80 : index
        %get3A_1805 = tpu.vector_load %arg9[%get3A_1802, %get3A_1803, %get3A_1804] {strides = array<i32>} : memref<2x128x128xf32, #tpu.memory_space<vmem>>, vector<1x1x16xf32>,
        %get3A_1806 = vector.shape_cast %get3A_1805 : vector<1x1x16xf32> to vector<16xf32>
        %add3A_1807 = arith.constant 9 : i32
        %add3A_1808 = arith.addi %mul3A_179, %add3A_1807 : i32
        %get3A_1809 = arith.constant 1 : i32
        %get3A_1810 = arith.index_cast %get3A_1809 : i32 to index
        %get3A_1811 = arith.index_cast %add3A_1808 : i32 to index
        %get3A_1812 = arith.constant 80 : index
        %get3A_1813 = tpu.vector_load %arg10[%get3A_1810, %get3A_1811, %get3A_1812] {strides = array<i32>} : memref<2x128x128xf32, #tpu.memory_space<vmem>>, vector<1x1x16xf32>,
        %get3A_1814 = vector.shape_cast %get3A_1813 : vector<1x1x16xf32> to vector<16xf32>
        %add3A_1815 = arith.addf %get3A_1806, %get3A_1814 : vector<16xf32>
        %max3A_1816 = arith.maximumf %max3A_1798, %add3A_1815 : vector<16xf32>
        %add3A_1817 = arith.constant 10 : i32
        %add3A_1818 = arith.addi %mul3A_179, %add3A_1817 : i32
        %get3A_1819 = arith.constant 1 : i32
        %get3A_1820 = arith.index_cast %get3A_1819 : i32 to index
        %get3A_1821 = arith.index_cast %add3A_1818 : i32 to index
        %get3A_1822 = arith.constant 80 : index
        %get3A_1823 = tpu.vector_load %arg9[%get3A_1820, %get3A_1821, %get3A_1822] {strides = array<i32>} : memref<2x128x128xf32, #tpu.memory_space<vmem>>, vector<1x1x16xf32>,
        %get3A_1824 = vector.shape_cast %get3A_1823 : vector<1x1x16xf32> to vector<16xf32>
        %add3A_1825 = arith.constant 10 : i32
        %add3A_1826 = arith.addi %mul3A_179, %add3A_1825 : i32
        %get3A_1827 = arith.constant 1 : i32
        %get3A_1828 = arith.index_cast %get3A_1827 : i32 to index
        %get3A_1829 = arith.index_cast %add3A_1826 : i32 to index
        %get3A_1830 = arith.constant 80 : index
        %get3A_1831 = tpu.vector_load %arg10[%get3A_1828, %get3A_1829, %get3A_1830] {strides = array<i32>} : memref<2x128x128xf32, #tpu.memory_space<vmem>>, vector<1x1x16xf32>,
        %get3A_1832 = vector.shape_cast %get3A_1831 : vector<1x1x16xf32> to vector<16xf32>
        %add3A_1833 = arith.addf %get3A_1824, %get3A_1832 : vector<16xf32>
        %max3A_1834 = arith.maximumf %max3A_1816, %add3A_1833 : vector<16xf32>
        %add3A_1835 = arith.constant 11 : i32
        %add3A_1836 = arith.addi %mul3A_179, %add3A_1835 : i32
        %get3A_1837 = arith.constant 1 : i32
        %get3A_1838 = arith.index_cast %get3A_1837 : i32 to index
        %get3A_1839 = arith.index_cast %add3A_1836 : i32 to index
        %get3A_1840 = arith.constant 80 : index
        %get3A_1841 = tpu.vector_load %arg9[%get3A_1838, %get3A_1839, %get3A_1840] {strides = array<i32>} : memref<2x128x128xf32, #tpu.memory_space<vmem>>, vector<1x1x16xf32>,
        %get3A_1842 = vector.shape_cast %get3A_1841 : vector<1x1x16xf32> to vector<16xf32>
        %add3A_1843 = arith.constant 11 : i32
        %add3A_1844 = arith.addi %mul3A_179, %add3A_1843 : i32
        %get3A_1845 = arith.constant 1 : i32
        %get3A_1846 = arith.index_cast %get3A_1845 : i32 to index
        %get3A_1847 = arith.index_cast %add3A_1844 : i32 to index
        %get3A_1848 = arith.constant 80 : index
        %get3A_1849 = tpu.vector_load %arg10[%get3A_1846, %get3A_1847, %get3A_1848] {strides = array<i32>} : memref<2x128x128xf32, #tpu.memory_space<vmem>>, vector<1x1x16xf32>,
        %get3A_1850 = vector.shape_cast %get3A_1849 : vector<1x1x16xf32> to vector<16xf32>
        %add3A_1851 = arith.addf %get3A_1842, %get3A_1850 : vector<16xf32>
        %max3A_1852 = arith.maximumf %max3A_1834, %add3A_1851 : vector<16xf32>
        %add3A_1853 = arith.constant 12 : i32
        %add3A_1854 = arith.addi %mul3A_179, %add3A_1853 : i32
        %get3A_1855 = arith.constant 1 : i32
        %get3A_1856 = arith.index_cast %get3A_1855 : i32 to index
        %get3A_1857 = arith.index_cast %add3A_1854 : i32 to index
        %get3A_1858 = arith.constant 80 : index
        %get3A_1859 = tpu.vector_load %arg9[%get3A_1856, %get3A_1857, %get3A_1858] {strides = array<i32>} : memref<2x128x128xf32, #tpu.memory_space<vmem>>, vector<1x1x16xf32>,
        %get3A_1860 = vector.shape_cast %get3A_1859 : vector<1x1x16xf32> to vector<16xf32>
        %add3A_1861 = arith.constant 12 : i32
        %add3A_1862 = arith.addi %mul3A_179, %add3A_1861 : i32
        %get3A_1863 = arith.constant 1 : i32
        %get3A_1864 = arith.index_cast %get3A_1863 : i32 to index
        %get3A_1865 = arith.index_cast %add3A_1862 : i32 to index
        %get3A_1866 = arith.constant 80 : index
        %get3A_1867 = tpu.vector_load %arg10[%get3A_1864, %get3A_1865, %get3A_1866] {strides = array<i32>} : memref<2x128x128xf32, #tpu.memory_space<vmem>>, vector<1x1x16xf32>,
        %get3A_1868 = vector.shape_cast %get3A_1867 : vector<1x1x16xf32> to vector<16xf32>
        %add3A_1869 = arith.addf %get3A_1860, %get3A_1868 : vector<16xf32>
        %max3A_1870 = arith.maximumf %max3A_1852, %add3A_1869 : vector<16xf32>
        %add3A_1871 = arith.constant 13 : i32
        %add3A_1872 = arith.addi %mul3A_179, %add3A_1871 : i32
        %get3A_1873 = arith.constant 1 : i32
        %get3A_1874 = arith.index_cast %get3A_1873 : i32 to index
        %get3A_1875 = arith.index_cast %add3A_1872 : i32 to index
        %get3A_1876 = arith.constant 80 : index
        %get3A_1877 = tpu.vector_load %arg9[%get3A_1874, %get3A_1875, %get3A_1876] {strides = array<i32>} : memref<2x128x128xf32, #tpu.memory_space<vmem>>, vector<1x1x16xf32>,
        %get3A_1878 = vector.shape_cast %get3A_1877 : vector<1x1x16xf32> to vector<16xf32>
        %add3A_1879 = arith.constant 13 : i32
        %add3A_1880 = arith.addi %mul3A_179, %add3A_1879 : i32
        %get3A_1881 = arith.constant 1 : i32
        %get3A_1882 = arith.index_cast %get3A_1881 : i32 to index
        %get3A_1883 = arith.index_cast %add3A_1880 : i32 to index
        %get3A_1884 = arith.constant 80 : index
        %get3A_1885 = tpu.vector_load %arg10[%get3A_1882, %get3A_1883, %get3A_1884] {strides = array<i32>} : memref<2x128x128xf32, #tpu.memory_space<vmem>>, vector<1x1x16xf32>,
        %get3A_1886 = vector.shape_cast %get3A_1885 : vector<1x1x16xf32> to vector<16xf32>
        %add3A_1887 = arith.addf %get3A_1878, %get3A_1886 : vector<16xf32>
        %max3A_1888 = arith.maximumf %max3A_1870, %add3A_1887 : vector<16xf32>
        %add3A_1889 = arith.constant 14 : i32
        %add3A_1890 = arith.addi %mul3A_179, %add3A_1889 : i32
        %get3A_1891 = arith.constant 1 : i32
        %get3A_1892 = arith.index_cast %get3A_1891 : i32 to index
        %get3A_1893 = arith.index_cast %add3A_1890 : i32 to index
        %get3A_1894 = arith.constant 80 : index
        %get3A_1895 = tpu.vector_load %arg9[%get3A_1892, %get3A_1893, %get3A_1894] {strides = array<i32>} : memref<2x128x128xf32, #tpu.memory_space<vmem>>, vector<1x1x16xf32>,
        %get3A_1896 = vector.shape_cast %get3A_1895 : vector<1x1x16xf32> to vector<16xf32>
        %add3A_1897 = arith.constant 14 : i32
        %add3A_1898 = arith.addi %mul3A_179, %add3A_1897 : i32
        %get3A_1899 = arith.constant 1 : i32
        %get3A_1900 = arith.index_cast %get3A_1899 : i32 to index
        %get3A_1901 = arith.index_cast %add3A_1898 : i32 to index
        %get3A_1902 = arith.constant 80 : index
        %get3A_1903 = tpu.vector_load %arg10[%get3A_1900, %get3A_1901, %get3A_1902] {strides = array<i32>} : memref<2x128x128xf32, #tpu.memory_space<vmem>>, vector<1x1x16xf32>,
        %get3A_1904 = vector.shape_cast %get3A_1903 : vector<1x1x16xf32> to vector<16xf32>
        %add3A_1905 = arith.addf %get3A_1896, %get3A_1904 : vector<16xf32>
        %max3A_1906 = arith.maximumf %max3A_1888, %add3A_1905 : vector<16xf32>
        %add3A_1907 = arith.constant 15 : i32
        %add3A_1908 = arith.addi %mul3A_179, %add3A_1907 : i32
        %get3A_1909 = arith.constant 1 : i32
        %get3A_1910 = arith.index_cast %get3A_1909 : i32 to index
        %get3A_1911 = arith.index_cast %add3A_1908 : i32 to index
        %get3A_1912 = arith.constant 80 : index
        %get3A_1913 = tpu.vector_load %arg9[%get3A_1910, %get3A_1911, %get3A_1912] {strides = array<i32>} : memref<2x128x128xf32, #tpu.memory_space<vmem>>, vector<1x1x16xf32>,
        %get3A_1914 = vector.shape_cast %get3A_1913 : vector<1x1x16xf32> to vector<16xf32>
        %add3A_1915 = arith.constant 15 : i32
        %add3A_1916 = arith.addi %mul3A_179, %add3A_1915 : i32
        %get3A_1917 = arith.constant 1 : i32
        %get3A_1918 = arith.index_cast %get3A_1917 : i32 to index
        %get3A_1919 = arith.index_cast %add3A_1916 : i32 to index
        %get3A_1920 = arith.constant 80 : index
        %get3A_1921 = tpu.vector_load %arg10[%get3A_1918, %get3A_1919, %get3A_1920] {strides = array<i32>} : memref<2x128x128xf32, #tpu.memory_space<vmem>>, vector<1x1x16xf32>,
        %get3A_1922 = vector.shape_cast %get3A_1921 : vector<1x1x16xf32> to vector<16xf32>
        %add3A_1923 = arith.addf %get3A_1914, %get3A_1922 : vector<16xf32>
        %max3A_1924 = arith.maximumf %max3A_1906, %add3A_1923 : vector<16xf32>
        %max3A_1925 = arith.constant 0.000000e+00 : f32
        %max3A_1926 = vector.broadcast %max3A_1925 : f32 to vector<16xf32>
        %max3A_1927 = arith.maximumf %max3A_1924, %max3A_1926 : vector<16xf32>
        %swap3A_1928 = arith.constant 1 : i32
        %swap3A_1929 = arith.index_cast %swap3A_1928 : i32 to index
        %swap3A_1930 = arith.index_cast %scan3A_177 : i32 to index
        %swap3A_1931 = arith.constant 80 : index
        %swap3A_1932 = tpu.vector_load %arg11[%swap3A_1929, %swap3A_1930, %swap3A_1931] {strides = array<i32>} : memref<2x8x128xf32, #tpu.memory_space<vmem>>, vector<1x1x16xf32>,
        %swap3A_1933 = vector.shape_cast %swap3A_1932 : vector<1x1x16xf32> to vector<16xf32>
        %swap3A_1934 = vector.shape_cast %max3A_1927 : vector<16xf32> to vector<1x1x16xf32>
        tpu.vector_store %arg11[%swap3A_1929, %swap3A_1930, %swap3A_1931], %swap3A_1934 {strides = array<i32>} : memref<2x8x128xf32, #tpu.memory_space<vmem>>, vector<1x1x16xf32>,
      }
      %scan3A_160 = arith.constant 8 : i32
      %mul3A_161 = arith.constant 8 : i32
      %mul3A_162 = arith.muli %add3A_120, %mul3A_161 : i32
      %add3A_163 = arith.addi %mul3A_2, %mul3A_162 : i32
      %dma_start3A_164 = arith.constant 1 : i32
      %dma_start3A_165 = arith.constant 0 : i32
      %dma_start3A_166 = arith.constant 0 : i32
      %dma_start3A_167 = tpu.memref_slice %arg11[%dma_start3A_164, %dma_start3A_165, %dma_start3A_166] : memref<2x8x128xf32, #tpu.memory_space<vmem>> -> memref<1x8x128xf32, #tpu.memory_space<vmem>>
      %dma_start3A_168 = tpu.memref_squeeze %dma_start3A_167 : memref<1x8x128xf32, #tpu.memory_space<vmem>> -> memref<8x128xf32, #tpu.memory_space<vmem>>
      %dma_start3A_169 = arith.constant 0 : i32
      %dma_start3A_170 = tpu.memref_slice %arg6[%add3A_163, %dma_start3A_169] : memref<16384x128xf32, #tpu.memory_space<hbm>> -> memref<8x128xf32, #tpu.memory_space<hbm>>
      %dma_start3A_171 = arith.constant 0 : i32
      %dma_start3A_172 = tpu.memref_slice %arg6[%add3A_163, %dma_start3A_171] : memref<16384x128xf32, #tpu.memory_space<hbm>> -> memref<8x128xf32, #tpu.memory_space<hbm>>
      %dma_start3A_173 = arith.constant 0 : i32
      %dma_start3A_174 = arith.constant 0 : i32
      %dma_start3A_175 = tpu.memref_slice %arg11[%dma_start3A_164, %dma_start3A_173, %dma_start3A_174] : memref<2x8x128xf32, #tpu.memory_space<vmem>> -> memref<1x8x128xf32, #tpu.memory_space<vmem>>
      %dma_start3A_176 = tpu.memref_squeeze %dma_start3A_175 : memref<1x8x128xf32, #tpu.memory_space<vmem>> -> memref<8x128xf32, #tpu.memory_space<vmem>>
      tpu.enqueue_dma source(%dma_start3A_176 : memref<8x128xf32, #tpu.memory_space<vmem>>) target(%dma_start3A_172 : memref<8x128xf32, #tpu.memory_space<hbm>>) target_semaphore(%arg15 : memref<!tpu.dma_semaphore, #tpu.memory_space<semaphore_mem>>)
    }
    %scan3A_32 = arith.constant 32 : i32
    %add3A_33 = arith.constant 496 : i32
    %add3A_34 = arith.addi %mul3A_2, %add3A_33 : i32
    %dma_wait3A = arith.constant 0 : i32
    %dma_wait3A_35 = arith.constant 0 : i32
    %dma_wait3A_36 = arith.constant 0 : i32
    %dma_wait3A_37 = tpu.memref_slice %arg11[%dma_wait3A, %dma_wait3A_35, %dma_wait3A_36] : memref<2x8x128xf32, #tpu.memory_space<vmem>> -> memref<1x8x128xf32, #tpu.memory_space<vmem>>
    %dma_wait3A_38 = tpu.memref_squeeze %dma_wait3A_37 : memref<1x8x128xf32, #tpu.memory_space<vmem>> -> memref<8x128xf32, #tpu.memory_space<vmem>>
    %dma_wait3A_39 = arith.constant 0 : i32
    %dma_wait3A_40 = tpu.memref_slice %arg6[%add3A_34, %dma_wait3A_39] : memref<16384x128xf32, #tpu.memory_space<hbm>> -> memref<8x128xf32, #tpu.memory_space<hbm>>
    %dma_wait3A_41 = arith.constant 0 : i32
    %dma_wait3A_42 = tpu.memref_slice %arg6[%add3A_34, %dma_wait3A_41] : memref<16384x128xf32, #tpu.memory_space<hbm>> -> memref<8x128xf32, #tpu.memory_space<hbm>>
    %dma_wait3A_43 = arith.constant 0 : i32
    %dma_wait3A_44 = arith.constant 0 : i32
    %dma_wait3A_45 = tpu.memref_slice %arg11[%dma_wait3A, %dma_wait3A_43, %dma_wait3A_44] : memref<2x8x128xf32, #tpu.memory_space<vmem>> -> memref<1x8x128xf32, #tpu.memory_space<vmem>>
    %dma_wait3A_46 = tpu.memref_squeeze %dma_wait3A_45 : memref<1x8x128xf32, #tpu.memory_space<vmem>> -> memref<8x128xf32, #tpu.memory_space<vmem>>
    tpu.wait_dma2 semaphore(%arg14 : memref<!tpu.dma_semaphore, #tpu.memory_space<semaphore_mem>>) src(%dma_wait3A_46 : memref<8x128xf32, #tpu.memory_space<vmem>>) dst(%dma_wait3A_42 : memref<8x128xf32, #tpu.memory_space<hbm>>)
    %add3A_47 = arith.constant 504 : i32
    %add3A_48 = arith.addi %mul3A_2, %add3A_47 : i32
    %dma_wait3A_49 = arith.constant 1 : i32
    %dma_wait3A_50 = arith.constant 0 : i32
    %dma_wait3A_51 = arith.constant 0 : i32
    %dma_wait3A_52 = tpu.memref_slice %arg11[%dma_wait3A_49, %dma_wait3A_50, %dma_wait3A_51] : memref<2x8x128xf32, #tpu.memory_space<vmem>> -> memref<1x8x128xf32, #tpu.memory_space<vmem>>
    %dma_wait3A_53 = tpu.memref_squeeze %dma_wait3A_52 : memref<1x8x128xf32, #tpu.memory_space<vmem>> -> memref<8x128xf32, #tpu.memory_space<vmem>>
    %dma_wait3A_54 = arith.constant 0 : i32
    %dma_wait3A_55 = tpu.memref_slice %arg6[%add3A_48, %dma_wait3A_54] : memref<16384x128xf32, #tpu.memory_space<hbm>> -> memref<8x128xf32, #tpu.memory_space<hbm>>
    %dma_wait3A_56 = arith.constant 0 : i32
    %dma_wait3A_57 = tpu.memref_slice %arg6[%add3A_48, %dma_wait3A_56] : memref<16384x128xf32, #tpu.memory_space<hbm>> -> memref<8x128xf32, #tpu.memory_space<hbm>>
    %dma_wait3A_58 = arith.constant 0 : i32
    %dma_wait3A_59 = arith.constant 0 : i32
    %dma_wait3A_60 = tpu.memref_slice %arg11[%dma_wait3A_49, %dma_wait3A_58, %dma_wait3A_59] : memref<2x8x128xf32, #tpu.memory_space<vmem>> -> memref<1x8x128xf32, #tpu.memory_space<vmem>>
    %dma_wait3A_61 = tpu.memref_squeeze %dma_wait3A_60 : memref<1x8x128xf32, #tpu.memory_space<vmem>> -> memref<8x128xf32, #tpu.memory_space<vmem>>
    tpu.wait_dma2 semaphore(%arg15 : memref<!tpu.dma_semaphore, #tpu.memory_space<semaphore_mem>>) src(%dma_wait3A_61 : memref<8x128xf32, #tpu.memory_space<vmem>>) dst(%dma_wait3A_57 : memref<8x128xf32, #tpu.memory_space<hbm>>)
    return
  }
}

module attributes {stable_mosaic.version = 14 : i64} {
  func.func @_tc_tables_body(%arg0: i32, %arg1: memref<1x96x1024xf32, #tpu.memory_space<vmem>>, %arg2: memref<2x16x16384xi32, #tpu.memory_space<vmem>>, %arg3: memref<96x192xf32, #tpu.memory_space<vmem>>, %arg4: memref<96xf32, #tpu.memory_space<vmem>>, %arg5: memref<1x1024x128xf32, #tpu.memory_space<vmem>>, %arg6: memref<1x1024x128xf32, #tpu.memory_space<vmem>>, %arg7: memref<2x16x16384xi32, #tpu.memory_space<vmem>>) attributes {dimension_semantics = [#tpu.dimension_semantics<arbitrary>], iteration_bounds = array<i64: 16>, scalar_prefetch = 0 : i64, scratch_operands = 0 : i64, tpu.core_type = #tpu.core_type<tc>, window_params = [{transform_indices = @transform_0, window_bounds = array<i64: 1, 96, 1024>}, {pipeline_mode = #tpu.pipeline_mode<synchronous>, transform_indices = @transform_1, window_bounds = array<i64: 2, 16, 16384>}, {pipeline_mode = #tpu.pipeline_mode<synchronous>, transform_indices = @transform_2, window_bounds = array<i64: 96, 192>}, {pipeline_mode = #tpu.pipeline_mode<synchronous>, transform_indices = @transform_3, window_bounds = array<i64: 96>}, {transform_indices = @transform_4, window_bounds = array<i64: 1, 1024, 128>}, {transform_indices = @transform_5, window_bounds = array<i64: 1, 1024, 128>}, {pipeline_mode = #tpu.pipeline_mode<synchronous>, transform_indices = @transform_6, window_bounds = array<i64: 2, 16, 16384>}]} {
    %get3A = arith.constant 0 : index
    %get3A_0 = arith.constant 0 : index
    %get3A_1 = arith.constant 0 : index
    %get3A_2 = vector.load %arg1[%get3A, %get3A_0, %get3A_1] : memref<1x96x1024xf32, #tpu.memory_space<vmem>>, vector<1x96x1024xf32>
    %get3A_3 = vector.shape_cast %get3A_2 : vector<1x96x1024xf32> to vector<96x1024xf32>
    %get3A_4 = arith.constant 0 : index
    %get3A_5 = arith.constant 0 : index
    %get3A_6 = vector.load %arg3[%get3A_4, %get3A_5] : memref<96x192xf32, #tpu.memory_space<vmem>>, vector<96x192xf32>
    %slice3A = vector.extract_strided_slice %get3A_6 {offsets = [0, 0], sizes = [96, 96], strides = [1, 1]} : vector<96x192xf32> to vector<96x96xf32>
    %slice3A_7 = vector.extract_strided_slice %get3A_6 {offsets = [0, 96], sizes = [96, 96], strides = [1, 1]} : vector<96x192xf32> to vector<96x96xf32>
    %sub3A = arith.subf %slice3A, %slice3A_7 : vector<96x96xf32>
    %dot_general3A = arith.constant dense<0.000000e+00> : vector<1024x96xf32>
    %dot_general3A_8 = tpu.matmul %get3A_3, %sub3A, %dot_general3A {dimension_numbers = #tpu.dot_dimension_numbers<[0], [1], [1], [0], [0, 1, 1, 0], [], []>, transpose_lhs_hint = false} : vector<96x1024xf32>, vector<96x96xf32>, vector<1024x96xf32> -> vector<1024x96xf32>
    %get3A_9 = arith.constant 0 : index
    %get3A_10 = vector.load %arg4[%get3A_9] : memref<96xf32, #tpu.memory_space<vmem>>, vector<96xf32>
    %broadcast_in_dim3A = vector.shape_cast %get3A_10 : vector<96xf32> to vector<1x96xf32>
    %add3A = vector.broadcast %broadcast_in_dim3A : vector<1x96xf32> to vector<1024x96xf32>
    %add3A_11 = arith.addf %dot_general3A_8, %add3A : vector<1024x96xf32>
    %dot_general3A_12 = arith.constant dense<0.000000e+00> : vector<1024x96xf32>
    %dot_general3A_13 = tpu.matmul %get3A_3, %slice3A_7, %dot_general3A_12 {dimension_numbers = #tpu.dot_dimension_numbers<[0], [1], [1], [0], [0, 1, 1, 0], [], []>, transpose_lhs_hint = false} : vector<96x1024xf32>, vector<96x96xf32>, vector<1024x96xf32> -> vector<1024x96xf32>
    %broadcast_in_dim3A_14 = arith.constant 0.000000e+00 : f32
    %broadcast_in_dim3A_15 = vector.broadcast %broadcast_in_dim3A_14 : f32 to vector<1024x32xf32>
    %concatenate3A = tpu.concatenate %add3A_11, %broadcast_in_dim3A_15 in 1 : vector<1024x96xf32>, vector<1024x32xf32> -> vector<1024x128xf32>
    %swap3A = arith.constant 0 : index
    %swap3A_16 = arith.constant 0 : index
    %swap3A_17 = arith.constant 0 : index
    %swap3A_18 = vector.load %arg5[%swap3A, %swap3A_16, %swap3A_17] : memref<1x1024x128xf32, #tpu.memory_space<vmem>>, vector<1x1024x128xf32>
    %swap3A_19 = vector.shape_cast %swap3A_18 : vector<1x1024x128xf32> to vector<1024x128xf32>
    %swap3A_20 = vector.shape_cast %concatenate3A : vector<1024x128xf32> to vector<1x1024x128xf32>
    tpu.vector_store %arg5[%swap3A, %swap3A_16, %swap3A_17], %swap3A_20 {strides = array<i32>} : memref<1x1024x128xf32, #tpu.memory_space<vmem>>, vector<1x1024x128xf32>,
    %concatenate3A_21 = tpu.concatenate %dot_general3A_13, %broadcast_in_dim3A_15 in 1 : vector<1024x96xf32>, vector<1024x32xf32> -> vector<1024x128xf32>
    %swap3A_22 = arith.constant 0 : index
    %swap3A_23 = arith.constant 0 : index
    %swap3A_24 = arith.constant 0 : index
    %swap3A_25 = vector.load %arg6[%swap3A_22, %swap3A_23, %swap3A_24] : memref<1x1024x128xf32, #tpu.memory_space<vmem>>, vector<1x1024x128xf32>
    %swap3A_26 = vector.shape_cast %swap3A_25 : vector<1x1024x128xf32> to vector<1024x128xf32>
    %swap3A_27 = vector.shape_cast %concatenate3A_21 : vector<1024x128xf32> to vector<1x1024x128xf32>
    tpu.vector_store %arg6[%swap3A_22, %swap3A_23, %swap3A_24], %swap3A_27 {strides = array<i32>} : memref<1x1024x128xf32, #tpu.memory_space<vmem>>, vector<1x1024x128xf32>,
    %eq3A = arith.constant 0 : i32
    %eq3A_28 = arith.cmpi eq, %arg0, %eq3A : i32
    %convert_element_type3A = arith.extui %eq3A_28 : i1 to i32
    %cond3A = arith.constant 0 : i32
    %cond3A_29 = arith.cmpi ne, %convert_element_type3A, %cond3A : i32
    scf.if %cond3A_29 {
      %iota3A = tpu.iota {dimensions = array<i32: 1>} : vector<2x16x16384xi32>
      %mul3A = arith.constant 1024 : i32
      %mul3A_30 = vector.broadcast %mul3A : i32 to vector<2x16x16384xi32>
      %mul3A_31 = arith.muli %iota3A, %mul3A_30 : vector<2x16x16384xi32>
      %get3A_32 = arith.constant 0 : index
      %get3A_33 = arith.constant 0 : index
      %get3A_34 = arith.constant 0 : index
      %get3A_35 = vector.load %arg2[%get3A_32, %get3A_33, %get3A_34] : memref<2x16x16384xi32, #tpu.memory_space<vmem>>, vector<2x16x16384xi32>
      %add3A_36 = arith.addi %get3A_35, %mul3A_31 : vector<2x16x16384xi32>
      %swap3A_37 = arith.constant 0 : index
      %swap3A_38 = arith.constant 0 : index
      %swap3A_39 = arith.constant 0 : index
      %swap3A_40 = vector.load %arg7[%swap3A_37, %swap3A_38, %swap3A_39] : memref<2x16x16384xi32, #tpu.memory_space<vmem>>, vector<2x16x16384xi32>
      tpu.vector_store %arg7[%swap3A_37, %swap3A_38, %swap3A_39], %add3A_36 {strides = array<i32>} : memref<2x16x16384xi32, #tpu.memory_space<vmem>>, vector<2x16x16384xi32>,
    } else {
    }
    return
  }
  func.func @transform_0(%arg0: i32) -> (i32, i32, i32) {
    %c0_i32 = arith.constant 0 : i32
    %c0_i32_0 = arith.constant 0 : i32
    %c0_i32_1 = arith.constant 0 : i32
    return %arg0, %c0_i32, %c0_i32_0 : i32, i32, i32
  }
  func.func @transform_1(%arg0: i32) -> (i32, i32, i32) {
    %c0_i32 = arith.constant 0 : i32
    %c0_i32_0 = arith.constant 0 : i32
    %c0_i32_1 = arith.constant 0 : i32
    %c0_i32_2 = arith.constant 0 : i32
    return %c0_i32, %c0_i32_0, %c0_i32_1 : i32, i32, i32
  }
  func.func @transform_2(%arg0: i32) -> (i32, i32) {
    %c0_i32 = arith.constant 0 : i32
    %c0_i32_0 = arith.constant 0 : i32
    %c0_i32_1 = arith.constant 0 : i32
    return %c0_i32, %c0_i32_0 : i32, i32
  }
  func.func @transform_3(%arg0: i32) -> i32 {
    %c0_i32 = arith.constant 0 : i32
    %c0_i32_0 = arith.constant 0 : i32
    return %c0_i32 : i32
  }
  func.func @transform_4(%arg0: i32) -> (i32, i32, i32) {
    %c0_i32 = arith.constant 0 : i32
    %c0_i32_0 = arith.constant 0 : i32
    %c0_i32_1 = arith.constant 0 : i32
    return %arg0, %c0_i32, %c0_i32_0 : i32, i32, i32
  }
  func.func @transform_5(%arg0: i32) -> (i32, i32, i32) {
    %c0_i32 = arith.constant 0 : i32
    %c0_i32_0 = arith.constant 0 : i32
    %c0_i32_1 = arith.constant 0 : i32
    return %arg0, %c0_i32, %c0_i32_0 : i32, i32, i32
  }
  func.func @transform_6(%arg0: i32) -> (i32, i32, i32) {
    %c0_i32 = arith.constant 0 : i32
    %c0_i32_0 = arith.constant 0 : i32
    %c0_i32_1 = arith.constant 0 : i32
    %c0_i32_2 = arith.constant 0 : i32
    return %c0_i32, %c0_i32_0, %c0_i32_1 : i32, i32, i32
  }
}

</mosaic_0001>

<sc_bundles>
// kernel: kernel.4.cloned.1.call-start
scs
__scs_entry_jumppad:
0x0: {  	(pc) =	sbr.rel $0x88, $3  }
0x1: {  	(tag) =	ssettag $0x0;
	lr =	simm.s32 $0x1  }
0x2: {  	[smem:$0x3F9D] =	sst lr;
	_ =	strace $0xD0000000  }
0x3: {  	_ = 	snop  }
0x4: {  	_ = 	snop  }
0x5: {  	_ = 	snop  }
0x6: {  	_ = 	snop  }
0x7: {  	_ = 	snop  }
__scs_overlays_trampoline_lowered:
0x8: {  	[smem:$0x3FAC] =	sst s0  }
0x9: {  	[smem:$0x3FAD] =	sst s1  }
0xa: {  	[smem:$0x3FAE] =	sst s2  }
0xb: {  	[smem:$0x3FAF] =	sst s3  }
0xc: {  	[smem:$0x3FB0] =	sst s4  }
0xd: {  	[smem:$0x3FB1] =	sst s5  }
0xe: {  	[smem:$0x3FB2] =	sst s6  }
0xf: {  	[smem:$0x3FB3] =	sst s7  }
0x10: {  	[smem:$0x3FB4] =	sst s8  }
0x11: {  	[smem:$0x3FB5] =	sst s9;
	s0 =	simm.s32 @!p0 $0x0  }
0x12: {  	s1 =	sld [smem:$0x3F9B];
	s0 =	simm.s32 @p0 $0x1  }
0x13: {  	[smem:$0x3FB6] =	sst s0;
	s0 =	simm.s32 @!p1 $0x0  }
0x14: {  	s2 =	sld [smem:$0x3F9A];
	s0 =	simm.s32 @p1 $0x1  }
0x15: {  	[smem:$0x3FB7] =	sst s0;
	s0 =	simm.s32 @!p2 $0x0  }
0x16: {  	s3 =	sld [smem:$0x3FDB];
	s0 =	simm.s32 @p2 $0x1  }
0x17: {  	s4 =	simm.s32 $0x1BF5;
	[smem:$0x3FB9] =	sst s0  }
0x18: {  	s0 =	sld [smem:$0x3F9C];
	_ =	swait.ge [sflag:s4], $0x0  }
0x19: {  	s7 =	sld [smem:$0x3F9D]  }
0x1a: {  	s8 =	sadd.s32 $0xFFFFE003, lr  }
0x1b: {  	s9 =	sadd.s32 $0xFFFFFEF7, lr;
	s5 =	simm.s32 $0xFFFFFFFF;
	p2 =	slt.u32 s8, $0xFFFFF086  }
0x1c: {  	p1 =	slt.u32 s9, $0xF7A;
	s5 =	simm.s32 @!p2 $0x0  }
0x1d: {  	s5 =	simm.s32 @p1 $0x1;
	p0 =	seq.s32 s7, s2  }
0x1e: {  	s7 =	smul.u32 @!p0 $0xF7A, s2;
	p2 =	seq.s32 @!p0 s5, $0x0  }
0x1f: {  	s9 =	smul.u32 $0xF7A, s1;
	s8 =	simm.s32 @!p0 $0x1BF5;
	p2 =	por !p2, p0  }
0x20: {  	[sflag:s8] =	ssyncset.s32 @!p0 $0xFFFFF086;
	s6 =	sadd.s32 @!p0 s3, s7;
	s7 =	simm.s32 @!p0 $0x108  }
0x21: {  	s3 =	sadd.s32 s3, s9;
	s6 =	sadd.s32 @!p0 $0x88, s6;
	s7 =	simm.s32 @p2 $0x1082  }
0x22: {  	[simem:s7], [sflag:s8] =	dma.local @!p0 [hbm:s6], $0xF7A  }
0x23: {  	s9 =	sor.u32 $0xD0000000, s2;
	s6 =	simm.s32 $0x108;
	_ =	swait.ge @!p0 [sflag:s8], $0x0  }
0x24: {  	s3 =	sadd.s32 $0x88, s3;
	s6 =	simm.s32 @!p1 $0x1082;
	[sflag:s4] =	ssyncset.s32 $0xFFFFF086  }
0x25: {  	[simem:s6], [sflag:s4] =	dma.local [hbm:s3], $0xF7A  }
0x26: {  	[smem:$0x3F9D] =	sst s1;
	(tag) =	ssettag s2;
	_ =	strace s9  }
0x27: {  	s1 =	sld [smem:$0x3FAD]  }
0x28: {  	s2 =	sld [smem:$0x3FAE]  }
0x29: {  	s4 =	sld [smem:$0x3FB0]  }
0x2a: {  	p0 =	seq.s32 s5, $0x0;
	s5 =	sld [smem:$0x3FB1]  }
0x2b: {  	s6 =	sld [smem:$0x3FB2]  }
0x2c: {  	s7 =	sld [smem:$0x3FB3]  }
0x2d: {  	s3 =	simm.s32 $0x108;
	s8 =	sld [smem:$0x3FB4]  }
0x2e: {  	s3 =	simm.s32 @!p0 $0x1082;
	s9 =	sld [smem:$0x3FB5]  }
0x2f: {  	lr =	sadd.s32 s0, s3;
	s0 =	sld [smem:$0x3FAC]  }
0x30: {  	s3 =	sld [smem:$0x3FAF]  }
0x31: {  	[smem:$0x3FB8] =	sst s10  }
0x32: {  	s10 =	sld [smem:$0x3FB6];
	_ =	sdelay $0x3  }
0x33: {  	p0 =	seq.s32 s10, $0x1;
	s10 =	sld [smem:$0x3FB8];
	_ =	sdelay $0x3  }
0x34: {  	[smem:$0x3FB8] =	sst s10  }
0x35: {  	s10 =	sld [smem:$0x3FB7];
	_ =	sdelay $0x3  }
0x36: {  	p1 =	seq.s32 s10, $0x1;
	s10 =	sld [smem:$0x3FB8];
	_ =	sdelay $0x3  }
0x37: {  	[smem:$0x3FB8] =	sst s10  }
0x38: {  	s10 =	sld [smem:$0x3FB9]  }
0x39: {  	_ = 	snop;
	(pc) =	sbr.ind lr, $3  }
0x3a: {  	_ = 	snop  }
0x3b: {  	_ = 	snop  }
0x3c: {  	p2 =	seq.s32 s10, $0x1;
	s10 =	sld [smem:$0x3FB8]  }
0x3d: {  	_ =	shalt  }
0x3e: {  	_ =	shalt  }
0x3f: {  	_ =	shalt  }
0x40: {  	_ =	shalt  }
0x41: {  	_ =	shalt  }
0x42: {  	_ =	shalt  }
0x43: {  	_ =	shalt  }
0x44: {  	_ =	shalt  }
0x45: {  	_ =	shalt  }
0x46: {  	_ =	shalt  }
0x47: {  	_ =	shalt  }
0x48: {  	_ =	shalt  }
0x49: {  	_ =	shalt  }
0x4a: {  	_ =	shalt  }
0x4b: {  	_ =	shalt  }
0x4c: {  	_ =	shalt  }
0x4d: {  	_ =	shalt  }
0x4e: {  	_ =	shalt  }
0x4f: {  	_ =	shalt  }
0x50: {  	_ =	shalt  }
0x51: {  	_ =	shalt  }
0x52: {  	_ =	shalt  }
0x53: {  	_ =	shalt  }
0x54: {  	_ =	shalt  }
0x55: {  	_ =	shalt  }
0x56: {  	_ =	shalt  }
0x57: {  	_ =	shalt  }
0x58: {  	_ =	shalt  }
0x59: {  	_ =	shalt  }
0x5a: {  	_ =	shalt  }
0x5b: {  	_ =	shalt  }
0x5c: {  	_ =	shalt  }
0x5d: {  	_ =	shalt  }
0x5e: {  	_ =	shalt  }
0x5f: {  	_ =	shalt  }
0x60: {  	_ =	shalt  }
0x61: {  	_ =	shalt  }
0x62: {  	_ =	shalt  }
0x63: {  	_ =	shalt  }
0x64: {  	_ =	shalt  }
0x65: {  	_ =	shalt  }
0x66: {  	_ =	shalt  }
0x67: {  	_ =	shalt  }
0x68: {  	_ =	shalt  }
0x69: {  	_ =	shalt  }
0x6a: {  	_ =	shalt  }
0x6b: {  	_ =	shalt  }
0x6c: {  	_ =	shalt  }
0x6d: {  	_ =	shalt  }
0x6e: {  	_ =	shalt  }
0x6f: {  	_ =	shalt  }
0x70: {  	_ =	shalt  }
0x71: {  	_ =	shalt  }
0x72: {  	_ =	shalt  }
0x73: {  	_ =	shalt  }
0x74: {  	_ =	shalt  }
0x75: {  	_ =	shalt  }
0x76: {  	_ =	shalt  }
0x77: {  	_ =	shalt  }
0x78: {  	_ =	shalt  }
0x79: {  	_ =	shalt  }
0x7a: {  	_ =	shalt  }
0x7b: {  	_ =	shalt  }
0x7c: {  	_ =	shalt  }
0x7d: {  	_ =	shalt  }
0x7e: {  	_ =	shalt  }
0x7f: {  	_ =	shalt  }
0x80: {  	_ =	shalt  }
0x81: {  	_ =	shalt  }
0x82: {  	_ =	shalt  }
0x83: {  	_ =	shalt  }
0x84: {  	_ =	shalt  }
0x85: {  	_ =	shalt  }
0x86: {  	_ =	shalt  }
0x87: {  	_ =	shalt  }
.Lfunc_end0:
.L_simem_size_0:
called_computation_lowered:
.L_overlay_start_0:
0x88: {  	s2 =	sld [smem:$0x3FD9]  }
0x89: {  	s3 =	sld [smem:$0x3FFE];
	_ =	sdelay $0x1  }
0x8a: {  	s1 =	srdreg.scid  }
0x8b: {  	s0 =	sand.u32 $0x1, s1  }
0x8c: {  	s17 =	sshll.u32 s0, $0xA;
	s2 =	sadd.s32 s3, s2  }
0x8d: {  	s2 =	sadd.s32 s2, s17  }
0x8e: {  	[smem:$0x3FC4] =	sst s2  }
0x8f: {  	_ = 	snop  }
0x90: {  	s2 =	sld [smem:$0x3FD0];
	(tm) =	ssettm $0x1  }
0x91: {  	s18 =	sld [smem:$0x3FFB];
	_ =	sdelay $0x3  }
0x92: {  	_ =	strace s18  }
0x93: {  	s3 =	sld [smem:$0x3FFC];
	_ =	sdelay $0x3  }
0x94: {  	_ =	strace s3  }
0x95: {  	s3 =	sld [smem:$0x3FFD];
	_ =	sdelay $0x3  }
0x96: {  	_ =	strace s3  }
0x97: {  	_ =	strace $0x8FFFFFFF  }
0x98: {  	s19 =	sld [smem:$0x3FDB];
	_ =	sdelay $0x1  }
0x99: {  	s4 =	simm.s32 $_scs_section_size  }
0x9a: {  	s5 =	simm.s32 $_size__tile_overlayer_lowered;
	s6 =	simm.s32 $_tile_overlayer_lowered  }
0x9b: {  	s22 =	simm.s32 $0x1BFF;
	s21 =	sshll.u32 s6, $0x1;
	s3 =	sadd.s32 s4, s19  }
0x9c: {  	s7 =	simm.s32 $0x0;
	s20 =	sshll.u32 s5, $0x1;
	s5 =	sadd.s32 s21, s3  }
0x9d: {  	[timem:s7], [sflag:s22] =	dma.local [hbm:s5], s20  }
0x9e: {  	_ =	swait.ge [sflag:s22], s20  }
0x9f: {  	s4 =	ssub.s32 $0x0, s20;
	[sflag:s22] =	ssyncset.done $0x0  }
0xa0: {  	[sflag:s22] =	ssyncadd.s32 s4;
	_ =	sdelay $0x1  }
0xa1: {  	s23 =	simm.s32 $0x1B8B  }
0xa2: {  	_ =	swait.ge [sflag:s23], $0x1  }
0xa3: {  	[sflag:s23] =	ssyncset.done $0x0  }
0xa4: {  	s25 =	simm.s32 $0x1B8E;
	s24 =	sld [smem:$0x3FFE];
	[sflag:s23] =	ssyncadd.s32 $0xFFFFFFFF  }
0xa5: {  	s26 =	simm.s32 $execute0_lowered;
	[smem:$0x3FD2] =	sst s25  }
0xa6: {  	s5 =	sshll.u32 s26, $0x1;
	_ =	strace $0x80000046;
	[dreg:$0x1] =	wrdreg $0xFFFFFFFF  }
0xa7: {  	s28 =	simm.s32 $_size_execute0_lowered;
	s3 =	sadd.s32 s3, s5;
	[dreg:$0x0] =	wrdreg $0x0  }
0xa8: {  	s5 =	sshll.u32 s28, $0x1;
	[dreg:$0x2] =	wrdreg s3  }
0xa9: {  	[dreg:$0x3] =	wrdreg s5  }
0xaa: {  	[dreg:$0x4] =	wrdreg $0xC0  }
0xab: {  	_ =	task [dreg:s7], $0x5FFFF  }
0xac: {  	[dreg:$0x1] =	wrdreg $0xFFFFFFFF  }
0xad: {  	[dreg:$0x0] =	wrdreg $0x60  }
0xae: {  	[dreg:$0x2] =	wrdreg s24  }
0xaf: {  	[dreg:$0x3] =	wrdreg s2  }
0xb0: {  	[dreg:$0x4] =	wrdreg $0x9  }
0xb1: {  	_ =	task.clear_ibuf [dreg:s7], $0x5FFFF;
	_ =	strace $0x90000046  }
0xb2: {  	s29 =	simm.s32 $0x9;
	_ =	strace $0x80000048  }
0xb3: {  	_ =	swait.ge [sflag:s29], $0x1  }
0xb4: {  	[sflag:s29] =	ssyncadd.s32 $0xFFFFFFFF  }
0xb5: {  	_ =	strace $0x90000048  }
0xb6: {  	_ =	sfence  }
0xb7: {  	s30 =	sld [smem:$0x0];
	_ =	sdelay $0x2  }
0xb8: {  	s31 =	sshll.u32 s1, $0xD;
	s1 =	sshrl.u32 s1, $0x2  }
0xb9: {  	s3 =	sand.u32 $0x4000, s31;
	s1 =	sadd.s32 s1, s30  }
0xba: {  	s0 =	sor.u32 s3, s0;
	s1 =	sshll.u32 s1, $0x11  }
0xbb: {  	s0 =	sor.u32 s1, s0  }
0xbc: {  	s0 =	sadd.s32 $0x8F2B, s0  }
0xbd: {  	[sflag:s0] =	ssyncadd.remote.s32 $0x1  }
0xbe: {  	_ =	sfence.sel $0xFFFF  }
0xbf: {  	[dreg:$0x0] =	wrdreg $0xFFFFFFFF;
	(pc) =	sbr.abs _section_cstart, $3  }
0xc0: {  	[dreg:$0x1] =	wrdreg $0xFFFFFFFF  }
0xc1: {  	_ =	task.clear_ibuf [dreg:s7], $0x2FFFF;
	_ =	strace $0x9FFFFFFF  }
0xc2: {  	(tm) =	ssettm $0x7FFFFFFF  }
0xc3: {  	_ =	shalt  }
tec
execute0_lowered:
.L_overlay_start_1:
0x0: {  	(tag) =	ssettag $0x1  }
0x1: {  	s5 =	rddreg [dreg:$0x0]  }
0x2: {  	s6 =	rddreg [dreg:$0x1]  }
0x3: {  	s0 =	rddreg [dreg:$0x2];
	s2 =	simm.s32 $0x0;
	s4 =	srdreg.scid  }
0x4: {  	s1 =	stileid.u32;
	s12 =	simm.s32 $0x4000;
	s13 =	simm.s32 $0xC000  }
0x5: {  	s14 =	simm.s32 $0x8000;
	s15 =	simm.s32 $0x10000;
	s16 =	simm.s32 $0x1  }
0x6: {  	s17 =	simm.s32 $0x14000;
	s18 =	simm.s32 $0x2;
	s19 =	simm.s32 $0x14400  }
0x7: {  	s20 =	simm.s32 $0x3;
	s21 =	simm.s32 $0x4;
	s22 =	simm.s32 $0x0  }
0x8: {  	[smem:$0x7FF] =	sst s2;
	s7 =	sand.u32 $0x1, s4;
	s8 =	sshll.u32 s1, $0x1  }
0x9: {  	s3 =	sadd.s32 $0x41000, s5;
	s4 =	sadd.s32 $0x1000, s5;
	s8 =	sor.u32 s7, s8  }
0xa: {  	_ =	strace $0x80000047;
	s7 =	ssub.s32 $0x2, s7;
	s9 =	sshll.u32 s8, $0xA  }
0xb: {  	s8 =	sshll.u32 s8, $0xD;
	s10 =	sshrl.u32 s7, $0x1;
	s11 =	sadd.s32 s9, s5  }
0xc: {  	s8 =	sadd.s32 s8, s5;
	s10 =	ssub.s32 s7, s10;
	s5 =	sadd.s32 s6, s9  }
0xd: {  	s9 =	simm.s32 $0x5;
	s6 =	sadd.s32 $0x81000, s11;
	s7 =	sadd.s32 $0x89000, s8  }
0xe: {  	s8 =	smax.u32 s10, $0x1;
	s10 =	simm.s32 $0x2000;
	s11 =	simm.s32 $0x80  }
.LBB2_1:
0xf: {  	[tilespmem:s2], [sflag:$0x5] =	stream.linear.gather [hbm4b:s5+s2], $0x2000, $0x38;
	[tilespmem:$0x14800] =	vst v63  }
0x10: {  	_ =	swait.ge [sflag:s9], $0x2000  }
0x11: {  	[sflag:s9] =	ssyncset.done $0x0  }
0x12: {  	[sflag:s9] =	ssyncadd.s32 $0xFFFFE000  }
0x13: {  	[tilespmem:s10], [sflag:$0x5] =	stream.linear.gather [hbm4b:s6+s2], $0x2000, $0x38;
	[tilespmem:$0x14800] =	vst v63  }
0x14: {  	_ =	swait.ge [sflag:s9], $0x2000  }
0x15: {  	[sflag:s9] =	ssyncset.done $0x0  }
0x16: {  	[sflag:s9] =	ssyncadd.s32 $0xFFFFE000  }
0x17: {  	[tilespmem:s12], [sflag:$0x1] =	stream.indirect.gather [hbm4b:s3+s11], $0x80, s2, s11, $0xb8;
	[tilespmem:$0x14800] =	vst v63  }
0x18: {  	s23 =	simm.s32 $0x0  }
0x19: {  	[tilespmem:s13], [sflag:$0x1] =	stream.indirect.gather [hbm4b:s4+s11], $0x80, s10, s11, $0xb8;
	[tilespmem:$0x14800] =	vst v63  }
.LBB2_2:
0x1a: {  	s25 =	sshll.u32 s23, $0x8  }
0x1b: {  	s24 =	sor.u32 $0x80, s25  }
0x1c: {  	[tilespmem:s14], [sflag:$0x2] =	stream.indirect.gather [hbm4b:s3+s11], $0x80, s24, s11, $0xb8;
	[tilespmem:$0x14800] =	vst v63  }
0x1d: {  	s26 =	sadd.s32 $0x2080, s25  }
0x1e: {  	[tilespmem:s15], [sflag:$0x2] =	stream.indirect.gather [hbm4b:s4+s11], $0x80, s26, s11, $0xb8;
	[tilespmem:$0x14800] =	vst v63  }
0x1f: {  	_ =	swait.ge [sflag:s16], $0x4000  }
0x20: {  	[sflag:s16] =	ssyncset.done $0x0  }
0x21: {  	[sflag:s16] =	ssyncadd.s32 $0xFFFFC000  }
0x22: {  	_ =	swait.ge [sflag:s16], $0x4000  }
0x23: {  	p0 =	seq.s32 s23, $0x0;
	[sflag:s16] =	ssyncset.done $0x0  }
0x24: {  	s26 =	simm.s32 @!p0 $0x3;
	[sflag:s16] =	ssyncadd.s32 $0xFFFFC000  }
0x25: {  	_ =	swait.ge @!p0 [sflag:s26], $0x400  }
0x26: {  	[sflag:s26] =	ssyncset.done @!p0 $0x0  }
0x27: {  	s28 =	simm.s32 $0x14030;
	[sflag:s26] =	ssyncadd.s32 @!p0 $0xFFFFFC00;
	s26 =	simm.s32 $0x0  }
.LBB2_3:
0x28: {  	s29 =	sshra.s32 s26, $0x2  }
0x29: {  	v0 =	vld [tilespmem:s29+$0x4000]  }
0x2a: {  	v1 =	vld [tilespmem:s29+$0xC000]  }
0x2b: {  	v2 =	vld [tilespmem:s29+$0x4080]  }
0x2c: {  	v3 =	vld [tilespmem:s29+$0xC080]  }
0x2d: {  	v4 =	vld [tilespmem:s29+$0x4100]  }
0x2e: {  	v5 =	vld [tilespmem:s29+$0xC100]  }
0x2f: {  	v6 =	vld [tilespmem:s29+$0x4180]  }
0x30: {  	v7 =	vld [tilespmem:s29+$0xC180]  }
0x31: {  	v8 =	vld [tilespmem:s29+$0x4200]  }
0x32: {  	v9 =	vld [tilespmem:s29+$0xC200]  }
0x33: {  	v10 =	vld [tilespmem:s29+$0x4280]  }
0x34: {  	v11 =	vld [tilespmem:s29+$0xC280]  }
0x35: {  	v12 =	vld [tilespmem:s29+$0x4300]  }
0x36: {  	v13 =	vld [tilespmem:s29+$0xC300]  }
0x37: {  	v14 =	vld [tilespmem:s29+$0x4380]  }
0x38: {  	v15 =	vld [tilespmem:s29+$0xC380]  }
0x39: {  	v16 =	vld [tilespmem:s29+$0x4400]  }
0x3a: {  	v17 =	vld [tilespmem:s29+$0xC400]  }
0x3b: {  	v18 =	vld [tilespmem:s29+$0x4480]  }
0x3c: {  	v19 =	vld [tilespmem:s29+$0xC480]  }
0x3d: {  	v20 =	vld [tilespmem:s29+$0x4500]  }
0x3e: {  	v21 =	vld [tilespmem:s29+$0xC500]  }
0x3f: {  	v56 =	vld [tilespmem:s29+$0x4580];
	v0 =	vadd.f32 v1, v0;
	v55 =	vadd.f32 v3, v2  }
0x40: {  	v58 =	vld [tilespmem:s29+$0xC580];
	v57 =	vadd.f32 v5, v4  }
0x41: {  	v60 =	vld [tilespmem:s29+$0x4600];
	v59 =	vadd.f32 v7, v6;
	v0 =	vmax.f32 v0, v55  }
0x42: {  	v62 =	vld [tilespmem:s29+$0xC600];
	v61 =	vadd.f32 v9, v8;
	v0 =	vmax.f32 v0, v57  }
0x43: {  	v22 =	vld [tilespmem:s29+$0x4680];
	v63 =	vadd.f32 v11, v10;
	v0 =	vmax.f32 v0, v59  }
0x44: {  	v24 =	vld [tilespmem:s29+$0xC680];
	v23 =	vadd.f32 v13, v12;
	v0 =	vmax.f32 v0, v61  }
0x45: {  	v26 =	vld [tilespmem:s29+$0x4700];
	v25 =	vadd.f32 v15, v14;
	v0 =	vmax.f32 v0, v63  }
0x46: {  	v28 =	vld [tilespmem:s29+$0xC700];
	v27 =	vadd.f32 v17, v16;
	v0 =	vmax.f32 v0, v23  }
0x47: {  	v30 =	vld [tilespmem:s29+$0x4780];
	v29 =	vadd.f32 v19, v18;
	v0 =	vmax.f32 v0, v25  }
0x48: {  	v32 =	vld [tilespmem:s29+$0xC780];
	v31 =	vadd.f32 v21, v20;
	v0 =	vmax.f32 v0, v27  }
0x49: {  	v33 =	vadd.f32 v58, v56;
	v0 =	vmax.f32 v0, v29  }
0x4a: {  	v34 =	vadd.f32 v62, v60;
	v0 =	vmax.f32 v0, v31  }
0x4b: {  	v35 =	vadd.f32 v24, v22;
	v0 =	vmax.f32 v0, v33  }
0x4c: {  	v36 =	vadd.f32 v28, v26;
	v0 =	vmax.f32 v0, v34  }
0x4d: {  	v37 =	vadd.f32 v32, v30;
	v0 =	vmax.f32 v0, v35  }
0x4e: {  	v0 =	vmax.f32 v0, v36  }
0x4f: {  	v0 =	vmax.f32 v0, v37  }
0x50: {  	v0 =	vmax.f32 v0, $0.0e+00  }
0x51: {  	[tilespmem:s28+$0xFFFFFFD0] =	vst v0  }
0x52: {  	v0 =	vld [tilespmem:s29+$0x4010]  }
0x53: {  	v38 =	vld [tilespmem:s29+$0xC010]  }
0x54: {  	v39 =	vld [tilespmem:s29+$0x4090]  }
0x55: {  	v40 =	vld [tilespmem:s29+$0xC090]  }
0x56: {  	v41 =	vld [tilespmem:s29+$0x4110]  }
0x57: {  	v42 =	vld [tilespmem:s29+$0xC110]  }
0x58: {  	v43 =	vld [tilespmem:s29+$0x4190]  }
0x59: {  	v44 =	vld [tilespmem:s29+$0xC190]  }
0x5a: {  	v45 =	vld [tilespmem:s29+$0x4210]  }
0x5b: {  	v46 =	vld [tilespmem:s29+$0xC210]  }
0x5c: {  	v47 =	vld [tilespmem:s29+$0x4290]  }
0x5d: {  	v48 =	vld [tilespmem:s29+$0xC290]  }
0x5e: {  	v49 =	vld [tilespmem:s29+$0x4310]  }
0x5f: {  	v50 =	vld [tilespmem:s29+$0xC310]  }
0x60: {  	v51 =	vld [tilespmem:s29+$0x4390]  }
0x61: {  	v52 =	vld [tilespmem:s29+$0xC390]  }
0x62: {  	v53 =	vld [tilespmem:s29+$0x4410]  }
0x63: {  	v54 =	vld [tilespmem:s29+$0xC410]  }
0x64: {  	v55 =	vld [tilespmem:s29+$0x4490]  }
0x65: {  	v56 =	vld [tilespmem:s29+$0xC490]  }
0x66: {  	v57 =	vld [tilespmem:s29+$0x4510]  }
0x67: {  	v58 =	vld [tilespmem:s29+$0xC510]  }
0x68: {  	v60 =	vld [tilespmem:s29+$0x4590];
	v0 =	vadd.f32 v38, v0;
	v59 =	vadd.f32 v40, v39  }
0x69: {  	v62 =	vld [tilespmem:s29+$0xC590];
	v61 =	vadd.f32 v42, v41  }
0x6a: {  	v22 =	vld [tilespmem:s29+$0x4610];
	v63 =	vadd.f32 v44, v43;
	v0 =	vmax.f32 v0, v59  }
0x6b: {  	v24 =	vld [tilespmem:s29+$0xC610];
	v23 =	vadd.f32 v46, v45;
	v0 =	vmax.f32 v0, v61  }
0x6c: {  	v26 =	vld [tilespmem:s29+$0x4690];
	v25 =	vadd.f32 v48, v47;
	v0 =	vmax.f32 v0, v63  }
0x6d: {  	v28 =	vld [tilespmem:s29+$0xC690];
	v27 =	vadd.f32 v50, v49;
	v0 =	vmax.f32 v0, v23  }
0x6e: {  	v30 =	vld [tilespmem:s29+$0x4710];
	v29 =	vadd.f32 v52, v51;
	v0 =	vmax.f32 v0, v25  }
0x6f: {  	v32 =	vld [tilespmem:s29+$0xC710];
	v31 =	vadd.f32 v54, v53;
	v0 =	vmax.f32 v0, v27  }
0x70: {  	v34 =	vld [tilespmem:s29+$0x4790];
	v33 =	vadd.f32 v56, v55;
	v0 =	vmax.f32 v0, v29  }
0x71: {  	v36 =	vld [tilespmem:s29+$0xC790];
	v35 =	vadd.f32 v58, v57;
	v0 =	vmax.f32 v0, v31  }
0x72: {  	v37 =	vadd.f32 v62, v60;
	v0 =	vmax.f32 v0, v33  }
0x73: {  	v38 =	vadd.f32 v24, v22;
	v0 =	vmax.f32 v0, v35  }
0x74: {  	v39 =	vadd.f32 v28, v26;
	v0 =	vmax.f32 v0, v37  }
0x75: {  	v40 =	vadd.f32 v32, v30;
	v0 =	vmax.f32 v0, v38  }
0x76: {  	v41 =	vadd.f32 v36, v34;
	v0 =	vmax.f32 v0, v39  }
0x77: {  	v0 =	vmax.f32 v0, v40  }
0x78: {  	v0 =	vmax.f32 v0, v41  }
0x79: {  	v0 =	vmax.f32 v0, $0.0e+00  }
0x7a: {  	[tilespmem:s28+$0xFFFFFFE0] =	vst v0  }
0x7b: {  	v0 =	vld [tilespmem:s29+$0x4020]  }
0x7c: {  	v42 =	vld [tilespmem:s29+$0xC020]  }
0x7d: {  	v43 =	vld [tilespmem:s29+$0x40A0]  }
0x7e: {  	v44 =	vld [tilespmem:s29+$0xC0A0]  }
0x7f: {  	v45 =	vld [tilespmem:s29+$0x4120]  }
0x80: {  	v46 =	vld [tilespmem:s29+$0xC120]  }
0x81: {  	v47 =	vld [tilespmem:s29+$0x41A0]  }
0x82: {  	v48 =	vld [tilespmem:s29+$0xC1A0]  }
0x83: {  	v49 =	vld [tilespmem:s29+$0x4220]  }
0x84: {  	v50 =	vld [tilespmem:s29+$0xC220]  }
0x85: {  	v51 =	vld [tilespmem:s29+$0x42A0]  }
0x86: {  	v52 =	vld [tilespmem:s29+$0xC2A0]  }
0x87: {  	v53 =	vld [tilespmem:s29+$0x4320]  }
0x88: {  	v54 =	vld [tilespmem:s29+$0xC320]  }
0x89: {  	v55 =	vld [tilespmem:s29+$0x43A0]  }
0x8a: {  	v56 =	vld [tilespmem:s29+$0xC3A0]  }
0x8b: {  	v57 =	vld [tilespmem:s29+$0x4420]  }
0x8c: {  	v58 =	vld [tilespmem:s29+$0xC420]  }
0x8d: {  	v59 =	vld [tilespmem:s29+$0x44A0]  }
0x8e: {  	v60 =	vld [tilespmem:s29+$0xC4A0]  }
0x8f: {  	v61 =	vld [tilespmem:s29+$0x4520]  }
0x90: {  	v62 =	vld [tilespmem:s29+$0xC520]  }
0x91: {  	v22 =	vld [tilespmem:s29+$0x45A0];
	v0 =	vadd.f32 v42, v0;
	v63 =	vadd.f32 v44, v43  }
0x92: {  	v24 =	vld [tilespmem:s29+$0xC5A0];
	v23 =	vadd.f32 v46, v45  }
0x93: {  	v26 =	vld [tilespmem:s29+$0x4620];
	v25 =	vadd.f32 v48, v47;
	v0 =	vmax.f32 v0, v63  }
0x94: {  	v28 =	vld [tilespmem:s29+$0xC620];
	v27 =	vadd.f32 v50, v49;
	v0 =	vmax.f32 v0, v23  }
0x95: {  	v30 =	vld [tilespmem:s29+$0x46A0];
	v29 =	vadd.f32 v52, v51;
	v0 =	vmax.f32 v0, v25  }
0x96: {  	v32 =	vld [tilespmem:s29+$0xC6A0];
	v31 =	vadd.f32 v54, v53;
	v0 =	vmax.f32 v0, v27  }
0x97: {  	v34 =	vld [tilespmem:s29+$0x4720];
	v33 =	vadd.f32 v56, v55;
	v0 =	vmax.f32 v0, v29  }
0x98: {  	v36 =	vld [tilespmem:s29+$0xC720];
	v35 =	vadd.f32 v58, v57;
	v0 =	vmax.f32 v0, v31  }
0x99: {  	v38 =	vld [tilespmem:s29+$0x47A0];
	v37 =	vadd.f32 v60, v59;
	v0 =	vmax.f32 v0, v33  }
0x9a: {  	v40 =	vld [tilespmem:s29+$0xC7A0];
	v39 =	vadd.f32 v62, v61;
	v0 =	vmax.f32 v0, v35  }
0x9b: {  	v41 =	vadd.f32 v24, v22;
	v0 =	vmax.f32 v0, v37  }
0x9c: {  	v42 =	vadd.f32 v28, v26;
	v0 =	vmax.f32 v0, v39  }
0x9d: {  	v43 =	vadd.f32 v32, v30;
	v0 =	vmax.f32 v0, v41  }
0x9e: {  	v44 =	vadd.f32 v36, v34;
	v0 =	vmax.f32 v0, v42  }
0x9f: {  	v45 =	vadd.f32 v40, v38;
	v0 =	vmax.f32 v0, v43  }
0xa0: {  	v0 =	vmax.f32 v0, v44  }
0xa1: {  	v0 =	vmax.f32 v0, v45  }
0xa2: {  	v0 =	vmax.f32 v0, $0.0e+00  }
0xa3: {  	[tilespmem:s28+$0xFFFFFFF0] =	vst v0  }
0xa4: {  	v0 =	vld [tilespmem:s29+$0x4030]  }
0xa5: {  	v46 =	vld [tilespmem:s29+$0xC030]  }
0xa6: {  	v47 =	vld [tilespmem:s29+$0x40B0]  }
0xa7: {  	v48 =	vld [tilespmem:s29+$0xC0B0]  }
0xa8: {  	v49 =	vld [tilespmem:s29+$0x4130]  }
0xa9: {  	v50 =	vld [tilespmem:s29+$0xC130]  }
0xaa: {  	v51 =	vld [tilespmem:s29+$0x41B0]  }
0xab: {  	v52 =	vld [tilespmem:s29+$0xC1B0]  }
0xac: {  	v53 =	vld [tilespmem:s29+$0x4230]  }
0xad: {  	v54 =	vld [tilespmem:s29+$0xC230]  }
0xae: {  	v55 =	vld [tilespmem:s29+$0x42B0]  }
0xaf: {  	v56 =	vld [tilespmem:s29+$0xC2B0]  }
0xb0: {  	v57 =	vld [tilespmem:s29+$0x4330]  }
0xb1: {  	v58 =	vld [tilespmem:s29+$0xC330]  }
0xb2: {  	v59 =	vld [tilespmem:s29+$0x43B0]  }
0xb3: {  	v60 =	vld [tilespmem:s29+$0xC3B0]  }
0xb4: {  	v61 =	vld [tilespmem:s29+$0x4430]  }
0xb5: {  	v62 =	vld [tilespmem:s29+$0xC430]  }
0xb6: {  	v63 =	vld [tilespmem:s29+$0x44B0]  }
0xb7: {  	v24 =	vld [tilespmem:s29+$0xC4B0]  }
0xb8: {  	v25 =	vld [tilespmem:s29+$0x4530]  }
0xb9: {  	v26 =	vld [tilespmem:s29+$0xC530]  }
0xba: {  	v28 =	vld [tilespmem:s29+$0x45B0];
	v0 =	vadd.f32 v46, v0;
	v27 =	vadd.f32 v48, v47  }
0xbb: {  	v30 =	vld [tilespmem:s29+$0xC5B0];
	v29 =	vadd.f32 v50, v49  }
0xbc: {  	v32 =	vld [tilespmem:s29+$0x4630];
	v31 =	vadd.f32 v52, v51;
	v0 =	vmax.f32 v0, v27  }
0xbd: {  	v34 =	vld [tilespmem:s29+$0xC630];
	v33 =	vadd.f32 v54, v53;
	v0 =	vmax.f32 v0, v29  }
0xbe: {  	v36 =	vld [tilespmem:s29+$0x46B0];
	v35 =	vadd.f32 v56, v55;
	v0 =	vmax.f32 v0, v31  }
0xbf: {  	v38 =	vld [tilespmem:s29+$0xC6B0];
	v37 =	vadd.f32 v58, v57;
	v0 =	vmax.f32 v0, v33  }
0xc0: {  	v40 =	vld [tilespmem:s29+$0x4730];
	v39 =	vadd.f32 v60, v59;
	v0 =	vmax.f32 v0, v35  }
0xc1: {  	v42 =	vld [tilespmem:s29+$0xC730];
	v41 =	vadd.f32 v62, v61;
	v0 =	vmax.f32 v0, v37  }
0xc2: {  	v44 =	vld [tilespmem:s29+$0x47B0];
	v43 =	vadd.f32 v24, v63;
	v0 =	vmax.f32 v0, v39  }
0xc3: {  	v45 =	vadd.f32 v26, v25;
	v46 =	vld [tilespmem:s29+$0xC7B0];
	v0 =	vmax.f32 v0, v41  }
0xc4: {  	v47 =	vadd.f32 v30, v28;
	v0 =	vmax.f32 v0, v43  }
0xc5: {  	v48 =	vadd.f32 v34, v32;
	v0 =	vmax.f32 v0, v45  }
0xc6: {  	v49 =	vadd.f32 v38, v36;
	v0 =	vmax.f32 v0, v47  }
0xc7: {  	v50 =	vadd.f32 v42, v40;
	v0 =	vmax.f32 v0, v48  }
0xc8: {  	v51 =	vadd.f32 v46, v44;
	v0 =	vmax.f32 v0, v49  }
0xc9: {  	v0 =	vmax.f32 v0, v50  }
0xca: {  	v0 =	vmax.f32 v0, v51  }
0xcb: {  	v0 =	vmax.f32 v0, $0.0e+00  }
0xcc: {  	[tilespmem:s28+$0x0] =	vst v0  }
0xcd: {  	v0 =	vld [tilespmem:s29+$0x4040]  }
0xce: {  	v52 =	vld [tilespmem:s29+$0xC040]  }
0xcf: {  	v53 =	vld [tilespmem:s29+$0x40C0]  }
0xd0: {  	v54 =	vld [tilespmem:s29+$0xC0C0]  }
0xd1: {  	v55 =	vld [tilespmem:s29+$0x4140]  }
0xd2: {  	v56 =	vld [tilespmem:s29+$0xC140]  }
0xd3: {  	v57 =	vld [tilespmem:s29+$0x41C0]  }
0xd4: {  	v58 =	vld [tilespmem:s29+$0xC1C0]  }
0xd5: {  	v59 =	vld [tilespmem:s29+$0x4240]  }
0xd6: {  	v60 =	vld [tilespmem:s29+$0xC240]  }
0xd7: {  	v61 =	vld [tilespmem:s29+$0x42C0]  }
0xd8: {  	v62 =	vld [tilespmem:s29+$0xC2C0]  }
0xd9: {  	v63 =	vld [tilespmem:s29+$0x4340]  }
0xda: {  	v24 =	vld [tilespmem:s29+$0xC340]  }
0xdb: {  	v25 =	vld [tilespmem:s29+$0x43C0]  }
0xdc: {  	v26 =	vld [tilespmem:s29+$0xC3C0]  }
0xdd: {  	v27 =	vld [tilespmem:s29+$0x4440]  }
0xde: {  	v28 =	vld [tilespmem:s29+$0xC440]  }
0xdf: {  	v29 =	vld [tilespmem:s29+$0x44C0]  }
0xe0: {  	v30 =	vld [tilespmem:s29+$0xC4C0]  }
0xe1: {  	v31 =	vld [tilespmem:s29+$0x4540]  }
0xe2: {  	v32 =	vld [tilespmem:s29+$0xC540]  }
0xe3: {  	v34 =	vld [tilespmem:s29+$0x45C0];
	v0 =	vadd.f32 v52, v0;
	v33 =	vadd.f32 v54, v53  }
0xe4: {  	v36 =	vld [tilespmem:s29+$0xC5C0];
	v35 =	vadd.f32 v56, v55  }
0xe5: {  	v38 =	vld [tilespmem:s29+$0x4640];
	v37 =	vadd.f32 v58, v57;
	v0 =	vmax.f32 v0, v33  }
0xe6: {  	v40 =	vld [tilespmem:s29+$0xC640];
	v39 =	vadd.f32 v60, v59;
	v0 =	vmax.f32 v0, v35  }
0xe7: {  	v42 =	vld [tilespmem:s29+$0x46C0];
	v41 =	vadd.f32 v62, v61;
	v0 =	vmax.f32 v0, v37  }
0xe8: {  	v44 =	vld [tilespmem:s29+$0xC6C0];
	v43 =	vadd.f32 v24, v63;
	v0 =	vmax.f32 v0, v39  }
0xe9: {  	v46 =	vld [tilespmem:s29+$0x4740];
	v45 =	vadd.f32 v26, v25;
	v0 =	vmax.f32 v0, v41  }
0xea: {  	v48 =	vld [tilespmem:s29+$0xC740];
	v47 =	vadd.f32 v28, v27;
	v0 =	vmax.f32 v0, v43  }
0xeb: {  	v50 =	vld [tilespmem:s29+$0x47C0];
	v49 =	vadd.f32 v30, v29;
	v0 =	vmax.f32 v0, v45  }
0xec: {  	v51 =	vadd.f32 v32, v31;
	v52 =	vld [tilespmem:s29+$0xC7C0];
	v0 =	vmax.f32 v0, v47  }
0xed: {  	v53 =	vadd.f32 v36, v34;
	v0 =	vmax.f32 v0, v49  }
0xee: {  	v54 =	vadd.f32 v40, v38;
	v0 =	vmax.f32 v0, v51  }
0xef: {  	v55 =	vadd.f32 v44, v42;
	v0 =	vmax.f32 v0, v53  }
0xf0: {  	v56 =	vadd.f32 v48, v46;
	v0 =	vmax.f32 v0, v54  }
0xf1: {  	v57 =	vadd.f32 v52, v50;
	v0 =	vmax.f32 v0, v55  }
0xf2: {  	v0 =	vmax.f32 v0, v56  }
0xf3: {  	v0 =	vmax.f32 v0, v57  }
0xf4: {  	v0 =	vmax.f32 v0, $0.0e+00  }
0xf5: {  	[tilespmem:s28+$0x10] =	vst v0  }
0xf6: {  	v0 =	vld [tilespmem:s29+$0x4050]  }
0xf7: {  	v58 =	vld [tilespmem:s29+$0xC050]  }
0xf8: {  	v59 =	vld [tilespmem:s29+$0x40D0]  }
0xf9: {  	v60 =	vld [tilespmem:s29+$0xC0D0]  }
0xfa: {  	v61 =	vld [tilespmem:s29+$0x4150]  }
0xfb: {  	v62 =	vld [tilespmem:s29+$0xC150]  }
0xfc: {  	v63 =	vld [tilespmem:s29+$0x41D0]  }
0xfd: {  	v24 =	vld [tilespmem:s29+$0xC1D0]  }
0xfe: {  	v25 =	vld [tilespmem:s29+$0x4250]  }
0xff: {  	v26 =	vld [tilespmem:s29+$0xC250]  }
0x100: {  	v27 =	vld [tilespmem:s29+$0x42D0]  }
0x101: {  	v28 =	vld [tilespmem:s29+$0xC2D0]  }
0x102: {  	v29 =	vld [tilespmem:s29+$0x4350]  }
0x103: {  	v30 =	vld [tilespmem:s29+$0xC350]  }
0x104: {  	v31 =	vld [tilespmem:s29+$0x43D0]  }
0x105: {  	v32 =	vld [tilespmem:s29+$0xC3D0]  }
0x106: {  	v33 =	vld [tilespmem:s29+$0x4450]  }
0x107: {  	v34 =	vld [tilespmem:s29+$0xC450]  }
0x108: {  	v35 =	vld [tilespmem:s29+$0x44D0]  }
0x109: {  	v36 =	vld [tilespmem:s29+$0xC4D0]  }
0x10a: {  	v37 =	vld [tilespmem:s29+$0x4550]  }
0x10b: {  	v38 =	vld [tilespmem:s29+$0xC550]  }
0x10c: {  	v40 =	vld [tilespmem:s29+$0x45D0];
	v0 =	vadd.f32 v58, v0;
	v39 =	vadd.f32 v60, v59  }
0x10d: {  	v42 =	vld [tilespmem:s29+$0xC5D0];
	v41 =	vadd.f32 v62, v61  }
0x10e: {  	v44 =	vld [tilespmem:s29+$0x4650];
	v43 =	vadd.f32 v24, v63;
	v0 =	vmax.f32 v0, v39  }
0x10f: {  	v46 =	vld [tilespmem:s29+$0xC650];
	v45 =	vadd.f32 v26, v25;
	v0 =	vmax.f32 v0, v41  }
0x110: {  	v48 =	vld [tilespmem:s29+$0x46D0];
	v47 =	vadd.f32 v28, v27;
	v0 =	vmax.f32 v0, v43  }
0x111: {  	v50 =	vld [tilespmem:s29+$0xC6D0];
	v49 =	vadd.f32 v30, v29;
	v0 =	vmax.f32 v0, v45  }
0x112: {  	v52 =	vld [tilespmem:s29+$0x4750];
	v51 =	vadd.f32 v32, v31;
	v0 =	vmax.f32 v0, v47  }
0x113: {  	v54 =	vld [tilespmem:s29+$0xC750];
	v53 =	vadd.f32 v34, v33;
	v0 =	vmax.f32 v0, v49  }
0x114: {  	v56 =	vld [tilespmem:s29+$0x47D0];
	v55 =	vadd.f32 v36, v35;
	v0 =	vmax.f32 v0, v51  }
0x115: {  	v57 =	vadd.f32 v38, v37;
	v58 =	vld [tilespmem:s29+$0xC7D0];
	v0 =	vmax.f32 v0, v53  }
0x116: {  	v59 =	vadd.f32 v42, v40;
	v0 =	vmax.f32 v0, v55  }
0x117: {  	v60 =	vadd.f32 v46, v44;
	v0 =	vmax.f32 v0, v57  }
0x118: {  	v61 =	vadd.f32 v50, v48;
	v0 =	vmax.f32 v0, v59  }
0x119: {  	p1 =	sne.s32 s26, $0xE000;
	v62 =	vadd.f32 v54, v52;
	v0 =	vmax.f32 v0, v60  }
.Ltmp0:
0x11a: {  	v63 =	vadd.f32 v58, v56;
	v0 =	vmax.f32 v0, v61;
	(pc) =	sbr.rel @p1 .LBB2_3-.Ltmp0, $4  }
0x11b: {  	v0 =	vmax.f32 v0, v62  }
0x11c: {  	v0 =	vmax.f32 v0, v63  }
0x11d: {  	v0 =	vmax.f32 v0, $0.0e+00  }
0x11e: {  	s26 =	sadd.s32 $0x2000, s26;
	[tilespmem:s28+$0x20] =	vst v0;
	s28 =	sadd.s32 $0x80, s28  }
0x11f: {  	s26 =	sadd.s32 s25, s7;
	p1 =	seq.s32 s23, $0x1F  }
0x120: {  	[hbm4b:s26+s2] =	stream.linear.scatter [tilespmem:s17], [sflag:$0x3], $0x400, $0x38;
	[tilespmem:$0x14800] =	vst v63  }
0x121: {  	s26 =	sadd.s32 @!p1 $0x100, s25;
	s28 =	simm.s32 @!p1 $0x80;
	s29 =	simm.s32 @!p1 $0x4000  }
0x122: {  	[tilespmem:s29], [sflag:$0x1] =	stream.indirect.gather @!p1 [hbm4b:s3+s28], $0x80, s26, s28, $0xb8;
	[tilespmem:$0x14800] =	vst v63  }
0x123: {  	s25 =	sadd.s32 @!p1 $0x2100, s25;
	s26 =	simm.s32 @!p1 $0xC000  }
0x124: {  	[tilespmem:s26], [sflag:$0x1] =	stream.indirect.gather @!p1 [hbm4b:s4+s28], $0x80, s25, s28, $0xb8;
	[tilespmem:$0x14800] =	vst v63  }
0x125: {  	_ =	swait.ge [sflag:s18], $0x4000  }
0x126: {  	[sflag:s18] =	ssyncset.done $0x0  }
0x127: {  	[sflag:s18] =	ssyncadd.s32 $0xFFFFC000  }
0x128: {  	_ =	swait.ge [sflag:s18], $0x4000  }
0x129: {  	[sflag:s18] =	ssyncset.done $0x0  }
0x12a: {  	s25 =	simm.s32 @!p0 $0x4;
	[sflag:s18] =	ssyncadd.s32 $0xFFFFC000  }
0x12b: {  	_ =	swait.ge @!p0 [sflag:s25], $0x400  }
0x12c: {  	[sflag:s25] =	ssyncset.done @!p0 $0x0  }
0x12d: {  	s26 =	simm.s32 $0x14450;
	[sflag:s25] =	ssyncadd.s32 @!p0 $0xFFFFFC00;
	s25 =	simm.s32 $0x0  }
.LBB2_5:
0x12e: {  	s28 =	sshra.s32 s25, $0x2  }
0x12f: {  	v0 =	vld [tilespmem:s28+$0x8000]  }
0x130: {  	v1 =	vld [tilespmem:s28+$0x10000]  }
0x131: {  	v2 =	vld [tilespmem:s28+$0x8080]  }
0x132: {  	v3 =	vld [tilespmem:s28+$0x10080]  }
0x133: {  	v4 =	vld [tilespmem:s28+$0x8100]  }
0x134: {  	v5 =	vld [tilespmem:s28+$0x10100]  }
0x135: {  	v6 =	vld [tilespmem:s28+$0x8180]  }
0x136: {  	v7 =	vld [tilespmem:s28+$0x10180]  }
0x137: {  	v8 =	vld [tilespmem:s28+$0x8200]  }
0x138: {  	v9 =	vld [tilespmem:s28+$0x10200]  }
0x139: {  	v10 =	vld [tilespmem:s28+$0x8280]  }
0x13a: {  	v11 =	vld [tilespmem:s28+$0x10280]  }
0x13b: {  	v12 =	vld [tilespmem:s28+$0x8300]  }
0x13c: {  	v13 =	vld [tilespmem:s28+$0x10300]  }
0x13d: {  	v14 =	vld [tilespmem:s28+$0x8380]  }
0x13e: {  	v15 =	vld [tilespmem:s28+$0x10380]  }
0x13f: {  	v16 =	vld [tilespmem:s28+$0x8400]  }
0x140: {  	v17 =	vld [tilespmem:s28+$0x10400]  }
0x141: {  	v18 =	vld [tilespmem:s28+$0x8480]  }
0x142: {  	v19 =	vld [tilespmem:s28+$0x10480]  }
0x143: {  	v20 =	vld [tilespmem:s28+$0x8500]  }
0x144: {  	v21 =	vld [tilespmem:s28+$0x10500]  }
0x145: {  	v56 =	vld [tilespmem:s28+$0x8580];
	v0 =	vadd.f32 v1, v0;
	v55 =	vadd.f32 v3, v2  }
0x146: {  	v58 =	vld [tilespmem:s28+$0x10580];
	v57 =	vadd.f32 v5, v4  }
0x147: {  	v60 =	vld [tilespmem:s28+$0x8600];
	v59 =	vadd.f32 v7, v6;
	v0 =	vmax.f32 v0, v55  }
0x148: {  	v62 =	vld [tilespmem:s28+$0x10600];
	v61 =	vadd.f32 v9, v8;
	v0 =	vmax.f32 v0, v57  }
0x149: {  	v22 =	vld [tilespmem:s28+$0x8680];
	v63 =	vadd.f32 v11, v10;
	v0 =	vmax.f32 v0, v59  }
0x14a: {  	v24 =	vld [tilespmem:s28+$0x10680];
	v23 =	vadd.f32 v13, v12;
	v0 =	vmax.f32 v0, v61  }
0x14b: {  	v26 =	vld [tilespmem:s28+$0x8700];
	v25 =	vadd.f32 v15, v14;
	v0 =	vmax.f32 v0, v63  }
0x14c: {  	v28 =	vld [tilespmem:s28+$0x10700];
	v27 =	vadd.f32 v17, v16;
	v0 =	vmax.f32 v0, v23  }
0x14d: {  	v30 =	vld [tilespmem:s28+$0x8780];
	v29 =	vadd.f32 v19, v18;
	v0 =	vmax.f32 v0, v25  }
0x14e: {  	v32 =	vld [tilespmem:s28+$0x10780];
	v31 =	vadd.f32 v21, v20;
	v0 =	vmax.f32 v0, v27  }
0x14f: {  	v33 =	vadd.f32 v58, v56;
	v0 =	vmax.f32 v0, v29  }
0x150: {  	v34 =	vadd.f32 v62, v60;
	v0 =	vmax.f32 v0, v31  }
0x151: {  	v35 =	vadd.f32 v24, v22;
	v0 =	vmax.f32 v0, v33  }
0x152: {  	v36 =	vadd.f32 v28, v26;
	v0 =	vmax.f32 v0, v34  }
0x153: {  	v37 =	vadd.f32 v32, v30;
	v0 =	vmax.f32 v0, v35  }
0x154: {  	v0 =	vmax.f32 v0, v36  }
0x155: {  	v0 =	vmax.f32 v0, v37  }
0x156: {  	v0 =	vmax.f32 v0, $0.0e+00  }
0x157: {  	[tilespmem:s26+$0xFFFFFFB0] =	vst v0  }
0x158: {  	v0 =	vld [tilespmem:s28+$0x8010]  }
0x159: {  	v38 =	vld [tilespmem:s28+$0x10010]  }
0x15a: {  	v39 =	vld [tilespmem:s28+$0x8090]  }
0x15b: {  	v40 =	vld [tilespmem:s28+$0x10090]  }
0x15c: {  	v41 =	vld [tilespmem:s28+$0x8110]  }
0x15d: {  	v42 =	vld [tilespmem:s28+$0x10110]  }
0x15e: {  	v43 =	vld [tilespmem:s28+$0x8190]  }
0x15f: {  	v44 =	vld [tilespmem:s28+$0x10190]  }
0x160: {  	v45 =	vld [tilespmem:s28+$0x8210]  }
0x161: {  	v46 =	vld [tilespmem:s28+$0x10210]  }
0x162: {  	v47 =	vld [tilespmem:s28+$0x8290]  }
0x163: {  	v48 =	vld [tilespmem:s28+$0x10290]  }
0x164: {  	v49 =	vld [tilespmem:s28+$0x8310]  }
0x165: {  	v50 =	vld [tilespmem:s28+$0x10310]  }
0x166: {  	v51 =	vld [tilespmem:s28+$0x8390]  }
0x167: {  	v52 =	vld [tilespmem:s28+$0x10390]  }
0x168: {  	v53 =	vld [tilespmem:s28+$0x8410]  }
0x169: {  	v54 =	vld [tilespmem:s28+$0x10410]  }
0x16a: {  	v55 =	vld [tilespmem:s28+$0x8490]  }
0x16b: {  	v56 =	vld [tilespmem:s28+$0x10490]  }
0x16c: {  	v57 =	vld [tilespmem:s28+$0x8510]  }
0x16d: {  	v58 =	vld [tilespmem:s28+$0x10510]  }
0x16e: {  	v60 =	vld [tilespmem:s28+$0x8590];
	v0 =	vadd.f32 v38, v0;
	v59 =	vadd.f32 v40, v39  }
0x16f: {  	v62 =	vld [tilespmem:s28+$0x10590];
	v61 =	vadd.f32 v42, v41  }
0x170: {  	v22 =	vld [tilespmem:s28+$0x8610];
	v63 =	vadd.f32 v44, v43;
	v0 =	vmax.f32 v0, v59  }
0x171: {  	v24 =	vld [tilespmem:s28+$0x10610];
	v23 =	vadd.f32 v46, v45;
	v0 =	vmax.f32 v0, v61  }
0x172: {  	v26 =	vld [tilespmem:s28+$0x8690];
	v25 =	vadd.f32 v48, v47;
	v0 =	vmax.f32 v0, v63  }
0x173: {  	v28 =	vld [tilespmem:s28+$0x10690];
	v27 =	vadd.f32 v50, v49;
	v0 =	vmax.f32 v0, v23  }
0x174: {  	v30 =	vld [tilespmem:s28+$0x8710];
	v29 =	vadd.f32 v52, v51;
	v0 =	vmax.f32 v0, v25  }
0x175: {  	v32 =	vld [tilespmem:s28+$0x10710];
	v31 =	vadd.f32 v54, v53;
	v0 =	vmax.f32 v0, v27  }
0x176: {  	v34 =	vld [tilespmem:s28+$0x8790];
	v33 =	vadd.f32 v56, v55;
	v0 =	vmax.f32 v0, v29  }
0x177: {  	v36 =	vld [tilespmem:s28+$0x10790];
	v35 =	vadd.f32 v58, v57;
	v0 =	vmax.f32 v0, v31  }
0x178: {  	v37 =	vadd.f32 v62, v60;
	v0 =	vmax.f32 v0, v33  }
0x179: {  	v38 =	vadd.f32 v24, v22;
	v0 =	vmax.f32 v0, v35  }
0x17a: {  	v39 =	vadd.f32 v28, v26;
	v0 =	vmax.f32 v0, v37  }
0x17b: {  	v40 =	vadd.f32 v32, v30;
	v0 =	vmax.f32 v0, v38  }
0x17c: {  	v41 =	vadd.f32 v36, v34;
	v0 =	vmax.f32 v0, v39  }
0x17d: {  	v0 =	vmax.f32 v0, v40  }
0x17e: {  	v0 =	vmax.f32 v0, v41  }
0x17f: {  	v0 =	vmax.f32 v0, $0.0e+00  }
0x180: {  	[tilespmem:s26+$0xFFFFFFC0] =	vst v0  }
0x181: {  	v0 =	vld [tilespmem:s28+$0x8020]  }
0x182: {  	v42 =	vld [tilespmem:s28+$0x10020]  }
0x183: {  	v43 =	vld [tilespmem:s28+$0x80A0]  }
0x184: {  	v44 =	vld [tilespmem:s28+$0x100A0]  }
0x185: {  	v45 =	vld [tilespmem:s28+$0x8120]  }
0x186: {  	v46 =	vld [tilespmem:s28+$0x10120]  }
0x187: {  	v47 =	vld [tilespmem:s28+$0x81A0]  }
0x188: {  	v48 =	vld [tilespmem:s28+$0x101A0]  }
0x189: {  	v49 =	vld [tilespmem:s28+$0x8220]  }
0x18a: {  	v50 =	vld [tilespmem:s28+$0x10220]  }
0x18b: {  	v51 =	vld [tilespmem:s28+$0x82A0]  }
0x18c: {  	v52 =	vld [tilespmem:s28+$0x102A0]  }
0x18d: {  	v53 =	vld [tilespmem:s28+$0x8320]  }
0x18e: {  	v54 =	vld [tilespmem:s28+$0x10320]  }
0x18f: {  	v55 =	vld [tilespmem:s28+$0x83A0]  }
0x190: {  	v56 =	vld [tilespmem:s28+$0x103A0]  }
0x191: {  	v57 =	vld [tilespmem:s28+$0x8420]  }
0x192: {  	v58 =	vld [tilespmem:s28+$0x10420]  }
0x193: {  	v59 =	vld [tilespmem:s28+$0x84A0]  }
0x194: {  	v60 =	vld [tilespmem:s28+$0x104A0]  }
0x195: {  	v61 =	vld [tilespmem:s28+$0x8520]  }
0x196: {  	v62 =	vld [tilespmem:s28+$0x10520]  }
0x197: {  	v22 =	vld [tilespmem:s28+$0x85A0];
	v0 =	vadd.f32 v42, v0;
	v63 =	vadd.f32 v44, v43  }
0x198: {  	v24 =	vld [tilespmem:s28+$0x105A0];
	v23 =	vadd.f32 v46, v45  }
0x199: {  	v26 =	vld [tilespmem:s28+$0x8620];
	v25 =	vadd.f32 v48, v47;
	v0 =	vmax.f32 v0, v63  }
0x19a: {  	v28 =	vld [tilespmem:s28+$0x10620];
	v27 =	vadd.f32 v50, v49;
	v0 =	vmax.f32 v0, v23  }
0x19b: {  	v30 =	vld [tilespmem:s28+$0x86A0];
	v29 =	vadd.f32 v52, v51;
	v0 =	vmax.f32 v0, v25  }
0x19c: {  	v32 =	vld [tilespmem:s28+$0x106A0];
	v31 =	vadd.f32 v54, v53;
	v0 =	vmax.f32 v0, v27  }
0x19d: {  	v34 =	vld [tilespmem:s28+$0x8720];
	v33 =	vadd.f32 v56, v55;
	v0 =	vmax.f32 v0, v29  }
0x19e: {  	v36 =	vld [tilespmem:s28+$0x10720];
	v35 =	vadd.f32 v58, v57;
	v0 =	vmax.f32 v0, v31  }
0x19f: {  	v38 =	vld [tilespmem:s28+$0x87A0];
	v37 =	vadd.f32 v60, v59;
	v0 =	vmax.f32 v0, v33  }
0x1a0: {  	v40 =	vld [tilespmem:s28+$0x107A0];
	v39 =	vadd.f32 v62, v61;
	v0 =	vmax.f32 v0, v35  }
0x1a1: {  	v41 =	vadd.f32 v24, v22;
	v0 =	vmax.f32 v0, v37  }
0x1a2: {  	v42 =	vadd.f32 v28, v26;
	v0 =	vmax.f32 v0, v39  }
0x1a3: {  	v43 =	vadd.f32 v32, v30;
	v0 =	vmax.f32 v0, v41  }
0x1a4: {  	v44 =	vadd.f32 v36, v34;
	v0 =	vmax.f32 v0, v42  }
0x1a5: {  	v45 =	vadd.f32 v40, v38;
	v0 =	vmax.f32 v0, v43  }
0x1a6: {  	v0 =	vmax.f32 v0, v44  }
0x1a7: {  	v0 =	vmax.f32 v0, v45  }
0x1a8: {  	v0 =	vmax.f32 v0, $0.0e+00  }
0x1a9: {  	[tilespmem:s26+$0xFFFFFFD0] =	vst v0  }
0x1aa: {  	v0 =	vld [tilespmem:s28+$0x8030]  }
0x1ab: {  	v46 =	vld [tilespmem:s28+$0x10030]  }
0x1ac: {  	v47 =	vld [tilespmem:s28+$0x80B0]  }
0x1ad: {  	v48 =	vld [tilespmem:s28+$0x100B0]  }
0x1ae: {  	v49 =	vld [tilespmem:s28+$0x8130]  }
0x1af: {  	v50 =	vld [tilespmem:s28+$0x10130]  }
0x1b0: {  	v51 =	vld [tilespmem:s28+$0x81B0]  }
0x1b1: {  	v52 =	vld [tilespmem:s28+$0x101B0]  }
0x1b2: {  	v53 =	vld [tilespmem:s28+$0x8230]  }
0x1b3: {  	v54 =	vld [tilespmem:s28+$0x10230]  }
0x1b4: {  	v55 =	vld [tilespmem:s28+$0x82B0]  }
0x1b5: {  	v56 =	vld [tilespmem:s28+$0x102B0]  }
0x1b6: {  	v57 =	vld [tilespmem:s28+$0x8330]  }
0x1b7: {  	v58 =	vld [tilespmem:s28+$0x10330]  }
0x1b8: {  	v59 =	vld [tilespmem:s28+$0x83B0]  }
0x1b9: {  	v60 =	vld [tilespmem:s28+$0x103B0]  }
0x1ba: {  	v61 =	vld [tilespmem:s28+$0x8430]  }
0x1bb: {  	v62 =	vld [tilespmem:s28+$0x10430]  }
0x1bc: {  	v63 =	vld [tilespmem:s28+$0x84B0]  }
0x1bd: {  	v24 =	vld [tilespmem:s28+$0x104B0]  }
0x1be: {  	v25 =	vld [tilespmem:s28+$0x8530]  }
0x1bf: {  	v26 =	vld [tilespmem:s28+$0x10530]  }
0x1c0: {  	v28 =	vld [tilespmem:s28+$0x85B0];
	v0 =	vadd.f32 v46, v0;
	v27 =	vadd.f32 v48, v47  }
0x1c1: {  	v30 =	vld [tilespmem:s28+$0x105B0];
	v29 =	vadd.f32 v50, v49  }
0x1c2: {  	v32 =	vld [tilespmem:s28+$0x8630];
	v31 =	vadd.f32 v52, v51;
	v0 =	vmax.f32 v0, v27  }
0x1c3: {  	v34 =	vld [tilespmem:s28+$0x10630];
	v33 =	vadd.f32 v54, v53;
	v0 =	vmax.f32 v0, v29  }
0x1c4: {  	v36 =	vld [tilespmem:s28+$0x86B0];
	v35 =	vadd.f32 v56, v55;
	v0 =	vmax.f32 v0, v31  }
0x1c5: {  	v38 =	vld [tilespmem:s28+$0x106B0];
	v37 =	vadd.f32 v58, v57;
	v0 =	vmax.f32 v0, v33  }
0x1c6: {  	v40 =	vld [tilespmem:s28+$0x8730];
	v39 =	vadd.f32 v60, v59;
	v0 =	vmax.f32 v0, v35  }
0x1c7: {  	v42 =	vld [tilespmem:s28+$0x10730];
	v41 =	vadd.f32 v62, v61;
	v0 =	vmax.f32 v0, v37  }
0x1c8: {  	v44 =	vld [tilespmem:s28+$0x87B0];
	v43 =	vadd.f32 v24, v63;
	v0 =	vmax.f32 v0, v39  }
0x1c9: {  	v45 =	vadd.f32 v26, v25;
	v46 =	vld [tilespmem:s28+$0x107B0];
	v0 =	vmax.f32 v0, v41  }
0x1ca: {  	v47 =	vadd.f32 v30, v28;
	v0 =	vmax.f32 v0, v43  }
0x1cb: {  	v48 =	vadd.f32 v34, v32;
	v0 =	vmax.f32 v0, v45  }
0x1cc: {  	v49 =	vadd.f32 v38, v36;
	v0 =	vmax.f32 v0, v47  }
0x1cd: {  	v50 =	vadd.f32 v42, v40;
	v0 =	vmax.f32 v0, v48  }
0x1ce: {  	v51 =	vadd.f32 v46, v44;
	v0 =	vmax.f32 v0, v49  }
0x1cf: {  	v0 =	vmax.f32 v0, v50  }
0x1d0: {  	v0 =	vmax.f32 v0, v51  }
0x1d1: {  	v0 =	vmax.f32 v0, $0.0e+00  }
0x1d2: {  	[tilespmem:s26+$0xFFFFFFE0] =	vst v0  }
0x1d3: {  	v0 =	vld [tilespmem:s28+$0x8040]  }
0x1d4: {  	v52 =	vld [tilespmem:s28+$0x10040]  }
0x1d5: {  	v53 =	vld [tilespmem:s28+$0x80C0]  }
0x1d6: {  	v54 =	vld [tilespmem:s28+$0x100C0]  }
0x1d7: {  	v55 =	vld [tilespmem:s28+$0x8140]  }
0x1d8: {  	v56 =	vld [tilespmem:s28+$0x10140]  }
0x1d9: {  	v57 =	vld [tilespmem:s28+$0x81C0]  }
0x1da: {  	v58 =	vld [tilespmem:s28+$0x101C0]  }
0x1db: {  	v59 =	vld [tilespmem:s28+$0x8240]  }
0x1dc: {  	v60 =	vld [tilespmem:s28+$0x10240]  }
0x1dd: {  	v61 =	vld [tilespmem:s28+$0x82C0]  }
0x1de: {  	v62 =	vld [tilespmem:s28+$0x102C0]  }
0x1df: {  	v63 =	vld [tilespmem:s28+$0x8340]  }
0x1e0: {  	v24 =	vld [tilespmem:s28+$0x10340]  }
0x1e1: {  	v25 =	vld [tilespmem:s28+$0x83C0]  }
0x1e2: {  	v26 =	vld [tilespmem:s28+$0x103C0]  }
0x1e3: {  	v27 =	vld [tilespmem:s28+$0x8440]  }
0x1e4: {  	v28 =	vld [tilespmem:s28+$0x10440]  }
0x1e5: {  	v29 =	vld [tilespmem:s28+$0x84C0]  }
0x1e6: {  	v30 =	vld [tilespmem:s28+$0x104C0]  }
0x1e7: {  	v31 =	vld [tilespmem:s28+$0x8540]  }
0x1e8: {  	v32 =	vld [tilespmem:s28+$0x10540]  }
0x1e9: {  	v34 =	vld [tilespmem:s28+$0x85C0];
	v0 =	vadd.f32 v52, v0;
	v33 =	vadd.f32 v54, v53  }
0x1ea: {  	v36 =	vld [tilespmem:s28+$0x105C0];
	v35 =	vadd.f32 v56, v55  }
0x1eb: {  	v38 =	vld [tilespmem:s28+$0x8640];
	v37 =	vadd.f32 v58, v57;
	v0 =	vmax.f32 v0, v33  }
0x1ec: {  	v40 =	vld [tilespmem:s28+$0x10640];
	v39 =	vadd.f32 v60, v59;
	v0 =	vmax.f32 v0, v35  }
0x1ed: {  	v42 =	vld [tilespmem:s28+$0x86C0];
	v41 =	vadd.f32 v62, v61;
	v0 =	vmax.f32 v0, v37  }
0x1ee: {  	v44 =	vld [tilespmem:s28+$0x106C0];
	v43 =	vadd.f32 v24, v63;
	v0 =	vmax.f32 v0, v39  }
0x1ef: {  	v46 =	vld [tilespmem:s28+$0x8740];
	v45 =	vadd.f32 v26, v25;
	v0 =	vmax.f32 v0, v41  }
0x1f0: {  	v48 =	vld [tilespmem:s28+$0x10740];
	v47 =	vadd.f32 v28, v27;
	v0 =	vmax.f32 v0, v43  }
0x1f1: {  	v50 =	vld [tilespmem:s28+$0x87C0];
	v49 =	vadd.f32 v30, v29;
	v0 =	vmax.f32 v0, v45  }
0x1f2: {  	v51 =	vadd.f32 v32, v31;
	v52 =	vld [tilespmem:s28+$0x107C0];
	v0 =	vmax.f32 v0, v47  }
0x1f3: {  	v53 =	vadd.f32 v36, v34;
	v0 =	vmax.f32 v0, v49  }
0x1f4: {  	v54 =	vadd.f32 v40, v38;
	v0 =	vmax.f32 v0, v51  }
0x1f5: {  	v55 =	vadd.f32 v44, v42;
	v0 =	vmax.f32 v0, v53  }
0x1f6: {  	v56 =	vadd.f32 v48, v46;
	v0 =	vmax.f32 v0, v54  }
0x1f7: {  	v57 =	vadd.f32 v52, v50;
	v0 =	vmax.f32 v0, v55  }
0x1f8: {  	v0 =	vmax.f32 v0, v56  }
0x1f9: {  	v0 =	vmax.f32 v0, v57  }
0x1fa: {  	v0 =	vmax.f32 v0, $0.0e+00  }
0x1fb: {  	[tilespmem:s26+$0xFFFFFFF0] =	vst v0  }
0x1fc: {  	v0 =	vld [tilespmem:s28+$0x8050]  }
0x1fd: {  	v58 =	vld [tilespmem:s28+$0x10050]  }
0x1fe: {  	v59 =	vld [tilespmem:s28+$0x80D0]  }
0x1ff: {  	v60 =	vld [tilespmem:s28+$0x100D0]  }
0x200: {  	v61 =	vld [tilespmem:s28+$0x8150]  }
0x201: {  	v62 =	vld [tilespmem:s28+$0x10150]  }
0x202: {  	v63 =	vld [tilespmem:s28+$0x81D0]  }
0x203: {  	v24 =	vld [tilespmem:s28+$0x101D0]  }
0x204: {  	v25 =	vld [tilespmem:s28+$0x8250]  }
0x205: {  	v26 =	vld [tilespmem:s28+$0x10250]  }
0x206: {  	v27 =	vld [tilespmem:s28+$0x82D0]  }
0x207: {  	v28 =	vld [tilespmem:s28+$0x102D0]  }
0x208: {  	v29 =	vld [tilespmem:s28+$0x8350]  }
0x209: {  	v30 =	vld [tilespmem:s28+$0x10350]  }
0x20a: {  	v31 =	vld [tilespmem:s28+$0x83D0]  }
0x20b: {  	v32 =	vld [tilespmem:s28+$0x103D0]  }
0x20c: {  	v33 =	vld [tilespmem:s28+$0x8450]  }
0x20d: {  	v34 =	vld [tilespmem:s28+$0x10450]  }
0x20e: {  	v35 =	vld [tilespmem:s28+$0x84D0]  }
0x20f: {  	v36 =	vld [tilespmem:s28+$0x104D0]  }
0x210: {  	v37 =	vld [tilespmem:s28+$0x8550]  }
0x211: {  	v38 =	vld [tilespmem:s28+$0x10550]  }
0x212: {  	v40 =	vld [tilespmem:s28+$0x85D0];
	v0 =	vadd.f32 v58, v0;
	v39 =	vadd.f32 v60, v59  }
0x213: {  	v42 =	vld [tilespmem:s28+$0x105D0];
	v41 =	vadd.f32 v62, v61  }
0x214: {  	v44 =	vld [tilespmem:s28+$0x8650];
	v43 =	vadd.f32 v24, v63;
	v0 =	vmax.f32 v0, v39  }
0x215: {  	v46 =	vld [tilespmem:s28+$0x10650];
	v45 =	vadd.f32 v26, v25;
	v0 =	vmax.f32 v0, v41  }
0x216: {  	v48 =	vld [tilespmem:s28+$0x86D0];
	v47 =	vadd.f32 v28, v27;
	v0 =	vmax.f32 v0, v43  }
0x217: {  	v50 =	vld [tilespmem:s28+$0x106D0];
	v49 =	vadd.f32 v30, v29;
	v0 =	vmax.f32 v0, v45  }
0x218: {  	v52 =	vld [tilespmem:s28+$0x8750];
	v51 =	vadd.f32 v32, v31;
	v0 =	vmax.f32 v0, v47  }
0x219: {  	v54 =	vld [tilespmem:s28+$0x10750];
	v53 =	vadd.f32 v34, v33;
	v0 =	vmax.f32 v0, v49  }
0x21a: {  	v56 =	vld [tilespmem:s28+$0x87D0];
	v55 =	vadd.f32 v36, v35;
	v0 =	vmax.f32 v0, v51  }
0x21b: {  	v57 =	vadd.f32 v38, v37;
	v58 =	vld [tilespmem:s28+$0x107D0];
	v0 =	vmax.f32 v0, v53  }
0x21c: {  	v59 =	vadd.f32 v42, v40;
	v0 =	vmax.f32 v0, v55  }
0x21d: {  	v60 =	vadd.f32 v46, v44;
	v0 =	vmax.f32 v0, v57  }
0x21e: {  	v61 =	vadd.f32 v50, v48;
	v0 =	vmax.f32 v0, v59  }
0x21f: {  	p0 =	sne.s32 s25, $0xE000;
	v62 =	vadd.f32 v54, v52;
	v0 =	vmax.f32 v0, v60  }
.Ltmp1:
0x220: {  	v63 =	vadd.f32 v58, v56;
	v0 =	vmax.f32 v0, v61;
	(pc) =	sbr.rel @p0 .LBB2_5-.Ltmp1, $4  }
0x221: {  	v0 =	vmax.f32 v0, v62  }
0x222: {  	v0 =	vmax.f32 v0, v63  }
0x223: {  	v0 =	vmax.f32 v0, $0.0e+00  }
0x224: {  	s25 =	sadd.s32 $0x2000, s25;
	[tilespmem:s26+$0x0] =	vst v0;
	s26 =	sadd.s32 $0x80, s26  }
0x225: {  	s23 =	sadd.s32 $0x1, s23  }
0x226: {  	p0 =	sne.s32 s23, $0x20  }
.Ltmp2:
0x227: {  	_ = 	snop;
	(pc) =	sbr.rel @p0 .LBB2_2-.Ltmp2, $3  }
0x228: {  	_ =	sdelay $0x1  }
0x229: {  	s24 =	sadd.s32 s24, s7  }
0x22a: {  	[hbm4b:s24+s2] =	stream.linear.scatter [tilespmem:s19], [sflag:$0x4], $0x400, $0x38;
	[tilespmem:$0x14800] =	vst v63  }
0x22b: {  	s22 =	sadd.s32 $0x1, s22  }
0x22c: {  	_ =	swait.ge [sflag:s20], $0x400;
	p0 =	sne.s32 s22, s8  }
.Ltmp3:
0x22d: {  	[sflag:s20] =	ssyncset.done $0x0;
	(pc) =	sbr.rel @p0 .LBB2_1-.Ltmp3, $4  }
0x22e: {  	[sflag:s20] =	ssyncadd.s32 $0xFFFFFC00  }
0x22f: {  	_ =	swait.ge [sflag:s21], $0x400  }
0x230: {  	[sflag:s21] =	ssyncset.done $0x0  }
0x231: {  	[sflag:s21] =	ssyncadd.s32 $0xFFFFFC00  }
0x232: {  	_ =	sfence.sel $0x180000  }
0x233: {  	[bflag:$0x0] =	sbarrier.arrive $0xFFFF  }
0x234: {  	p0 =	sne.s32 s1, $0x0;
	_ =	strace $0x90000047  }
0x235: {  	s0 =	sadd.s32 @!p0 $0x100000, s0;
	[bflag:$0x2] =	sbarrier.arrive $0xFFFF  }
0x236: {  	[sflag:s0] =	ssyncadd.tile.s32 @!p0 $0x1;
	_ =	shalt  }
.Lfunc_end2:
_tile_overlayer_lowered:
.L_overlay_start_2:
0x237: {  	(tag) =	ssettag $0x2  }
0x238: {  	s0 =	rddreg [dreg:$0x0];
	s2 =	stileid.u32  }
0x239: {  	s1 =	rddreg [dreg:$0x1];
	p0 =	sne.s32 s2, $0x0  }
0x23a: {  	s3 =	rddreg [dreg:$0x2];
	[bflag:$0x3] =	sbarrier.arrive $0xFFFF;
	s2 =	simm.s32 @!p0 $0x1C05  }
0x23b: {  	[timem:s3], [sflag:s2] =	dma.local @!p0 [hbm:s0], s1  }
0x23c: {  	s0 =	simm.s32 @!p0 $0x5  }
0x23d: {  	_ =	swait.ge @!p0 [sflag:s0], s1  }
0x23e: {  	s1 =	ssub.s32 @!p0 $0x0, s1;
	[sflag:s0] =	ssyncset.done @!p0 $0x0  }
0x23f: {  	[sflag:s0] =	ssyncadd.s32 @!p0 s1  }
0x240: {  	[bflag:$0x3] =	sbarrier.arrive $0xFFFF  }
0x241: {  	_ =	shalt  }

</sc_bundles>
